<compile_context>
chip_gen: v7x
topology: tpu7x:2x2x1
jax: 0.10.2.dev20260603
libtpu: 0.0.44.dev20260713+nightly
codegen_flags: <defaults>
</compile_context>

<pallas_src>
import functools

import jax
import jax.numpy as jnp
from jax import lax
from jax.experimental import pallas as pl
from jax.experimental.pallas import tpu as pltpu
from jax.experimental.pallas import tpu_sc as plsc

N = 10000
E = 320000
D_IN = 128
H1 = 64
H2 = 32

NC = 2
NS = 16
NW = NC * NS
E_PER_W = E // NW
N_PAD = 10240
ROWS_PER_TILE = N_PAD // NS
CHUNK = 1000
NCHUNK = E_PER_W // CHUNK


def _edge_serial(table, acc, idx_v, r0, gs0, nchunk):

    def body(i, carry):
        pltpu.async_copy(table.at[idx_v.at[0, i]], r0, gs0).wait()
        pltpu.sync_copy(r0, acc.at[idx_v.at[1, i]], add=True)
        return carry

    lax.fori_loop(0, nchunk, body, 0)


def _edge_pipelined(table, acc, idx_v, r0, r1, gs0, gs1, ss0, ss1, nchunk):

    def body(s, carry):
        i0 = 2 * s
        i1 = i0 + 1

        @pl.when(s > 0)
        def _():
            pltpu.make_async_copy(r0, acc.at[idx_v.at[1, i0]], ss0).wait()

        g0 = pltpu.async_copy(table.at[idx_v.at[0, i0]], r0, gs0)

        @pl.when(s > 0)
        def _():
            pltpu.make_async_copy(r1, acc.at[idx_v.at[1, i1]], ss1).wait()

        g1 = pltpu.async_copy(table.at[idx_v.at[0, i1]], r1, gs1)
        g0.wait()
        pltpu.async_copy(r0, acc.at[idx_v.at[1, i0]], ss0, add=True)
        g1.wait()
        pltpu.async_copy(r1, acc.at[idx_v.at[1, i1]], ss1, add=True)
        return carry

    lax.fori_loop(0, nchunk // 2, body, 0)
    pltpu.make_async_copy(r0, acc.at[idx_v.at[1, 0]], ss0).wait()
    pltpu.make_async_copy(r1, acc.at[idx_v.at[1, 1]], ss1).wait()


def _sc_pair_call(tables, edges, zeros, d, pipelined):
    mesh = plsc.VectorSubcoreMesh(core_axis_name="c", subcore_axis_name="s")
    osh = jax.ShapeDtypeStruct((NC, N_PAD, d), jnp.float32)
    nbuf = 2 if pipelined else 1

    @functools.partial(
        pl.kernel,
        mesh=mesh,
        compiler_params=pltpu.CompilerParams(use_tc_tiling_on_sc=False),
        out_type=[osh, osh],
        scratch_types=[
            pltpu.VMEM((2, NCHUNK, CHUNK), jnp.int32),
            [pltpu.VMEM((CHUNK, d), jnp.float32)] * nbuf,
            pltpu.VMEM_SHARED((N_PAD, d), jnp.float32),
            [pltpu.SemaphoreType.DMA] * (4 if pipelined else 1),
        ],
    )
    def k(t0, t1, i0, i1, zeros_hbm, o0, o1,
          idx_v, rbufs, acc, sems):
        c = lax.axis_index("c")
        s = lax.axis_index("s")
        w = c * NS + s
        row0 = s * ROWS_PER_TILE
        rows = pl.ds(row0, ROWS_PER_TILE)
        pltpu.sync_copy(zeros_hbm.at[rows], acc.at[rows])
        plsc.subcore_barrier()
        for t, (tab, ih, out) in enumerate(
                zip((t0, t1), (i0, i1), (o0, o1))):
            pltpu.sync_copy(ih.at[1, w], idx_v.at[0])
            pltpu.sync_copy(ih.at[0, w], idx_v.at[1])
            if pipelined:
                _edge_pipelined(tab, acc, idx_v, rbufs[0], rbufs[1],
                                sems[0], sems[1], sems[2], sems[3], NCHUNK)
            else:
                _edge_serial(tab, acc, idx_v, rbufs[0], sems[0], NCHUNK)
            plsc.subcore_barrier()
            pltpu.sync_copy(acc.at[rows], out.at[c, rows])
            if t < 1:
                pltpu.sync_copy(zeros_hbm.at[rows], acc.at[rows])
            plsc.subcore_barrier()

    return k(*tables, *edges, zeros)


def _bd(w, k):
    return jax.scipy.linalg.block_diag(*([w] * k))


def _gnorm(x, g):
    width = x.shape[1] // g
    parts = []
    for i in range(g):
        xs = x[:, i * width:(i + 1) * width]
        n = jnp.sqrt(jnp.maximum(
            jnp.sum(xs * xs, axis=1, keepdims=True), 1e-12))
        parts.append(xs / n)
    return jnp.concatenate(parts, axis=1)


def _t1_body(f0, f1, w00, w01, w10, w11, h00, h01, h10, h11):
    rb = f0.shape[0]
    a = f0[...].reshape(rb // 2, 2 * D_IN)
    b = f1[...].reshape(rb // 2, 2 * D_IN)
    h00[...] = jnp.dot(a, w00[...], preferred_element_type=jnp.float32)
    h01[...] = jnp.dot(b, w01[...], preferred_element_type=jnp.float32)
    h10[...] = jnp.dot(a, w10[...], preferred_element_type=jnp.float32)
    h11[...] = jnp.dot(b, w11[...], preferred_element_type=jnp.float32)


def _t1(f0, f1, w00, w01, w10, w11):
    rb = 2000
    fs = pl.BlockSpec((rb, D_IN), lambda i: (i, 0))
    ws = pl.BlockSpec((2 * D_IN, 2 * H1), lambda i: (0, 0))
    os = pl.BlockSpec((rb // 2, 2 * H1), lambda i: (i, 0))
    sh = jax.ShapeDtypeStruct((N // 2, 2 * H1), jnp.float32)
    return pl.pallas_call(
        _t1_body,
        grid=(N // rb,),
        in_specs=[fs, fs, ws, ws, ws, ws],
        out_specs=[os, os, os, os],
        out_shape=[sh, sh, sh, sh],
    )(f0, f1, w00, w01, w10, w11)


def _t2h_body(ax, ay, wa, wb, ga, gb):
    rb = ax.shape[1]
    h = jax.nn.relu(_gnorm(ax[0] + ax[1], 2) + _gnorm(ay[0] + ay[1], 2))
    h = h.reshape(rb // 2, 4 * H1)
    ga[...] = jnp.dot(h, wa[...], preferred_element_type=jnp.float32)
    gb[...] = jnp.dot(h, wb[...], preferred_element_type=jnp.float32)


def _t2h(axp, ayp, wa, wb):
    r2 = N_PAD // 2
    rb = 2560
    asp = pl.BlockSpec((NC, rb, 2 * H1), lambda i: (0, i, 0))
    ws = pl.BlockSpec((4 * H1, 4 * H2), lambda i: (0, 0))
    os = pl.BlockSpec((rb // 2, 4 * H2), lambda i: (i, 0))
    sh = jax.ShapeDtypeStruct((N_PAD // 4, 4 * H2), jnp.float32)
    return pl.pallas_call(
        _t2h_body,
        grid=(r2 // rb,),
        in_specs=[asp, asp, ws, ws],
        out_specs=[os, os],
        out_shape=[sh, sh],
    )(axp, ayp, wa, wb)


def _t3_body(b00, b01, b10, b11, e0, e1):
    e0[...] = _gnorm(b00[0] + b00[1], 4) + _gnorm(b01[0] + b01[1], 4)
    e1[...] = _gnorm(b10[0] + b10[1], 4) + _gnorm(b11[0] + b11[1], 4)


def _t3(b00p, b01p, b10p, b11p):
    r4 = N_PAD // 4
    rb = 512
    bsp = pl.BlockSpec((NC, rb, 4 * H2), lambda i: (0, i, 0))
    os = pl.BlockSpec((rb, 4 * H2), lambda i: (i, 0))
    sh = jax.ShapeDtypeStruct((r4, 4 * H2), jnp.float32)
    return pl.pallas_call(
        _t3_body,
        grid=(r4 // rb,),
        in_specs=[bsp, bsp, bsp, bsp],
        out_specs=[os, os],
        out_shape=[sh, sh],
    )(b00p, b01p, b10p, b11p)


def kernel(feat_0, feat_1, ei_00, ei_01, ei_10, ei_11,
           W1_00, W1_01, W1_10, W1_11,
           W2_00, W2_01, W2_10, W2_11):
    edges = [e.astype(jnp.int32).reshape(2, NW, NCHUNK, CHUNK)
             for e in (ei_00, ei_01, ei_10, ei_11)]
    z1 = jnp.zeros((N_PAD, H1), jnp.float32)
    z2 = jnp.zeros((N_PAD, H2), jnp.float32)

    h00r, h01r, h10r, h11r = _t1(
        feat_0, feat_1,
        _bd(W1_00, 2), _bd(W1_01, 2), _bd(W1_10, 2), _bd(W1_11, 2))

    a00, a01 = _sc_pair_call(
        (h00r.reshape(N, H1), h01r.reshape(N, H1)),
        (edges[0], edges[1]), z1, H1, False)
    a10, a11 = _sc_pair_call(
        (h10r.reshape(N, H1), h11r.reshape(N, H1)),
        (edges[2], edges[3]), z1, H1, False)

    g00q, g10q = _t2h(
        a00.reshape(NC, N_PAD // 2, 2 * H1),
        a01.reshape(NC, N_PAD // 2, 2 * H1),
        _bd(W2_00, 4), _bd(W2_10, 4))
    g01q, g11q = _t2h(
        a10.reshape(NC, N_PAD // 2, 2 * H1),
        a11.reshape(NC, N_PAD // 2, 2 * H1),
        _bd(W2_01, 4), _bd(W2_11, 4))

    b00, b10 = _sc_pair_call(
        (g00q.reshape(N_PAD, H2), g10q.reshape(N_PAD, H2)),
        (edges[0], edges[2]), z2, H2, True)
    b01, b11 = _sc_pair_call(
        (g01q.reshape(N_PAD, H2), g11q.reshape(N_PAD, H2)),
        (edges[1], edges[3]), z2, H2, True)

    e0q, e1q = _t3(
        b00.reshape(NC, N_PAD // 4, 4 * H2),
        b01.reshape(NC, N_PAD // 4, 4 * H2),
        b10.reshape(NC, N_PAD // 4, 4 * H2),
        b11.reshape(NC, N_PAD // 4, 4 * H2))

    e0 = e0q.reshape(N_PAD, H2)[:N]
    e1 = e1q.reshape(N_PAD, H2)[:N]
    return jnp.concatenate([e0, e1], axis=0)

# --- scband reference (transcript-rebuilt; emitter-appended) ---
"""Pipeline reference for scband-decagon-model-1142461300937 (READ-ONLY COPY).

The authoritative reference and input builder live on the scoring server;
editing this copy changes nothing except your own understanding.
"""

import jax, jax.numpy as jnp
import numpy as np

N0 = 10000
N1 = 10000
E = 320000
D_IN = 128
H1 = 64
H2 = 32


def _l2norm(x):
    # tf.nn.l2_normalize(x, dim=1)
    n = jnp.sqrt(jnp.maximum(jnp.sum(x * x, axis=1, keepdims=True), 1e-12))
    return x / n


def _conv(x, W, ei, n_out):
    # adj @ (x @ W) with adj given as edge list: ei[0]=dst (row), ei[1]=src (col)
    h = jnp.dot(x, W)
    msg = jnp.take(h, ei[1], axis=0)
    return jax.ops.segment_sum(msg, ei[0], num_segments=n_out)


def setup_inputs(seed: int = 0):
    key = jax.random.key(seed)
    ks = jax.random.split(key, 16)
    inp = {}
    inp['feat_0'] = jax.random.normal(ks[0], (N0, D_IN), dtype=jnp.float32)
    inp['feat_1'] = jax.random.normal(ks[1], (N1, D_IN), dtype=jnp.float32)
    inp['ei_00'] = jax.random.randint(ks[2], (2, E), 0, N0)
    inp['ei_01'] = jax.random.randint(ks[3], (2, E), 0, N0)  # rows<N0, cols<N1 (N0==N1)
    inp['ei_10'] = jax.random.randint(ks[4], (2, E), 0, N1)
    inp['ei_11'] = jax.random.randint(ks[5], (2, E), 0, N1)
    s1 = float(np.sqrt(2.0 / (D_IN + H1)))
    s2 = float(np.sqrt(2.0 / (H1 + H2)))
    inp['W1_00'] = jax.random.normal(ks[6], (D_IN, H1), dtype=jnp.float32) * s1
    inp['W1_01'] = jax.random.normal(ks[7], (D_IN, H1), dtype=jnp.float32) * s1
    inp['W1_10'] = jax.random.normal(ks[8], (D_IN, H1), dtype=jnp.float32) * s1
    inp['W1_11'] = jax.random.normal(ks[9], (D_IN, H1), dtype=jnp.float32) * s1
    inp['W2_00'] = jax.random.normal(ks[10], (H1, H2), dtype=jnp.float32) * s2
    inp['W2_01'] = jax.random.normal(ks[11], (H1, H2), dtype=jnp.float32) * s2
    inp['W2_10'] = jax.random.normal(ks[12], (H1, H2), dtype=jnp.float32) * s2
    inp['W2_11'] = jax.random.normal(ks[13], (H1, H2), dtype=jnp.float32) * s2
    return inp


def reference(feat_0, feat_1, ei_00, ei_01, ei_10, ei_11,
              W1_00, W1_01, W1_10, W1_11,
              W2_00, W2_01, W2_10, W2_11):
    # Layer 1: GraphConvolutionSparseMulti per edge type (i,j) consumes inputs[j],
    # each layer output is l2-normalized, summed per object type i, then ReLU.
    h0 = jax.nn.relu(_l2norm(_conv(feat_0, W1_00, ei_00, N0)) +
                     _l2norm(_conv(feat_1, W1_01, ei_01, N0)))
    h1 = jax.nn.relu(_l2norm(_conv(feat_0, W1_10, ei_10, N1)) +
                     _l2norm(_conv(feat_1, W1_11, ei_11, N1)))
    # Layer 2: GraphConvolutionMulti, act=identity, summed per object type.
    e0 = _l2norm(_conv(h0, W2_00, ei_00, N0)) + _l2norm(_conv(h1, W2_01, ei_01, N0))
    e1 = _l2norm(_conv(h0, W2_10, ei_10, N1)) + _l2norm(_conv(h1, W2_11, ei_11, N1))
    # innerproduct decoders contribute identity latent matrices (no extra compute).
    return jnp.concatenate([e0, e1], axis=0)

if __name__ == "__main__":
    import jax
    _d = setup_inputs()
    print(jax.jit(kernel)(*tuple(_d.values())))

</pallas_src>

<mosaic_0001>
#map = affine_map<(d0, d1) -> (0, 0)>
#map1 = affine_map<(d0, d1) -> (0, 0, 0, 0)>
#map2 = affine_map<(d0, d1) -> (0, 0, 0)>
module attributes {stable_mosaic.version = 14 : i64} {
  func.func @k(%arg0: i32, %arg1: i32, %arg2: memref<10240x32xf32, #tpu.memory_space<hbm>>, %arg3: memref<10240x32xf32, #tpu.memory_space<hbm>>, %arg4: memref<2x32x10x1000xi32, #tpu.memory_space<hbm>>, %arg5: memref<2x32x10x1000xi32, #tpu.memory_space<hbm>>, %arg6: memref<10240x32xf32, #tpu.memory_space<hbm>>, %arg7: memref<2x10240x32xf32, #tpu.memory_space<hbm>>, %arg8: memref<2x10240x32xf32, #tpu.memory_space<hbm>>, %arg9: memref<2x10x1000xi32, #tpu.memory_space<vmem>>, %arg10: memref<1000x32xf32, #tpu.memory_space<vmem>>, %arg11: memref<1000x32xf32, #tpu.memory_space<vmem>>, %arg12: memref<10240x32xf32, #tpu.memory_space<vmem_shared>>, %arg13: memref<!tpu.dma_semaphore, #tpu.memory_space<semaphore_mem>>, %arg14: memref<!tpu.dma_semaphore, #tpu.memory_space<semaphore_mem>>, %arg15: memref<!tpu.dma_semaphore, #tpu.memory_space<semaphore_mem>>, %arg16: memref<!tpu.dma_semaphore, #tpu.memory_space<semaphore_mem>>) attributes {dimension_semantics = [#tpu.dimension_semantics<core_parallel>, #tpu.dimension_semantics<subcore_parallel>], iteration_bounds = array<i64: 2, 16>, scalar_prefetch = 0 : i64, scratch_operands = 8 : i64, tpu.core_type = #tpu.core_type<sc_vector_subcore>, window_params = [{transform_indices = #map}, {transform_indices = #map}, {transform_indices = #map1}, {transform_indices = #map1}, {transform_indices = #map}, {transform_indices = #map2}, {transform_indices = #map2}]} {
    %mul3A = arith.constant 16 : i32
    %mul3A_0 = arith.muli %arg0, %mul3A : i32
    %add3A = arith.addi %mul3A_0, %arg1 : i32
    %mul3A_1 = arith.constant 640 : i32
    %mul3A_2 = arith.muli %arg1, %mul3A_1 : i32
    "tpu.region"() ({
      %run_scoped3A_56 = tpu.sem_alloc : memref<!tpu.dma_semaphore, #tpu.memory_space<semaphore_mem>>
      %dma_start3A = arith.constant 0 : i32
      %dma_start3A_57 = tpu.memref_slice %arg12[%mul3A_2, %dma_start3A] : memref<10240x32xf32, #tpu.memory_space<vmem_shared>> -> memref<640x32xf32, #tpu.memory_space<vmem_shared>>
      %dma_start3A_58 = arith.constant 0 : i32
      %dma_start3A_59 = tpu.memref_slice %arg6[%mul3A_2, %dma_start3A_58] : memref<10240x32xf32, #tpu.memory_space<hbm>> -> memref<640x32xf32, #tpu.memory_space<hbm>>
      tpu.enqueue_dma source(%dma_start3A_59 : memref<640x32xf32, #tpu.memory_space<hbm>>) target(%dma_start3A_57 : memref<640x32xf32, #tpu.memory_space<vmem_shared>>) target_semaphore(%run_scoped3A_56 : memref<!tpu.dma_semaphore, #tpu.memory_space<semaphore_mem>>)
      %dma_wait3A_60 = arith.constant 0 : i32
      %dma_wait3A_61 = tpu.memref_slice %arg12[%mul3A_2, %dma_wait3A_60] : memref<10240x32xf32, #tpu.memory_space<vmem_shared>> -> memref<640x32xf32, #tpu.memory_space<vmem_shared>>
      %dma_wait3A_62 = arith.constant 0 : i32
      %dma_wait3A_63 = tpu.memref_slice %arg6[%mul3A_2, %dma_wait3A_62] : memref<10240x32xf32, #tpu.memory_space<hbm>> -> memref<640x32xf32, #tpu.memory_space<hbm>>
      tpu.wait_dma2 semaphore(%run_scoped3A_56 : memref<!tpu.dma_semaphore, #tpu.memory_space<semaphore_mem>>) src(%dma_wait3A_63 : memref<640x32xf32, #tpu.memory_space<hbm>>) dst(%dma_wait3A_61 : memref<640x32xf32, #tpu.memory_space<vmem_shared>>)
      tpu.yield
    }) : () -> ()
    %barrier3A = arith.constant 0 : index
    tpu.barrier barrier_id(%barrier3A)
    %run_scoped3A = arith.constant 1 : i32
    %run_scoped3A_3 = arith.constant 0 : i32
    "tpu.region"() ({
      %run_scoped3A_56 = tpu.sem_alloc : memref<!tpu.dma_semaphore, #tpu.memory_space<semaphore_mem>>
      %dma_start3A = arith.constant 0 : i32
      %dma_start3A_57 = arith.constant 0 : i32
      %dma_start3A_58 = tpu.memref_slice %arg9[%run_scoped3A_3, %dma_start3A, %dma_start3A_57] : memref<2x10x1000xi32, #tpu.memory_space<vmem>> -> memref<1x10x1000xi32, #tpu.memory_space<vmem>>
      %dma_start3A_59 = tpu.memref_squeeze %dma_start3A_58 : memref<1x10x1000xi32, #tpu.memory_space<vmem>> -> memref<10x1000xi32, #tpu.memory_space<vmem>>
      %dma_start3A_60 = arith.constant 0 : i32
      %dma_start3A_61 = arith.constant 0 : i32
      %dma_start3A_62 = tpu.memref_slice %arg4[%run_scoped3A, %add3A, %dma_start3A_60, %dma_start3A_61] : memref<2x32x10x1000xi32, #tpu.memory_space<hbm>> -> memref<1x1x10x1000xi32, #tpu.memory_space<hbm>>
      %dma_start3A_63 = tpu.memref_squeeze %dma_start3A_62 : memref<1x1x10x1000xi32, #tpu.memory_space<hbm>> -> memref<10x1000xi32, #tpu.memory_space<hbm>>
      %dma_start3A_64 = arith.constant 0 : i32
      %dma_start3A_65 = arith.constant 0 : i32
      %dma_start3A_66 = tpu.memref_slice %arg9[%run_scoped3A_3, %dma_start3A_64, %dma_start3A_65] : memref<2x10x1000xi32, #tpu.memory_space<vmem>> -> memref<1x10x1000xi32, #tpu.memory_space<vmem>>
      %dma_start3A_67 = tpu.memref_squeeze %dma_start3A_66 : memref<1x10x1000xi32, #tpu.memory_space<vmem>> -> memref<10x1000xi32, #tpu.memory_space<vmem>>
      %dma_start3A_68 = arith.constant 0 : i32
      %dma_start3A_69 = arith.constant 0 : i32
      %dma_start3A_70 = tpu.memref_slice %arg4[%run_scoped3A, %add3A, %dma_start3A_68, %dma_start3A_69] : memref<2x32x10x1000xi32, #tpu.memory_space<hbm>> -> memref<1x1x10x1000xi32, #tpu.memory_space<hbm>>
      %dma_start3A_71 = tpu.memref_squeeze %dma_start3A_70 : memref<1x1x10x1000xi32, #tpu.memory_space<hbm>> -> memref<10x1000xi32, #tpu.memory_space<hbm>>
      tpu.enqueue_dma source(%dma_start3A_71 : memref<10x1000xi32, #tpu.memory_space<hbm>>) target(%dma_start3A_67 : memref<10x1000xi32, #tpu.memory_space<vmem>>) target_semaphore(%run_scoped3A_56 : memref<!tpu.dma_semaphore, #tpu.memory_space<semaphore_mem>>)
      %dma_wait3A_72 = arith.constant 0 : i32
      %dma_wait3A_73 = arith.constant 0 : i32
      %dma_wait3A_74 = tpu.memref_slice %arg9[%run_scoped3A_3, %dma_wait3A_72, %dma_wait3A_73] : memref<2x10x1000xi32, #tpu.memory_space<vmem>> -> memref<1x10x1000xi32, #tpu.memory_space<vmem>>
      %dma_wait3A_75 = tpu.memref_squeeze %dma_wait3A_74 : memref<1x10x1000xi32, #tpu.memory_space<vmem>> -> memref<10x1000xi32, #tpu.memory_space<vmem>>
      %dma_wait3A_76 = arith.constant 0 : i32
      %dma_wait3A_77 = arith.constant 0 : i32
      %dma_wait3A_78 = tpu.memref_slice %arg4[%run_scoped3A, %add3A, %dma_wait3A_76, %dma_wait3A_77] : memref<2x32x10x1000xi32, #tpu.memory_space<hbm>> -> memref<1x1x10x1000xi32, #tpu.memory_space<hbm>>
      %dma_wait3A_79 = tpu.memref_squeeze %dma_wait3A_78 : memref<1x1x10x1000xi32, #tpu.memory_space<hbm>> -> memref<10x1000xi32, #tpu.memory_space<hbm>>
      %dma_wait3A_80 = arith.constant 0 : i32
      %dma_wait3A_81 = arith.constant 0 : i32
      %dma_wait3A_82 = tpu.memref_slice %arg9[%run_scoped3A_3, %dma_wait3A_80, %dma_wait3A_81] : memref<2x10x1000xi32, #tpu.memory_space<vmem>> -> memref<1x10x1000xi32, #tpu.memory_space<vmem>>
      %dma_wait3A_83 = tpu.memref_squeeze %dma_wait3A_82 : memref<1x10x1000xi32, #tpu.memory_space<vmem>> -> memref<10x1000xi32, #tpu.memory_space<vmem>>
      %dma_wait3A_84 = arith.constant 0 : i32
      %dma_wait3A_85 = arith.constant 0 : i32
      %dma_wait3A_86 = tpu.memref_slice %arg4[%run_scoped3A, %add3A, %dma_wait3A_84, %dma_wait3A_85] : memref<2x32x10x1000xi32, #tpu.memory_space<hbm>> -> memref<1x1x10x1000xi32, #tpu.memory_space<hbm>>
      %dma_wait3A_87 = tpu.memref_squeeze %dma_wait3A_86 : memref<1x1x10x1000xi32, #tpu.memory_space<hbm>> -> memref<10x1000xi32, #tpu.memory_space<hbm>>
      tpu.wait_dma2 semaphore(%run_scoped3A_56 : memref<!tpu.dma_semaphore, #tpu.memory_space<semaphore_mem>>) src(%dma_wait3A_87 : memref<10x1000xi32, #tpu.memory_space<hbm>>) dst(%dma_wait3A_83 : memref<10x1000xi32, #tpu.memory_space<vmem>>)
      tpu.yield
    }) : () -> ()
    %run_scoped3A_4 = arith.constant 0 : i32
    %run_scoped3A_5 = arith.constant 1 : i32
    "tpu.region"() ({
      %run_scoped3A_56 = tpu.sem_alloc : memref<!tpu.dma_semaphore, #tpu.memory_space<semaphore_mem>>
      %dma_start3A = arith.constant 0 : i32
      %dma_start3A_57 = arith.constant 0 : i32
      %dma_start3A_58 = tpu.memref_slice %arg9[%run_scoped3A_5, %dma_start3A, %dma_start3A_57] : memref<2x10x1000xi32, #tpu.memory_space<vmem>> -> memref<1x10x1000xi32, #tpu.memory_space<vmem>>
      %dma_start3A_59 = tpu.memref_squeeze %dma_start3A_58 : memref<1x10x1000xi32, #tpu.memory_space<vmem>> -> memref<10x1000xi32, #tpu.memory_space<vmem>>
      %dma_start3A_60 = arith.constant 0 : i32
      %dma_start3A_61 = arith.constant 0 : i32
      %dma_start3A_62 = tpu.memref_slice %arg4[%run_scoped3A_4, %add3A, %dma_start3A_60, %dma_start3A_61] : memref<2x32x10x1000xi32, #tpu.memory_space<hbm>> -> memref<1x1x10x1000xi32, #tpu.memory_space<hbm>>
      %dma_start3A_63 = tpu.memref_squeeze %dma_start3A_62 : memref<1x1x10x1000xi32, #tpu.memory_space<hbm>> -> memref<10x1000xi32, #tpu.memory_space<hbm>>
      %dma_start3A_64 = arith.constant 0 : i32
      %dma_start3A_65 = arith.constant 0 : i32
      %dma_start3A_66 = tpu.memref_slice %arg9[%run_scoped3A_5, %dma_start3A_64, %dma_start3A_65] : memref<2x10x1000xi32, #tpu.memory_space<vmem>> -> memref<1x10x1000xi32, #tpu.memory_space<vmem>>
      %dma_start3A_67 = tpu.memref_squeeze %dma_start3A_66 : memref<1x10x1000xi32, #tpu.memory_space<vmem>> -> memref<10x1000xi32, #tpu.memory_space<vmem>>
      %dma_start3A_68 = arith.constant 0 : i32
      %dma_start3A_69 = arith.constant 0 : i32
      %dma_start3A_70 = tpu.memref_slice %arg4[%run_scoped3A_4, %add3A, %dma_start3A_68, %dma_start3A_69] : memref<2x32x10x1000xi32, #tpu.memory_space<hbm>> -> memref<1x1x10x1000xi32, #tpu.memory_space<hbm>>
      %dma_start3A_71 = tpu.memref_squeeze %dma_start3A_70 : memref<1x1x10x1000xi32, #tpu.memory_space<hbm>> -> memref<10x1000xi32, #tpu.memory_space<hbm>>
      tpu.enqueue_dma source(%dma_start3A_71 : memref<10x1000xi32, #tpu.memory_space<hbm>>) target(%dma_start3A_67 : memref<10x1000xi32, #tpu.memory_space<vmem>>) target_semaphore(%run_scoped3A_56 : memref<!tpu.dma_semaphore, #tpu.memory_space<semaphore_mem>>)
      %dma_wait3A_72 = arith.constant 0 : i32
      %dma_wait3A_73 = arith.constant 0 : i32
      %dma_wait3A_74 = tpu.memref_slice %arg9[%run_scoped3A_5, %dma_wait3A_72, %dma_wait3A_73] : memref<2x10x1000xi32, #tpu.memory_space<vmem>> -> memref<1x10x1000xi32, #tpu.memory_space<vmem>>
      %dma_wait3A_75 = tpu.memref_squeeze %dma_wait3A_74 : memref<1x10x1000xi32, #tpu.memory_space<vmem>> -> memref<10x1000xi32, #tpu.memory_space<vmem>>
      %dma_wait3A_76 = arith.constant 0 : i32
      %dma_wait3A_77 = arith.constant 0 : i32
      %dma_wait3A_78 = tpu.memref_slice %arg4[%run_scoped3A_4, %add3A, %dma_wait3A_76, %dma_wait3A_77] : memref<2x32x10x1000xi32, #tpu.memory_space<hbm>> -> memref<1x1x10x1000xi32, #tpu.memory_space<hbm>>
      %dma_wait3A_79 = tpu.memref_squeeze %dma_wait3A_78 : memref<1x1x10x1000xi32, #tpu.memory_space<hbm>> -> memref<10x1000xi32, #tpu.memory_space<hbm>>
      %dma_wait3A_80 = arith.constant 0 : i32
      %dma_wait3A_81 = arith.constant 0 : i32
      %dma_wait3A_82 = tpu.memref_slice %arg9[%run_scoped3A_5, %dma_wait3A_80, %dma_wait3A_81] : memref<2x10x1000xi32, #tpu.memory_space<vmem>> -> memref<1x10x1000xi32, #tpu.memory_space<vmem>>
      %dma_wait3A_83 = tpu.memref_squeeze %dma_wait3A_82 : memref<1x10x1000xi32, #tpu.memory_space<vmem>> -> memref<10x1000xi32, #tpu.memory_space<vmem>>
      %dma_wait3A_84 = arith.constant 0 : i32
      %dma_wait3A_85 = arith.constant 0 : i32
      %dma_wait3A_86 = tpu.memref_slice %arg4[%run_scoped3A_4, %add3A, %dma_wait3A_84, %dma_wait3A_85] : memref<2x32x10x1000xi32, #tpu.memory_space<hbm>> -> memref<1x1x10x1000xi32, #tpu.memory_space<hbm>>
      %dma_wait3A_87 = tpu.memref_squeeze %dma_wait3A_86 : memref<1x1x10x1000xi32, #tpu.memory_space<hbm>> -> memref<10x1000xi32, #tpu.memory_space<hbm>>
      tpu.wait_dma2 semaphore(%run_scoped3A_56 : memref<!tpu.dma_semaphore, #tpu.memory_space<semaphore_mem>>) src(%dma_wait3A_87 : memref<10x1000xi32, #tpu.memory_space<hbm>>) dst(%dma_wait3A_83 : memref<10x1000xi32, #tpu.memory_space<vmem>>)
      tpu.yield
    }) : () -> ()
    %scan3A = arith.constant 0 : i32
    %scan3A_6 = arith.constant 0 : i32
    %scan3A_7 = arith.constant 5 : i32
    %scan3A_8 = arith.addi %scan3A_6, %scan3A_7 : i32
    %scan3A_9 = arith.constant 1 : i32
    scf.for %scan3A_56 = %scan3A_6 to %scan3A_8 step %scan3A_9  : i32 {
      %mul3A_57 = arith.constant 2 : i32
      %mul3A_58 = arith.muli %mul3A_57, %scan3A_56 : i32
      %add3A_59 = arith.constant 1 : i32
      %add3A_60 = arith.addi %mul3A_58, %add3A_59 : i32
      %gt3A = arith.constant 0 : i32
      %gt3A_61 = arith.cmpi sgt, %scan3A_56, %gt3A : i32
      %convert_element_type3A = arith.extui %gt3A_61 : i1 to i32
      %cond3A = arith.constant 0 : i32
      %cond3A_62 = arith.cmpi ne, %convert_element_type3A, %cond3A : i32
      scf.if %cond3A_62 {
        %dma_wait3A_109 = arith.constant 1 : i32
        %dma_wait3A_110 = arith.constant 0 : i32
        %dma_wait3A_111 = tpu.memref_slice %arg9[%dma_wait3A_109, %mul3A_58, %dma_wait3A_110] : memref<2x10x1000xi32, #tpu.memory_space<vmem>> -> memref<1x1x1000xi32, #tpu.memory_space<vmem>>
        %dma_wait3A_112 = tpu.memref_squeeze %dma_wait3A_111 : memref<1x1x1000xi32, #tpu.memory_space<vmem>> -> memref<1000xi32, #tpu.memory_space<vmem>>
        %dma_wait3A_113 = arith.constant 0 : i32
        %dma_wait3A_114 = arith.constant 0 : i32
        %dma_wait3A_115 = tpu.memref_slice %arg12[%dma_wait3A_113, %dma_wait3A_114] : memref<10240x32xf32, #tpu.memory_space<vmem_shared>> -> memref<10240x32xf32, #tpu.memory_space<vmem_shared>>
        tpu.wait_indirect_dma semaphore(%arg15 : memref<!tpu.dma_semaphore, #tpu.memory_space<semaphore_mem>>) src(%arg10 : memref<1000x32xf32, #tpu.memory_space<vmem>>) dst(%dma_wait3A_115 : memref<10240x32xf32, #tpu.memory_space<vmem_shared>>)
      } else {
      }
      %dma_start3A = arith.constant 0 : i32
      %dma_start3A_63 = arith.constant 0 : i32
      %dma_start3A_64 = tpu.memref_slice %arg9[%dma_start3A, %mul3A_58, %dma_start3A_63] : memref<2x10x1000xi32, #tpu.memory_space<vmem>> -> memref<1x1x1000xi32, #tpu.memory_space<vmem>>
      %dma_start3A_65 = tpu.memref_squeeze %dma_start3A_64 : memref<1x1x1000xi32, #tpu.memory_space<vmem>> -> memref<1000xi32, #tpu.memory_space<vmem>>
      %dma_start3A_66 = arith.constant 0 : i32
      %dma_start3A_67 = arith.constant 0 : i32
      %dma_start3A_68 = tpu.memref_slice %arg2[%dma_start3A_66, %dma_start3A_67] : memref<10240x32xf32, #tpu.memory_space<hbm>> -> memref<10240x32xf32, #tpu.memory_space<hbm>>
      tpu.enqueue_indirect_dma source(%dma_start3A_68 : memref<10240x32xf32, #tpu.memory_space<hbm>>) target(%arg10 : memref<1000x32xf32, #tpu.memory_space<vmem>>) offsets(%dma_start3A_65 : memref<1000xi32, #tpu.memory_space<vmem>>) semaphore(%arg13 : memref<!tpu.dma_semaphore, #tpu.memory_space<semaphore_mem>>)
      %gt3A_69 = arith.constant 0 : i32
      %gt3A_70 = arith.cmpi sgt, %scan3A_56, %gt3A_69 : i32
      %convert_element_type3A_71 = arith.extui %gt3A_70 : i1 to i32
      %cond3A_72 = arith.constant 0 : i32
      %cond3A_73 = arith.cmpi ne, %convert_element_type3A_71, %cond3A_72 : i32
      scf.if %cond3A_73 {
        %dma_wait3A_109 = arith.constant 1 : i32
        %dma_wait3A_110 = arith.constant 0 : i32
        %dma_wait3A_111 = tpu.memref_slice %arg9[%dma_wait3A_109, %add3A_60, %dma_wait3A_110] : memref<2x10x1000xi32, #tpu.memory_space<vmem>> -> memref<1x1x1000xi32, #tpu.memory_space<vmem>>
        %dma_wait3A_112 = tpu.memref_squeeze %dma_wait3A_111 : memref<1x1x1000xi32, #tpu.memory_space<vmem>> -> memref<1000xi32, #tpu.memory_space<vmem>>
        %dma_wait3A_113 = arith.constant 0 : i32
        %dma_wait3A_114 = arith.constant 0 : i32
        %dma_wait3A_115 = tpu.memref_slice %arg12[%dma_wait3A_113, %dma_wait3A_114] : memref<10240x32xf32, #tpu.memory_space<vmem_shared>> -> memref<10240x32xf32, #tpu.memory_space<vmem_shared>>
        tpu.wait_indirect_dma semaphore(%arg16 : memref<!tpu.dma_semaphore, #tpu.memory_space<semaphore_mem>>) src(%arg11 : memref<1000x32xf32, #tpu.memory_space<vmem>>) dst(%dma_wait3A_115 : memref<10240x32xf32, #tpu.memory_space<vmem_shared>>)
      } else {
      }
      %dma_start3A_74 = arith.constant 0 : i32
      %dma_start3A_75 = arith.constant 0 : i32
      %dma_start3A_76 = tpu.memref_slice %arg9[%dma_start3A_74, %add3A_60, %dma_start3A_75] : memref<2x10x1000xi32, #tpu.memory_space<vmem>> -> memref<1x1x1000xi32, #tpu.memory_space<vmem>>
      %dma_start3A_77 = tpu.memref_squeeze %dma_start3A_76 : memref<1x1x1000xi32, #tpu.memory_space<vmem>> -> memref<1000xi32, #tpu.memory_space<vmem>>
      %dma_start3A_78 = arith.constant 0 : i32
      %dma_start3A_79 = arith.constant 0 : i32
      %dma_start3A_80 = tpu.memref_slice %arg2[%dma_start3A_78, %dma_start3A_79] : memref<10240x32xf32, #tpu.memory_space<hbm>> -> memref<10240x32xf32, #tpu.memory_space<hbm>>
      tpu.enqueue_indirect_dma source(%dma_start3A_80 : memref<10240x32xf32, #tpu.memory_space<hbm>>) target(%arg11 : memref<1000x32xf32, #tpu.memory_space<vmem>>) offsets(%dma_start3A_77 : memref<1000xi32, #tpu.memory_space<vmem>>) semaphore(%arg14 : memref<!tpu.dma_semaphore, #tpu.memory_space<semaphore_mem>>)
      %dma_wait3A_81 = arith.constant 0 : i32
      %dma_wait3A_82 = arith.constant 0 : i32
      %dma_wait3A_83 = tpu.memref_slice %arg9[%dma_wait3A_81, %mul3A_58, %dma_wait3A_82] : memref<2x10x1000xi32, #tpu.memory_space<vmem>> -> memref<1x1x1000xi32, #tpu.memory_space<vmem>>
      %dma_wait3A_84 = tpu.memref_squeeze %dma_wait3A_83 : memref<1x1x1000xi32, #tpu.memory_space<vmem>> -> memref<1000xi32, #tpu.memory_space<vmem>>
      %dma_wait3A_85 = arith.constant 0 : i32
      %dma_wait3A_86 = arith.constant 0 : i32
      %dma_wait3A_87 = tpu.memref_slice %arg2[%dma_wait3A_85, %dma_wait3A_86] : memref<10240x32xf32, #tpu.memory_space<hbm>> -> memref<10240x32xf32, #tpu.memory_space<hbm>>
      tpu.wait_indirect_dma semaphore(%arg13 : memref<!tpu.dma_semaphore, #tpu.memory_space<semaphore_mem>>) src(%dma_wait3A_87 : memref<10240x32xf32, #tpu.memory_space<hbm>>) dst(%arg10 : memref<1000x32xf32, #tpu.memory_space<vmem>>)
      %dma_start3A_88 = arith.constant 1 : i32
      %dma_start3A_89 = arith.constant 0 : i32
      %dma_start3A_90 = tpu.memref_slice %arg9[%dma_start3A_88, %mul3A_58, %dma_start3A_89] : memref<2x10x1000xi32, #tpu.memory_space<vmem>> -> memref<1x1x1000xi32, #tpu.memory_space<vmem>>
      %dma_start3A_91 = tpu.memref_squeeze %dma_start3A_90 : memref<1x1x1000xi32, #tpu.memory_space<vmem>> -> memref<1000xi32, #tpu.memory_space<vmem>>
      %dma_start3A_92 = arith.constant 0 : i32
      %dma_start3A_93 = arith.constant 0 : i32
      %dma_start3A_94 = tpu.memref_slice %arg12[%dma_start3A_92, %dma_start3A_93] : memref<10240x32xf32, #tpu.memory_space<vmem_shared>> -> memref<10240x32xf32, #tpu.memory_space<vmem_shared>>
      tpu.enqueue_indirect_dma source(%arg10 : memref<1000x32xf32, #tpu.memory_space<vmem>>) target(%dma_start3A_94 : memref<10240x32xf32, #tpu.memory_space<vmem_shared>>) offsets(%dma_start3A_91 : memref<1000xi32, #tpu.memory_space<vmem>>) semaphore(%arg15 : memref<!tpu.dma_semaphore, #tpu.memory_space<semaphore_mem>>) {add = true}
      %dma_wait3A_95 = arith.constant 0 : i32
      %dma_wait3A_96 = arith.constant 0 : i32
      %dma_wait3A_97 = tpu.memref_slice %arg9[%dma_wait3A_95, %add3A_60, %dma_wait3A_96] : memref<2x10x1000xi32, #tpu.memory_space<vmem>> -> memref<1x1x1000xi32, #tpu.memory_space<vmem>>
      %dma_wait3A_98 = tpu.memref_squeeze %dma_wait3A_97 : memref<1x1x1000xi32, #tpu.memory_space<vmem>> -> memref<1000xi32, #tpu.memory_space<vmem>>
      %dma_wait3A_99 = arith.constant 0 : i32
      %dma_wait3A_100 = arith.constant 0 : i32
      %dma_wait3A_101 = tpu.memref_slice %arg2[%dma_wait3A_99, %dma_wait3A_100] : memref<10240x32xf32, #tpu.memory_space<hbm>> -> memref<10240x32xf32, #tpu.memory_space<hbm>>
      tpu.wait_indirect_dma semaphore(%arg14 : memref<!tpu.dma_semaphore, #tpu.memory_space<semaphore_mem>>) src(%dma_wait3A_101 : memref<10240x32xf32, #tpu.memory_space<hbm>>) dst(%arg11 : memref<1000x32xf32, #tpu.memory_space<vmem>>)
      %dma_start3A_102 = arith.constant 1 : i32
      %dma_start3A_103 = arith.constant 0 : i32
      %dma_start3A_104 = tpu.memref_slice %arg9[%dma_start3A_102, %add3A_60, %dma_start3A_103] : memref<2x10x1000xi32, #tpu.memory_space<vmem>> -> memref<1x1x1000xi32, #tpu.memory_space<vmem>>
      %dma_start3A_105 = tpu.memref_squeeze %dma_start3A_104 : memref<1x1x1000xi32, #tpu.memory_space<vmem>> -> memref<1000xi32, #tpu.memory_space<vmem>>
      %dma_start3A_106 = arith.constant 0 : i32
      %dma_start3A_107 = arith.constant 0 : i32
      %dma_start3A_108 = tpu.memref_slice %arg12[%dma_start3A_106, %dma_start3A_107] : memref<10240x32xf32, #tpu.memory_space<vmem_shared>> -> memref<10240x32xf32, #tpu.memory_space<vmem_shared>>
      tpu.enqueue_indirect_dma source(%arg11 : memref<1000x32xf32, #tpu.memory_space<vmem>>) target(%dma_start3A_108 : memref<10240x32xf32, #tpu.memory_space<vmem_shared>>) offsets(%dma_start3A_105 : memref<1000xi32, #tpu.memory_space<vmem>>) semaphore(%arg16 : memref<!tpu.dma_semaphore, #tpu.memory_space<semaphore_mem>>) {add = true}
    }
    %scan3A_10 = arith.constant 5 : i32
    %dma_wait3A = arith.constant 1 : i32
    %dma_wait3A_11 = arith.constant 0 : i32
    %dma_wait3A_12 = arith.constant 0 : i32
    %dma_wait3A_13 = tpu.memref_slice %arg9[%dma_wait3A, %dma_wait3A_11, %dma_wait3A_12] : memref<2x10x1000xi32, #tpu.memory_space<vmem>> -> memref<1x1x1000xi32, #tpu.memory_space<vmem>>
    %dma_wait3A_14 = tpu.memref_squeeze %dma_wait3A_13 : memref<1x1x1000xi32, #tpu.memory_space<vmem>> -> memref<1000xi32, #tpu.memory_space<vmem>>
    %dma_wait3A_15 = arith.constant 0 : i32
    %dma_wait3A_16 = arith.constant 0 : i32
    %dma_wait3A_17 = tpu.memref_slice %arg12[%dma_wait3A_15, %dma_wait3A_16] : memref<10240x32xf32, #tpu.memory_space<vmem_shared>> -> memref<10240x32xf32, #tpu.memory_space<vmem_shared>>
    tpu.wait_indirect_dma semaphore(%arg15 : memref<!tpu.dma_semaphore, #tpu.memory_space<semaphore_mem>>) src(%arg10 : memref<1000x32xf32, #tpu.memory_space<vmem>>) dst(%dma_wait3A_17 : memref<10240x32xf32, #tpu.memory_space<vmem_shared>>)
    %dma_wait3A_18 = arith.constant 1 : i32
    %dma_wait3A_19 = arith.constant 1 : i32
    %dma_wait3A_20 = arith.constant 0 : i32
    %dma_wait3A_21 = tpu.memref_slice %arg9[%dma_wait3A_18, %dma_wait3A_19, %dma_wait3A_20] : memref<2x10x1000xi32, #tpu.memory_space<vmem>> -> memref<1x1x1000xi32, #tpu.memory_space<vmem>>
    %dma_wait3A_22 = tpu.memref_squeeze %dma_wait3A_21 : memref<1x1x1000xi32, #tpu.memory_space<vmem>> -> memref<1000xi32, #tpu.memory_space<vmem>>
    %dma_wait3A_23 = arith.constant 0 : i32
    %dma_wait3A_24 = arith.constant 0 : i32
    %dma_wait3A_25 = tpu.memref_slice %arg12[%dma_wait3A_23, %dma_wait3A_24] : memref<10240x32xf32, #tpu.memory_space<vmem_shared>> -> memref<10240x32xf32, #tpu.memory_space<vmem_shared>>
    tpu.wait_indirect_dma semaphore(%arg16 : memref<!tpu.dma_semaphore, #tpu.memory_space<semaphore_mem>>) src(%arg11 : memref<1000x32xf32, #tpu.memory_space<vmem>>) dst(%dma_wait3A_25 : memref<10240x32xf32, #tpu.memory_space<vmem_shared>>)
    %barrier3A_26 = arith.constant 0 : index
    tpu.barrier barrier_id(%barrier3A_26)
    "tpu.region"() ({
      %run_scoped3A_56 = tpu.sem_alloc : memref<!tpu.dma_semaphore, #tpu.memory_space<semaphore_mem>>
      %dma_start3A = arith.constant 0 : i32
      %dma_start3A_57 = tpu.memref_slice %arg7[%arg0, %mul3A_2, %dma_start3A] : memref<2x10240x32xf32, #tpu.memory_space<hbm>> -> memref<1x640x32xf32, #tpu.memory_space<hbm>>
      %dma_start3A_58 = tpu.memref_squeeze %dma_start3A_57 : memref<1x640x32xf32, #tpu.memory_space<hbm>> -> memref<640x32xf32, #tpu.memory_space<hbm>>
      %dma_start3A_59 = arith.constant 0 : i32
      %dma_start3A_60 = tpu.memref_slice %arg12[%mul3A_2, %dma_start3A_59] : memref<10240x32xf32, #tpu.memory_space<vmem_shared>> -> memref<640x32xf32, #tpu.memory_space<vmem_shared>>
      tpu.enqueue_dma source(%dma_start3A_60 : memref<640x32xf32, #tpu.memory_space<vmem_shared>>) target(%dma_start3A_58 : memref<640x32xf32, #tpu.memory_space<hbm>>) target_semaphore(%run_scoped3A_56 : memref<!tpu.dma_semaphore, #tpu.memory_space<semaphore_mem>>)
      %dma_wait3A_61 = arith.constant 0 : i32
      %dma_wait3A_62 = tpu.memref_slice %arg7[%arg0, %mul3A_2, %dma_wait3A_61] : memref<2x10240x32xf32, #tpu.memory_space<hbm>> -> memref<1x640x32xf32, #tpu.memory_space<hbm>>
      %dma_wait3A_63 = tpu.memref_squeeze %dma_wait3A_62 : memref<1x640x32xf32, #tpu.memory_space<hbm>> -> memref<640x32xf32, #tpu.memory_space<hbm>>
      %dma_wait3A_64 = arith.constant 0 : i32
      %dma_wait3A_65 = tpu.memref_slice %arg12[%mul3A_2, %dma_wait3A_64] : memref<10240x32xf32, #tpu.memory_space<vmem_shared>> -> memref<640x32xf32, #tpu.memory_space<vmem_shared>>
      tpu.wait_dma2 semaphore(%run_scoped3A_56 : memref<!tpu.dma_semaphore, #tpu.memory_space<semaphore_mem>>) src(%dma_wait3A_65 : memref<640x32xf32, #tpu.memory_space<vmem_shared>>) dst(%dma_wait3A_63 : memref<640x32xf32, #tpu.memory_space<hbm>>)
      tpu.yield
    }) : () -> ()
    "tpu.region"() ({
      %run_scoped3A_56 = tpu.sem_alloc : memref<!tpu.dma_semaphore, #tpu.memory_space<semaphore_mem>>
      %dma_start3A = arith.constant 0 : i32
      %dma_start3A_57 = tpu.memref_slice %arg12[%mul3A_2, %dma_start3A] : memref<10240x32xf32, #tpu.memory_space<vmem_shared>> -> memref<640x32xf32, #tpu.memory_space<vmem_shared>>
      %dma_start3A_58 = arith.constant 0 : i32
      %dma_start3A_59 = tpu.memref_slice %arg6[%mul3A_2, %dma_start3A_58] : memref<10240x32xf32, #tpu.memory_space<hbm>> -> memref<640x32xf32, #tpu.memory_space<hbm>>
      tpu.enqueue_dma source(%dma_start3A_59 : memref<640x32xf32, #tpu.memory_space<hbm>>) target(%dma_start3A_57 : memref<640x32xf32, #tpu.memory_space<vmem_shared>>) target_semaphore(%run_scoped3A_56 : memref<!tpu.dma_semaphore, #tpu.memory_space<semaphore_mem>>)
      %dma_wait3A_60 = arith.constant 0 : i32
      %dma_wait3A_61 = tpu.memref_slice %arg12[%mul3A_2, %dma_wait3A_60] : memref<10240x32xf32, #tpu.memory_space<vmem_shared>> -> memref<640x32xf32, #tpu.memory_space<vmem_shared>>
      %dma_wait3A_62 = arith.constant 0 : i32
      %dma_wait3A_63 = tpu.memref_slice %arg6[%mul3A_2, %dma_wait3A_62] : memref<10240x32xf32, #tpu.memory_space<hbm>> -> memref<640x32xf32, #tpu.memory_space<hbm>>
      tpu.wait_dma2 semaphore(%run_scoped3A_56 : memref<!tpu.dma_semaphore, #tpu.memory_space<semaphore_mem>>) src(%dma_wait3A_63 : memref<640x32xf32, #tpu.memory_space<hbm>>) dst(%dma_wait3A_61 : memref<640x32xf32, #tpu.memory_space<vmem_shared>>)
      tpu.yield
    }) : () -> ()
    %barrier3A_27 = arith.constant 0 : index
    tpu.barrier barrier_id(%barrier3A_27)
    %run_scoped3A_28 = arith.constant 1 : i32
    %run_scoped3A_29 = arith.constant 0 : i32
    "tpu.region"() ({
      %run_scoped3A_56 = tpu.sem_alloc : memref<!tpu.dma_semaphore, #tpu.memory_space<semaphore_mem>>
      %dma_start3A = arith.constant 0 : i32
      %dma_start3A_57 = arith.constant 0 : i32
      %dma_start3A_58 = tpu.memref_slice %arg9[%run_scoped3A_29, %dma_start3A, %dma_start3A_57] : memref<2x10x1000xi32, #tpu.memory_space<vmem>> -> memref<1x10x1000xi32, #tpu.memory_space<vmem>>
      %dma_start3A_59 = tpu.memref_squeeze %dma_start3A_58 : memref<1x10x1000xi32, #tpu.memory_space<vmem>> -> memref<10x1000xi32, #tpu.memory_space<vmem>>
      %dma_start3A_60 = arith.constant 0 : i32
      %dma_start3A_61 = arith.constant 0 : i32
      %dma_start3A_62 = tpu.memref_slice %arg5[%run_scoped3A_28, %add3A, %dma_start3A_60, %dma_start3A_61] : memref<2x32x10x1000xi32, #tpu.memory_space<hbm>> -> memref<1x1x10x1000xi32, #tpu.memory_space<hbm>>
      %dma_start3A_63 = tpu.memref_squeeze %dma_start3A_62 : memref<1x1x10x1000xi32, #tpu.memory_space<hbm>> -> memref<10x1000xi32, #tpu.memory_space<hbm>>
      %dma_start3A_64 = arith.constant 0 : i32
      %dma_start3A_65 = arith.constant 0 : i32
      %dma_start3A_66 = tpu.memref_slice %arg9[%run_scoped3A_29, %dma_start3A_64, %dma_start3A_65] : memref<2x10x1000xi32, #tpu.memory_space<vmem>> -> memref<1x10x1000xi32, #tpu.memory_space<vmem>>
      %dma_start3A_67 = tpu.memref_squeeze %dma_start3A_66 : memref<1x10x1000xi32, #tpu.memory_space<vmem>> -> memref<10x1000xi32, #tpu.memory_space<vmem>>
      %dma_start3A_68 = arith.constant 0 : i32
      %dma_start3A_69 = arith.constant 0 : i32
      %dma_start3A_70 = tpu.memref_slice %arg5[%run_scoped3A_28, %add3A, %dma_start3A_68, %dma_start3A_69] : memref<2x32x10x1000xi32, #tpu.memory_space<hbm>> -> memref<1x1x10x1000xi32, #tpu.memory_space<hbm>>
      %dma_start3A_71 = tpu.memref_squeeze %dma_start3A_70 : memref<1x1x10x1000xi32, #tpu.memory_space<hbm>> -> memref<10x1000xi32, #tpu.memory_space<hbm>>
      tpu.enqueue_dma source(%dma_start3A_71 : memref<10x1000xi32, #tpu.memory_space<hbm>>) target(%dma_start3A_67 : memref<10x1000xi32, #tpu.memory_space<vmem>>) target_semaphore(%run_scoped3A_56 : memref<!tpu.dma_semaphore, #tpu.memory_space<semaphore_mem>>)
      %dma_wait3A_72 = arith.constant 0 : i32
      %dma_wait3A_73 = arith.constant 0 : i32
      %dma_wait3A_74 = tpu.memref_slice %arg9[%run_scoped3A_29, %dma_wait3A_72, %dma_wait3A_73] : memref<2x10x1000xi32, #tpu.memory_space<vmem>> -> memref<1x10x1000xi32, #tpu.memory_space<vmem>>
      %dma_wait3A_75 = tpu.memref_squeeze %dma_wait3A_74 : memref<1x10x1000xi32, #tpu.memory_space<vmem>> -> memref<10x1000xi32, #tpu.memory_space<vmem>>
      %dma_wait3A_76 = arith.constant 0 : i32
      %dma_wait3A_77 = arith.constant 0 : i32
      %dma_wait3A_78 = tpu.memref_slice %arg5[%run_scoped3A_28, %add3A, %dma_wait3A_76, %dma_wait3A_77] : memref<2x32x10x1000xi32, #tpu.memory_space<hbm>> -> memref<1x1x10x1000xi32, #tpu.memory_space<hbm>>
      %dma_wait3A_79 = tpu.memref_squeeze %dma_wait3A_78 : memref<1x1x10x1000xi32, #tpu.memory_space<hbm>> -> memref<10x1000xi32, #tpu.memory_space<hbm>>
      %dma_wait3A_80 = arith.constant 0 : i32
      %dma_wait3A_81 = arith.constant 0 : i32
      %dma_wait3A_82 = tpu.memref_slice %arg9[%run_scoped3A_29, %dma_wait3A_80, %dma_wait3A_81] : memref<2x10x1000xi32, #tpu.memory_space<vmem>> -> memref<1x10x1000xi32, #tpu.memory_space<vmem>>
      %dma_wait3A_83 = tpu.memref_squeeze %dma_wait3A_82 : memref<1x10x1000xi32, #tpu.memory_space<vmem>> -> memref<10x1000xi32, #tpu.memory_space<vmem>>
      %dma_wait3A_84 = arith.constant 0 : i32
      %dma_wait3A_85 = arith.constant 0 : i32
      %dma_wait3A_86 = tpu.memref_slice %arg5[%run_scoped3A_28, %add3A, %dma_wait3A_84, %dma_wait3A_85] : memref<2x32x10x1000xi32, #tpu.memory_space<hbm>> -> memref<1x1x10x1000xi32, #tpu.memory_space<hbm>>
      %dma_wait3A_87 = tpu.memref_squeeze %dma_wait3A_86 : memref<1x1x10x1000xi32, #tpu.memory_space<hbm>> -> memref<10x1000xi32, #tpu.memory_space<hbm>>
      tpu.wait_dma2 semaphore(%run_scoped3A_56 : memref<!tpu.dma_semaphore, #tpu.memory_space<semaphore_mem>>) src(%dma_wait3A_87 : memref<10x1000xi32, #tpu.memory_space<hbm>>) dst(%dma_wait3A_83 : memref<10x1000xi32, #tpu.memory_space<vmem>>)
      tpu.yield
    }) : () -> ()
    %run_scoped3A_30 = arith.constant 0 : i32
    %run_scoped3A_31 = arith.constant 1 : i32
    "tpu.region"() ({
      %run_scoped3A_56 = tpu.sem_alloc : memref<!tpu.dma_semaphore, #tpu.memory_space<semaphore_mem>>
      %dma_start3A = arith.constant 0 : i32
      %dma_start3A_57 = arith.constant 0 : i32
      %dma_start3A_58 = tpu.memref_slice %arg9[%run_scoped3A_31, %dma_start3A, %dma_start3A_57] : memref<2x10x1000xi32, #tpu.memory_space<vmem>> -> memref<1x10x1000xi32, #tpu.memory_space<vmem>>
      %dma_start3A_59 = tpu.memref_squeeze %dma_start3A_58 : memref<1x10x1000xi32, #tpu.memory_space<vmem>> -> memref<10x1000xi32, #tpu.memory_space<vmem>>
      %dma_start3A_60 = arith.constant 0 : i32
      %dma_start3A_61 = arith.constant 0 : i32
      %dma_start3A_62 = tpu.memref_slice %arg5[%run_scoped3A_30, %add3A, %dma_start3A_60, %dma_start3A_61] : memref<2x32x10x1000xi32, #tpu.memory_space<hbm>> -> memref<1x1x10x1000xi32, #tpu.memory_space<hbm>>
      %dma_start3A_63 = tpu.memref_squeeze %dma_start3A_62 : memref<1x1x10x1000xi32, #tpu.memory_space<hbm>> -> memref<10x1000xi32, #tpu.memory_space<hbm>>
      %dma_start3A_64 = arith.constant 0 : i32
      %dma_start3A_65 = arith.constant 0 : i32
      %dma_start3A_66 = tpu.memref_slice %arg9[%run_scoped3A_31, %dma_start3A_64, %dma_start3A_65] : memref<2x10x1000xi32, #tpu.memory_space<vmem>> -> memref<1x10x1000xi32, #tpu.memory_space<vmem>>
      %dma_start3A_67 = tpu.memref_squeeze %dma_start3A_66 : memref<1x10x1000xi32, #tpu.memory_space<vmem>> -> memref<10x1000xi32, #tpu.memory_space<vmem>>
      %dma_start3A_68 = arith.constant 0 : i32
      %dma_start3A_69 = arith.constant 0 : i32
      %dma_start3A_70 = tpu.memref_slice %arg5[%run_scoped3A_30, %add3A, %dma_start3A_68, %dma_start3A_69] : memref<2x32x10x1000xi32, #tpu.memory_space<hbm>> -> memref<1x1x10x1000xi32, #tpu.memory_space<hbm>>
      %dma_start3A_71 = tpu.memref_squeeze %dma_start3A_70 : memref<1x1x10x1000xi32, #tpu.memory_space<hbm>> -> memref<10x1000xi32, #tpu.memory_space<hbm>>
      tpu.enqueue_dma source(%dma_start3A_71 : memref<10x1000xi32, #tpu.memory_space<hbm>>) target(%dma_start3A_67 : memref<10x1000xi32, #tpu.memory_space<vmem>>) target_semaphore(%run_scoped3A_56 : memref<!tpu.dma_semaphore, #tpu.memory_space<semaphore_mem>>)
      %dma_wait3A_72 = arith.constant 0 : i32
      %dma_wait3A_73 = arith.constant 0 : i32
      %dma_wait3A_74 = tpu.memref_slice %arg9[%run_scoped3A_31, %dma_wait3A_72, %dma_wait3A_73] : memref<2x10x1000xi32, #tpu.memory_space<vmem>> -> memref<1x10x1000xi32, #tpu.memory_space<vmem>>
      %dma_wait3A_75 = tpu.memref_squeeze %dma_wait3A_74 : memref<1x10x1000xi32, #tpu.memory_space<vmem>> -> memref<10x1000xi32, #tpu.memory_space<vmem>>
      %dma_wait3A_76 = arith.constant 0 : i32
      %dma_wait3A_77 = arith.constant 0 : i32
      %dma_wait3A_78 = tpu.memref_slice %arg5[%run_scoped3A_30, %add3A, %dma_wait3A_76, %dma_wait3A_77] : memref<2x32x10x1000xi32, #tpu.memory_space<hbm>> -> memref<1x1x10x1000xi32, #tpu.memory_space<hbm>>
      %dma_wait3A_79 = tpu.memref_squeeze %dma_wait3A_78 : memref<1x1x10x1000xi32, #tpu.memory_space<hbm>> -> memref<10x1000xi32, #tpu.memory_space<hbm>>
      %dma_wait3A_80 = arith.constant 0 : i32
      %dma_wait3A_81 = arith.constant 0 : i32
      %dma_wait3A_82 = tpu.memref_slice %arg9[%run_scoped3A_31, %dma_wait3A_80, %dma_wait3A_81] : memref<2x10x1000xi32, #tpu.memory_space<vmem>> -> memref<1x10x1000xi32, #tpu.memory_space<vmem>>
      %dma_wait3A_83 = tpu.memref_squeeze %dma_wait3A_82 : memref<1x10x1000xi32, #tpu.memory_space<vmem>> -> memref<10x1000xi32, #tpu.memory_space<vmem>>
      %dma_wait3A_84 = arith.constant 0 : i32
      %dma_wait3A_85 = arith.constant 0 : i32
      %dma_wait3A_86 = tpu.memref_slice %arg5[%run_scoped3A_30, %add3A, %dma_wait3A_84, %dma_wait3A_85] : memref<2x32x10x1000xi32, #tpu.memory_space<hbm>> -> memref<1x1x10x1000xi32, #tpu.memory_space<hbm>>
      %dma_wait3A_87 = tpu.memref_squeeze %dma_wait3A_86 : memref<1x1x10x1000xi32, #tpu.memory_space<hbm>> -> memref<10x1000xi32, #tpu.memory_space<hbm>>
      tpu.wait_dma2 semaphore(%run_scoped3A_56 : memref<!tpu.dma_semaphore, #tpu.memory_space<semaphore_mem>>) src(%dma_wait3A_87 : memref<10x1000xi32, #tpu.memory_space<hbm>>) dst(%dma_wait3A_83 : memref<10x1000xi32, #tpu.memory_space<vmem>>)
      tpu.yield
    }) : () -> ()
    %scan3A_32 = arith.constant 0 : i32
    %scan3A_33 = arith.constant 0 : i32
    %scan3A_34 = arith.constant 5 : i32
    %scan3A_35 = arith.addi %scan3A_33, %scan3A_34 : i32
    %scan3A_36 = arith.constant 1 : i32
    scf.for %scan3A_56 = %scan3A_33 to %scan3A_35 step %scan3A_36  : i32 {
      %mul3A_57 = arith.constant 2 : i32
      %mul3A_58 = arith.muli %mul3A_57, %scan3A_56 : i32
      %add3A_59 = arith.constant 1 : i32
      %add3A_60 = arith.addi %mul3A_58, %add3A_59 : i32
      %gt3A = arith.constant 0 : i32
      %gt3A_61 = arith.cmpi sgt, %scan3A_56, %gt3A : i32
      %convert_element_type3A = arith.extui %gt3A_61 : i1 to i32
      %cond3A = arith.constant 0 : i32
      %cond3A_62 = arith.cmpi ne, %convert_element_type3A, %cond3A : i32
      scf.if %cond3A_62 {
        %dma_wait3A_109 = arith.constant 1 : i32
        %dma_wait3A_110 = arith.constant 0 : i32
        %dma_wait3A_111 = tpu.memref_slice %arg9[%dma_wait3A_109, %mul3A_58, %dma_wait3A_110] : memref<2x10x1000xi32, #tpu.memory_space<vmem>> -> memref<1x1x1000xi32, #tpu.memory_space<vmem>>
        %dma_wait3A_112 = tpu.memref_squeeze %dma_wait3A_111 : memref<1x1x1000xi32, #tpu.memory_space<vmem>> -> memref<1000xi32, #tpu.memory_space<vmem>>
        %dma_wait3A_113 = arith.constant 0 : i32
        %dma_wait3A_114 = arith.constant 0 : i32
        %dma_wait3A_115 = tpu.memref_slice %arg12[%dma_wait3A_113, %dma_wait3A_114] : memref<10240x32xf32, #tpu.memory_space<vmem_shared>> -> memref<10240x32xf32, #tpu.memory_space<vmem_shared>>
        tpu.wait_indirect_dma semaphore(%arg15 : memref<!tpu.dma_semaphore, #tpu.memory_space<semaphore_mem>>) src(%arg10 : memref<1000x32xf32, #tpu.memory_space<vmem>>) dst(%dma_wait3A_115 : memref<10240x32xf32, #tpu.memory_space<vmem_shared>>)
      } else {
      }
      %dma_start3A = arith.constant 0 : i32
      %dma_start3A_63 = arith.constant 0 : i32
      %dma_start3A_64 = tpu.memref_slice %arg9[%dma_start3A, %mul3A_58, %dma_start3A_63] : memref<2x10x1000xi32, #tpu.memory_space<vmem>> -> memref<1x1x1000xi32, #tpu.memory_space<vmem>>
      %dma_start3A_65 = tpu.memref_squeeze %dma_start3A_64 : memref<1x1x1000xi32, #tpu.memory_space<vmem>> -> memref<1000xi32, #tpu.memory_space<vmem>>
      %dma_start3A_66 = arith.constant 0 : i32
      %dma_start3A_67 = arith.constant 0 : i32
      %dma_start3A_68 = tpu.memref_slice %arg3[%dma_start3A_66, %dma_start3A_67] : memref<10240x32xf32, #tpu.memory_space<hbm>> -> memref<10240x32xf32, #tpu.memory_space<hbm>>
      tpu.enqueue_indirect_dma source(%dma_start3A_68 : memref<10240x32xf32, #tpu.memory_space<hbm>>) target(%arg10 : memref<1000x32xf32, #tpu.memory_space<vmem>>) offsets(%dma_start3A_65 : memref<1000xi32, #tpu.memory_space<vmem>>) semaphore(%arg13 : memref<!tpu.dma_semaphore, #tpu.memory_space<semaphore_mem>>)
      %gt3A_69 = arith.constant 0 : i32
      %gt3A_70 = arith.cmpi sgt, %scan3A_56, %gt3A_69 : i32
      %convert_element_type3A_71 = arith.extui %gt3A_70 : i1 to i32
      %cond3A_72 = arith.constant 0 : i32
      %cond3A_73 = arith.cmpi ne, %convert_element_type3A_71, %cond3A_72 : i32
      scf.if %cond3A_73 {
        %dma_wait3A_109 = arith.constant 1 : i32
        %dma_wait3A_110 = arith.constant 0 : i32
        %dma_wait3A_111 = tpu.memref_slice %arg9[%dma_wait3A_109, %add3A_60, %dma_wait3A_110] : memref<2x10x1000xi32, #tpu.memory_space<vmem>> -> memref<1x1x1000xi32, #tpu.memory_space<vmem>>
        %dma_wait3A_112 = tpu.memref_squeeze %dma_wait3A_111 : memref<1x1x1000xi32, #tpu.memory_space<vmem>> -> memref<1000xi32, #tpu.memory_space<vmem>>
        %dma_wait3A_113 = arith.constant 0 : i32
        %dma_wait3A_114 = arith.constant 0 : i32
        %dma_wait3A_115 = tpu.memref_slice %arg12[%dma_wait3A_113, %dma_wait3A_114] : memref<10240x32xf32, #tpu.memory_space<vmem_shared>> -> memref<10240x32xf32, #tpu.memory_space<vmem_shared>>
        tpu.wait_indirect_dma semaphore(%arg16 : memref<!tpu.dma_semaphore, #tpu.memory_space<semaphore_mem>>) src(%arg11 : memref<1000x32xf32, #tpu.memory_space<vmem>>) dst(%dma_wait3A_115 : memref<10240x32xf32, #tpu.memory_space<vmem_shared>>)
      } else {
      }
      %dma_start3A_74 = arith.constant 0 : i32
      %dma_start3A_75 = arith.constant 0 : i32
      %dma_start3A_76 = tpu.memref_slice %arg9[%dma_start3A_74, %add3A_60, %dma_start3A_75] : memref<2x10x1000xi32, #tpu.memory_space<vmem>> -> memref<1x1x1000xi32, #tpu.memory_space<vmem>>
      %dma_start3A_77 = tpu.memref_squeeze %dma_start3A_76 : memref<1x1x1000xi32, #tpu.memory_space<vmem>> -> memref<1000xi32, #tpu.memory_space<vmem>>
      %dma_start3A_78 = arith.constant 0 : i32
      %dma_start3A_79 = arith.constant 0 : i32
      %dma_start3A_80 = tpu.memref_slice %arg3[%dma_start3A_78, %dma_start3A_79] : memref<10240x32xf32, #tpu.memory_space<hbm>> -> memref<10240x32xf32, #tpu.memory_space<hbm>>
      tpu.enqueue_indirect_dma source(%dma_start3A_80 : memref<10240x32xf32, #tpu.memory_space<hbm>>) target(%arg11 : memref<1000x32xf32, #tpu.memory_space<vmem>>) offsets(%dma_start3A_77 : memref<1000xi32, #tpu.memory_space<vmem>>) semaphore(%arg14 : memref<!tpu.dma_semaphore, #tpu.memory_space<semaphore_mem>>)
      %dma_wait3A_81 = arith.constant 0 : i32
      %dma_wait3A_82 = arith.constant 0 : i32
      %dma_wait3A_83 = tpu.memref_slice %arg9[%dma_wait3A_81, %mul3A_58, %dma_wait3A_82] : memref<2x10x1000xi32, #tpu.memory_space<vmem>> -> memref<1x1x1000xi32, #tpu.memory_space<vmem>>
      %dma_wait3A_84 = tpu.memref_squeeze %dma_wait3A_83 : memref<1x1x1000xi32, #tpu.memory_space<vmem>> -> memref<1000xi32, #tpu.memory_space<vmem>>
      %dma_wait3A_85 = arith.constant 0 : i32
      %dma_wait3A_86 = arith.constant 0 : i32
      %dma_wait3A_87 = tpu.memref_slice %arg3[%dma_wait3A_85, %dma_wait3A_86] : memref<10240x32xf32, #tpu.memory_space<hbm>> -> memref<10240x32xf32, #tpu.memory_space<hbm>>
      tpu.wait_indirect_dma semaphore(%arg13 : memref<!tpu.dma_semaphore, #tpu.memory_space<semaphore_mem>>) src(%dma_wait3A_87 : memref<10240x32xf32, #tpu.memory_space<hbm>>) dst(%arg10 : memref<1000x32xf32, #tpu.memory_space<vmem>>)
      %dma_start3A_88 = arith.constant 1 : i32
      %dma_start3A_89 = arith.constant 0 : i32
      %dma_start3A_90 = tpu.memref_slice %arg9[%dma_start3A_88, %mul3A_58, %dma_start3A_89] : memref<2x10x1000xi32, #tpu.memory_space<vmem>> -> memref<1x1x1000xi32, #tpu.memory_space<vmem>>
      %dma_start3A_91 = tpu.memref_squeeze %dma_start3A_90 : memref<1x1x1000xi32, #tpu.memory_space<vmem>> -> memref<1000xi32, #tpu.memory_space<vmem>>
      %dma_start3A_92 = arith.constant 0 : i32
      %dma_start3A_93 = arith.constant 0 : i32
      %dma_start3A_94 = tpu.memref_slice %arg12[%dma_start3A_92, %dma_start3A_93] : memref<10240x32xf32, #tpu.memory_space<vmem_shared>> -> memref<10240x32xf32, #tpu.memory_space<vmem_shared>>
      tpu.enqueue_indirect_dma source(%arg10 : memref<1000x32xf32, #tpu.memory_space<vmem>>) target(%dma_start3A_94 : memref<10240x32xf32, #tpu.memory_space<vmem_shared>>) offsets(%dma_start3A_91 : memref<1000xi32, #tpu.memory_space<vmem>>) semaphore(%arg15 : memref<!tpu.dma_semaphore, #tpu.memory_space<semaphore_mem>>) {add = true}
      %dma_wait3A_95 = arith.constant 0 : i32
      %dma_wait3A_96 = arith.constant 0 : i32
      %dma_wait3A_97 = tpu.memref_slice %arg9[%dma_wait3A_95, %add3A_60, %dma_wait3A_96] : memref<2x10x1000xi32, #tpu.memory_space<vmem>> -> memref<1x1x1000xi32, #tpu.memory_space<vmem>>
      %dma_wait3A_98 = tpu.memref_squeeze %dma_wait3A_97 : memref<1x1x1000xi32, #tpu.memory_space<vmem>> -> memref<1000xi32, #tpu.memory_space<vmem>>
      %dma_wait3A_99 = arith.constant 0 : i32
      %dma_wait3A_100 = arith.constant 0 : i32
      %dma_wait3A_101 = tpu.memref_slice %arg3[%dma_wait3A_99, %dma_wait3A_100] : memref<10240x32xf32, #tpu.memory_space<hbm>> -> memref<10240x32xf32, #tpu.memory_space<hbm>>
      tpu.wait_indirect_dma semaphore(%arg14 : memref<!tpu.dma_semaphore, #tpu.memory_space<semaphore_mem>>) src(%dma_wait3A_101 : memref<10240x32xf32, #tpu.memory_space<hbm>>) dst(%arg11 : memref<1000x32xf32, #tpu.memory_space<vmem>>)
      %dma_start3A_102 = arith.constant 1 : i32
      %dma_start3A_103 = arith.constant 0 : i32
      %dma_start3A_104 = tpu.memref_slice %arg9[%dma_start3A_102, %add3A_60, %dma_start3A_103] : memref<2x10x1000xi32, #tpu.memory_space<vmem>> -> memref<1x1x1000xi32, #tpu.memory_space<vmem>>
      %dma_start3A_105 = tpu.memref_squeeze %dma_start3A_104 : memref<1x1x1000xi32, #tpu.memory_space<vmem>> -> memref<1000xi32, #tpu.memory_space<vmem>>
      %dma_start3A_106 = arith.constant 0 : i32
      %dma_start3A_107 = arith.constant 0 : i32
      %dma_start3A_108 = tpu.memref_slice %arg12[%dma_start3A_106, %dma_start3A_107] : memref<10240x32xf32, #tpu.memory_space<vmem_shared>> -> memref<10240x32xf32, #tpu.memory_space<vmem_shared>>
      tpu.enqueue_indirect_dma source(%arg11 : memref<1000x32xf32, #tpu.memory_space<vmem>>) target(%dma_start3A_108 : memref<10240x32xf32, #tpu.memory_space<vmem_shared>>) offsets(%dma_start3A_105 : memref<1000xi32, #tpu.memory_space<vmem>>) semaphore(%arg16 : memref<!tpu.dma_semaphore, #tpu.memory_space<semaphore_mem>>) {add = true}
    }
    %scan3A_37 = arith.constant 5 : i32
    %dma_wait3A_38 = arith.constant 1 : i32
    %dma_wait3A_39 = arith.constant 0 : i32
    %dma_wait3A_40 = arith.constant 0 : i32
    %dma_wait3A_41 = tpu.memref_slice %arg9[%dma_wait3A_38, %dma_wait3A_39, %dma_wait3A_40] : memref<2x10x1000xi32, #tpu.memory_space<vmem>> -> memref<1x1x1000xi32, #tpu.memory_space<vmem>>
    %dma_wait3A_42 = tpu.memref_squeeze %dma_wait3A_41 : memref<1x1x1000xi32, #tpu.memory_space<vmem>> -> memref<1000xi32, #tpu.memory_space<vmem>>
    %dma_wait3A_43 = arith.constant 0 : i32
    %dma_wait3A_44 = arith.constant 0 : i32
    %dma_wait3A_45 = tpu.memref_slice %arg12[%dma_wait3A_43, %dma_wait3A_44] : memref<10240x32xf32, #tpu.memory_space<vmem_shared>> -> memref<10240x32xf32, #tpu.memory_space<vmem_shared>>
    tpu.wait_indirect_dma semaphore(%arg15 : memref<!tpu.dma_semaphore, #tpu.memory_space<semaphore_mem>>) src(%arg10 : memref<1000x32xf32, #tpu.memory_space<vmem>>) dst(%dma_wait3A_45 : memref<10240x32xf32, #tpu.memory_space<vmem_shared>>)
    %dma_wait3A_46 = arith.constant 1 : i32
    %dma_wait3A_47 = arith.constant 1 : i32
    %dma_wait3A_48 = arith.constant 0 : i32
    %dma_wait3A_49 = tpu.memref_slice %arg9[%dma_wait3A_46, %dma_wait3A_47, %dma_wait3A_48] : memref<2x10x1000xi32, #tpu.memory_space<vmem>> -> memref<1x1x1000xi32, #tpu.memory_space<vmem>>
    %dma_wait3A_50 = tpu.memref_squeeze %dma_wait3A_49 : memref<1x1x1000xi32, #tpu.memory_space<vmem>> -> memref<1000xi32, #tpu.memory_space<vmem>>
    %dma_wait3A_51 = arith.constant 0 : i32
    %dma_wait3A_52 = arith.constant 0 : i32
    %dma_wait3A_53 = tpu.memref_slice %arg12[%dma_wait3A_51, %dma_wait3A_52] : memref<10240x32xf32, #tpu.memory_space<vmem_shared>> -> memref<10240x32xf32, #tpu.memory_space<vmem_shared>>
    tpu.wait_indirect_dma semaphore(%arg16 : memref<!tpu.dma_semaphore, #tpu.memory_space<semaphore_mem>>) src(%arg11 : memref<1000x32xf32, #tpu.memory_space<vmem>>) dst(%dma_wait3A_53 : memref<10240x32xf32, #tpu.memory_space<vmem_shared>>)
    %barrier3A_54 = arith.constant 0 : index
    tpu.barrier barrier_id(%barrier3A_54)
    "tpu.region"() ({
      %run_scoped3A_56 = tpu.sem_alloc : memref<!tpu.dma_semaphore, #tpu.memory_space<semaphore_mem>>
      %dma_start3A = arith.constant 0 : i32
      %dma_start3A_57 = tpu.memref_slice %arg8[%arg0, %mul3A_2, %dma_start3A] : memref<2x10240x32xf32, #tpu.memory_space<hbm>> -> memref<1x640x32xf32, #tpu.memory_space<hbm>>
      %dma_start3A_58 = tpu.memref_squeeze %dma_start3A_57 : memref<1x640x32xf32, #tpu.memory_space<hbm>> -> memref<640x32xf32, #tpu.memory_space<hbm>>
      %dma_start3A_59 = arith.constant 0 : i32
      %dma_start3A_60 = tpu.memref_slice %arg12[%mul3A_2, %dma_start3A_59] : memref<10240x32xf32, #tpu.memory_space<vmem_shared>> -> memref<640x32xf32, #tpu.memory_space<vmem_shared>>
      tpu.enqueue_dma source(%dma_start3A_60 : memref<640x32xf32, #tpu.memory_space<vmem_shared>>) target(%dma_start3A_58 : memref<640x32xf32, #tpu.memory_space<hbm>>) target_semaphore(%run_scoped3A_56 : memref<!tpu.dma_semaphore, #tpu.memory_space<semaphore_mem>>)
      %dma_wait3A_61 = arith.constant 0 : i32
      %dma_wait3A_62 = tpu.memref_slice %arg8[%arg0, %mul3A_2, %dma_wait3A_61] : memref<2x10240x32xf32, #tpu.memory_space<hbm>> -> memref<1x640x32xf32, #tpu.memory_space<hbm>>
      %dma_wait3A_63 = tpu.memref_squeeze %dma_wait3A_62 : memref<1x640x32xf32, #tpu.memory_space<hbm>> -> memref<640x32xf32, #tpu.memory_space<hbm>>
      %dma_wait3A_64 = arith.constant 0 : i32
      %dma_wait3A_65 = tpu.memref_slice %arg12[%mul3A_2, %dma_wait3A_64] : memref<10240x32xf32, #tpu.memory_space<vmem_shared>> -> memref<640x32xf32, #tpu.memory_space<vmem_shared>>
      tpu.wait_dma2 semaphore(%run_scoped3A_56 : memref<!tpu.dma_semaphore, #tpu.memory_space<semaphore_mem>>) src(%dma_wait3A_65 : memref<640x32xf32, #tpu.memory_space<vmem_shared>>) dst(%dma_wait3A_63 : memref<640x32xf32, #tpu.memory_space<hbm>>)
      tpu.yield
    }) : () -> ()
    %barrier3A_55 = arith.constant 0 : index
    tpu.barrier barrier_id(%barrier3A_55)
    return
  }
}

#map = affine_map<(d0, d1) -> (0, 0)>
#map1 = affine_map<(d0, d1) -> (0, 0, 0, 0)>
#map2 = affine_map<(d0, d1) -> (0, 0, 0)>
module attributes {stable_mosaic.version = 14 : i64} {
  func.func @k(%arg0: i32, %arg1: i32, %arg2: memref<10000x64xf32, #tpu.memory_space<hbm>>, %arg3: memref<10000x64xf32, #tpu.memory_space<hbm>>, %arg4: memref<2x32x10x1000xi32, #tpu.memory_space<hbm>>, %arg5: memref<2x32x10x1000xi32, #tpu.memory_space<hbm>>, %arg6: memref<10240x64xf32, #tpu.memory_space<hbm>>, %arg7: memref<2x10240x64xf32, #tpu.memory_space<hbm>>, %arg8: memref<2x10240x64xf32, #tpu.memory_space<hbm>>, %arg9: memref<2x10x1000xi32, #tpu.memory_space<vmem>>, %arg10: memref<1000x64xf32, #tpu.memory_space<vmem>>, %arg11: memref<10240x64xf32, #tpu.memory_space<vmem_shared>>, %arg12: memref<!tpu.dma_semaphore, #tpu.memory_space<semaphore_mem>>) attributes {dimension_semantics = [#tpu.dimension_semantics<core_parallel>, #tpu.dimension_semantics<subcore_parallel>], iteration_bounds = array<i64: 2, 16>, scalar_prefetch = 0 : i64, scratch_operands = 4 : i64, tpu.core_type = #tpu.core_type<sc_vector_subcore>, window_params = [{transform_indices = #map}, {transform_indices = #map}, {transform_indices = #map1}, {transform_indices = #map1}, {transform_indices = #map}, {transform_indices = #map2}, {transform_indices = #map2}]} {
    %mul3A = arith.constant 16 : i32
    %mul3A_0 = arith.muli %arg0, %mul3A : i32
    %add3A = arith.addi %mul3A_0, %arg1 : i32
    %mul3A_1 = arith.constant 640 : i32
    %mul3A_2 = arith.muli %arg1, %mul3A_1 : i32
    "tpu.region"() ({
      %run_scoped3A_25 = tpu.sem_alloc : memref<!tpu.dma_semaphore, #tpu.memory_space<semaphore_mem>>
      %dma_start3A = arith.constant 0 : i32
      %dma_start3A_26 = tpu.memref_slice %arg11[%mul3A_2, %dma_start3A] : memref<10240x64xf32, #tpu.memory_space<vmem_shared>> -> memref<640x64xf32, #tpu.memory_space<vmem_shared>>
      %dma_start3A_27 = arith.constant 0 : i32
      %dma_start3A_28 = tpu.memref_slice %arg6[%mul3A_2, %dma_start3A_27] : memref<10240x64xf32, #tpu.memory_space<hbm>> -> memref<640x64xf32, #tpu.memory_space<hbm>>
      tpu.enqueue_dma source(%dma_start3A_28 : memref<640x64xf32, #tpu.memory_space<hbm>>) target(%dma_start3A_26 : memref<640x64xf32, #tpu.memory_space<vmem_shared>>) target_semaphore(%run_scoped3A_25 : memref<!tpu.dma_semaphore, #tpu.memory_space<semaphore_mem>>)
      %dma_wait3A = arith.constant 0 : i32
      %dma_wait3A_29 = tpu.memref_slice %arg11[%mul3A_2, %dma_wait3A] : memref<10240x64xf32, #tpu.memory_space<vmem_shared>> -> memref<640x64xf32, #tpu.memory_space<vmem_shared>>
      %dma_wait3A_30 = arith.constant 0 : i32
      %dma_wait3A_31 = tpu.memref_slice %arg6[%mul3A_2, %dma_wait3A_30] : memref<10240x64xf32, #tpu.memory_space<hbm>> -> memref<640x64xf32, #tpu.memory_space<hbm>>
      tpu.wait_dma2 semaphore(%run_scoped3A_25 : memref<!tpu.dma_semaphore, #tpu.memory_space<semaphore_mem>>) src(%dma_wait3A_31 : memref<640x64xf32, #tpu.memory_space<hbm>>) dst(%dma_wait3A_29 : memref<640x64xf32, #tpu.memory_space<vmem_shared>>)
      tpu.yield
    }) : () -> ()
    %barrier3A = arith.constant 0 : index
    tpu.barrier barrier_id(%barrier3A)
    %run_scoped3A = arith.constant 1 : i32
    %run_scoped3A_3 = arith.constant 0 : i32
    "tpu.region"() ({
      %run_scoped3A_25 = tpu.sem_alloc : memref<!tpu.dma_semaphore, #tpu.memory_space<semaphore_mem>>
      %dma_start3A = arith.constant 0 : i32
      %dma_start3A_26 = arith.constant 0 : i32
      %dma_start3A_27 = tpu.memref_slice %arg9[%run_scoped3A_3, %dma_start3A, %dma_start3A_26] : memref<2x10x1000xi32, #tpu.memory_space<vmem>> -> memref<1x10x1000xi32, #tpu.memory_space<vmem>>
      %dma_start3A_28 = tpu.memref_squeeze %dma_start3A_27 : memref<1x10x1000xi32, #tpu.memory_space<vmem>> -> memref<10x1000xi32, #tpu.memory_space<vmem>>
      %dma_start3A_29 = arith.constant 0 : i32
      %dma_start3A_30 = arith.constant 0 : i32
      %dma_start3A_31 = tpu.memref_slice %arg4[%run_scoped3A, %add3A, %dma_start3A_29, %dma_start3A_30] : memref<2x32x10x1000xi32, #tpu.memory_space<hbm>> -> memref<1x1x10x1000xi32, #tpu.memory_space<hbm>>
      %dma_start3A_32 = tpu.memref_squeeze %dma_start3A_31 : memref<1x1x10x1000xi32, #tpu.memory_space<hbm>> -> memref<10x1000xi32, #tpu.memory_space<hbm>>
      %dma_start3A_33 = arith.constant 0 : i32
      %dma_start3A_34 = arith.constant 0 : i32
      %dma_start3A_35 = tpu.memref_slice %arg9[%run_scoped3A_3, %dma_start3A_33, %dma_start3A_34] : memref<2x10x1000xi32, #tpu.memory_space<vmem>> -> memref<1x10x1000xi32, #tpu.memory_space<vmem>>
      %dma_start3A_36 = tpu.memref_squeeze %dma_start3A_35 : memref<1x10x1000xi32, #tpu.memory_space<vmem>> -> memref<10x1000xi32, #tpu.memory_space<vmem>>
      %dma_start3A_37 = arith.constant 0 : i32
      %dma_start3A_38 = arith.constant 0 : i32
      %dma_start3A_39 = tpu.memref_slice %arg4[%run_scoped3A, %add3A, %dma_start3A_37, %dma_start3A_38] : memref<2x32x10x1000xi32, #tpu.memory_space<hbm>> -> memref<1x1x10x1000xi32, #tpu.memory_space<hbm>>
      %dma_start3A_40 = tpu.memref_squeeze %dma_start3A_39 : memref<1x1x10x1000xi32, #tpu.memory_space<hbm>> -> memref<10x1000xi32, #tpu.memory_space<hbm>>
      tpu.enqueue_dma source(%dma_start3A_40 : memref<10x1000xi32, #tpu.memory_space<hbm>>) target(%dma_start3A_36 : memref<10x1000xi32, #tpu.memory_space<vmem>>) target_semaphore(%run_scoped3A_25 : memref<!tpu.dma_semaphore, #tpu.memory_space<semaphore_mem>>)
      %dma_wait3A = arith.constant 0 : i32
      %dma_wait3A_41 = arith.constant 0 : i32
      %dma_wait3A_42 = tpu.memref_slice %arg9[%run_scoped3A_3, %dma_wait3A, %dma_wait3A_41] : memref<2x10x1000xi32, #tpu.memory_space<vmem>> -> memref<1x10x1000xi32, #tpu.memory_space<vmem>>
      %dma_wait3A_43 = tpu.memref_squeeze %dma_wait3A_42 : memref<1x10x1000xi32, #tpu.memory_space<vmem>> -> memref<10x1000xi32, #tpu.memory_space<vmem>>
      %dma_wait3A_44 = arith.constant 0 : i32
      %dma_wait3A_45 = arith.constant 0 : i32
      %dma_wait3A_46 = tpu.memref_slice %arg4[%run_scoped3A, %add3A, %dma_wait3A_44, %dma_wait3A_45] : memref<2x32x10x1000xi32, #tpu.memory_space<hbm>> -> memref<1x1x10x1000xi32, #tpu.memory_space<hbm>>
      %dma_wait3A_47 = tpu.memref_squeeze %dma_wait3A_46 : memref<1x1x10x1000xi32, #tpu.memory_space<hbm>> -> memref<10x1000xi32, #tpu.memory_space<hbm>>
      %dma_wait3A_48 = arith.constant 0 : i32
      %dma_wait3A_49 = arith.constant 0 : i32
      %dma_wait3A_50 = tpu.memref_slice %arg9[%run_scoped3A_3, %dma_wait3A_48, %dma_wait3A_49] : memref<2x10x1000xi32, #tpu.memory_space<vmem>> -> memref<1x10x1000xi32, #tpu.memory_space<vmem>>
      %dma_wait3A_51 = tpu.memref_squeeze %dma_wait3A_50 : memref<1x10x1000xi32, #tpu.memory_space<vmem>> -> memref<10x1000xi32, #tpu.memory_space<vmem>>
      %dma_wait3A_52 = arith.constant 0 : i32
      %dma_wait3A_53 = arith.constant 0 : i32
      %dma_wait3A_54 = tpu.memref_slice %arg4[%run_scoped3A, %add3A, %dma_wait3A_52, %dma_wait3A_53] : memref<2x32x10x1000xi32, #tpu.memory_space<hbm>> -> memref<1x1x10x1000xi32, #tpu.memory_space<hbm>>
      %dma_wait3A_55 = tpu.memref_squeeze %dma_wait3A_54 : memref<1x1x10x1000xi32, #tpu.memory_space<hbm>> -> memref<10x1000xi32, #tpu.memory_space<hbm>>
      tpu.wait_dma2 semaphore(%run_scoped3A_25 : memref<!tpu.dma_semaphore, #tpu.memory_space<semaphore_mem>>) src(%dma_wait3A_55 : memref<10x1000xi32, #tpu.memory_space<hbm>>) dst(%dma_wait3A_51 : memref<10x1000xi32, #tpu.memory_space<vmem>>)
      tpu.yield
    }) : () -> ()
    %run_scoped3A_4 = arith.constant 0 : i32
    %run_scoped3A_5 = arith.constant 1 : i32
    "tpu.region"() ({
      %run_scoped3A_25 = tpu.sem_alloc : memref<!tpu.dma_semaphore, #tpu.memory_space<semaphore_mem>>
      %dma_start3A = arith.constant 0 : i32
      %dma_start3A_26 = arith.constant 0 : i32
      %dma_start3A_27 = tpu.memref_slice %arg9[%run_scoped3A_5, %dma_start3A, %dma_start3A_26] : memref<2x10x1000xi32, #tpu.memory_space<vmem>> -> memref<1x10x1000xi32, #tpu.memory_space<vmem>>
      %dma_start3A_28 = tpu.memref_squeeze %dma_start3A_27 : memref<1x10x1000xi32, #tpu.memory_space<vmem>> -> memref<10x1000xi32, #tpu.memory_space<vmem>>
      %dma_start3A_29 = arith.constant 0 : i32
      %dma_start3A_30 = arith.constant 0 : i32
      %dma_start3A_31 = tpu.memref_slice %arg4[%run_scoped3A_4, %add3A, %dma_start3A_29, %dma_start3A_30] : memref<2x32x10x1000xi32, #tpu.memory_space<hbm>> -> memref<1x1x10x1000xi32, #tpu.memory_space<hbm>>
      %dma_start3A_32 = tpu.memref_squeeze %dma_start3A_31 : memref<1x1x10x1000xi32, #tpu.memory_space<hbm>> -> memref<10x1000xi32, #tpu.memory_space<hbm>>
      %dma_start3A_33 = arith.constant 0 : i32
      %dma_start3A_34 = arith.constant 0 : i32
      %dma_start3A_35 = tpu.memref_slice %arg9[%run_scoped3A_5, %dma_start3A_33, %dma_start3A_34] : memref<2x10x1000xi32, #tpu.memory_space<vmem>> -> memref<1x10x1000xi32, #tpu.memory_space<vmem>>
      %dma_start3A_36 = tpu.memref_squeeze %dma_start3A_35 : memref<1x10x1000xi32, #tpu.memory_space<vmem>> -> memref<10x1000xi32, #tpu.memory_space<vmem>>
      %dma_start3A_37 = arith.constant 0 : i32
      %dma_start3A_38 = arith.constant 0 : i32
      %dma_start3A_39 = tpu.memref_slice %arg4[%run_scoped3A_4, %add3A, %dma_start3A_37, %dma_start3A_38] : memref<2x32x10x1000xi32, #tpu.memory_space<hbm>> -> memref<1x1x10x1000xi32, #tpu.memory_space<hbm>>
      %dma_start3A_40 = tpu.memref_squeeze %dma_start3A_39 : memref<1x1x10x1000xi32, #tpu.memory_space<hbm>> -> memref<10x1000xi32, #tpu.memory_space<hbm>>
      tpu.enqueue_dma source(%dma_start3A_40 : memref<10x1000xi32, #tpu.memory_space<hbm>>) target(%dma_start3A_36 : memref<10x1000xi32, #tpu.memory_space<vmem>>) target_semaphore(%run_scoped3A_25 : memref<!tpu.dma_semaphore, #tpu.memory_space<semaphore_mem>>)
      %dma_wait3A = arith.constant 0 : i32
      %dma_wait3A_41 = arith.constant 0 : i32
      %dma_wait3A_42 = tpu.memref_slice %arg9[%run_scoped3A_5, %dma_wait3A, %dma_wait3A_41] : memref<2x10x1000xi32, #tpu.memory_space<vmem>> -> memref<1x10x1000xi32, #tpu.memory_space<vmem>>
      %dma_wait3A_43 = tpu.memref_squeeze %dma_wait3A_42 : memref<1x10x1000xi32, #tpu.memory_space<vmem>> -> memref<10x1000xi32, #tpu.memory_space<vmem>>
      %dma_wait3A_44 = arith.constant 0 : i32
      %dma_wait3A_45 = arith.constant 0 : i32
      %dma_wait3A_46 = tpu.memref_slice %arg4[%run_scoped3A_4, %add3A, %dma_wait3A_44, %dma_wait3A_45] : memref<2x32x10x1000xi32, #tpu.memory_space<hbm>> -> memref<1x1x10x1000xi32, #tpu.memory_space<hbm>>
      %dma_wait3A_47 = tpu.memref_squeeze %dma_wait3A_46 : memref<1x1x10x1000xi32, #tpu.memory_space<hbm>> -> memref<10x1000xi32, #tpu.memory_space<hbm>>
      %dma_wait3A_48 = arith.constant 0 : i32
      %dma_wait3A_49 = arith.constant 0 : i32
      %dma_wait3A_50 = tpu.memref_slice %arg9[%run_scoped3A_5, %dma_wait3A_48, %dma_wait3A_49] : memref<2x10x1000xi32, #tpu.memory_space<vmem>> -> memref<1x10x1000xi32, #tpu.memory_space<vmem>>
      %dma_wait3A_51 = tpu.memref_squeeze %dma_wait3A_50 : memref<1x10x1000xi32, #tpu.memory_space<vmem>> -> memref<10x1000xi32, #tpu.memory_space<vmem>>
      %dma_wait3A_52 = arith.constant 0 : i32
      %dma_wait3A_53 = arith.constant 0 : i32
      %dma_wait3A_54 = tpu.memref_slice %arg4[%run_scoped3A_4, %add3A, %dma_wait3A_52, %dma_wait3A_53] : memref<2x32x10x1000xi32, #tpu.memory_space<hbm>> -> memref<1x1x10x1000xi32, #tpu.memory_space<hbm>>
      %dma_wait3A_55 = tpu.memref_squeeze %dma_wait3A_54 : memref<1x1x10x1000xi32, #tpu.memory_space<hbm>> -> memref<10x1000xi32, #tpu.memory_space<hbm>>
      tpu.wait_dma2 semaphore(%run_scoped3A_25 : memref<!tpu.dma_semaphore, #tpu.memory_space<semaphore_mem>>) src(%dma_wait3A_55 : memref<10x1000xi32, #tpu.memory_space<hbm>>) dst(%dma_wait3A_51 : memref<10x1000xi32, #tpu.memory_space<vmem>>)
      tpu.yield
    }) : () -> ()
    %scan3A = arith.constant 0 : i32
    %scan3A_6 = arith.constant 0 : i32
    %scan3A_7 = arith.constant 10 : i32
    %scan3A_8 = arith.addi %scan3A_6, %scan3A_7 : i32
    %scan3A_9 = arith.constant 1 : i32
    scf.for %scan3A_25 = %scan3A_6 to %scan3A_8 step %scan3A_9  : i32 {
      %dma_start3A = arith.constant 0 : i32
      %dma_start3A_26 = arith.constant 0 : i32
      %dma_start3A_27 = tpu.memref_slice %arg9[%dma_start3A, %scan3A_25, %dma_start3A_26] : memref<2x10x1000xi32, #tpu.memory_space<vmem>> -> memref<1x1x1000xi32, #tpu.memory_space<vmem>>
      %dma_start3A_28 = tpu.memref_squeeze %dma_start3A_27 : memref<1x1x1000xi32, #tpu.memory_space<vmem>> -> memref<1000xi32, #tpu.memory_space<vmem>>
      %dma_start3A_29 = arith.constant 0 : i32
      %dma_start3A_30 = arith.constant 0 : i32
      %dma_start3A_31 = tpu.memref_slice %arg2[%dma_start3A_29, %dma_start3A_30] : memref<10000x64xf32, #tpu.memory_space<hbm>> -> memref<10000x64xf32, #tpu.memory_space<hbm>>
      tpu.enqueue_indirect_dma source(%dma_start3A_31 : memref<10000x64xf32, #tpu.memory_space<hbm>>) target(%arg10 : memref<1000x64xf32, #tpu.memory_space<vmem>>) offsets(%dma_start3A_28 : memref<1000xi32, #tpu.memory_space<vmem>>) semaphore(%arg12 : memref<!tpu.dma_semaphore, #tpu.memory_space<semaphore_mem>>)
      %dma_wait3A = arith.constant 0 : i32
      %dma_wait3A_32 = arith.constant 0 : i32
      %dma_wait3A_33 = tpu.memref_slice %arg9[%dma_wait3A, %scan3A_25, %dma_wait3A_32] : memref<2x10x1000xi32, #tpu.memory_space<vmem>> -> memref<1x1x1000xi32, #tpu.memory_space<vmem>>
      %dma_wait3A_34 = tpu.memref_squeeze %dma_wait3A_33 : memref<1x1x1000xi32, #tpu.memory_space<vmem>> -> memref<1000xi32, #tpu.memory_space<vmem>>
      %dma_wait3A_35 = arith.constant 0 : i32
      %dma_wait3A_36 = arith.constant 0 : i32
      %dma_wait3A_37 = tpu.memref_slice %arg2[%dma_wait3A_35, %dma_wait3A_36] : memref<10000x64xf32, #tpu.memory_space<hbm>> -> memref<10000x64xf32, #tpu.memory_space<hbm>>
      tpu.wait_indirect_dma semaphore(%arg12 : memref<!tpu.dma_semaphore, #tpu.memory_space<semaphore_mem>>) src(%dma_wait3A_37 : memref<10000x64xf32, #tpu.memory_space<hbm>>) dst(%arg10 : memref<1000x64xf32, #tpu.memory_space<vmem>>)
      %run_scoped3A_38 = arith.constant 1 : i32
      "tpu.region"() ({
        %run_scoped3A_39 = tpu.sem_alloc : memref<!tpu.dma_semaphore, #tpu.memory_space<semaphore_mem>>
        %dma_start3A_40 = arith.constant 0 : i32
        %dma_start3A_41 = tpu.memref_slice %arg9[%run_scoped3A_38, %scan3A_25, %dma_start3A_40] : memref<2x10x1000xi32, #tpu.memory_space<vmem>> -> memref<1x1x1000xi32, #tpu.memory_space<vmem>>
        %dma_start3A_42 = tpu.memref_squeeze %dma_start3A_41 : memref<1x1x1000xi32, #tpu.memory_space<vmem>> -> memref<1000xi32, #tpu.memory_space<vmem>>
        %dma_start3A_43 = arith.constant 0 : i32
        %dma_start3A_44 = arith.constant 0 : i32
        %dma_start3A_45 = tpu.memref_slice %arg11[%dma_start3A_43, %dma_start3A_44] : memref<10240x64xf32, #tpu.memory_space<vmem_shared>> -> memref<10240x64xf32, #tpu.memory_space<vmem_shared>>
        tpu.enqueue_indirect_dma source(%arg10 : memref<1000x64xf32, #tpu.memory_space<vmem>>) target(%dma_start3A_45 : memref<10240x64xf32, #tpu.memory_space<vmem_shared>>) offsets(%dma_start3A_42 : memref<1000xi32, #tpu.memory_space<vmem>>) semaphore(%run_scoped3A_39 : memref<!tpu.dma_semaphore, #tpu.memory_space<semaphore_mem>>) {add = true}
        %dma_wait3A_46 = arith.constant 0 : i32
        %dma_wait3A_47 = tpu.memref_slice %arg9[%run_scoped3A_38, %scan3A_25, %dma_wait3A_46] : memref<2x10x1000xi32, #tpu.memory_space<vmem>> -> memref<1x1x1000xi32, #tpu.memory_space<vmem>>
        %dma_wait3A_48 = tpu.memref_squeeze %dma_wait3A_47 : memref<1x1x1000xi32, #tpu.memory_space<vmem>> -> memref<1000xi32, #tpu.memory_space<vmem>>
        %dma_wait3A_49 = arith.constant 0 : i32
        %dma_wait3A_50 = arith.constant 0 : i32
        %dma_wait3A_51 = tpu.memref_slice %arg11[%dma_wait3A_49, %dma_wait3A_50] : memref<10240x64xf32, #tpu.memory_space<vmem_shared>> -> memref<10240x64xf32, #tpu.memory_space<vmem_shared>>
        tpu.wait_indirect_dma semaphore(%run_scoped3A_39 : memref<!tpu.dma_semaphore, #tpu.memory_space<semaphore_mem>>) src(%arg10 : memref<1000x64xf32, #tpu.memory_space<vmem>>) dst(%dma_wait3A_51 : memref<10240x64xf32, #tpu.memory_space<vmem_shared>>)
        tpu.yield
      }) : () -> ()
    }
    %scan3A_10 = arith.constant 10 : i32
    %barrier3A_11 = arith.constant 0 : index
    tpu.barrier barrier_id(%barrier3A_11)
    "tpu.region"() ({
      %run_scoped3A_25 = tpu.sem_alloc : memref<!tpu.dma_semaphore, #tpu.memory_space<semaphore_mem>>
      %dma_start3A = arith.constant 0 : i32
      %dma_start3A_26 = tpu.memref_slice %arg7[%arg0, %mul3A_2, %dma_start3A] : memref<2x10240x64xf32, #tpu.memory_space<hbm>> -> memref<1x640x64xf32, #tpu.memory_space<hbm>>
      %dma_start3A_27 = tpu.memref_squeeze %dma_start3A_26 : memref<1x640x64xf32, #tpu.memory_space<hbm>> -> memref<640x64xf32, #tpu.memory_space<hbm>>
      %dma_start3A_28 = arith.constant 0 : i32
      %dma_start3A_29 = tpu.memref_slice %arg11[%mul3A_2, %dma_start3A_28] : memref<10240x64xf32, #tpu.memory_space<vmem_shared>> -> memref<640x64xf32, #tpu.memory_space<vmem_shared>>
      tpu.enqueue_dma source(%dma_start3A_29 : memref<640x64xf32, #tpu.memory_space<vmem_shared>>) target(%dma_start3A_27 : memref<640x64xf32, #tpu.memory_space<hbm>>) target_semaphore(%run_scoped3A_25 : memref<!tpu.dma_semaphore, #tpu.memory_space<semaphore_mem>>)
      %dma_wait3A = arith.constant 0 : i32
      %dma_wait3A_30 = tpu.memref_slice %arg7[%arg0, %mul3A_2, %dma_wait3A] : memref<2x10240x64xf32, #tpu.memory_space<hbm>> -> memref<1x640x64xf32, #tpu.memory_space<hbm>>
      %dma_wait3A_31 = tpu.memref_squeeze %dma_wait3A_30 : memref<1x640x64xf32, #tpu.memory_space<hbm>> -> memref<640x64xf32, #tpu.memory_space<hbm>>
      %dma_wait3A_32 = arith.constant 0 : i32
      %dma_wait3A_33 = tpu.memref_slice %arg11[%mul3A_2, %dma_wait3A_32] : memref<10240x64xf32, #tpu.memory_space<vmem_shared>> -> memref<640x64xf32, #tpu.memory_space<vmem_shared>>
      tpu.wait_dma2 semaphore(%run_scoped3A_25 : memref<!tpu.dma_semaphore, #tpu.memory_space<semaphore_mem>>) src(%dma_wait3A_33 : memref<640x64xf32, #tpu.memory_space<vmem_shared>>) dst(%dma_wait3A_31 : memref<640x64xf32, #tpu.memory_space<hbm>>)
      tpu.yield
    }) : () -> ()
    "tpu.region"() ({
      %run_scoped3A_25 = tpu.sem_alloc : memref<!tpu.dma_semaphore, #tpu.memory_space<semaphore_mem>>
      %dma_start3A = arith.constant 0 : i32
      %dma_start3A_26 = tpu.memref_slice %arg11[%mul3A_2, %dma_start3A] : memref<10240x64xf32, #tpu.memory_space<vmem_shared>> -> memref<640x64xf32, #tpu.memory_space<vmem_shared>>
      %dma_start3A_27 = arith.constant 0 : i32
      %dma_start3A_28 = tpu.memref_slice %arg6[%mul3A_2, %dma_start3A_27] : memref<10240x64xf32, #tpu.memory_space<hbm>> -> memref<640x64xf32, #tpu.memory_space<hbm>>
      tpu.enqueue_dma source(%dma_start3A_28 : memref<640x64xf32, #tpu.memory_space<hbm>>) target(%dma_start3A_26 : memref<640x64xf32, #tpu.memory_space<vmem_shared>>) target_semaphore(%run_scoped3A_25 : memref<!tpu.dma_semaphore, #tpu.memory_space<semaphore_mem>>)
      %dma_wait3A = arith.constant 0 : i32
      %dma_wait3A_29 = tpu.memref_slice %arg11[%mul3A_2, %dma_wait3A] : memref<10240x64xf32, #tpu.memory_space<vmem_shared>> -> memref<640x64xf32, #tpu.memory_space<vmem_shared>>
      %dma_wait3A_30 = arith.constant 0 : i32
      %dma_wait3A_31 = tpu.memref_slice %arg6[%mul3A_2, %dma_wait3A_30] : memref<10240x64xf32, #tpu.memory_space<hbm>> -> memref<640x64xf32, #tpu.memory_space<hbm>>
      tpu.wait_dma2 semaphore(%run_scoped3A_25 : memref<!tpu.dma_semaphore, #tpu.memory_space<semaphore_mem>>) src(%dma_wait3A_31 : memref<640x64xf32, #tpu.memory_space<hbm>>) dst(%dma_wait3A_29 : memref<640x64xf32, #tpu.memory_space<vmem_shared>>)
      tpu.yield
    }) : () -> ()
    %barrier3A_12 = arith.constant 0 : index
    tpu.barrier barrier_id(%barrier3A_12)
    %run_scoped3A_13 = arith.constant 1 : i32
    %run_scoped3A_14 = arith.constant 0 : i32
    "tpu.region"() ({
      %run_scoped3A_25 = tpu.sem_alloc : memref<!tpu.dma_semaphore, #tpu.memory_space<semaphore_mem>>
      %dma_start3A = arith.constant 0 : i32
      %dma_start3A_26 = arith.constant 0 : i32
      %dma_start3A_27 = tpu.memref_slice %arg9[%run_scoped3A_14, %dma_start3A, %dma_start3A_26] : memref<2x10x1000xi32, #tpu.memory_space<vmem>> -> memref<1x10x1000xi32, #tpu.memory_space<vmem>>
      %dma_start3A_28 = tpu.memref_squeeze %dma_start3A_27 : memref<1x10x1000xi32, #tpu.memory_space<vmem>> -> memref<10x1000xi32, #tpu.memory_space<vmem>>
      %dma_start3A_29 = arith.constant 0 : i32
      %dma_start3A_30 = arith.constant 0 : i32
      %dma_start3A_31 = tpu.memref_slice %arg5[%run_scoped3A_13, %add3A, %dma_start3A_29, %dma_start3A_30] : memref<2x32x10x1000xi32, #tpu.memory_space<hbm>> -> memref<1x1x10x1000xi32, #tpu.memory_space<hbm>>
      %dma_start3A_32 = tpu.memref_squeeze %dma_start3A_31 : memref<1x1x10x1000xi32, #tpu.memory_space<hbm>> -> memref<10x1000xi32, #tpu.memory_space<hbm>>
      %dma_start3A_33 = arith.constant 0 : i32
      %dma_start3A_34 = arith.constant 0 : i32
      %dma_start3A_35 = tpu.memref_slice %arg9[%run_scoped3A_14, %dma_start3A_33, %dma_start3A_34] : memref<2x10x1000xi32, #tpu.memory_space<vmem>> -> memref<1x10x1000xi32, #tpu.memory_space<vmem>>
      %dma_start3A_36 = tpu.memref_squeeze %dma_start3A_35 : memref<1x10x1000xi32, #tpu.memory_space<vmem>> -> memref<10x1000xi32, #tpu.memory_space<vmem>>
      %dma_start3A_37 = arith.constant 0 : i32
      %dma_start3A_38 = arith.constant 0 : i32
      %dma_start3A_39 = tpu.memref_slice %arg5[%run_scoped3A_13, %add3A, %dma_start3A_37, %dma_start3A_38] : memref<2x32x10x1000xi32, #tpu.memory_space<hbm>> -> memref<1x1x10x1000xi32, #tpu.memory_space<hbm>>
      %dma_start3A_40 = tpu.memref_squeeze %dma_start3A_39 : memref<1x1x10x1000xi32, #tpu.memory_space<hbm>> -> memref<10x1000xi32, #tpu.memory_space<hbm>>
      tpu.enqueue_dma source(%dma_start3A_40 : memref<10x1000xi32, #tpu.memory_space<hbm>>) target(%dma_start3A_36 : memref<10x1000xi32, #tpu.memory_space<vmem>>) target_semaphore(%run_scoped3A_25 : memref<!tpu.dma_semaphore, #tpu.memory_space<semaphore_mem>>)
      %dma_wait3A = arith.constant 0 : i32
      %dma_wait3A_41 = arith.constant 0 : i32
      %dma_wait3A_42 = tpu.memref_slice %arg9[%run_scoped3A_14, %dma_wait3A, %dma_wait3A_41] : memref<2x10x1000xi32, #tpu.memory_space<vmem>> -> memref<1x10x1000xi32, #tpu.memory_space<vmem>>
      %dma_wait3A_43 = tpu.memref_squeeze %dma_wait3A_42 : memref<1x10x1000xi32, #tpu.memory_space<vmem>> -> memref<10x1000xi32, #tpu.memory_space<vmem>>
      %dma_wait3A_44 = arith.constant 0 : i32
      %dma_wait3A_45 = arith.constant 0 : i32
      %dma_wait3A_46 = tpu.memref_slice %arg5[%run_scoped3A_13, %add3A, %dma_wait3A_44, %dma_wait3A_45] : memref<2x32x10x1000xi32, #tpu.memory_space<hbm>> -> memref<1x1x10x1000xi32, #tpu.memory_space<hbm>>
      %dma_wait3A_47 = tpu.memref_squeeze %dma_wait3A_46 : memref<1x1x10x1000xi32, #tpu.memory_space<hbm>> -> memref<10x1000xi32, #tpu.memory_space<hbm>>
      %dma_wait3A_48 = arith.constant 0 : i32
      %dma_wait3A_49 = arith.constant 0 : i32
      %dma_wait3A_50 = tpu.memref_slice %arg9[%run_scoped3A_14, %dma_wait3A_48, %dma_wait3A_49] : memref<2x10x1000xi32, #tpu.memory_space<vmem>> -> memref<1x10x1000xi32, #tpu.memory_space<vmem>>
      %dma_wait3A_51 = tpu.memref_squeeze %dma_wait3A_50 : memref<1x10x1000xi32, #tpu.memory_space<vmem>> -> memref<10x1000xi32, #tpu.memory_space<vmem>>
      %dma_wait3A_52 = arith.constant 0 : i32
      %dma_wait3A_53 = arith.constant 0 : i32
      %dma_wait3A_54 = tpu.memref_slice %arg5[%run_scoped3A_13, %add3A, %dma_wait3A_52, %dma_wait3A_53] : memref<2x32x10x1000xi32, #tpu.memory_space<hbm>> -> memref<1x1x10x1000xi32, #tpu.memory_space<hbm>>
      %dma_wait3A_55 = tpu.memref_squeeze %dma_wait3A_54 : memref<1x1x10x1000xi32, #tpu.memory_space<hbm>> -> memref<10x1000xi32, #tpu.memory_space<hbm>>
      tpu.wait_dma2 semaphore(%run_scoped3A_25 : memref<!tpu.dma_semaphore, #tpu.memory_space<semaphore_mem>>) src(%dma_wait3A_55 : memref<10x1000xi32, #tpu.memory_space<hbm>>) dst(%dma_wait3A_51 : memref<10x1000xi32, #tpu.memory_space<vmem>>)
      tpu.yield
    }) : () -> ()
    %run_scoped3A_15 = arith.constant 0 : i32
    %run_scoped3A_16 = arith.constant 1 : i32
    "tpu.region"() ({
      %run_scoped3A_25 = tpu.sem_alloc : memref<!tpu.dma_semaphore, #tpu.memory_space<semaphore_mem>>
      %dma_start3A = arith.constant 0 : i32
      %dma_start3A_26 = arith.constant 0 : i32
      %dma_start3A_27 = tpu.memref_slice %arg9[%run_scoped3A_16, %dma_start3A, %dma_start3A_26] : memref<2x10x1000xi32, #tpu.memory_space<vmem>> -> memref<1x10x1000xi32, #tpu.memory_space<vmem>>
      %dma_start3A_28 = tpu.memref_squeeze %dma_start3A_27 : memref<1x10x1000xi32, #tpu.memory_space<vmem>> -> memref<10x1000xi32, #tpu.memory_space<vmem>>
      %dma_start3A_29 = arith.constant 0 : i32
      %dma_start3A_30 = arith.constant 0 : i32
      %dma_start3A_31 = tpu.memref_slice %arg5[%run_scoped3A_15, %add3A, %dma_start3A_29, %dma_start3A_30] : memref<2x32x10x1000xi32, #tpu.memory_space<hbm>> -> memref<1x1x10x1000xi32, #tpu.memory_space<hbm>>
      %dma_start3A_32 = tpu.memref_squeeze %dma_start3A_31 : memref<1x1x10x1000xi32, #tpu.memory_space<hbm>> -> memref<10x1000xi32, #tpu.memory_space<hbm>>
      %dma_start3A_33 = arith.constant 0 : i32
      %dma_start3A_34 = arith.constant 0 : i32
      %dma_start3A_35 = tpu.memref_slice %arg9[%run_scoped3A_16, %dma_start3A_33, %dma_start3A_34] : memref<2x10x1000xi32, #tpu.memory_space<vmem>> -> memref<1x10x1000xi32, #tpu.memory_space<vmem>>
      %dma_start3A_36 = tpu.memref_squeeze %dma_start3A_35 : memref<1x10x1000xi32, #tpu.memory_space<vmem>> -> memref<10x1000xi32, #tpu.memory_space<vmem>>
      %dma_start3A_37 = arith.constant 0 : i32
      %dma_start3A_38 = arith.constant 0 : i32
      %dma_start3A_39 = tpu.memref_slice %arg5[%run_scoped3A_15, %add3A, %dma_start3A_37, %dma_start3A_38] : memref<2x32x10x1000xi32, #tpu.memory_space<hbm>> -> memref<1x1x10x1000xi32, #tpu.memory_space<hbm>>
      %dma_start3A_40 = tpu.memref_squeeze %dma_start3A_39 : memref<1x1x10x1000xi32, #tpu.memory_space<hbm>> -> memref<10x1000xi32, #tpu.memory_space<hbm>>
      tpu.enqueue_dma source(%dma_start3A_40 : memref<10x1000xi32, #tpu.memory_space<hbm>>) target(%dma_start3A_36 : memref<10x1000xi32, #tpu.memory_space<vmem>>) target_semaphore(%run_scoped3A_25 : memref<!tpu.dma_semaphore, #tpu.memory_space<semaphore_mem>>)
      %dma_wait3A = arith.constant 0 : i32
      %dma_wait3A_41 = arith.constant 0 : i32
      %dma_wait3A_42 = tpu.memref_slice %arg9[%run_scoped3A_16, %dma_wait3A, %dma_wait3A_41] : memref<2x10x1000xi32, #tpu.memory_space<vmem>> -> memref<1x10x1000xi32, #tpu.memory_space<vmem>>
      %dma_wait3A_43 = tpu.memref_squeeze %dma_wait3A_42 : memref<1x10x1000xi32, #tpu.memory_space<vmem>> -> memref<10x1000xi32, #tpu.memory_space<vmem>>
      %dma_wait3A_44 = arith.constant 0 : i32
      %dma_wait3A_45 = arith.constant 0 : i32
      %dma_wait3A_46 = tpu.memref_slice %arg5[%run_scoped3A_15, %add3A, %dma_wait3A_44, %dma_wait3A_45] : memref<2x32x10x1000xi32, #tpu.memory_space<hbm>> -> memref<1x1x10x1000xi32, #tpu.memory_space<hbm>>
      %dma_wait3A_47 = tpu.memref_squeeze %dma_wait3A_46 : memref<1x1x10x1000xi32, #tpu.memory_space<hbm>> -> memref<10x1000xi32, #tpu.memory_space<hbm>>
      %dma_wait3A_48 = arith.constant 0 : i32
      %dma_wait3A_49 = arith.constant 0 : i32
      %dma_wait3A_50 = tpu.memref_slice %arg9[%run_scoped3A_16, %dma_wait3A_48, %dma_wait3A_49] : memref<2x10x1000xi32, #tpu.memory_space<vmem>> -> memref<1x10x1000xi32, #tpu.memory_space<vmem>>
      %dma_wait3A_51 = tpu.memref_squeeze %dma_wait3A_50 : memref<1x10x1000xi32, #tpu.memory_space<vmem>> -> memref<10x1000xi32, #tpu.memory_space<vmem>>
      %dma_wait3A_52 = arith.constant 0 : i32
      %dma_wait3A_53 = arith.constant 0 : i32
      %dma_wait3A_54 = tpu.memref_slice %arg5[%run_scoped3A_15, %add3A, %dma_wait3A_52, %dma_wait3A_53] : memref<2x32x10x1000xi32, #tpu.memory_space<hbm>> -> memref<1x1x10x1000xi32, #tpu.memory_space<hbm>>
      %dma_wait3A_55 = tpu.memref_squeeze %dma_wait3A_54 : memref<1x1x10x1000xi32, #tpu.memory_space<hbm>> -> memref<10x1000xi32, #tpu.memory_space<hbm>>
      tpu.wait_dma2 semaphore(%run_scoped3A_25 : memref<!tpu.dma_semaphore, #tpu.memory_space<semaphore_mem>>) src(%dma_wait3A_55 : memref<10x1000xi32, #tpu.memory_space<hbm>>) dst(%dma_wait3A_51 : memref<10x1000xi32, #tpu.memory_space<vmem>>)
      tpu.yield
    }) : () -> ()
    %scan3A_17 = arith.constant 0 : i32
    %scan3A_18 = arith.constant 0 : i32
    %scan3A_19 = arith.constant 10 : i32
    %scan3A_20 = arith.addi %scan3A_18, %scan3A_19 : i32
    %scan3A_21 = arith.constant 1 : i32
    scf.for %scan3A_25 = %scan3A_18 to %scan3A_20 step %scan3A_21  : i32 {
      %dma_start3A = arith.constant 0 : i32
      %dma_start3A_26 = arith.constant 0 : i32
      %dma_start3A_27 = tpu.memref_slice %arg9[%dma_start3A, %scan3A_25, %dma_start3A_26] : memref<2x10x1000xi32, #tpu.memory_space<vmem>> -> memref<1x1x1000xi32, #tpu.memory_space<vmem>>
      %dma_start3A_28 = tpu.memref_squeeze %dma_start3A_27 : memref<1x1x1000xi32, #tpu.memory_space<vmem>> -> memref<1000xi32, #tpu.memory_space<vmem>>
      %dma_start3A_29 = arith.constant 0 : i32
      %dma_start3A_30 = arith.constant 0 : i32
      %dma_start3A_31 = tpu.memref_slice %arg3[%dma_start3A_29, %dma_start3A_30] : memref<10000x64xf32, #tpu.memory_space<hbm>> -> memref<10000x64xf32, #tpu.memory_space<hbm>>
      tpu.enqueue_indirect_dma source(%dma_start3A_31 : memref<10000x64xf32, #tpu.memory_space<hbm>>) target(%arg10 : memref<1000x64xf32, #tpu.memory_space<vmem>>) offsets(%dma_start3A_28 : memref<1000xi32, #tpu.memory_space<vmem>>) semaphore(%arg12 : memref<!tpu.dma_semaphore, #tpu.memory_space<semaphore_mem>>)
      %dma_wait3A = arith.constant 0 : i32
      %dma_wait3A_32 = arith.constant 0 : i32
      %dma_wait3A_33 = tpu.memref_slice %arg9[%dma_wait3A, %scan3A_25, %dma_wait3A_32] : memref<2x10x1000xi32, #tpu.memory_space<vmem>> -> memref<1x1x1000xi32, #tpu.memory_space<vmem>>
      %dma_wait3A_34 = tpu.memref_squeeze %dma_wait3A_33 : memref<1x1x1000xi32, #tpu.memory_space<vmem>> -> memref<1000xi32, #tpu.memory_space<vmem>>
      %dma_wait3A_35 = arith.constant 0 : i32
      %dma_wait3A_36 = arith.constant 0 : i32
      %dma_wait3A_37 = tpu.memref_slice %arg3[%dma_wait3A_35, %dma_wait3A_36] : memref<10000x64xf32, #tpu.memory_space<hbm>> -> memref<10000x64xf32, #tpu.memory_space<hbm>>
      tpu.wait_indirect_dma semaphore(%arg12 : memref<!tpu.dma_semaphore, #tpu.memory_space<semaphore_mem>>) src(%dma_wait3A_37 : memref<10000x64xf32, #tpu.memory_space<hbm>>) dst(%arg10 : memref<1000x64xf32, #tpu.memory_space<vmem>>)
      %run_scoped3A_38 = arith.constant 1 : i32
      "tpu.region"() ({
        %run_scoped3A_39 = tpu.sem_alloc : memref<!tpu.dma_semaphore, #tpu.memory_space<semaphore_mem>>
        %dma_start3A_40 = arith.constant 0 : i32
        %dma_start3A_41 = tpu.memref_slice %arg9[%run_scoped3A_38, %scan3A_25, %dma_start3A_40] : memref<2x10x1000xi32, #tpu.memory_space<vmem>> -> memref<1x1x1000xi32, #tpu.memory_space<vmem>>
        %dma_start3A_42 = tpu.memref_squeeze %dma_start3A_41 : memref<1x1x1000xi32, #tpu.memory_space<vmem>> -> memref<1000xi32, #tpu.memory_space<vmem>>
        %dma_start3A_43 = arith.constant 0 : i32
        %dma_start3A_44 = arith.constant 0 : i32
        %dma_start3A_45 = tpu.memref_slice %arg11[%dma_start3A_43, %dma_start3A_44] : memref<10240x64xf32, #tpu.memory_space<vmem_shared>> -> memref<10240x64xf32, #tpu.memory_space<vmem_shared>>
        tpu.enqueue_indirect_dma source(%arg10 : memref<1000x64xf32, #tpu.memory_space<vmem>>) target(%dma_start3A_45 : memref<10240x64xf32, #tpu.memory_space<vmem_shared>>) offsets(%dma_start3A_42 : memref<1000xi32, #tpu.memory_space<vmem>>) semaphore(%run_scoped3A_39 : memref<!tpu.dma_semaphore, #tpu.memory_space<semaphore_mem>>) {add = true}
        %dma_wait3A_46 = arith.constant 0 : i32
        %dma_wait3A_47 = tpu.memref_slice %arg9[%run_scoped3A_38, %scan3A_25, %dma_wait3A_46] : memref<2x10x1000xi32, #tpu.memory_space<vmem>> -> memref<1x1x1000xi32, #tpu.memory_space<vmem>>
        %dma_wait3A_48 = tpu.memref_squeeze %dma_wait3A_47 : memref<1x1x1000xi32, #tpu.memory_space<vmem>> -> memref<1000xi32, #tpu.memory_space<vmem>>
        %dma_wait3A_49 = arith.constant 0 : i32
        %dma_wait3A_50 = arith.constant 0 : i32
        %dma_wait3A_51 = tpu.memref_slice %arg11[%dma_wait3A_49, %dma_wait3A_50] : memref<10240x64xf32, #tpu.memory_space<vmem_shared>> -> memref<10240x64xf32, #tpu.memory_space<vmem_shared>>
        tpu.wait_indirect_dma semaphore(%run_scoped3A_39 : memref<!tpu.dma_semaphore, #tpu.memory_space<semaphore_mem>>) src(%arg10 : memref<1000x64xf32, #tpu.memory_space<vmem>>) dst(%dma_wait3A_51 : memref<10240x64xf32, #tpu.memory_space<vmem_shared>>)
        tpu.yield
      }) : () -> ()
    }
    %scan3A_22 = arith.constant 10 : i32
    %barrier3A_23 = arith.constant 0 : index
    tpu.barrier barrier_id(%barrier3A_23)
    "tpu.region"() ({
      %run_scoped3A_25 = tpu.sem_alloc : memref<!tpu.dma_semaphore, #tpu.memory_space<semaphore_mem>>
      %dma_start3A = arith.constant 0 : i32
      %dma_start3A_26 = tpu.memref_slice %arg8[%arg0, %mul3A_2, %dma_start3A] : memref<2x10240x64xf32, #tpu.memory_space<hbm>> -> memref<1x640x64xf32, #tpu.memory_space<hbm>>
      %dma_start3A_27 = tpu.memref_squeeze %dma_start3A_26 : memref<1x640x64xf32, #tpu.memory_space<hbm>> -> memref<640x64xf32, #tpu.memory_space<hbm>>
      %dma_start3A_28 = arith.constant 0 : i32
      %dma_start3A_29 = tpu.memref_slice %arg11[%mul3A_2, %dma_start3A_28] : memref<10240x64xf32, #tpu.memory_space<vmem_shared>> -> memref<640x64xf32, #tpu.memory_space<vmem_shared>>
      tpu.enqueue_dma source(%dma_start3A_29 : memref<640x64xf32, #tpu.memory_space<vmem_shared>>) target(%dma_start3A_27 : memref<640x64xf32, #tpu.memory_space<hbm>>) target_semaphore(%run_scoped3A_25 : memref<!tpu.dma_semaphore, #tpu.memory_space<semaphore_mem>>)
      %dma_wait3A = arith.constant 0 : i32
      %dma_wait3A_30 = tpu.memref_slice %arg8[%arg0, %mul3A_2, %dma_wait3A] : memref<2x10240x64xf32, #tpu.memory_space<hbm>> -> memref<1x640x64xf32, #tpu.memory_space<hbm>>
      %dma_wait3A_31 = tpu.memref_squeeze %dma_wait3A_30 : memref<1x640x64xf32, #tpu.memory_space<hbm>> -> memref<640x64xf32, #tpu.memory_space<hbm>>
      %dma_wait3A_32 = arith.constant 0 : i32
      %dma_wait3A_33 = tpu.memref_slice %arg11[%mul3A_2, %dma_wait3A_32] : memref<10240x64xf32, #tpu.memory_space<vmem_shared>> -> memref<640x64xf32, #tpu.memory_space<vmem_shared>>
      tpu.wait_dma2 semaphore(%run_scoped3A_25 : memref<!tpu.dma_semaphore, #tpu.memory_space<semaphore_mem>>) src(%dma_wait3A_33 : memref<640x64xf32, #tpu.memory_space<vmem_shared>>) dst(%dma_wait3A_31 : memref<640x64xf32, #tpu.memory_space<hbm>>)
      tpu.yield
    }) : () -> ()
    %barrier3A_24 = arith.constant 0 : index
    tpu.barrier barrier_id(%barrier3A_24)
    return
  }
}

#map = affine_map<(d0, d1) -> (0, 0)>
#map1 = affine_map<(d0, d1) -> (0, 0, 0, 0)>
#map2 = affine_map<(d0, d1) -> (0, 0, 0)>
module attributes {stable_mosaic.version = 14 : i64} {
  func.func @k(%arg0: i32, %arg1: i32, %arg2: memref<10240x32xf32, #tpu.memory_space<hbm>>, %arg3: memref<10240x32xf32, #tpu.memory_space<hbm>>, %arg4: memref<2x32x10x1000xi32, #tpu.memory_space<hbm>>, %arg5: memref<2x32x10x1000xi32, #tpu.memory_space<hbm>>, %arg6: memref<10240x32xf32, #tpu.memory_space<hbm>>, %arg7: memref<2x10240x32xf32, #tpu.memory_space<hbm>>, %arg8: memref<2x10240x32xf32, #tpu.memory_space<hbm>>, %arg9: memref<2x10x1000xi32, #tpu.memory_space<vmem>>, %arg10: memref<1000x32xf32, #tpu.memory_space<vmem>>, %arg11: memref<1000x32xf32, #tpu.memory_space<vmem>>, %arg12: memref<10240x32xf32, #tpu.memory_space<vmem_shared>>, %arg13: memref<!tpu.dma_semaphore, #tpu.memory_space<semaphore_mem>>, %arg14: memref<!tpu.dma_semaphore, #tpu.memory_space<semaphore_mem>>, %arg15: memref<!tpu.dma_semaphore, #tpu.memory_space<semaphore_mem>>, %arg16: memref<!tpu.dma_semaphore, #tpu.memory_space<semaphore_mem>>) attributes {dimension_semantics = [#tpu.dimension_semantics<core_parallel>, #tpu.dimension_semantics<subcore_parallel>], iteration_bounds = array<i64: 2, 16>, scalar_prefetch = 0 : i64, scratch_operands = 8 : i64, tpu.core_type = #tpu.core_type<sc_vector_subcore>, window_params = [{transform_indices = #map}, {transform_indices = #map}, {transform_indices = #map1}, {transform_indices = #map1}, {transform_indices = #map}, {transform_indices = #map2}, {transform_indices = #map2}]} {
    %mul3A = arith.constant 16 : i32
    %mul3A_0 = arith.muli %arg0, %mul3A : i32
    %add3A = arith.addi %mul3A_0, %arg1 : i32
    %mul3A_1 = arith.constant 640 : i32
    %mul3A_2 = arith.muli %arg1, %mul3A_1 : i32
    "tpu.region"() ({
      %run_scoped3A_56 = tpu.sem_alloc : memref<!tpu.dma_semaphore, #tpu.memory_space<semaphore_mem>>
      %dma_start3A = arith.constant 0 : i32
      %dma_start3A_57 = tpu.memref_slice %arg12[%mul3A_2, %dma_start3A] : memref<10240x32xf32, #tpu.memory_space<vmem_shared>> -> memref<640x32xf32, #tpu.memory_space<vmem_shared>>
      %dma_start3A_58 = arith.constant 0 : i32
      %dma_start3A_59 = tpu.memref_slice %arg6[%mul3A_2, %dma_start3A_58] : memref<10240x32xf32, #tpu.memory_space<hbm>> -> memref<640x32xf32, #tpu.memory_space<hbm>>
      tpu.enqueue_dma source(%dma_start3A_59 : memref<640x32xf32, #tpu.memory_space<hbm>>) target(%dma_start3A_57 : memref<640x32xf32, #tpu.memory_space<vmem_shared>>) target_semaphore(%run_scoped3A_56 : memref<!tpu.dma_semaphore, #tpu.memory_space<semaphore_mem>>)
      %dma_wait3A_60 = arith.constant 0 : i32
      %dma_wait3A_61 = tpu.memref_slice %arg12[%mul3A_2, %dma_wait3A_60] : memref<10240x32xf32, #tpu.memory_space<vmem_shared>> -> memref<640x32xf32, #tpu.memory_space<vmem_shared>>
      %dma_wait3A_62 = arith.constant 0 : i32
      %dma_wait3A_63 = tpu.memref_slice %arg6[%mul3A_2, %dma_wait3A_62] : memref<10240x32xf32, #tpu.memory_space<hbm>> -> memref<640x32xf32, #tpu.memory_space<hbm>>
      tpu.wait_dma2 semaphore(%run_scoped3A_56 : memref<!tpu.dma_semaphore, #tpu.memory_space<semaphore_mem>>) src(%dma_wait3A_63 : memref<640x32xf32, #tpu.memory_space<hbm>>) dst(%dma_wait3A_61 : memref<640x32xf32, #tpu.memory_space<vmem_shared>>)
      tpu.yield
    }) : () -> ()
    %barrier3A = arith.constant 0 : index
    tpu.barrier barrier_id(%barrier3A)
    %run_scoped3A = arith.constant 1 : i32
    %run_scoped3A_3 = arith.constant 0 : i32
    "tpu.region"() ({
      %run_scoped3A_56 = tpu.sem_alloc : memref<!tpu.dma_semaphore, #tpu.memory_space<semaphore_mem>>
      %dma_start3A = arith.constant 0 : i32
      %dma_start3A_57 = arith.constant 0 : i32
      %dma_start3A_58 = tpu.memref_slice %arg9[%run_scoped3A_3, %dma_start3A, %dma_start3A_57] : memref<2x10x1000xi32, #tpu.memory_space<vmem>> -> memref<1x10x1000xi32, #tpu.memory_space<vmem>>
      %dma_start3A_59 = tpu.memref_squeeze %dma_start3A_58 : memref<1x10x1000xi32, #tpu.memory_space<vmem>> -> memref<10x1000xi32, #tpu.memory_space<vmem>>
      %dma_start3A_60 = arith.constant 0 : i32
      %dma_start3A_61 = arith.constant 0 : i32
      %dma_start3A_62 = tpu.memref_slice %arg4[%run_scoped3A, %add3A, %dma_start3A_60, %dma_start3A_61] : memref<2x32x10x1000xi32, #tpu.memory_space<hbm>> -> memref<1x1x10x1000xi32, #tpu.memory_space<hbm>>
      %dma_start3A_63 = tpu.memref_squeeze %dma_start3A_62 : memref<1x1x10x1000xi32, #tpu.memory_space<hbm>> -> memref<10x1000xi32, #tpu.memory_space<hbm>>
      %dma_start3A_64 = arith.constant 0 : i32
      %dma_start3A_65 = arith.constant 0 : i32
      %dma_start3A_66 = tpu.memref_slice %arg9[%run_scoped3A_3, %dma_start3A_64, %dma_start3A_65] : memref<2x10x1000xi32, #tpu.memory_space<vmem>> -> memref<1x10x1000xi32, #tpu.memory_space<vmem>>
      %dma_start3A_67 = tpu.memref_squeeze %dma_start3A_66 : memref<1x10x1000xi32, #tpu.memory_space<vmem>> -> memref<10x1000xi32, #tpu.memory_space<vmem>>
      %dma_start3A_68 = arith.constant 0 : i32
      %dma_start3A_69 = arith.constant 0 : i32
      %dma_start3A_70 = tpu.memref_slice %arg4[%run_scoped3A, %add3A, %dma_start3A_68, %dma_start3A_69] : memref<2x32x10x1000xi32, #tpu.memory_space<hbm>> -> memref<1x1x10x1000xi32, #tpu.memory_space<hbm>>
      %dma_start3A_71 = tpu.memref_squeeze %dma_start3A_70 : memref<1x1x10x1000xi32, #tpu.memory_space<hbm>> -> memref<10x1000xi32, #tpu.memory_space<hbm>>
      tpu.enqueue_dma source(%dma_start3A_71 : memref<10x1000xi32, #tpu.memory_space<hbm>>) target(%dma_start3A_67 : memref<10x1000xi32, #tpu.memory_space<vmem>>) target_semaphore(%run_scoped3A_56 : memref<!tpu.dma_semaphore, #tpu.memory_space<semaphore_mem>>)
      %dma_wait3A_72 = arith.constant 0 : i32
      %dma_wait3A_73 = arith.constant 0 : i32
      %dma_wait3A_74 = tpu.memref_slice %arg9[%run_scoped3A_3, %dma_wait3A_72, %dma_wait3A_73] : memref<2x10x1000xi32, #tpu.memory_space<vmem>> -> memref<1x10x1000xi32, #tpu.memory_space<vmem>>
      %dma_wait3A_75 = tpu.memref_squeeze %dma_wait3A_74 : memref<1x10x1000xi32, #tpu.memory_space<vmem>> -> memref<10x1000xi32, #tpu.memory_space<vmem>>
      %dma_wait3A_76 = arith.constant 0 : i32
      %dma_wait3A_77 = arith.constant 0 : i32
      %dma_wait3A_78 = tpu.memref_slice %arg4[%run_scoped3A, %add3A, %dma_wait3A_76, %dma_wait3A_77] : memref<2x32x10x1000xi32, #tpu.memory_space<hbm>> -> memref<1x1x10x1000xi32, #tpu.memory_space<hbm>>
      %dma_wait3A_79 = tpu.memref_squeeze %dma_wait3A_78 : memref<1x1x10x1000xi32, #tpu.memory_space<hbm>> -> memref<10x1000xi32, #tpu.memory_space<hbm>>
      %dma_wait3A_80 = arith.constant 0 : i32
      %dma_wait3A_81 = arith.constant 0 : i32
      %dma_wait3A_82 = tpu.memref_slice %arg9[%run_scoped3A_3, %dma_wait3A_80, %dma_wait3A_81] : memref<2x10x1000xi32, #tpu.memory_space<vmem>> -> memref<1x10x1000xi32, #tpu.memory_space<vmem>>
      %dma_wait3A_83 = tpu.memref_squeeze %dma_wait3A_82 : memref<1x10x1000xi32, #tpu.memory_space<vmem>> -> memref<10x1000xi32, #tpu.memory_space<vmem>>
      %dma_wait3A_84 = arith.constant 0 : i32
      %dma_wait3A_85 = arith.constant 0 : i32
      %dma_wait3A_86 = tpu.memref_slice %arg4[%run_scoped3A, %add3A, %dma_wait3A_84, %dma_wait3A_85] : memref<2x32x10x1000xi32, #tpu.memory_space<hbm>> -> memref<1x1x10x1000xi32, #tpu.memory_space<hbm>>
      %dma_wait3A_87 = tpu.memref_squeeze %dma_wait3A_86 : memref<1x1x10x1000xi32, #tpu.memory_space<hbm>> -> memref<10x1000xi32, #tpu.memory_space<hbm>>
      tpu.wait_dma2 semaphore(%run_scoped3A_56 : memref<!tpu.dma_semaphore, #tpu.memory_space<semaphore_mem>>) src(%dma_wait3A_87 : memref<10x1000xi32, #tpu.memory_space<hbm>>) dst(%dma_wait3A_83 : memref<10x1000xi32, #tpu.memory_space<vmem>>)
      tpu.yield
    }) : () -> ()
    %run_scoped3A_4 = arith.constant 0 : i32
    %run_scoped3A_5 = arith.constant 1 : i32
    "tpu.region"() ({
      %run_scoped3A_56 = tpu.sem_alloc : memref<!tpu.dma_semaphore, #tpu.memory_space<semaphore_mem>>
      %dma_start3A = arith.constant 0 : i32
      %dma_start3A_57 = arith.constant 0 : i32
      %dma_start3A_58 = tpu.memref_slice %arg9[%run_scoped3A_5, %dma_start3A, %dma_start3A_57] : memref<2x10x1000xi32, #tpu.memory_space<vmem>> -> memref<1x10x1000xi32, #tpu.memory_space<vmem>>
      %dma_start3A_59 = tpu.memref_squeeze %dma_start3A_58 : memref<1x10x1000xi32, #tpu.memory_space<vmem>> -> memref<10x1000xi32, #tpu.memory_space<vmem>>
      %dma_start3A_60 = arith.constant 0 : i32
      %dma_start3A_61 = arith.constant 0 : i32
      %dma_start3A_62 = tpu.memref_slice %arg4[%run_scoped3A_4, %add3A, %dma_start3A_60, %dma_start3A_61] : memref<2x32x10x1000xi32, #tpu.memory_space<hbm>> -> memref<1x1x10x1000xi32, #tpu.memory_space<hbm>>
      %dma_start3A_63 = tpu.memref_squeeze %dma_start3A_62 : memref<1x1x10x1000xi32, #tpu.memory_space<hbm>> -> memref<10x1000xi32, #tpu.memory_space<hbm>>
      %dma_start3A_64 = arith.constant 0 : i32
      %dma_start3A_65 = arith.constant 0 : i32
      %dma_start3A_66 = tpu.memref_slice %arg9[%run_scoped3A_5, %dma_start3A_64, %dma_start3A_65] : memref<2x10x1000xi32, #tpu.memory_space<vmem>> -> memref<1x10x1000xi32, #tpu.memory_space<vmem>>
      %dma_start3A_67 = tpu.memref_squeeze %dma_start3A_66 : memref<1x10x1000xi32, #tpu.memory_space<vmem>> -> memref<10x1000xi32, #tpu.memory_space<vmem>>
      %dma_start3A_68 = arith.constant 0 : i32
      %dma_start3A_69 = arith.constant 0 : i32
      %dma_start3A_70 = tpu.memref_slice %arg4[%run_scoped3A_4, %add3A, %dma_start3A_68, %dma_start3A_69] : memref<2x32x10x1000xi32, #tpu.memory_space<hbm>> -> memref<1x1x10x1000xi32, #tpu.memory_space<hbm>>
      %dma_start3A_71 = tpu.memref_squeeze %dma_start3A_70 : memref<1x1x10x1000xi32, #tpu.memory_space<hbm>> -> memref<10x1000xi32, #tpu.memory_space<hbm>>
      tpu.enqueue_dma source(%dma_start3A_71 : memref<10x1000xi32, #tpu.memory_space<hbm>>) target(%dma_start3A_67 : memref<10x1000xi32, #tpu.memory_space<vmem>>) target_semaphore(%run_scoped3A_56 : memref<!tpu.dma_semaphore, #tpu.memory_space<semaphore_mem>>)
      %dma_wait3A_72 = arith.constant 0 : i32
      %dma_wait3A_73 = arith.constant 0 : i32
      %dma_wait3A_74 = tpu.memref_slice %arg9[%run_scoped3A_5, %dma_wait3A_72, %dma_wait3A_73] : memref<2x10x1000xi32, #tpu.memory_space<vmem>> -> memref<1x10x1000xi32, #tpu.memory_space<vmem>>
      %dma_wait3A_75 = tpu.memref_squeeze %dma_wait3A_74 : memref<1x10x1000xi32, #tpu.memory_space<vmem>> -> memref<10x1000xi32, #tpu.memory_space<vmem>>
      %dma_wait3A_76 = arith.constant 0 : i32
      %dma_wait3A_77 = arith.constant 0 : i32
      %dma_wait3A_78 = tpu.memref_slice %arg4[%run_scoped3A_4, %add3A, %dma_wait3A_76, %dma_wait3A_77] : memref<2x32x10x1000xi32, #tpu.memory_space<hbm>> -> memref<1x1x10x1000xi32, #tpu.memory_space<hbm>>
      %dma_wait3A_79 = tpu.memref_squeeze %dma_wait3A_78 : memref<1x1x10x1000xi32, #tpu.memory_space<hbm>> -> memref<10x1000xi32, #tpu.memory_space<hbm>>
      %dma_wait3A_80 = arith.constant 0 : i32
      %dma_wait3A_81 = arith.constant 0 : i32
      %dma_wait3A_82 = tpu.memref_slice %arg9[%run_scoped3A_5, %dma_wait3A_80, %dma_wait3A_81] : memref<2x10x1000xi32, #tpu.memory_space<vmem>> -> memref<1x10x1000xi32, #tpu.memory_space<vmem>>
      %dma_wait3A_83 = tpu.memref_squeeze %dma_wait3A_82 : memref<1x10x1000xi32, #tpu.memory_space<vmem>> -> memref<10x1000xi32, #tpu.memory_space<vmem>>
      %dma_wait3A_84 = arith.constant 0 : i32
      %dma_wait3A_85 = arith.constant 0 : i32
      %dma_wait3A_86 = tpu.memref_slice %arg4[%run_scoped3A_4, %add3A, %dma_wait3A_84, %dma_wait3A_85] : memref<2x32x10x1000xi32, #tpu.memory_space<hbm>> -> memref<1x1x10x1000xi32, #tpu.memory_space<hbm>>
      %dma_wait3A_87 = tpu.memref_squeeze %dma_wait3A_86 : memref<1x1x10x1000xi32, #tpu.memory_space<hbm>> -> memref<10x1000xi32, #tpu.memory_space<hbm>>
      tpu.wait_dma2 semaphore(%run_scoped3A_56 : memref<!tpu.dma_semaphore, #tpu.memory_space<semaphore_mem>>) src(%dma_wait3A_87 : memref<10x1000xi32, #tpu.memory_space<hbm>>) dst(%dma_wait3A_83 : memref<10x1000xi32, #tpu.memory_space<vmem>>)
      tpu.yield
    }) : () -> ()
    %scan3A = arith.constant 0 : i32
    %scan3A_6 = arith.constant 0 : i32
    %scan3A_7 = arith.constant 5 : i32
    %scan3A_8 = arith.addi %scan3A_6, %scan3A_7 : i32
    %scan3A_9 = arith.constant 1 : i32
    scf.for %scan3A_56 = %scan3A_6 to %scan3A_8 step %scan3A_9  : i32 {
      %mul3A_57 = arith.constant 2 : i32
      %mul3A_58 = arith.muli %mul3A_57, %scan3A_56 : i32
      %add3A_59 = arith.constant 1 : i32
      %add3A_60 = arith.addi %mul3A_58, %add3A_59 : i32
      %gt3A = arith.constant 0 : i32
      %gt3A_61 = arith.cmpi sgt, %scan3A_56, %gt3A : i32
      %convert_element_type3A = arith.extui %gt3A_61 : i1 to i32
      %cond3A = arith.constant 0 : i32
      %cond3A_62 = arith.cmpi ne, %convert_element_type3A, %cond3A : i32
      scf.if %cond3A_62 {
        %dma_wait3A_109 = arith.constant 1 : i32
        %dma_wait3A_110 = arith.constant 0 : i32
        %dma_wait3A_111 = tpu.memref_slice %arg9[%dma_wait3A_109, %mul3A_58, %dma_wait3A_110] : memref<2x10x1000xi32, #tpu.memory_space<vmem>> -> memref<1x1x1000xi32, #tpu.memory_space<vmem>>
        %dma_wait3A_112 = tpu.memref_squeeze %dma_wait3A_111 : memref<1x1x1000xi32, #tpu.memory_space<vmem>> -> memref<1000xi32, #tpu.memory_space<vmem>>
        %dma_wait3A_113 = arith.constant 0 : i32
        %dma_wait3A_114 = arith.constant 0 : i32
        %dma_wait3A_115 = tpu.memref_slice %arg12[%dma_wait3A_113, %dma_wait3A_114] : memref<10240x32xf32, #tpu.memory_space<vmem_shared>> -> memref<10240x32xf32, #tpu.memory_space<vmem_shared>>
        tpu.wait_indirect_dma semaphore(%arg15 : memref<!tpu.dma_semaphore, #tpu.memory_space<semaphore_mem>>) src(%arg10 : memref<1000x32xf32, #tpu.memory_space<vmem>>) dst(%dma_wait3A_115 : memref<10240x32xf32, #tpu.memory_space<vmem_shared>>)
      } else {
      }
      %dma_start3A = arith.constant 0 : i32
      %dma_start3A_63 = arith.constant 0 : i32
      %dma_start3A_64 = tpu.memref_slice %arg9[%dma_start3A, %mul3A_58, %dma_start3A_63] : memref<2x10x1000xi32, #tpu.memory_space<vmem>> -> memref<1x1x1000xi32, #tpu.memory_space<vmem>>
      %dma_start3A_65 = tpu.memref_squeeze %dma_start3A_64 : memref<1x1x1000xi32, #tpu.memory_space<vmem>> -> memref<1000xi32, #tpu.memory_space<vmem>>
      %dma_start3A_66 = arith.constant 0 : i32
      %dma_start3A_67 = arith.constant 0 : i32
      %dma_start3A_68 = tpu.memref_slice %arg2[%dma_start3A_66, %dma_start3A_67] : memref<10240x32xf32, #tpu.memory_space<hbm>> -> memref<10240x32xf32, #tpu.memory_space<hbm>>
      tpu.enqueue_indirect_dma source(%dma_start3A_68 : memref<10240x32xf32, #tpu.memory_space<hbm>>) target(%arg10 : memref<1000x32xf32, #tpu.memory_space<vmem>>) offsets(%dma_start3A_65 : memref<1000xi32, #tpu.memory_space<vmem>>) semaphore(%arg13 : memref<!tpu.dma_semaphore, #tpu.memory_space<semaphore_mem>>)
      %gt3A_69 = arith.constant 0 : i32
      %gt3A_70 = arith.cmpi sgt, %scan3A_56, %gt3A_69 : i32
      %convert_element_type3A_71 = arith.extui %gt3A_70 : i1 to i32
      %cond3A_72 = arith.constant 0 : i32
      %cond3A_73 = arith.cmpi ne, %convert_element_type3A_71, %cond3A_72 : i32
      scf.if %cond3A_73 {
        %dma_wait3A_109 = arith.constant 1 : i32
        %dma_wait3A_110 = arith.constant 0 : i32
        %dma_wait3A_111 = tpu.memref_slice %arg9[%dma_wait3A_109, %add3A_60, %dma_wait3A_110] : memref<2x10x1000xi32, #tpu.memory_space<vmem>> -> memref<1x1x1000xi32, #tpu.memory_space<vmem>>
        %dma_wait3A_112 = tpu.memref_squeeze %dma_wait3A_111 : memref<1x1x1000xi32, #tpu.memory_space<vmem>> -> memref<1000xi32, #tpu.memory_space<vmem>>
        %dma_wait3A_113 = arith.constant 0 : i32
        %dma_wait3A_114 = arith.constant 0 : i32
        %dma_wait3A_115 = tpu.memref_slice %arg12[%dma_wait3A_113, %dma_wait3A_114] : memref<10240x32xf32, #tpu.memory_space<vmem_shared>> -> memref<10240x32xf32, #tpu.memory_space<vmem_shared>>
        tpu.wait_indirect_dma semaphore(%arg16 : memref<!tpu.dma_semaphore, #tpu.memory_space<semaphore_mem>>) src(%arg11 : memref<1000x32xf32, #tpu.memory_space<vmem>>) dst(%dma_wait3A_115 : memref<10240x32xf32, #tpu.memory_space<vmem_shared>>)
      } else {
      }
      %dma_start3A_74 = arith.constant 0 : i32
      %dma_start3A_75 = arith.constant 0 : i32
      %dma_start3A_76 = tpu.memref_slice %arg9[%dma_start3A_74, %add3A_60, %dma_start3A_75] : memref<2x10x1000xi32, #tpu.memory_space<vmem>> -> memref<1x1x1000xi32, #tpu.memory_space<vmem>>
      %dma_start3A_77 = tpu.memref_squeeze %dma_start3A_76 : memref<1x1x1000xi32, #tpu.memory_space<vmem>> -> memref<1000xi32, #tpu.memory_space<vmem>>
      %dma_start3A_78 = arith.constant 0 : i32
      %dma_start3A_79 = arith.constant 0 : i32
      %dma_start3A_80 = tpu.memref_slice %arg2[%dma_start3A_78, %dma_start3A_79] : memref<10240x32xf32, #tpu.memory_space<hbm>> -> memref<10240x32xf32, #tpu.memory_space<hbm>>
      tpu.enqueue_indirect_dma source(%dma_start3A_80 : memref<10240x32xf32, #tpu.memory_space<hbm>>) target(%arg11 : memref<1000x32xf32, #tpu.memory_space<vmem>>) offsets(%dma_start3A_77 : memref<1000xi32, #tpu.memory_space<vmem>>) semaphore(%arg14 : memref<!tpu.dma_semaphore, #tpu.memory_space<semaphore_mem>>)
      %dma_wait3A_81 = arith.constant 0 : i32
      %dma_wait3A_82 = arith.constant 0 : i32
      %dma_wait3A_83 = tpu.memref_slice %arg9[%dma_wait3A_81, %mul3A_58, %dma_wait3A_82] : memref<2x10x1000xi32, #tpu.memory_space<vmem>> -> memref<1x1x1000xi32, #tpu.memory_space<vmem>>
      %dma_wait3A_84 = tpu.memref_squeeze %dma_wait3A_83 : memref<1x1x1000xi32, #tpu.memory_space<vmem>> -> memref<1000xi32, #tpu.memory_space<vmem>>
      %dma_wait3A_85 = arith.constant 0 : i32
      %dma_wait3A_86 = arith.constant 0 : i32
      %dma_wait3A_87 = tpu.memref_slice %arg2[%dma_wait3A_85, %dma_wait3A_86] : memref<10240x32xf32, #tpu.memory_space<hbm>> -> memref<10240x32xf32, #tpu.memory_space<hbm>>
      tpu.wait_indirect_dma semaphore(%arg13 : memref<!tpu.dma_semaphore, #tpu.memory_space<semaphore_mem>>) src(%dma_wait3A_87 : memref<10240x32xf32, #tpu.memory_space<hbm>>) dst(%arg10 : memref<1000x32xf32, #tpu.memory_space<vmem>>)
      %dma_start3A_88 = arith.constant 1 : i32
      %dma_start3A_89 = arith.constant 0 : i32
      %dma_start3A_90 = tpu.memref_slice %arg9[%dma_start3A_88, %mul3A_58, %dma_start3A_89] : memref<2x10x1000xi32, #tpu.memory_space<vmem>> -> memref<1x1x1000xi32, #tpu.memory_space<vmem>>
      %dma_start3A_91 = tpu.memref_squeeze %dma_start3A_90 : memref<1x1x1000xi32, #tpu.memory_space<vmem>> -> memref<1000xi32, #tpu.memory_space<vmem>>
      %dma_start3A_92 = arith.constant 0 : i32
      %dma_start3A_93 = arith.constant 0 : i32
      %dma_start3A_94 = tpu.memref_slice %arg12[%dma_start3A_92, %dma_start3A_93] : memref<10240x32xf32, #tpu.memory_space<vmem_shared>> -> memref<10240x32xf32, #tpu.memory_space<vmem_shared>>
      tpu.enqueue_indirect_dma source(%arg10 : memref<1000x32xf32, #tpu.memory_space<vmem>>) target(%dma_start3A_94 : memref<10240x32xf32, #tpu.memory_space<vmem_shared>>) offsets(%dma_start3A_91 : memref<1000xi32, #tpu.memory_space<vmem>>) semaphore(%arg15 : memref<!tpu.dma_semaphore, #tpu.memory_space<semaphore_mem>>) {add = true}
      %dma_wait3A_95 = arith.constant 0 : i32
      %dma_wait3A_96 = arith.constant 0 : i32
      %dma_wait3A_97 = tpu.memref_slice %arg9[%dma_wait3A_95, %add3A_60, %dma_wait3A_96] : memref<2x10x1000xi32, #tpu.memory_space<vmem>> -> memref<1x1x1000xi32, #tpu.memory_space<vmem>>
      %dma_wait3A_98 = tpu.memref_squeeze %dma_wait3A_97 : memref<1x1x1000xi32, #tpu.memory_space<vmem>> -> memref<1000xi32, #tpu.memory_space<vmem>>
      %dma_wait3A_99 = arith.constant 0 : i32
      %dma_wait3A_100 = arith.constant 0 : i32
      %dma_wait3A_101 = tpu.memref_slice %arg2[%dma_wait3A_99, %dma_wait3A_100] : memref<10240x32xf32, #tpu.memory_space<hbm>> -> memref<10240x32xf32, #tpu.memory_space<hbm>>
      tpu.wait_indirect_dma semaphore(%arg14 : memref<!tpu.dma_semaphore, #tpu.memory_space<semaphore_mem>>) src(%dma_wait3A_101 : memref<10240x32xf32, #tpu.memory_space<hbm>>) dst(%arg11 : memref<1000x32xf32, #tpu.memory_space<vmem>>)
      %dma_start3A_102 = arith.constant 1 : i32
      %dma_start3A_103 = arith.constant 0 : i32
      %dma_start3A_104 = tpu.memref_slice %arg9[%dma_start3A_102, %add3A_60, %dma_start3A_103] : memref<2x10x1000xi32, #tpu.memory_space<vmem>> -> memref<1x1x1000xi32, #tpu.memory_space<vmem>>
      %dma_start3A_105 = tpu.memref_squeeze %dma_start3A_104 : memref<1x1x1000xi32, #tpu.memory_space<vmem>> -> memref<1000xi32, #tpu.memory_space<vmem>>
      %dma_start3A_106 = arith.constant 0 : i32
      %dma_start3A_107 = arith.constant 0 : i32
      %dma_start3A_108 = tpu.memref_slice %arg12[%dma_start3A_106, %dma_start3A_107] : memref<10240x32xf32, #tpu.memory_space<vmem_shared>> -> memref<10240x32xf32, #tpu.memory_space<vmem_shared>>
      tpu.enqueue_indirect_dma source(%arg11 : memref<1000x32xf32, #tpu.memory_space<vmem>>) target(%dma_start3A_108 : memref<10240x32xf32, #tpu.memory_space<vmem_shared>>) offsets(%dma_start3A_105 : memref<1000xi32, #tpu.memory_space<vmem>>) semaphore(%arg16 : memref<!tpu.dma_semaphore, #tpu.memory_space<semaphore_mem>>) {add = true}
    }
    %scan3A_10 = arith.constant 5 : i32
    %dma_wait3A = arith.constant 1 : i32
    %dma_wait3A_11 = arith.constant 0 : i32
    %dma_wait3A_12 = arith.constant 0 : i32
    %dma_wait3A_13 = tpu.memref_slice %arg9[%dma_wait3A, %dma_wait3A_11, %dma_wait3A_12] : memref<2x10x1000xi32, #tpu.memory_space<vmem>> -> memref<1x1x1000xi32, #tpu.memory_space<vmem>>
    %dma_wait3A_14 = tpu.memref_squeeze %dma_wait3A_13 : memref<1x1x1000xi32, #tpu.memory_space<vmem>> -> memref<1000xi32, #tpu.memory_space<vmem>>
    %dma_wait3A_15 = arith.constant 0 : i32
    %dma_wait3A_16 = arith.constant 0 : i32
    %dma_wait3A_17 = tpu.memref_slice %arg12[%dma_wait3A_15, %dma_wait3A_16] : memref<10240x32xf32, #tpu.memory_space<vmem_shared>> -> memref<10240x32xf32, #tpu.memory_space<vmem_shared>>
    tpu.wait_indirect_dma semaphore(%arg15 : memref<!tpu.dma_semaphore, #tpu.memory_space<semaphore_mem>>) src(%arg10 : memref<1000x32xf32, #tpu.memory_space<vmem>>) dst(%dma_wait3A_17 : memref<10240x32xf32, #tpu.memory_space<vmem_shared>>)
    %dma_wait3A_18 = arith.constant 1 : i32
    %dma_wait3A_19 = arith.constant 1 : i32
    %dma_wait3A_20 = arith.constant 0 : i32
    %dma_wait3A_21 = tpu.memref_slice %arg9[%dma_wait3A_18, %dma_wait3A_19, %dma_wait3A_20] : memref<2x10x1000xi32, #tpu.memory_space<vmem>> -> memref<1x1x1000xi32, #tpu.memory_space<vmem>>
    %dma_wait3A_22 = tpu.memref_squeeze %dma_wait3A_21 : memref<1x1x1000xi32, #tpu.memory_space<vmem>> -> memref<1000xi32, #tpu.memory_space<vmem>>
    %dma_wait3A_23 = arith.constant 0 : i32
    %dma_wait3A_24 = arith.constant 0 : i32
    %dma_wait3A_25 = tpu.memref_slice %arg12[%dma_wait3A_23, %dma_wait3A_24] : memref<10240x32xf32, #tpu.memory_space<vmem_shared>> -> memref<10240x32xf32, #tpu.memory_space<vmem_shared>>
    tpu.wait_indirect_dma semaphore(%arg16 : memref<!tpu.dma_semaphore, #tpu.memory_space<semaphore_mem>>) src(%arg11 : memref<1000x32xf32, #tpu.memory_space<vmem>>) dst(%dma_wait3A_25 : memref<10240x32xf32, #tpu.memory_space<vmem_shared>>)
    %barrier3A_26 = arith.constant 0 : index
    tpu.barrier barrier_id(%barrier3A_26)
    "tpu.region"() ({
      %run_scoped3A_56 = tpu.sem_alloc : memref<!tpu.dma_semaphore, #tpu.memory_space<semaphore_mem>>
      %dma_start3A = arith.constant 0 : i32
      %dma_start3A_57 = tpu.memref_slice %arg7[%arg0, %mul3A_2, %dma_start3A] : memref<2x10240x32xf32, #tpu.memory_space<hbm>> -> memref<1x640x32xf32, #tpu.memory_space<hbm>>
      %dma_start3A_58 = tpu.memref_squeeze %dma_start3A_57 : memref<1x640x32xf32, #tpu.memory_space<hbm>> -> memref<640x32xf32, #tpu.memory_space<hbm>>
      %dma_start3A_59 = arith.constant 0 : i32
      %dma_start3A_60 = tpu.memref_slice %arg12[%mul3A_2, %dma_start3A_59] : memref<10240x32xf32, #tpu.memory_space<vmem_shared>> -> memref<640x32xf32, #tpu.memory_space<vmem_shared>>
      tpu.enqueue_dma source(%dma_start3A_60 : memref<640x32xf32, #tpu.memory_space<vmem_shared>>) target(%dma_start3A_58 : memref<640x32xf32, #tpu.memory_space<hbm>>) target_semaphore(%run_scoped3A_56 : memref<!tpu.dma_semaphore, #tpu.memory_space<semaphore_mem>>)
      %dma_wait3A_61 = arith.constant 0 : i32
      %dma_wait3A_62 = tpu.memref_slice %arg7[%arg0, %mul3A_2, %dma_wait3A_61] : memref<2x10240x32xf32, #tpu.memory_space<hbm>> -> memref<1x640x32xf32, #tpu.memory_space<hbm>>
      %dma_wait3A_63 = tpu.memref_squeeze %dma_wait3A_62 : memref<1x640x32xf32, #tpu.memory_space<hbm>> -> memref<640x32xf32, #tpu.memory_space<hbm>>
      %dma_wait3A_64 = arith.constant 0 : i32
      %dma_wait3A_65 = tpu.memref_slice %arg12[%mul3A_2, %dma_wait3A_64] : memref<10240x32xf32, #tpu.memory_space<vmem_shared>> -> memref<640x32xf32, #tpu.memory_space<vmem_shared>>
      tpu.wait_dma2 semaphore(%run_scoped3A_56 : memref<!tpu.dma_semaphore, #tpu.memory_space<semaphore_mem>>) src(%dma_wait3A_65 : memref<640x32xf32, #tpu.memory_space<vmem_shared>>) dst(%dma_wait3A_63 : memref<640x32xf32, #tpu.memory_space<hbm>>)
      tpu.yield
    }) : () -> ()
    "tpu.region"() ({
      %run_scoped3A_56 = tpu.sem_alloc : memref<!tpu.dma_semaphore, #tpu.memory_space<semaphore_mem>>
      %dma_start3A = arith.constant 0 : i32
      %dma_start3A_57 = tpu.memref_slice %arg12[%mul3A_2, %dma_start3A] : memref<10240x32xf32, #tpu.memory_space<vmem_shared>> -> memref<640x32xf32, #tpu.memory_space<vmem_shared>>
      %dma_start3A_58 = arith.constant 0 : i32
      %dma_start3A_59 = tpu.memref_slice %arg6[%mul3A_2, %dma_start3A_58] : memref<10240x32xf32, #tpu.memory_space<hbm>> -> memref<640x32xf32, #tpu.memory_space<hbm>>
      tpu.enqueue_dma source(%dma_start3A_59 : memref<640x32xf32, #tpu.memory_space<hbm>>) target(%dma_start3A_57 : memref<640x32xf32, #tpu.memory_space<vmem_shared>>) target_semaphore(%run_scoped3A_56 : memref<!tpu.dma_semaphore, #tpu.memory_space<semaphore_mem>>)
      %dma_wait3A_60 = arith.constant 0 : i32
      %dma_wait3A_61 = tpu.memref_slice %arg12[%mul3A_2, %dma_wait3A_60] : memref<10240x32xf32, #tpu.memory_space<vmem_shared>> -> memref<640x32xf32, #tpu.memory_space<vmem_shared>>
      %dma_wait3A_62 = arith.constant 0 : i32
      %dma_wait3A_63 = tpu.memref_slice %arg6[%mul3A_2, %dma_wait3A_62] : memref<10240x32xf32, #tpu.memory_space<hbm>> -> memref<640x32xf32, #tpu.memory_space<hbm>>
      tpu.wait_dma2 semaphore(%run_scoped3A_56 : memref<!tpu.dma_semaphore, #tpu.memory_space<semaphore_mem>>) src(%dma_wait3A_63 : memref<640x32xf32, #tpu.memory_space<hbm>>) dst(%dma_wait3A_61 : memref<640x32xf32, #tpu.memory_space<vmem_shared>>)
      tpu.yield
    }) : () -> ()
    %barrier3A_27 = arith.constant 0 : index
    tpu.barrier barrier_id(%barrier3A_27)
    %run_scoped3A_28 = arith.constant 1 : i32
    %run_scoped3A_29 = arith.constant 0 : i32
    "tpu.region"() ({
      %run_scoped3A_56 = tpu.sem_alloc : memref<!tpu.dma_semaphore, #tpu.memory_space<semaphore_mem>>
      %dma_start3A = arith.constant 0 : i32
      %dma_start3A_57 = arith.constant 0 : i32
      %dma_start3A_58 = tpu.memref_slice %arg9[%run_scoped3A_29, %dma_start3A, %dma_start3A_57] : memref<2x10x1000xi32, #tpu.memory_space<vmem>> -> memref<1x10x1000xi32, #tpu.memory_space<vmem>>
      %dma_start3A_59 = tpu.memref_squeeze %dma_start3A_58 : memref<1x10x1000xi32, #tpu.memory_space<vmem>> -> memref<10x1000xi32, #tpu.memory_space<vmem>>
      %dma_start3A_60 = arith.constant 0 : i32
      %dma_start3A_61 = arith.constant 0 : i32
      %dma_start3A_62 = tpu.memref_slice %arg5[%run_scoped3A_28, %add3A, %dma_start3A_60, %dma_start3A_61] : memref<2x32x10x1000xi32, #tpu.memory_space<hbm>> -> memref<1x1x10x1000xi32, #tpu.memory_space<hbm>>
      %dma_start3A_63 = tpu.memref_squeeze %dma_start3A_62 : memref<1x1x10x1000xi32, #tpu.memory_space<hbm>> -> memref<10x1000xi32, #tpu.memory_space<hbm>>
      %dma_start3A_64 = arith.constant 0 : i32
      %dma_start3A_65 = arith.constant 0 : i32
      %dma_start3A_66 = tpu.memref_slice %arg9[%run_scoped3A_29, %dma_start3A_64, %dma_start3A_65] : memref<2x10x1000xi32, #tpu.memory_space<vmem>> -> memref<1x10x1000xi32, #tpu.memory_space<vmem>>
      %dma_start3A_67 = tpu.memref_squeeze %dma_start3A_66 : memref<1x10x1000xi32, #tpu.memory_space<vmem>> -> memref<10x1000xi32, #tpu.memory_space<vmem>>
      %dma_start3A_68 = arith.constant 0 : i32
      %dma_start3A_69 = arith.constant 0 : i32
      %dma_start3A_70 = tpu.memref_slice %arg5[%run_scoped3A_28, %add3A, %dma_start3A_68, %dma_start3A_69] : memref<2x32x10x1000xi32, #tpu.memory_space<hbm>> -> memref<1x1x10x1000xi32, #tpu.memory_space<hbm>>
      %dma_start3A_71 = tpu.memref_squeeze %dma_start3A_70 : memref<1x1x10x1000xi32, #tpu.memory_space<hbm>> -> memref<10x1000xi32, #tpu.memory_space<hbm>>
      tpu.enqueue_dma source(%dma_start3A_71 : memref<10x1000xi32, #tpu.memory_space<hbm>>) target(%dma_start3A_67 : memref<10x1000xi32, #tpu.memory_space<vmem>>) target_semaphore(%run_scoped3A_56 : memref<!tpu.dma_semaphore, #tpu.memory_space<semaphore_mem>>)
      %dma_wait3A_72 = arith.constant 0 : i32
      %dma_wait3A_73 = arith.constant 0 : i32
      %dma_wait3A_74 = tpu.memref_slice %arg9[%run_scoped3A_29, %dma_wait3A_72, %dma_wait3A_73] : memref<2x10x1000xi32, #tpu.memory_space<vmem>> -> memref<1x10x1000xi32, #tpu.memory_space<vmem>>
      %dma_wait3A_75 = tpu.memref_squeeze %dma_wait3A_74 : memref<1x10x1000xi32, #tpu.memory_space<vmem>> -> memref<10x1000xi32, #tpu.memory_space<vmem>>
      %dma_wait3A_76 = arith.constant 0 : i32
      %dma_wait3A_77 = arith.constant 0 : i32
      %dma_wait3A_78 = tpu.memref_slice %arg5[%run_scoped3A_28, %add3A, %dma_wait3A_76, %dma_wait3A_77] : memref<2x32x10x1000xi32, #tpu.memory_space<hbm>> -> memref<1x1x10x1000xi32, #tpu.memory_space<hbm>>
      %dma_wait3A_79 = tpu.memref_squeeze %dma_wait3A_78 : memref<1x1x10x1000xi32, #tpu.memory_space<hbm>> -> memref<10x1000xi32, #tpu.memory_space<hbm>>
      %dma_wait3A_80 = arith.constant 0 : i32
      %dma_wait3A_81 = arith.constant 0 : i32
      %dma_wait3A_82 = tpu.memref_slice %arg9[%run_scoped3A_29, %dma_wait3A_80, %dma_wait3A_81] : memref<2x10x1000xi32, #tpu.memory_space<vmem>> -> memref<1x10x1000xi32, #tpu.memory_space<vmem>>
      %dma_wait3A_83 = tpu.memref_squeeze %dma_wait3A_82 : memref<1x10x1000xi32, #tpu.memory_space<vmem>> -> memref<10x1000xi32, #tpu.memory_space<vmem>>
      %dma_wait3A_84 = arith.constant 0 : i32
      %dma_wait3A_85 = arith.constant 0 : i32
      %dma_wait3A_86 = tpu.memref_slice %arg5[%run_scoped3A_28, %add3A, %dma_wait3A_84, %dma_wait3A_85] : memref<2x32x10x1000xi32, #tpu.memory_space<hbm>> -> memref<1x1x10x1000xi32, #tpu.memory_space<hbm>>
      %dma_wait3A_87 = tpu.memref_squeeze %dma_wait3A_86 : memref<1x1x10x1000xi32, #tpu.memory_space<hbm>> -> memref<10x1000xi32, #tpu.memory_space<hbm>>
      tpu.wait_dma2 semaphore(%run_scoped3A_56 : memref<!tpu.dma_semaphore, #tpu.memory_space<semaphore_mem>>) src(%dma_wait3A_87 : memref<10x1000xi32, #tpu.memory_space<hbm>>) dst(%dma_wait3A_83 : memref<10x1000xi32, #tpu.memory_space<vmem>>)
      tpu.yield
    }) : () -> ()
    %run_scoped3A_30 = arith.constant 0 : i32
    %run_scoped3A_31 = arith.constant 1 : i32
    "tpu.region"() ({
      %run_scoped3A_56 = tpu.sem_alloc : memref<!tpu.dma_semaphore, #tpu.memory_space<semaphore_mem>>
      %dma_start3A = arith.constant 0 : i32
      %dma_start3A_57 = arith.constant 0 : i32
      %dma_start3A_58 = tpu.memref_slice %arg9[%run_scoped3A_31, %dma_start3A, %dma_start3A_57] : memref<2x10x1000xi32, #tpu.memory_space<vmem>> -> memref<1x10x1000xi32, #tpu.memory_space<vmem>>
      %dma_start3A_59 = tpu.memref_squeeze %dma_start3A_58 : memref<1x10x1000xi32, #tpu.memory_space<vmem>> -> memref<10x1000xi32, #tpu.memory_space<vmem>>
      %dma_start3A_60 = arith.constant 0 : i32
      %dma_start3A_61 = arith.constant 0 : i32
      %dma_start3A_62 = tpu.memref_slice %arg5[%run_scoped3A_30, %add3A, %dma_start3A_60, %dma_start3A_61] : memref<2x32x10x1000xi32, #tpu.memory_space<hbm>> -> memref<1x1x10x1000xi32, #tpu.memory_space<hbm>>
      %dma_start3A_63 = tpu.memref_squeeze %dma_start3A_62 : memref<1x1x10x1000xi32, #tpu.memory_space<hbm>> -> memref<10x1000xi32, #tpu.memory_space<hbm>>
      %dma_start3A_64 = arith.constant 0 : i32
      %dma_start3A_65 = arith.constant 0 : i32
      %dma_start3A_66 = tpu.memref_slice %arg9[%run_scoped3A_31, %dma_start3A_64, %dma_start3A_65] : memref<2x10x1000xi32, #tpu.memory_space<vmem>> -> memref<1x10x1000xi32, #tpu.memory_space<vmem>>
      %dma_start3A_67 = tpu.memref_squeeze %dma_start3A_66 : memref<1x10x1000xi32, #tpu.memory_space<vmem>> -> memref<10x1000xi32, #tpu.memory_space<vmem>>
      %dma_start3A_68 = arith.constant 0 : i32
      %dma_start3A_69 = arith.constant 0 : i32
      %dma_start3A_70 = tpu.memref_slice %arg5[%run_scoped3A_30, %add3A, %dma_start3A_68, %dma_start3A_69] : memref<2x32x10x1000xi32, #tpu.memory_space<hbm>> -> memref<1x1x10x1000xi32, #tpu.memory_space<hbm>>
      %dma_start3A_71 = tpu.memref_squeeze %dma_start3A_70 : memref<1x1x10x1000xi32, #tpu.memory_space<hbm>> -> memref<10x1000xi32, #tpu.memory_space<hbm>>
      tpu.enqueue_dma source(%dma_start3A_71 : memref<10x1000xi32, #tpu.memory_space<hbm>>) target(%dma_start3A_67 : memref<10x1000xi32, #tpu.memory_space<vmem>>) target_semaphore(%run_scoped3A_56 : memref<!tpu.dma_semaphore, #tpu.memory_space<semaphore_mem>>)
      %dma_wait3A_72 = arith.constant 0 : i32
      %dma_wait3A_73 = arith.constant 0 : i32
      %dma_wait3A_74 = tpu.memref_slice %arg9[%run_scoped3A_31, %dma_wait3A_72, %dma_wait3A_73] : memref<2x10x1000xi32, #tpu.memory_space<vmem>> -> memref<1x10x1000xi32, #tpu.memory_space<vmem>>
      %dma_wait3A_75 = tpu.memref_squeeze %dma_wait3A_74 : memref<1x10x1000xi32, #tpu.memory_space<vmem>> -> memref<10x1000xi32, #tpu.memory_space<vmem>>
      %dma_wait3A_76 = arith.constant 0 : i32
      %dma_wait3A_77 = arith.constant 0 : i32
      %dma_wait3A_78 = tpu.memref_slice %arg5[%run_scoped3A_30, %add3A, %dma_wait3A_76, %dma_wait3A_77] : memref<2x32x10x1000xi32, #tpu.memory_space<hbm>> -> memref<1x1x10x1000xi32, #tpu.memory_space<hbm>>
      %dma_wait3A_79 = tpu.memref_squeeze %dma_wait3A_78 : memref<1x1x10x1000xi32, #tpu.memory_space<hbm>> -> memref<10x1000xi32, #tpu.memory_space<hbm>>
      %dma_wait3A_80 = arith.constant 0 : i32
      %dma_wait3A_81 = arith.constant 0 : i32
      %dma_wait3A_82 = tpu.memref_slice %arg9[%run_scoped3A_31, %dma_wait3A_80, %dma_wait3A_81] : memref<2x10x1000xi32, #tpu.memory_space<vmem>> -> memref<1x10x1000xi32, #tpu.memory_space<vmem>>
      %dma_wait3A_83 = tpu.memref_squeeze %dma_wait3A_82 : memref<1x10x1000xi32, #tpu.memory_space<vmem>> -> memref<10x1000xi32, #tpu.memory_space<vmem>>
      %dma_wait3A_84 = arith.constant 0 : i32
      %dma_wait3A_85 = arith.constant 0 : i32
      %dma_wait3A_86 = tpu.memref_slice %arg5[%run_scoped3A_30, %add3A, %dma_wait3A_84, %dma_wait3A_85] : memref<2x32x10x1000xi32, #tpu.memory_space<hbm>> -> memref<1x1x10x1000xi32, #tpu.memory_space<hbm>>
      %dma_wait3A_87 = tpu.memref_squeeze %dma_wait3A_86 : memref<1x1x10x1000xi32, #tpu.memory_space<hbm>> -> memref<10x1000xi32, #tpu.memory_space<hbm>>
      tpu.wait_dma2 semaphore(%run_scoped3A_56 : memref<!tpu.dma_semaphore, #tpu.memory_space<semaphore_mem>>) src(%dma_wait3A_87 : memref<10x1000xi32, #tpu.memory_space<hbm>>) dst(%dma_wait3A_83 : memref<10x1000xi32, #tpu.memory_space<vmem>>)
      tpu.yield
    }) : () -> ()
    %scan3A_32 = arith.constant 0 : i32
    %scan3A_33 = arith.constant 0 : i32
    %scan3A_34 = arith.constant 5 : i32
    %scan3A_35 = arith.addi %scan3A_33, %scan3A_34 : i32
    %scan3A_36 = arith.constant 1 : i32
    scf.for %scan3A_56 = %scan3A_33 to %scan3A_35 step %scan3A_36  : i32 {
      %mul3A_57 = arith.constant 2 : i32
      %mul3A_58 = arith.muli %mul3A_57, %scan3A_56 : i32
      %add3A_59 = arith.constant 1 : i32
      %add3A_60 = arith.addi %mul3A_58, %add3A_59 : i32
      %gt3A = arith.constant 0 : i32
      %gt3A_61 = arith.cmpi sgt, %scan3A_56, %gt3A : i32
      %convert_element_type3A = arith.extui %gt3A_61 : i1 to i32
      %cond3A = arith.constant 0 : i32
      %cond3A_62 = arith.cmpi ne, %convert_element_type3A, %cond3A : i32
      scf.if %cond3A_62 {
        %dma_wait3A_109 = arith.constant 1 : i32
        %dma_wait3A_110 = arith.constant 0 : i32
        %dma_wait3A_111 = tpu.memref_slice %arg9[%dma_wait3A_109, %mul3A_58, %dma_wait3A_110] : memref<2x10x1000xi32, #tpu.memory_space<vmem>> -> memref<1x1x1000xi32, #tpu.memory_space<vmem>>
        %dma_wait3A_112 = tpu.memref_squeeze %dma_wait3A_111 : memref<1x1x1000xi32, #tpu.memory_space<vmem>> -> memref<1000xi32, #tpu.memory_space<vmem>>
        %dma_wait3A_113 = arith.constant 0 : i32
        %dma_wait3A_114 = arith.constant 0 : i32
        %dma_wait3A_115 = tpu.memref_slice %arg12[%dma_wait3A_113, %dma_wait3A_114] : memref<10240x32xf32, #tpu.memory_space<vmem_shared>> -> memref<10240x32xf32, #tpu.memory_space<vmem_shared>>
        tpu.wait_indirect_dma semaphore(%arg15 : memref<!tpu.dma_semaphore, #tpu.memory_space<semaphore_mem>>) src(%arg10 : memref<1000x32xf32, #tpu.memory_space<vmem>>) dst(%dma_wait3A_115 : memref<10240x32xf32, #tpu.memory_space<vmem_shared>>)
      } else {
      }
      %dma_start3A = arith.constant 0 : i32
      %dma_start3A_63 = arith.constant 0 : i32
      %dma_start3A_64 = tpu.memref_slice %arg9[%dma_start3A, %mul3A_58, %dma_start3A_63] : memref<2x10x1000xi32, #tpu.memory_space<vmem>> -> memref<1x1x1000xi32, #tpu.memory_space<vmem>>
      %dma_start3A_65 = tpu.memref_squeeze %dma_start3A_64 : memref<1x1x1000xi32, #tpu.memory_space<vmem>> -> memref<1000xi32, #tpu.memory_space<vmem>>
      %dma_start3A_66 = arith.constant 0 : i32
      %dma_start3A_67 = arith.constant 0 : i32
      %dma_start3A_68 = tpu.memref_slice %arg3[%dma_start3A_66, %dma_start3A_67] : memref<10240x32xf32, #tpu.memory_space<hbm>> -> memref<10240x32xf32, #tpu.memory_space<hbm>>
      tpu.enqueue_indirect_dma source(%dma_start3A_68 : memref<10240x32xf32, #tpu.memory_space<hbm>>) target(%arg10 : memref<1000x32xf32, #tpu.memory_space<vmem>>) offsets(%dma_start3A_65 : memref<1000xi32, #tpu.memory_space<vmem>>) semaphore(%arg13 : memref<!tpu.dma_semaphore, #tpu.memory_space<semaphore_mem>>)
      %gt3A_69 = arith.constant 0 : i32
      %gt3A_70 = arith.cmpi sgt, %scan3A_56, %gt3A_69 : i32
      %convert_element_type3A_71 = arith.extui %gt3A_70 : i1 to i32
      %cond3A_72 = arith.constant 0 : i32
      %cond3A_73 = arith.cmpi ne, %convert_element_type3A_71, %cond3A_72 : i32
      scf.if %cond3A_73 {
        %dma_wait3A_109 = arith.constant 1 : i32
        %dma_wait3A_110 = arith.constant 0 : i32
        %dma_wait3A_111 = tpu.memref_slice %arg9[%dma_wait3A_109, %add3A_60, %dma_wait3A_110] : memref<2x10x1000xi32, #tpu.memory_space<vmem>> -> memref<1x1x1000xi32, #tpu.memory_space<vmem>>
        %dma_wait3A_112 = tpu.memref_squeeze %dma_wait3A_111 : memref<1x1x1000xi32, #tpu.memory_space<vmem>> -> memref<1000xi32, #tpu.memory_space<vmem>>
        %dma_wait3A_113 = arith.constant 0 : i32
        %dma_wait3A_114 = arith.constant 0 : i32
        %dma_wait3A_115 = tpu.memref_slice %arg12[%dma_wait3A_113, %dma_wait3A_114] : memref<10240x32xf32, #tpu.memory_space<vmem_shared>> -> memref<10240x32xf32, #tpu.memory_space<vmem_shared>>
        tpu.wait_indirect_dma semaphore(%arg16 : memref<!tpu.dma_semaphore, #tpu.memory_space<semaphore_mem>>) src(%arg11 : memref<1000x32xf32, #tpu.memory_space<vmem>>) dst(%dma_wait3A_115 : memref<10240x32xf32, #tpu.memory_space<vmem_shared>>)
      } else {
      }
      %dma_start3A_74 = arith.constant 0 : i32
      %dma_start3A_75 = arith.constant 0 : i32
      %dma_start3A_76 = tpu.memref_slice %arg9[%dma_start3A_74, %add3A_60, %dma_start3A_75] : memref<2x10x1000xi32, #tpu.memory_space<vmem>> -> memref<1x1x1000xi32, #tpu.memory_space<vmem>>
      %dma_start3A_77 = tpu.memref_squeeze %dma_start3A_76 : memref<1x1x1000xi32, #tpu.memory_space<vmem>> -> memref<1000xi32, #tpu.memory_space<vmem>>
      %dma_start3A_78 = arith.constant 0 : i32
      %dma_start3A_79 = arith.constant 0 : i32
      %dma_start3A_80 = tpu.memref_slice %arg3[%dma_start3A_78, %dma_start3A_79] : memref<10240x32xf32, #tpu.memory_space<hbm>> -> memref<10240x32xf32, #tpu.memory_space<hbm>>
      tpu.enqueue_indirect_dma source(%dma_start3A_80 : memref<10240x32xf32, #tpu.memory_space<hbm>>) target(%arg11 : memref<1000x32xf32, #tpu.memory_space<vmem>>) offsets(%dma_start3A_77 : memref<1000xi32, #tpu.memory_space<vmem>>) semaphore(%arg14 : memref<!tpu.dma_semaphore, #tpu.memory_space<semaphore_mem>>)
      %dma_wait3A_81 = arith.constant 0 : i32
      %dma_wait3A_82 = arith.constant 0 : i32
      %dma_wait3A_83 = tpu.memref_slice %arg9[%dma_wait3A_81, %mul3A_58, %dma_wait3A_82] : memref<2x10x1000xi32, #tpu.memory_space<vmem>> -> memref<1x1x1000xi32, #tpu.memory_space<vmem>>
      %dma_wait3A_84 = tpu.memref_squeeze %dma_wait3A_83 : memref<1x1x1000xi32, #tpu.memory_space<vmem>> -> memref<1000xi32, #tpu.memory_space<vmem>>
      %dma_wait3A_85 = arith.constant 0 : i32
      %dma_wait3A_86 = arith.constant 0 : i32
      %dma_wait3A_87 = tpu.memref_slice %arg3[%dma_wait3A_85, %dma_wait3A_86] : memref<10240x32xf32, #tpu.memory_space<hbm>> -> memref<10240x32xf32, #tpu.memory_space<hbm>>
      tpu.wait_indirect_dma semaphore(%arg13 : memref<!tpu.dma_semaphore, #tpu.memory_space<semaphore_mem>>) src(%dma_wait3A_87 : memref<10240x32xf32, #tpu.memory_space<hbm>>) dst(%arg10 : memref<1000x32xf32, #tpu.memory_space<vmem>>)
      %dma_start3A_88 = arith.constant 1 : i32
      %dma_start3A_89 = arith.constant 0 : i32
      %dma_start3A_90 = tpu.memref_slice %arg9[%dma_start3A_88, %mul3A_58, %dma_start3A_89] : memref<2x10x1000xi32, #tpu.memory_space<vmem>> -> memref<1x1x1000xi32, #tpu.memory_space<vmem>>
      %dma_start3A_91 = tpu.memref_squeeze %dma_start3A_90 : memref<1x1x1000xi32, #tpu.memory_space<vmem>> -> memref<1000xi32, #tpu.memory_space<vmem>>
      %dma_start3A_92 = arith.constant 0 : i32
      %dma_start3A_93 = arith.constant 0 : i32
      %dma_start3A_94 = tpu.memref_slice %arg12[%dma_start3A_92, %dma_start3A_93] : memref<10240x32xf32, #tpu.memory_space<vmem_shared>> -> memref<10240x32xf32, #tpu.memory_space<vmem_shared>>
      tpu.enqueue_indirect_dma source(%arg10 : memref<1000x32xf32, #tpu.memory_space<vmem>>) target(%dma_start3A_94 : memref<10240x32xf32, #tpu.memory_space<vmem_shared>>) offsets(%dma_start3A_91 : memref<1000xi32, #tpu.memory_space<vmem>>) semaphore(%arg15 : memref<!tpu.dma_semaphore, #tpu.memory_space<semaphore_mem>>) {add = true}
      %dma_wait3A_95 = arith.constant 0 : i32
      %dma_wait3A_96 = arith.constant 0 : i32
      %dma_wait3A_97 = tpu.memref_slice %arg9[%dma_wait3A_95, %add3A_60, %dma_wait3A_96] : memref<2x10x1000xi32, #tpu.memory_space<vmem>> -> memref<1x1x1000xi32, #tpu.memory_space<vmem>>
      %dma_wait3A_98 = tpu.memref_squeeze %dma_wait3A_97 : memref<1x1x1000xi32, #tpu.memory_space<vmem>> -> memref<1000xi32, #tpu.memory_space<vmem>>
      %dma_wait3A_99 = arith.constant 0 : i32
      %dma_wait3A_100 = arith.constant 0 : i32
      %dma_wait3A_101 = tpu.memref_slice %arg3[%dma_wait3A_99, %dma_wait3A_100] : memref<10240x32xf32, #tpu.memory_space<hbm>> -> memref<10240x32xf32, #tpu.memory_space<hbm>>
      tpu.wait_indirect_dma semaphore(%arg14 : memref<!tpu.dma_semaphore, #tpu.memory_space<semaphore_mem>>) src(%dma_wait3A_101 : memref<10240x32xf32, #tpu.memory_space<hbm>>) dst(%arg11 : memref<1000x32xf32, #tpu.memory_space<vmem>>)
      %dma_start3A_102 = arith.constant 1 : i32
      %dma_start3A_103 = arith.constant 0 : i32
      %dma_start3A_104 = tpu.memref_slice %arg9[%dma_start3A_102, %add3A_60, %dma_start3A_103] : memref<2x10x1000xi32, #tpu.memory_space<vmem>> -> memref<1x1x1000xi32, #tpu.memory_space<vmem>>
      %dma_start3A_105 = tpu.memref_squeeze %dma_start3A_104 : memref<1x1x1000xi32, #tpu.memory_space<vmem>> -> memref<1000xi32, #tpu.memory_space<vmem>>
      %dma_start3A_106 = arith.constant 0 : i32
      %dma_start3A_107 = arith.constant 0 : i32
      %dma_start3A_108 = tpu.memref_slice %arg12[%dma_start3A_106, %dma_start3A_107] : memref<10240x32xf32, #tpu.memory_space<vmem_shared>> -> memref<10240x32xf32, #tpu.memory_space<vmem_shared>>
      tpu.enqueue_indirect_dma source(%arg11 : memref<1000x32xf32, #tpu.memory_space<vmem>>) target(%dma_start3A_108 : memref<10240x32xf32, #tpu.memory_space<vmem_shared>>) offsets(%dma_start3A_105 : memref<1000xi32, #tpu.memory_space<vmem>>) semaphore(%arg16 : memref<!tpu.dma_semaphore, #tpu.memory_space<semaphore_mem>>) {add = true}
    }
    %scan3A_37 = arith.constant 5 : i32
    %dma_wait3A_38 = arith.constant 1 : i32
    %dma_wait3A_39 = arith.constant 0 : i32
    %dma_wait3A_40 = arith.constant 0 : i32
    %dma_wait3A_41 = tpu.memref_slice %arg9[%dma_wait3A_38, %dma_wait3A_39, %dma_wait3A_40] : memref<2x10x1000xi32, #tpu.memory_space<vmem>> -> memref<1x1x1000xi32, #tpu.memory_space<vmem>>
    %dma_wait3A_42 = tpu.memref_squeeze %dma_wait3A_41 : memref<1x1x1000xi32, #tpu.memory_space<vmem>> -> memref<1000xi32, #tpu.memory_space<vmem>>
    %dma_wait3A_43 = arith.constant 0 : i32
    %dma_wait3A_44 = arith.constant 0 : i32
    %dma_wait3A_45 = tpu.memref_slice %arg12[%dma_wait3A_43, %dma_wait3A_44] : memref<10240x32xf32, #tpu.memory_space<vmem_shared>> -> memref<10240x32xf32, #tpu.memory_space<vmem_shared>>
    tpu.wait_indirect_dma semaphore(%arg15 : memref<!tpu.dma_semaphore, #tpu.memory_space<semaphore_mem>>) src(%arg10 : memref<1000x32xf32, #tpu.memory_space<vmem>>) dst(%dma_wait3A_45 : memref<10240x32xf32, #tpu.memory_space<vmem_shared>>)
    %dma_wait3A_46 = arith.constant 1 : i32
    %dma_wait3A_47 = arith.constant 1 : i32
    %dma_wait3A_48 = arith.constant 0 : i32
    %dma_wait3A_49 = tpu.memref_slice %arg9[%dma_wait3A_46, %dma_wait3A_47, %dma_wait3A_48] : memref<2x10x1000xi32, #tpu.memory_space<vmem>> -> memref<1x1x1000xi32, #tpu.memory_space<vmem>>
    %dma_wait3A_50 = tpu.memref_squeeze %dma_wait3A_49 : memref<1x1x1000xi32, #tpu.memory_space<vmem>> -> memref<1000xi32, #tpu.memory_space<vmem>>
    %dma_wait3A_51 = arith.constant 0 : i32
    %dma_wait3A_52 = arith.constant 0 : i32
    %dma_wait3A_53 = tpu.memref_slice %arg12[%dma_wait3A_51, %dma_wait3A_52] : memref<10240x32xf32, #tpu.memory_space<vmem_shared>> -> memref<10240x32xf32, #tpu.memory_space<vmem_shared>>
    tpu.wait_indirect_dma semaphore(%arg16 : memref<!tpu.dma_semaphore, #tpu.memory_space<semaphore_mem>>) src(%arg11 : memref<1000x32xf32, #tpu.memory_space<vmem>>) dst(%dma_wait3A_53 : memref<10240x32xf32, #tpu.memory_space<vmem_shared>>)
    %barrier3A_54 = arith.constant 0 : index
    tpu.barrier barrier_id(%barrier3A_54)
    "tpu.region"() ({
      %run_scoped3A_56 = tpu.sem_alloc : memref<!tpu.dma_semaphore, #tpu.memory_space<semaphore_mem>>
      %dma_start3A = arith.constant 0 : i32
      %dma_start3A_57 = tpu.memref_slice %arg8[%arg0, %mul3A_2, %dma_start3A] : memref<2x10240x32xf32, #tpu.memory_space<hbm>> -> memref<1x640x32xf32, #tpu.memory_space<hbm>>
      %dma_start3A_58 = tpu.memref_squeeze %dma_start3A_57 : memref<1x640x32xf32, #tpu.memory_space<hbm>> -> memref<640x32xf32, #tpu.memory_space<hbm>>
      %dma_start3A_59 = arith.constant 0 : i32
      %dma_start3A_60 = tpu.memref_slice %arg12[%mul3A_2, %dma_start3A_59] : memref<10240x32xf32, #tpu.memory_space<vmem_shared>> -> memref<640x32xf32, #tpu.memory_space<vmem_shared>>
      tpu.enqueue_dma source(%dma_start3A_60 : memref<640x32xf32, #tpu.memory_space<vmem_shared>>) target(%dma_start3A_58 : memref<640x32xf32, #tpu.memory_space<hbm>>) target_semaphore(%run_scoped3A_56 : memref<!tpu.dma_semaphore, #tpu.memory_space<semaphore_mem>>)
      %dma_wait3A_61 = arith.constant 0 : i32
      %dma_wait3A_62 = tpu.memref_slice %arg8[%arg0, %mul3A_2, %dma_wait3A_61] : memref<2x10240x32xf32, #tpu.memory_space<hbm>> -> memref<1x640x32xf32, #tpu.memory_space<hbm>>
      %dma_wait3A_63 = tpu.memref_squeeze %dma_wait3A_62 : memref<1x640x32xf32, #tpu.memory_space<hbm>> -> memref<640x32xf32, #tpu.memory_space<hbm>>
      %dma_wait3A_64 = arith.constant 0 : i32
      %dma_wait3A_65 = tpu.memref_slice %arg12[%mul3A_2, %dma_wait3A_64] : memref<10240x32xf32, #tpu.memory_space<vmem_shared>> -> memref<640x32xf32, #tpu.memory_space<vmem_shared>>
      tpu.wait_dma2 semaphore(%run_scoped3A_56 : memref<!tpu.dma_semaphore, #tpu.memory_space<semaphore_mem>>) src(%dma_wait3A_65 : memref<640x32xf32, #tpu.memory_space<vmem_shared>>) dst(%dma_wait3A_63 : memref<640x32xf32, #tpu.memory_space<hbm>>)
      tpu.yield
    }) : () -> ()
    %barrier3A_55 = arith.constant 0 : index
    tpu.barrier barrier_id(%barrier3A_55)
    return
  }
}

#map = affine_map<(d0, d1) -> (0, 0)>
#map1 = affine_map<(d0, d1) -> (0, 0, 0, 0)>
#map2 = affine_map<(d0, d1) -> (0, 0, 0)>
module attributes {stable_mosaic.version = 14 : i64} {
  func.func @k(%arg0: i32, %arg1: i32, %arg2: memref<10000x64xf32, #tpu.memory_space<hbm>>, %arg3: memref<10000x64xf32, #tpu.memory_space<hbm>>, %arg4: memref<2x32x10x1000xi32, #tpu.memory_space<hbm>>, %arg5: memref<2x32x10x1000xi32, #tpu.memory_space<hbm>>, %arg6: memref<10240x64xf32, #tpu.memory_space<hbm>>, %arg7: memref<2x10240x64xf32, #tpu.memory_space<hbm>>, %arg8: memref<2x10240x64xf32, #tpu.memory_space<hbm>>, %arg9: memref<2x10x1000xi32, #tpu.memory_space<vmem>>, %arg10: memref<1000x64xf32, #tpu.memory_space<vmem>>, %arg11: memref<10240x64xf32, #tpu.memory_space<vmem_shared>>, %arg12: memref<!tpu.dma_semaphore, #tpu.memory_space<semaphore_mem>>) attributes {dimension_semantics = [#tpu.dimension_semantics<core_parallel>, #tpu.dimension_semantics<subcore_parallel>], iteration_bounds = array<i64: 2, 16>, scalar_prefetch = 0 : i64, scratch_operands = 4 : i64, tpu.core_type = #tpu.core_type<sc_vector_subcore>, window_params = [{transform_indices = #map}, {transform_indices = #map}, {transform_indices = #map1}, {transform_indices = #map1}, {transform_indices = #map}, {transform_indices = #map2}, {transform_indices = #map2}]} {
    %mul3A = arith.constant 16 : i32
    %mul3A_0 = arith.muli %arg0, %mul3A : i32
    %add3A = arith.addi %mul3A_0, %arg1 : i32
    %mul3A_1 = arith.constant 640 : i32
    %mul3A_2 = arith.muli %arg1, %mul3A_1 : i32
    "tpu.region"() ({
      %run_scoped3A_25 = tpu.sem_alloc : memref<!tpu.dma_semaphore, #tpu.memory_space<semaphore_mem>>
      %dma_start3A = arith.constant 0 : i32
      %dma_start3A_26 = tpu.memref_slice %arg11[%mul3A_2, %dma_start3A] : memref<10240x64xf32, #tpu.memory_space<vmem_shared>> -> memref<640x64xf32, #tpu.memory_space<vmem_shared>>
      %dma_start3A_27 = arith.constant 0 : i32
      %dma_start3A_28 = tpu.memref_slice %arg6[%mul3A_2, %dma_start3A_27] : memref<10240x64xf32, #tpu.memory_space<hbm>> -> memref<640x64xf32, #tpu.memory_space<hbm>>
      tpu.enqueue_dma source(%dma_start3A_28 : memref<640x64xf32, #tpu.memory_space<hbm>>) target(%dma_start3A_26 : memref<640x64xf32, #tpu.memory_space<vmem_shared>>) target_semaphore(%run_scoped3A_25 : memref<!tpu.dma_semaphore, #tpu.memory_space<semaphore_mem>>)
      %dma_wait3A = arith.constant 0 : i32
      %dma_wait3A_29 = tpu.memref_slice %arg11[%mul3A_2, %dma_wait3A] : memref<10240x64xf32, #tpu.memory_space<vmem_shared>> -> memref<640x64xf32, #tpu.memory_space<vmem_shared>>
      %dma_wait3A_30 = arith.constant 0 : i32
      %dma_wait3A_31 = tpu.memref_slice %arg6[%mul3A_2, %dma_wait3A_30] : memref<10240x64xf32, #tpu.memory_space<hbm>> -> memref<640x64xf32, #tpu.memory_space<hbm>>
      tpu.wait_dma2 semaphore(%run_scoped3A_25 : memref<!tpu.dma_semaphore, #tpu.memory_space<semaphore_mem>>) src(%dma_wait3A_31 : memref<640x64xf32, #tpu.memory_space<hbm>>) dst(%dma_wait3A_29 : memref<640x64xf32, #tpu.memory_space<vmem_shared>>)
      tpu.yield
    }) : () -> ()
    %barrier3A = arith.constant 0 : index
    tpu.barrier barrier_id(%barrier3A)
    %run_scoped3A = arith.constant 1 : i32
    %run_scoped3A_3 = arith.constant 0 : i32
    "tpu.region"() ({
      %run_scoped3A_25 = tpu.sem_alloc : memref<!tpu.dma_semaphore, #tpu.memory_space<semaphore_mem>>
      %dma_start3A = arith.constant 0 : i32
      %dma_start3A_26 = arith.constant 0 : i32
      %dma_start3A_27 = tpu.memref_slice %arg9[%run_scoped3A_3, %dma_start3A, %dma_start3A_26] : memref<2x10x1000xi32, #tpu.memory_space<vmem>> -> memref<1x10x1000xi32, #tpu.memory_space<vmem>>
      %dma_start3A_28 = tpu.memref_squeeze %dma_start3A_27 : memref<1x10x1000xi32, #tpu.memory_space<vmem>> -> memref<10x1000xi32, #tpu.memory_space<vmem>>
      %dma_start3A_29 = arith.constant 0 : i32
      %dma_start3A_30 = arith.constant 0 : i32
      %dma_start3A_31 = tpu.memref_slice %arg4[%run_scoped3A, %add3A, %dma_start3A_29, %dma_start3A_30] : memref<2x32x10x1000xi32, #tpu.memory_space<hbm>> -> memref<1x1x10x1000xi32, #tpu.memory_space<hbm>>
      %dma_start3A_32 = tpu.memref_squeeze %dma_start3A_31 : memref<1x1x10x1000xi32, #tpu.memory_space<hbm>> -> memref<10x1000xi32, #tpu.memory_space<hbm>>
      %dma_start3A_33 = arith.constant 0 : i32
      %dma_start3A_34 = arith.constant 0 : i32
      %dma_start3A_35 = tpu.memref_slice %arg9[%run_scoped3A_3, %dma_start3A_33, %dma_start3A_34] : memref<2x10x1000xi32, #tpu.memory_space<vmem>> -> memref<1x10x1000xi32, #tpu.memory_space<vmem>>
      %dma_start3A_36 = tpu.memref_squeeze %dma_start3A_35 : memref<1x10x1000xi32, #tpu.memory_space<vmem>> -> memref<10x1000xi32, #tpu.memory_space<vmem>>
      %dma_start3A_37 = arith.constant 0 : i32
      %dma_start3A_38 = arith.constant 0 : i32
      %dma_start3A_39 = tpu.memref_slice %arg4[%run_scoped3A, %add3A, %dma_start3A_37, %dma_start3A_38] : memref<2x32x10x1000xi32, #tpu.memory_space<hbm>> -> memref<1x1x10x1000xi32, #tpu.memory_space<hbm>>
      %dma_start3A_40 = tpu.memref_squeeze %dma_start3A_39 : memref<1x1x10x1000xi32, #tpu.memory_space<hbm>> -> memref<10x1000xi32, #tpu.memory_space<hbm>>
      tpu.enqueue_dma source(%dma_start3A_40 : memref<10x1000xi32, #tpu.memory_space<hbm>>) target(%dma_start3A_36 : memref<10x1000xi32, #tpu.memory_space<vmem>>) target_semaphore(%run_scoped3A_25 : memref<!tpu.dma_semaphore, #tpu.memory_space<semaphore_mem>>)
      %dma_wait3A = arith.constant 0 : i32
      %dma_wait3A_41 = arith.constant 0 : i32
      %dma_wait3A_42 = tpu.memref_slice %arg9[%run_scoped3A_3, %dma_wait3A, %dma_wait3A_41] : memref<2x10x1000xi32, #tpu.memory_space<vmem>> -> memref<1x10x1000xi32, #tpu.memory_space<vmem>>
      %dma_wait3A_43 = tpu.memref_squeeze %dma_wait3A_42 : memref<1x10x1000xi32, #tpu.memory_space<vmem>> -> memref<10x1000xi32, #tpu.memory_space<vmem>>
      %dma_wait3A_44 = arith.constant 0 : i32
      %dma_wait3A_45 = arith.constant 0 : i32
      %dma_wait3A_46 = tpu.memref_slice %arg4[%run_scoped3A, %add3A, %dma_wait3A_44, %dma_wait3A_45] : memref<2x32x10x1000xi32, #tpu.memory_space<hbm>> -> memref<1x1x10x1000xi32, #tpu.memory_space<hbm>>
      %dma_wait3A_47 = tpu.memref_squeeze %dma_wait3A_46 : memref<1x1x10x1000xi32, #tpu.memory_space<hbm>> -> memref<10x1000xi32, #tpu.memory_space<hbm>>
      %dma_wait3A_48 = arith.constant 0 : i32
      %dma_wait3A_49 = arith.constant 0 : i32
      %dma_wait3A_50 = tpu.memref_slice %arg9[%run_scoped3A_3, %dma_wait3A_48, %dma_wait3A_49] : memref<2x10x1000xi32, #tpu.memory_space<vmem>> -> memref<1x10x1000xi32, #tpu.memory_space<vmem>>
      %dma_wait3A_51 = tpu.memref_squeeze %dma_wait3A_50 : memref<1x10x1000xi32, #tpu.memory_space<vmem>> -> memref<10x1000xi32, #tpu.memory_space<vmem>>
      %dma_wait3A_52 = arith.constant 0 : i32
      %dma_wait3A_53 = arith.constant 0 : i32
      %dma_wait3A_54 = tpu.memref_slice %arg4[%run_scoped3A, %add3A, %dma_wait3A_52, %dma_wait3A_53] : memref<2x32x10x1000xi32, #tpu.memory_space<hbm>> -> memref<1x1x10x1000xi32, #tpu.memory_space<hbm>>
      %dma_wait3A_55 = tpu.memref_squeeze %dma_wait3A_54 : memref<1x1x10x1000xi32, #tpu.memory_space<hbm>> -> memref<10x1000xi32, #tpu.memory_space<hbm>>
      tpu.wait_dma2 semaphore(%run_scoped3A_25 : memref<!tpu.dma_semaphore, #tpu.memory_space<semaphore_mem>>) src(%dma_wait3A_55 : memref<10x1000xi32, #tpu.memory_space<hbm>>) dst(%dma_wait3A_51 : memref<10x1000xi32, #tpu.memory_space<vmem>>)
      tpu.yield
    }) : () -> ()
    %run_scoped3A_4 = arith.constant 0 : i32
    %run_scoped3A_5 = arith.constant 1 : i32
    "tpu.region"() ({
      %run_scoped3A_25 = tpu.sem_alloc : memref<!tpu.dma_semaphore, #tpu.memory_space<semaphore_mem>>
      %dma_start3A = arith.constant 0 : i32
      %dma_start3A_26 = arith.constant 0 : i32
      %dma_start3A_27 = tpu.memref_slice %arg9[%run_scoped3A_5, %dma_start3A, %dma_start3A_26] : memref<2x10x1000xi32, #tpu.memory_space<vmem>> -> memref<1x10x1000xi32, #tpu.memory_space<vmem>>
      %dma_start3A_28 = tpu.memref_squeeze %dma_start3A_27 : memref<1x10x1000xi32, #tpu.memory_space<vmem>> -> memref<10x1000xi32, #tpu.memory_space<vmem>>
      %dma_start3A_29 = arith.constant 0 : i32
      %dma_start3A_30 = arith.constant 0 : i32
      %dma_start3A_31 = tpu.memref_slice %arg4[%run_scoped3A_4, %add3A, %dma_start3A_29, %dma_start3A_30] : memref<2x32x10x1000xi32, #tpu.memory_space<hbm>> -> memref<1x1x10x1000xi32, #tpu.memory_space<hbm>>
      %dma_start3A_32 = tpu.memref_squeeze %dma_start3A_31 : memref<1x1x10x1000xi32, #tpu.memory_space<hbm>> -> memref<10x1000xi32, #tpu.memory_space<hbm>>
      %dma_start3A_33 = arith.constant 0 : i32
      %dma_start3A_34 = arith.constant 0 : i32
      %dma_start3A_35 = tpu.memref_slice %arg9[%run_scoped3A_5, %dma_start3A_33, %dma_start3A_34] : memref<2x10x1000xi32, #tpu.memory_space<vmem>> -> memref<1x10x1000xi32, #tpu.memory_space<vmem>>
      %dma_start3A_36 = tpu.memref_squeeze %dma_start3A_35 : memref<1x10x1000xi32, #tpu.memory_space<vmem>> -> memref<10x1000xi32, #tpu.memory_space<vmem>>
      %dma_start3A_37 = arith.constant 0 : i32
      %dma_start3A_38 = arith.constant 0 : i32
      %dma_start3A_39 = tpu.memref_slice %arg4[%run_scoped3A_4, %add3A, %dma_start3A_37, %dma_start3A_38] : memref<2x32x10x1000xi32, #tpu.memory_space<hbm>> -> memref<1x1x10x1000xi32, #tpu.memory_space<hbm>>
      %dma_start3A_40 = tpu.memref_squeeze %dma_start3A_39 : memref<1x1x10x1000xi32, #tpu.memory_space<hbm>> -> memref<10x1000xi32, #tpu.memory_space<hbm>>
      tpu.enqueue_dma source(%dma_start3A_40 : memref<10x1000xi32, #tpu.memory_space<hbm>>) target(%dma_start3A_36 : memref<10x1000xi32, #tpu.memory_space<vmem>>) target_semaphore(%run_scoped3A_25 : memref<!tpu.dma_semaphore, #tpu.memory_space<semaphore_mem>>)
      %dma_wait3A = arith.constant 0 : i32
      %dma_wait3A_41 = arith.constant 0 : i32
      %dma_wait3A_42 = tpu.memref_slice %arg9[%run_scoped3A_5, %dma_wait3A, %dma_wait3A_41] : memref<2x10x1000xi32, #tpu.memory_space<vmem>> -> memref<1x10x1000xi32, #tpu.memory_space<vmem>>
      %dma_wait3A_43 = tpu.memref_squeeze %dma_wait3A_42 : memref<1x10x1000xi32, #tpu.memory_space<vmem>> -> memref<10x1000xi32, #tpu.memory_space<vmem>>
      %dma_wait3A_44 = arith.constant 0 : i32
      %dma_wait3A_45 = arith.constant 0 : i32
      %dma_wait3A_46 = tpu.memref_slice %arg4[%run_scoped3A_4, %add3A, %dma_wait3A_44, %dma_wait3A_45] : memref<2x32x10x1000xi32, #tpu.memory_space<hbm>> -> memref<1x1x10x1000xi32, #tpu.memory_space<hbm>>
      %dma_wait3A_47 = tpu.memref_squeeze %dma_wait3A_46 : memref<1x1x10x1000xi32, #tpu.memory_space<hbm>> -> memref<10x1000xi32, #tpu.memory_space<hbm>>
      %dma_wait3A_48 = arith.constant 0 : i32
      %dma_wait3A_49 = arith.constant 0 : i32
      %dma_wait3A_50 = tpu.memref_slice %arg9[%run_scoped3A_5, %dma_wait3A_48, %dma_wait3A_49] : memref<2x10x1000xi32, #tpu.memory_space<vmem>> -> memref<1x10x1000xi32, #tpu.memory_space<vmem>>
      %dma_wait3A_51 = tpu.memref_squeeze %dma_wait3A_50 : memref<1x10x1000xi32, #tpu.memory_space<vmem>> -> memref<10x1000xi32, #tpu.memory_space<vmem>>
      %dma_wait3A_52 = arith.constant 0 : i32
      %dma_wait3A_53 = arith.constant 0 : i32
      %dma_wait3A_54 = tpu.memref_slice %arg4[%run_scoped3A_4, %add3A, %dma_wait3A_52, %dma_wait3A_53] : memref<2x32x10x1000xi32, #tpu.memory_space<hbm>> -> memref<1x1x10x1000xi32, #tpu.memory_space<hbm>>
      %dma_wait3A_55 = tpu.memref_squeeze %dma_wait3A_54 : memref<1x1x10x1000xi32, #tpu.memory_space<hbm>> -> memref<10x1000xi32, #tpu.memory_space<hbm>>
      tpu.wait_dma2 semaphore(%run_scoped3A_25 : memref<!tpu.dma_semaphore, #tpu.memory_space<semaphore_mem>>) src(%dma_wait3A_55 : memref<10x1000xi32, #tpu.memory_space<hbm>>) dst(%dma_wait3A_51 : memref<10x1000xi32, #tpu.memory_space<vmem>>)
      tpu.yield
    }) : () -> ()
    %scan3A = arith.constant 0 : i32
    %scan3A_6 = arith.constant 0 : i32
    %scan3A_7 = arith.constant 10 : i32
    %scan3A_8 = arith.addi %scan3A_6, %scan3A_7 : i32
    %scan3A_9 = arith.constant 1 : i32
    scf.for %scan3A_25 = %scan3A_6 to %scan3A_8 step %scan3A_9  : i32 {
      %dma_start3A = arith.constant 0 : i32
      %dma_start3A_26 = arith.constant 0 : i32
      %dma_start3A_27 = tpu.memref_slice %arg9[%dma_start3A, %scan3A_25, %dma_start3A_26] : memref<2x10x1000xi32, #tpu.memory_space<vmem>> -> memref<1x1x1000xi32, #tpu.memory_space<vmem>>
      %dma_start3A_28 = tpu.memref_squeeze %dma_start3A_27 : memref<1x1x1000xi32, #tpu.memory_space<vmem>> -> memref<1000xi32, #tpu.memory_space<vmem>>
      %dma_start3A_29 = arith.constant 0 : i32
      %dma_start3A_30 = arith.constant 0 : i32
      %dma_start3A_31 = tpu.memref_slice %arg2[%dma_start3A_29, %dma_start3A_30] : memref<10000x64xf32, #tpu.memory_space<hbm>> -> memref<10000x64xf32, #tpu.memory_space<hbm>>
      tpu.enqueue_indirect_dma source(%dma_start3A_31 : memref<10000x64xf32, #tpu.memory_space<hbm>>) target(%arg10 : memref<1000x64xf32, #tpu.memory_space<vmem>>) offsets(%dma_start3A_28 : memref<1000xi32, #tpu.memory_space<vmem>>) semaphore(%arg12 : memref<!tpu.dma_semaphore, #tpu.memory_space<semaphore_mem>>)
      %dma_wait3A = arith.constant 0 : i32
      %dma_wait3A_32 = arith.constant 0 : i32
      %dma_wait3A_33 = tpu.memref_slice %arg9[%dma_wait3A, %scan3A_25, %dma_wait3A_32] : memref<2x10x1000xi32, #tpu.memory_space<vmem>> -> memref<1x1x1000xi32, #tpu.memory_space<vmem>>
      %dma_wait3A_34 = tpu.memref_squeeze %dma_wait3A_33 : memref<1x1x1000xi32, #tpu.memory_space<vmem>> -> memref<1000xi32, #tpu.memory_space<vmem>>
      %dma_wait3A_35 = arith.constant 0 : i32
      %dma_wait3A_36 = arith.constant 0 : i32
      %dma_wait3A_37 = tpu.memref_slice %arg2[%dma_wait3A_35, %dma_wait3A_36] : memref<10000x64xf32, #tpu.memory_space<hbm>> -> memref<10000x64xf32, #tpu.memory_space<hbm>>
      tpu.wait_indirect_dma semaphore(%arg12 : memref<!tpu.dma_semaphore, #tpu.memory_space<semaphore_mem>>) src(%dma_wait3A_37 : memref<10000x64xf32, #tpu.memory_space<hbm>>) dst(%arg10 : memref<1000x64xf32, #tpu.memory_space<vmem>>)
      %run_scoped3A_38 = arith.constant 1 : i32
      "tpu.region"() ({
        %run_scoped3A_39 = tpu.sem_alloc : memref<!tpu.dma_semaphore, #tpu.memory_space<semaphore_mem>>
        %dma_start3A_40 = arith.constant 0 : i32
        %dma_start3A_41 = tpu.memref_slice %arg9[%run_scoped3A_38, %scan3A_25, %dma_start3A_40] : memref<2x10x1000xi32, #tpu.memory_space<vmem>> -> memref<1x1x1000xi32, #tpu.memory_space<vmem>>
        %dma_start3A_42 = tpu.memref_squeeze %dma_start3A_41 : memref<1x1x1000xi32, #tpu.memory_space<vmem>> -> memref<1000xi32, #tpu.memory_space<vmem>>
        %dma_start3A_43 = arith.constant 0 : i32
        %dma_start3A_44 = arith.constant 0 : i32
        %dma_start3A_45 = tpu.memref_slice %arg11[%dma_start3A_43, %dma_start3A_44] : memref<10240x64xf32, #tpu.memory_space<vmem_shared>> -> memref<10240x64xf32, #tpu.memory_space<vmem_shared>>
        tpu.enqueue_indirect_dma source(%arg10 : memref<1000x64xf32, #tpu.memory_space<vmem>>) target(%dma_start3A_45 : memref<10240x64xf32, #tpu.memory_space<vmem_shared>>) offsets(%dma_start3A_42 : memref<1000xi32, #tpu.memory_space<vmem>>) semaphore(%run_scoped3A_39 : memref<!tpu.dma_semaphore, #tpu.memory_space<semaphore_mem>>) {add = true}
        %dma_wait3A_46 = arith.constant 0 : i32
        %dma_wait3A_47 = tpu.memref_slice %arg9[%run_scoped3A_38, %scan3A_25, %dma_wait3A_46] : memref<2x10x1000xi32, #tpu.memory_space<vmem>> -> memref<1x1x1000xi32, #tpu.memory_space<vmem>>
        %dma_wait3A_48 = tpu.memref_squeeze %dma_wait3A_47 : memref<1x1x1000xi32, #tpu.memory_space<vmem>> -> memref<1000xi32, #tpu.memory_space<vmem>>
        %dma_wait3A_49 = arith.constant 0 : i32
        %dma_wait3A_50 = arith.constant 0 : i32
        %dma_wait3A_51 = tpu.memref_slice %arg11[%dma_wait3A_49, %dma_wait3A_50] : memref<10240x64xf32, #tpu.memory_space<vmem_shared>> -> memref<10240x64xf32, #tpu.memory_space<vmem_shared>>
        tpu.wait_indirect_dma semaphore(%run_scoped3A_39 : memref<!tpu.dma_semaphore, #tpu.memory_space<semaphore_mem>>) src(%arg10 : memref<1000x64xf32, #tpu.memory_space<vmem>>) dst(%dma_wait3A_51 : memref<10240x64xf32, #tpu.memory_space<vmem_shared>>)
        tpu.yield
      }) : () -> ()
    }
    %scan3A_10 = arith.constant 10 : i32
    %barrier3A_11 = arith.constant 0 : index
    tpu.barrier barrier_id(%barrier3A_11)
    "tpu.region"() ({
      %run_scoped3A_25 = tpu.sem_alloc : memref<!tpu.dma_semaphore, #tpu.memory_space<semaphore_mem>>
      %dma_start3A = arith.constant 0 : i32
      %dma_start3A_26 = tpu.memref_slice %arg7[%arg0, %mul3A_2, %dma_start3A] : memref<2x10240x64xf32, #tpu.memory_space<hbm>> -> memref<1x640x64xf32, #tpu.memory_space<hbm>>
      %dma_start3A_27 = tpu.memref_squeeze %dma_start3A_26 : memref<1x640x64xf32, #tpu.memory_space<hbm>> -> memref<640x64xf32, #tpu.memory_space<hbm>>
      %dma_start3A_28 = arith.constant 0 : i32
      %dma_start3A_29 = tpu.memref_slice %arg11[%mul3A_2, %dma_start3A_28] : memref<10240x64xf32, #tpu.memory_space<vmem_shared>> -> memref<640x64xf32, #tpu.memory_space<vmem_shared>>
      tpu.enqueue_dma source(%dma_start3A_29 : memref<640x64xf32, #tpu.memory_space<vmem_shared>>) target(%dma_start3A_27 : memref<640x64xf32, #tpu.memory_space<hbm>>) target_semaphore(%run_scoped3A_25 : memref<!tpu.dma_semaphore, #tpu.memory_space<semaphore_mem>>)
      %dma_wait3A = arith.constant 0 : i32
      %dma_wait3A_30 = tpu.memref_slice %arg7[%arg0, %mul3A_2, %dma_wait3A] : memref<2x10240x64xf32, #tpu.memory_space<hbm>> -> memref<1x640x64xf32, #tpu.memory_space<hbm>>
      %dma_wait3A_31 = tpu.memref_squeeze %dma_wait3A_30 : memref<1x640x64xf32, #tpu.memory_space<hbm>> -> memref<640x64xf32, #tpu.memory_space<hbm>>
      %dma_wait3A_32 = arith.constant 0 : i32
      %dma_wait3A_33 = tpu.memref_slice %arg11[%mul3A_2, %dma_wait3A_32] : memref<10240x64xf32, #tpu.memory_space<vmem_shared>> -> memref<640x64xf32, #tpu.memory_space<vmem_shared>>
      tpu.wait_dma2 semaphore(%run_scoped3A_25 : memref<!tpu.dma_semaphore, #tpu.memory_space<semaphore_mem>>) src(%dma_wait3A_33 : memref<640x64xf32, #tpu.memory_space<vmem_shared>>) dst(%dma_wait3A_31 : memref<640x64xf32, #tpu.memory_space<hbm>>)
      tpu.yield
    }) : () -> ()
    "tpu.region"() ({
      %run_scoped3A_25 = tpu.sem_alloc : memref<!tpu.dma_semaphore, #tpu.memory_space<semaphore_mem>>
      %dma_start3A = arith.constant 0 : i32
      %dma_start3A_26 = tpu.memref_slice %arg11[%mul3A_2, %dma_start3A] : memref<10240x64xf32, #tpu.memory_space<vmem_shared>> -> memref<640x64xf32, #tpu.memory_space<vmem_shared>>
      %dma_start3A_27 = arith.constant 0 : i32
      %dma_start3A_28 = tpu.memref_slice %arg6[%mul3A_2, %dma_start3A_27] : memref<10240x64xf32, #tpu.memory_space<hbm>> -> memref<640x64xf32, #tpu.memory_space<hbm>>
      tpu.enqueue_dma source(%dma_start3A_28 : memref<640x64xf32, #tpu.memory_space<hbm>>) target(%dma_start3A_26 : memref<640x64xf32, #tpu.memory_space<vmem_shared>>) target_semaphore(%run_scoped3A_25 : memref<!tpu.dma_semaphore, #tpu.memory_space<semaphore_mem>>)
      %dma_wait3A = arith.constant 0 : i32
      %dma_wait3A_29 = tpu.memref_slice %arg11[%mul3A_2, %dma_wait3A] : memref<10240x64xf32, #tpu.memory_space<vmem_shared>> -> memref<640x64xf32, #tpu.memory_space<vmem_shared>>
      %dma_wait3A_30 = arith.constant 0 : i32
      %dma_wait3A_31 = tpu.memref_slice %arg6[%mul3A_2, %dma_wait3A_30] : memref<10240x64xf32, #tpu.memory_space<hbm>> -> memref<640x64xf32, #tpu.memory_space<hbm>>
      tpu.wait_dma2 semaphore(%run_scoped3A_25 : memref<!tpu.dma_semaphore, #tpu.memory_space<semaphore_mem>>) src(%dma_wait3A_31 : memref<640x64xf32, #tpu.memory_space<hbm>>) dst(%dma_wait3A_29 : memref<640x64xf32, #tpu.memory_space<vmem_shared>>)
      tpu.yield
    }) : () -> ()
    %barrier3A_12 = arith.constant 0 : index
    tpu.barrier barrier_id(%barrier3A_12)
    %run_scoped3A_13 = arith.constant 1 : i32
    %run_scoped3A_14 = arith.constant 0 : i32
    "tpu.region"() ({
      %run_scoped3A_25 = tpu.sem_alloc : memref<!tpu.dma_semaphore, #tpu.memory_space<semaphore_mem>>
      %dma_start3A = arith.constant 0 : i32
      %dma_start3A_26 = arith.constant 0 : i32
      %dma_start3A_27 = tpu.memref_slice %arg9[%run_scoped3A_14, %dma_start3A, %dma_start3A_26] : memref<2x10x1000xi32, #tpu.memory_space<vmem>> -> memref<1x10x1000xi32, #tpu.memory_space<vmem>>
      %dma_start3A_28 = tpu.memref_squeeze %dma_start3A_27 : memref<1x10x1000xi32, #tpu.memory_space<vmem>> -> memref<10x1000xi32, #tpu.memory_space<vmem>>
      %dma_start3A_29 = arith.constant 0 : i32
      %dma_start3A_30 = arith.constant 0 : i32
      %dma_start3A_31 = tpu.memref_slice %arg5[%run_scoped3A_13, %add3A, %dma_start3A_29, %dma_start3A_30] : memref<2x32x10x1000xi32, #tpu.memory_space<hbm>> -> memref<1x1x10x1000xi32, #tpu.memory_space<hbm>>
      %dma_start3A_32 = tpu.memref_squeeze %dma_start3A_31 : memref<1x1x10x1000xi32, #tpu.memory_space<hbm>> -> memref<10x1000xi32, #tpu.memory_space<hbm>>
      %dma_start3A_33 = arith.constant 0 : i32
      %dma_start3A_34 = arith.constant 0 : i32
      %dma_start3A_35 = tpu.memref_slice %arg9[%run_scoped3A_14, %dma_start3A_33, %dma_start3A_34] : memref<2x10x1000xi32, #tpu.memory_space<vmem>> -> memref<1x10x1000xi32, #tpu.memory_space<vmem>>
      %dma_start3A_36 = tpu.memref_squeeze %dma_start3A_35 : memref<1x10x1000xi32, #tpu.memory_space<vmem>> -> memref<10x1000xi32, #tpu.memory_space<vmem>>
      %dma_start3A_37 = arith.constant 0 : i32
      %dma_start3A_38 = arith.constant 0 : i32
      %dma_start3A_39 = tpu.memref_slice %arg5[%run_scoped3A_13, %add3A, %dma_start3A_37, %dma_start3A_38] : memref<2x32x10x1000xi32, #tpu.memory_space<hbm>> -> memref<1x1x10x1000xi32, #tpu.memory_space<hbm>>
      %dma_start3A_40 = tpu.memref_squeeze %dma_start3A_39 : memref<1x1x10x1000xi32, #tpu.memory_space<hbm>> -> memref<10x1000xi32, #tpu.memory_space<hbm>>
      tpu.enqueue_dma source(%dma_start3A_40 : memref<10x1000xi32, #tpu.memory_space<hbm>>) target(%dma_start3A_36 : memref<10x1000xi32, #tpu.memory_space<vmem>>) target_semaphore(%run_scoped3A_25 : memref<!tpu.dma_semaphore, #tpu.memory_space<semaphore_mem>>)
      %dma_wait3A = arith.constant 0 : i32
      %dma_wait3A_41 = arith.constant 0 : i32
      %dma_wait3A_42 = tpu.memref_slice %arg9[%run_scoped3A_14, %dma_wait3A, %dma_wait3A_41] : memref<2x10x1000xi32, #tpu.memory_space<vmem>> -> memref<1x10x1000xi32, #tpu.memory_space<vmem>>
      %dma_wait3A_43 = tpu.memref_squeeze %dma_wait3A_42 : memref<1x10x1000xi32, #tpu.memory_space<vmem>> -> memref<10x1000xi32, #tpu.memory_space<vmem>>
      %dma_wait3A_44 = arith.constant 0 : i32
      %dma_wait3A_45 = arith.constant 0 : i32
      %dma_wait3A_46 = tpu.memref_slice %arg5[%run_scoped3A_13, %add3A, %dma_wait3A_44, %dma_wait3A_45] : memref<2x32x10x1000xi32, #tpu.memory_space<hbm>> -> memref<1x1x10x1000xi32, #tpu.memory_space<hbm>>
      %dma_wait3A_47 = tpu.memref_squeeze %dma_wait3A_46 : memref<1x1x10x1000xi32, #tpu.memory_space<hbm>> -> memref<10x1000xi32, #tpu.memory_space<hbm>>
      %dma_wait3A_48 = arith.constant 0 : i32
      %dma_wait3A_49 = arith.constant 0 : i32
      %dma_wait3A_50 = tpu.memref_slice %arg9[%run_scoped3A_14, %dma_wait3A_48, %dma_wait3A_49] : memref<2x10x1000xi32, #tpu.memory_space<vmem>> -> memref<1x10x1000xi32, #tpu.memory_space<vmem>>
      %dma_wait3A_51 = tpu.memref_squeeze %dma_wait3A_50 : memref<1x10x1000xi32, #tpu.memory_space<vmem>> -> memref<10x1000xi32, #tpu.memory_space<vmem>>
      %dma_wait3A_52 = arith.constant 0 : i32
      %dma_wait3A_53 = arith.constant 0 : i32
      %dma_wait3A_54 = tpu.memref_slice %arg5[%run_scoped3A_13, %add3A, %dma_wait3A_52, %dma_wait3A_53] : memref<2x32x10x1000xi32, #tpu.memory_space<hbm>> -> memref<1x1x10x1000xi32, #tpu.memory_space<hbm>>
      %dma_wait3A_55 = tpu.memref_squeeze %dma_wait3A_54 : memref<1x1x10x1000xi32, #tpu.memory_space<hbm>> -> memref<10x1000xi32, #tpu.memory_space<hbm>>
      tpu.wait_dma2 semaphore(%run_scoped3A_25 : memref<!tpu.dma_semaphore, #tpu.memory_space<semaphore_mem>>) src(%dma_wait3A_55 : memref<10x1000xi32, #tpu.memory_space<hbm>>) dst(%dma_wait3A_51 : memref<10x1000xi32, #tpu.memory_space<vmem>>)
      tpu.yield
    }) : () -> ()
    %run_scoped3A_15 = arith.constant 0 : i32
    %run_scoped3A_16 = arith.constant 1 : i32
    "tpu.region"() ({
      %run_scoped3A_25 = tpu.sem_alloc : memref<!tpu.dma_semaphore, #tpu.memory_space<semaphore_mem>>
      %dma_start3A = arith.constant 0 : i32
      %dma_start3A_26 = arith.constant 0 : i32
      %dma_start3A_27 = tpu.memref_slice %arg9[%run_scoped3A_16, %dma_start3A, %dma_start3A_26] : memref<2x10x1000xi32, #tpu.memory_space<vmem>> -> memref<1x10x1000xi32, #tpu.memory_space<vmem>>
      %dma_start3A_28 = tpu.memref_squeeze %dma_start3A_27 : memref<1x10x1000xi32, #tpu.memory_space<vmem>> -> memref<10x1000xi32, #tpu.memory_space<vmem>>
      %dma_start3A_29 = arith.constant 0 : i32
      %dma_start3A_30 = arith.constant 0 : i32
      %dma_start3A_31 = tpu.memref_slice %arg5[%run_scoped3A_15, %add3A, %dma_start3A_29, %dma_start3A_30] : memref<2x32x10x1000xi32, #tpu.memory_space<hbm>> -> memref<1x1x10x1000xi32, #tpu.memory_space<hbm>>
      %dma_start3A_32 = tpu.memref_squeeze %dma_start3A_31 : memref<1x1x10x1000xi32, #tpu.memory_space<hbm>> -> memref<10x1000xi32, #tpu.memory_space<hbm>>
      %dma_start3A_33 = arith.constant 0 : i32
      %dma_start3A_34 = arith.constant 0 : i32
      %dma_start3A_35 = tpu.memref_slice %arg9[%run_scoped3A_16, %dma_start3A_33, %dma_start3A_34] : memref<2x10x1000xi32, #tpu.memory_space<vmem>> -> memref<1x10x1000xi32, #tpu.memory_space<vmem>>
      %dma_start3A_36 = tpu.memref_squeeze %dma_start3A_35 : memref<1x10x1000xi32, #tpu.memory_space<vmem>> -> memref<10x1000xi32, #tpu.memory_space<vmem>>
      %dma_start3A_37 = arith.constant 0 : i32
      %dma_start3A_38 = arith.constant 0 : i32
      %dma_start3A_39 = tpu.memref_slice %arg5[%run_scoped3A_15, %add3A, %dma_start3A_37, %dma_start3A_38] : memref<2x32x10x1000xi32, #tpu.memory_space<hbm>> -> memref<1x1x10x1000xi32, #tpu.memory_space<hbm>>
      %dma_start3A_40 = tpu.memref_squeeze %dma_start3A_39 : memref<1x1x10x1000xi32, #tpu.memory_space<hbm>> -> memref<10x1000xi32, #tpu.memory_space<hbm>>
      tpu.enqueue_dma source(%dma_start3A_40 : memref<10x1000xi32, #tpu.memory_space<hbm>>) target(%dma_start3A_36 : memref<10x1000xi32, #tpu.memory_space<vmem>>) target_semaphore(%run_scoped3A_25 : memref<!tpu.dma_semaphore, #tpu.memory_space<semaphore_mem>>)
      %dma_wait3A = arith.constant 0 : i32
      %dma_wait3A_41 = arith.constant 0 : i32
      %dma_wait3A_42 = tpu.memref_slice %arg9[%run_scoped3A_16, %dma_wait3A, %dma_wait3A_41] : memref<2x10x1000xi32, #tpu.memory_space<vmem>> -> memref<1x10x1000xi32, #tpu.memory_space<vmem>>
      %dma_wait3A_43 = tpu.memref_squeeze %dma_wait3A_42 : memref<1x10x1000xi32, #tpu.memory_space<vmem>> -> memref<10x1000xi32, #tpu.memory_space<vmem>>
      %dma_wait3A_44 = arith.constant 0 : i32
      %dma_wait3A_45 = arith.constant 0 : i32
      %dma_wait3A_46 = tpu.memref_slice %arg5[%run_scoped3A_15, %add3A, %dma_wait3A_44, %dma_wait3A_45] : memref<2x32x10x1000xi32, #tpu.memory_space<hbm>> -> memref<1x1x10x1000xi32, #tpu.memory_space<hbm>>
      %dma_wait3A_47 = tpu.memref_squeeze %dma_wait3A_46 : memref<1x1x10x1000xi32, #tpu.memory_space<hbm>> -> memref<10x1000xi32, #tpu.memory_space<hbm>>
      %dma_wait3A_48 = arith.constant 0 : i32
      %dma_wait3A_49 = arith.constant 0 : i32
      %dma_wait3A_50 = tpu.memref_slice %arg9[%run_scoped3A_16, %dma_wait3A_48, %dma_wait3A_49] : memref<2x10x1000xi32, #tpu.memory_space<vmem>> -> memref<1x10x1000xi32, #tpu.memory_space<vmem>>
      %dma_wait3A_51 = tpu.memref_squeeze %dma_wait3A_50 : memref<1x10x1000xi32, #tpu.memory_space<vmem>> -> memref<10x1000xi32, #tpu.memory_space<vmem>>
      %dma_wait3A_52 = arith.constant 0 : i32
      %dma_wait3A_53 = arith.constant 0 : i32
      %dma_wait3A_54 = tpu.memref_slice %arg5[%run_scoped3A_15, %add3A, %dma_wait3A_52, %dma_wait3A_53] : memref<2x32x10x1000xi32, #tpu.memory_space<hbm>> -> memref<1x1x10x1000xi32, #tpu.memory_space<hbm>>
      %dma_wait3A_55 = tpu.memref_squeeze %dma_wait3A_54 : memref<1x1x10x1000xi32, #tpu.memory_space<hbm>> -> memref<10x1000xi32, #tpu.memory_space<hbm>>
      tpu.wait_dma2 semaphore(%run_scoped3A_25 : memref<!tpu.dma_semaphore, #tpu.memory_space<semaphore_mem>>) src(%dma_wait3A_55 : memref<10x1000xi32, #tpu.memory_space<hbm>>) dst(%dma_wait3A_51 : memref<10x1000xi32, #tpu.memory_space<vmem>>)
      tpu.yield
    }) : () -> ()
    %scan3A_17 = arith.constant 0 : i32
    %scan3A_18 = arith.constant 0 : i32
    %scan3A_19 = arith.constant 10 : i32
    %scan3A_20 = arith.addi %scan3A_18, %scan3A_19 : i32
    %scan3A_21 = arith.constant 1 : i32
    scf.for %scan3A_25 = %scan3A_18 to %scan3A_20 step %scan3A_21  : i32 {
      %dma_start3A = arith.constant 0 : i32
      %dma_start3A_26 = arith.constant 0 : i32
      %dma_start3A_27 = tpu.memref_slice %arg9[%dma_start3A, %scan3A_25, %dma_start3A_26] : memref<2x10x1000xi32, #tpu.memory_space<vmem>> -> memref<1x1x1000xi32, #tpu.memory_space<vmem>>
      %dma_start3A_28 = tpu.memref_squeeze %dma_start3A_27 : memref<1x1x1000xi32, #tpu.memory_space<vmem>> -> memref<1000xi32, #tpu.memory_space<vmem>>
      %dma_start3A_29 = arith.constant 0 : i32
      %dma_start3A_30 = arith.constant 0 : i32
      %dma_start3A_31 = tpu.memref_slice %arg3[%dma_start3A_29, %dma_start3A_30] : memref<10000x64xf32, #tpu.memory_space<hbm>> -> memref<10000x64xf32, #tpu.memory_space<hbm>>
      tpu.enqueue_indirect_dma source(%dma_start3A_31 : memref<10000x64xf32, #tpu.memory_space<hbm>>) target(%arg10 : memref<1000x64xf32, #tpu.memory_space<vmem>>) offsets(%dma_start3A_28 : memref<1000xi32, #tpu.memory_space<vmem>>) semaphore(%arg12 : memref<!tpu.dma_semaphore, #tpu.memory_space<semaphore_mem>>)
      %dma_wait3A = arith.constant 0 : i32
      %dma_wait3A_32 = arith.constant 0 : i32
      %dma_wait3A_33 = tpu.memref_slice %arg9[%dma_wait3A, %scan3A_25, %dma_wait3A_32] : memref<2x10x1000xi32, #tpu.memory_space<vmem>> -> memref<1x1x1000xi32, #tpu.memory_space<vmem>>
      %dma_wait3A_34 = tpu.memref_squeeze %dma_wait3A_33 : memref<1x1x1000xi32, #tpu.memory_space<vmem>> -> memref<1000xi32, #tpu.memory_space<vmem>>
      %dma_wait3A_35 = arith.constant 0 : i32
      %dma_wait3A_36 = arith.constant 0 : i32
      %dma_wait3A_37 = tpu.memref_slice %arg3[%dma_wait3A_35, %dma_wait3A_36] : memref<10000x64xf32, #tpu.memory_space<hbm>> -> memref<10000x64xf32, #tpu.memory_space<hbm>>
      tpu.wait_indirect_dma semaphore(%arg12 : memref<!tpu.dma_semaphore, #tpu.memory_space<semaphore_mem>>) src(%dma_wait3A_37 : memref<10000x64xf32, #tpu.memory_space<hbm>>) dst(%arg10 : memref<1000x64xf32, #tpu.memory_space<vmem>>)
      %run_scoped3A_38 = arith.constant 1 : i32
      "tpu.region"() ({
        %run_scoped3A_39 = tpu.sem_alloc : memref<!tpu.dma_semaphore, #tpu.memory_space<semaphore_mem>>
        %dma_start3A_40 = arith.constant 0 : i32
        %dma_start3A_41 = tpu.memref_slice %arg9[%run_scoped3A_38, %scan3A_25, %dma_start3A_40] : memref<2x10x1000xi32, #tpu.memory_space<vmem>> -> memref<1x1x1000xi32, #tpu.memory_space<vmem>>
        %dma_start3A_42 = tpu.memref_squeeze %dma_start3A_41 : memref<1x1x1000xi32, #tpu.memory_space<vmem>> -> memref<1000xi32, #tpu.memory_space<vmem>>
        %dma_start3A_43 = arith.constant 0 : i32
        %dma_start3A_44 = arith.constant 0 : i32
        %dma_start3A_45 = tpu.memref_slice %arg11[%dma_start3A_43, %dma_start3A_44] : memref<10240x64xf32, #tpu.memory_space<vmem_shared>> -> memref<10240x64xf32, #tpu.memory_space<vmem_shared>>
        tpu.enqueue_indirect_dma source(%arg10 : memref<1000x64xf32, #tpu.memory_space<vmem>>) target(%dma_start3A_45 : memref<10240x64xf32, #tpu.memory_space<vmem_shared>>) offsets(%dma_start3A_42 : memref<1000xi32, #tpu.memory_space<vmem>>) semaphore(%run_scoped3A_39 : memref<!tpu.dma_semaphore, #tpu.memory_space<semaphore_mem>>) {add = true}
        %dma_wait3A_46 = arith.constant 0 : i32
        %dma_wait3A_47 = tpu.memref_slice %arg9[%run_scoped3A_38, %scan3A_25, %dma_wait3A_46] : memref<2x10x1000xi32, #tpu.memory_space<vmem>> -> memref<1x1x1000xi32, #tpu.memory_space<vmem>>
        %dma_wait3A_48 = tpu.memref_squeeze %dma_wait3A_47 : memref<1x1x1000xi32, #tpu.memory_space<vmem>> -> memref<1000xi32, #tpu.memory_space<vmem>>
        %dma_wait3A_49 = arith.constant 0 : i32
        %dma_wait3A_50 = arith.constant 0 : i32
        %dma_wait3A_51 = tpu.memref_slice %arg11[%dma_wait3A_49, %dma_wait3A_50] : memref<10240x64xf32, #tpu.memory_space<vmem_shared>> -> memref<10240x64xf32, #tpu.memory_space<vmem_shared>>
        tpu.wait_indirect_dma semaphore(%run_scoped3A_39 : memref<!tpu.dma_semaphore, #tpu.memory_space<semaphore_mem>>) src(%arg10 : memref<1000x64xf32, #tpu.memory_space<vmem>>) dst(%dma_wait3A_51 : memref<10240x64xf32, #tpu.memory_space<vmem_shared>>)
        tpu.yield
      }) : () -> ()
    }
    %scan3A_22 = arith.constant 10 : i32
    %barrier3A_23 = arith.constant 0 : index
    tpu.barrier barrier_id(%barrier3A_23)
    "tpu.region"() ({
      %run_scoped3A_25 = tpu.sem_alloc : memref<!tpu.dma_semaphore, #tpu.memory_space<semaphore_mem>>
      %dma_start3A = arith.constant 0 : i32
      %dma_start3A_26 = tpu.memref_slice %arg8[%arg0, %mul3A_2, %dma_start3A] : memref<2x10240x64xf32, #tpu.memory_space<hbm>> -> memref<1x640x64xf32, #tpu.memory_space<hbm>>
      %dma_start3A_27 = tpu.memref_squeeze %dma_start3A_26 : memref<1x640x64xf32, #tpu.memory_space<hbm>> -> memref<640x64xf32, #tpu.memory_space<hbm>>
      %dma_start3A_28 = arith.constant 0 : i32
      %dma_start3A_29 = tpu.memref_slice %arg11[%mul3A_2, %dma_start3A_28] : memref<10240x64xf32, #tpu.memory_space<vmem_shared>> -> memref<640x64xf32, #tpu.memory_space<vmem_shared>>
      tpu.enqueue_dma source(%dma_start3A_29 : memref<640x64xf32, #tpu.memory_space<vmem_shared>>) target(%dma_start3A_27 : memref<640x64xf32, #tpu.memory_space<hbm>>) target_semaphore(%run_scoped3A_25 : memref<!tpu.dma_semaphore, #tpu.memory_space<semaphore_mem>>)
      %dma_wait3A = arith.constant 0 : i32
      %dma_wait3A_30 = tpu.memref_slice %arg8[%arg0, %mul3A_2, %dma_wait3A] : memref<2x10240x64xf32, #tpu.memory_space<hbm>> -> memref<1x640x64xf32, #tpu.memory_space<hbm>>
      %dma_wait3A_31 = tpu.memref_squeeze %dma_wait3A_30 : memref<1x640x64xf32, #tpu.memory_space<hbm>> -> memref<640x64xf32, #tpu.memory_space<hbm>>
      %dma_wait3A_32 = arith.constant 0 : i32
      %dma_wait3A_33 = tpu.memref_slice %arg11[%mul3A_2, %dma_wait3A_32] : memref<10240x64xf32, #tpu.memory_space<vmem_shared>> -> memref<640x64xf32, #tpu.memory_space<vmem_shared>>
      tpu.wait_dma2 semaphore(%run_scoped3A_25 : memref<!tpu.dma_semaphore, #tpu.memory_space<semaphore_mem>>) src(%dma_wait3A_33 : memref<640x64xf32, #tpu.memory_space<vmem_shared>>) dst(%dma_wait3A_31 : memref<640x64xf32, #tpu.memory_space<hbm>>)
      tpu.yield
    }) : () -> ()
    %barrier3A_24 = arith.constant 0 : index
    tpu.barrier barrier_id(%barrier3A_24)
    return
  }
}

module attributes {stable_mosaic.version = 14 : i64} {
  func.func @_t1_body(%arg0: i32, %arg1: memref<2000x128xf32, #tpu.memory_space<vmem>>, %arg2: memref<2000x128xf32, #tpu.memory_space<vmem>>, %arg3: memref<256x128xf32, #tpu.memory_space<vmem>>, %arg4: memref<256x128xf32, #tpu.memory_space<vmem>>, %arg5: memref<256x128xf32, #tpu.memory_space<vmem>>, %arg6: memref<256x128xf32, #tpu.memory_space<vmem>>, %arg7: memref<1000x128xf32, #tpu.memory_space<vmem>>, %arg8: memref<1000x128xf32, #tpu.memory_space<vmem>>, %arg9: memref<1000x128xf32, #tpu.memory_space<vmem>>, %arg10: memref<1000x128xf32, #tpu.memory_space<vmem>>) attributes {dimension_semantics = [#tpu.dimension_semantics<arbitrary>], iteration_bounds = array<i64: 5>, scalar_prefetch = 0 : i64, scratch_operands = 0 : i64, tpu.core_type = #tpu.core_type<tc>, window_params = [{transform_indices = @transform_0, window_bounds = array<i64: 2000, 128>}, {transform_indices = @transform_1, window_bounds = array<i64: 2000, 128>}, {pipeline_mode = #tpu.pipeline_mode<synchronous>, transform_indices = @transform_2, window_bounds = array<i64: 256, 128>}, {pipeline_mode = #tpu.pipeline_mode<synchronous>, transform_indices = @transform_3, window_bounds = array<i64: 256, 128>}, {pipeline_mode = #tpu.pipeline_mode<synchronous>, transform_indices = @transform_4, window_bounds = array<i64: 256, 128>}, {pipeline_mode = #tpu.pipeline_mode<synchronous>, transform_indices = @transform_5, window_bounds = array<i64: 256, 128>}, {transform_indices = @transform_6, window_bounds = array<i64: 1000, 128>}, {transform_indices = @transform_7, window_bounds = array<i64: 1000, 128>}, {transform_indices = @transform_8, window_bounds = array<i64: 1000, 128>}, {transform_indices = @transform_9, window_bounds = array<i64: 1000, 128>}]} {
    %get3A = arith.constant 0 : index
    %get3A_0 = arith.constant 0 : index
    %get3A_1 = vector.load %arg1[%get3A, %get3A_0] : memref<2000x128xf32, #tpu.memory_space<vmem>>, vector<2000x128xf32>
    %reshape3A = vector.shape_cast %get3A_1 : vector<2000x128xf32> to vector<1000x256xf32>
    %get3A_2 = arith.constant 0 : index
    %get3A_3 = arith.constant 0 : index
    %get3A_4 = vector.load %arg2[%get3A_2, %get3A_3] : memref<2000x128xf32, #tpu.memory_space<vmem>>, vector<2000x128xf32>
    %reshape3A_5 = vector.shape_cast %get3A_4 : vector<2000x128xf32> to vector<1000x256xf32>
    %get3A_6 = arith.constant 0 : index
    %get3A_7 = arith.constant 0 : index
    %get3A_8 = vector.load %arg3[%get3A_6, %get3A_7] : memref<256x128xf32, #tpu.memory_space<vmem>>, vector<256x128xf32>
    %dot_general3A = arith.constant dense<0.000000e+00> : vector<1000x128xf32>
    %dot_general3A_9 = tpu.matmul %reshape3A, %get3A_8, %dot_general3A {dimension_numbers = #tpu.dot_dimension_numbers<[1], [0], [0], [1], [0, 0, 1, 1], [], []>, transpose_lhs_hint = false} : vector<1000x256xf32>, vector<256x128xf32>, vector<1000x128xf32> -> vector<1000x128xf32>
    %swap3A = arith.constant 0 : index
    %swap3A_10 = arith.constant 0 : index
    %swap3A_11 = vector.load %arg7[%swap3A, %swap3A_10] : memref<1000x128xf32, #tpu.memory_space<vmem>>, vector<1000x128xf32>
    tpu.vector_store %arg7[%swap3A, %swap3A_10], %dot_general3A_9 {strides = array<i32>} : memref<1000x128xf32, #tpu.memory_space<vmem>>, vector<1000x128xf32>,
    %get3A_12 = arith.constant 0 : index
    %get3A_13 = arith.constant 0 : index
    %get3A_14 = vector.load %arg4[%get3A_12, %get3A_13] : memref<256x128xf32, #tpu.memory_space<vmem>>, vector<256x128xf32>
    %dot_general3A_15 = arith.constant dense<0.000000e+00> : vector<1000x128xf32>
    %dot_general3A_16 = tpu.matmul %reshape3A_5, %get3A_14, %dot_general3A_15 {dimension_numbers = #tpu.dot_dimension_numbers<[1], [0], [0], [1], [0, 0, 1, 1], [], []>, transpose_lhs_hint = false} : vector<1000x256xf32>, vector<256x128xf32>, vector<1000x128xf32> -> vector<1000x128xf32>
    %swap3A_17 = arith.constant 0 : index
    %swap3A_18 = arith.constant 0 : index
    %swap3A_19 = vector.load %arg8[%swap3A_17, %swap3A_18] : memref<1000x128xf32, #tpu.memory_space<vmem>>, vector<1000x128xf32>
    tpu.vector_store %arg8[%swap3A_17, %swap3A_18], %dot_general3A_16 {strides = array<i32>} : memref<1000x128xf32, #tpu.memory_space<vmem>>, vector<1000x128xf32>,
    %get3A_20 = arith.constant 0 : index
    %get3A_21 = arith.constant 0 : index
    %get3A_22 = vector.load %arg5[%get3A_20, %get3A_21] : memref<256x128xf32, #tpu.memory_space<vmem>>, vector<256x128xf32>
    %dot_general3A_23 = arith.constant dense<0.000000e+00> : vector<1000x128xf32>
    %dot_general3A_24 = tpu.matmul %reshape3A, %get3A_22, %dot_general3A_23 {dimension_numbers = #tpu.dot_dimension_numbers<[1], [0], [0], [1], [0, 0, 1, 1], [], []>, transpose_lhs_hint = false} : vector<1000x256xf32>, vector<256x128xf32>, vector<1000x128xf32> -> vector<1000x128xf32>
    %swap3A_25 = arith.constant 0 : index
    %swap3A_26 = arith.constant 0 : index
    %swap3A_27 = vector.load %arg9[%swap3A_25, %swap3A_26] : memref<1000x128xf32, #tpu.memory_space<vmem>>, vector<1000x128xf32>
    tpu.vector_store %arg9[%swap3A_25, %swap3A_26], %dot_general3A_24 {strides = array<i32>} : memref<1000x128xf32, #tpu.memory_space<vmem>>, vector<1000x128xf32>,
    %get3A_28 = arith.constant 0 : index
    %get3A_29 = arith.constant 0 : index
    %get3A_30 = vector.load %arg6[%get3A_28, %get3A_29] : memref<256x128xf32, #tpu.memory_space<vmem>>, vector<256x128xf32>
    %dot_general3A_31 = arith.constant dense<0.000000e+00> : vector<1000x128xf32>
    %dot_general3A_32 = tpu.matmul %reshape3A_5, %get3A_30, %dot_general3A_31 {dimension_numbers = #tpu.dot_dimension_numbers<[1], [0], [0], [1], [0, 0, 1, 1], [], []>, transpose_lhs_hint = false} : vector<1000x256xf32>, vector<256x128xf32>, vector<1000x128xf32> -> vector<1000x128xf32>
    %swap3A_33 = arith.constant 0 : index
    %swap3A_34 = arith.constant 0 : index
    %swap3A_35 = vector.load %arg10[%swap3A_33, %swap3A_34] : memref<1000x128xf32, #tpu.memory_space<vmem>>, vector<1000x128xf32>
    tpu.vector_store %arg10[%swap3A_33, %swap3A_34], %dot_general3A_32 {strides = array<i32>} : memref<1000x128xf32, #tpu.memory_space<vmem>>, vector<1000x128xf32>,
    return
  }
  func.func @transform_0(%arg0: i32) -> (i32, i32) {
    %c0_i32 = arith.constant 0 : i32
    %c0_i32_0 = arith.constant 0 : i32
    return %arg0, %c0_i32 : i32, i32
  }
  func.func @transform_1(%arg0: i32) -> (i32, i32) {
    %c0_i32 = arith.constant 0 : i32
    %c0_i32_0 = arith.constant 0 : i32
    return %arg0, %c0_i32 : i32, i32
  }
  func.func @transform_2(%arg0: i32) -> (i32, i32) {
    %c0_i32 = arith.constant 0 : i32
    %c0_i32_0 = arith.constant 0 : i32
    %c0_i32_1 = arith.constant 0 : i32
    return %c0_i32, %c0_i32_0 : i32, i32
  }
  func.func @transform_3(%arg0: i32) -> (i32, i32) {
    %c0_i32 = arith.constant 0 : i32
    %c0_i32_0 = arith.constant 0 : i32
    %c0_i32_1 = arith.constant 0 : i32
    return %c0_i32, %c0_i32_0 : i32, i32
  }
  func.func @transform_4(%arg0: i32) -> (i32, i32) {
    %c0_i32 = arith.constant 0 : i32
    %c0_i32_0 = arith.constant 0 : i32
    %c0_i32_1 = arith.constant 0 : i32
    return %c0_i32, %c0_i32_0 : i32, i32
  }
  func.func @transform_5(%arg0: i32) -> (i32, i32) {
    %c0_i32 = arith.constant 0 : i32
    %c0_i32_0 = arith.constant 0 : i32
    %c0_i32_1 = arith.constant 0 : i32
    return %c0_i32, %c0_i32_0 : i32, i32
  }
  func.func @transform_6(%arg0: i32) -> (i32, i32) {
    %c0_i32 = arith.constant 0 : i32
    %c0_i32_0 = arith.constant 0 : i32
    return %arg0, %c0_i32 : i32, i32
  }
  func.func @transform_7(%arg0: i32) -> (i32, i32) {
    %c0_i32 = arith.constant 0 : i32
    %c0_i32_0 = arith.constant 0 : i32
    return %arg0, %c0_i32 : i32, i32
  }
  func.func @transform_8(%arg0: i32) -> (i32, i32) {
    %c0_i32 = arith.constant 0 : i32
    %c0_i32_0 = arith.constant 0 : i32
    return %arg0, %c0_i32 : i32, i32
  }
  func.func @transform_9(%arg0: i32) -> (i32, i32) {
    %c0_i32 = arith.constant 0 : i32
    %c0_i32_0 = arith.constant 0 : i32
    return %arg0, %c0_i32 : i32, i32
  }
}

module attributes {stable_mosaic.version = 14 : i64} {
  func.func @_t2h_body(%arg0: i32, %arg1: memref<2x2560x128xf32, #tpu.memory_space<vmem>>, %arg2: memref<2x2560x128xf32, #tpu.memory_space<vmem>>, %arg3: memref<256x128xf32, #tpu.memory_space<vmem>>, %arg4: memref<256x128xf32, #tpu.memory_space<vmem>>, %arg5: memref<1280x128xf32, #tpu.memory_space<vmem>>, %arg6: memref<1280x128xf32, #tpu.memory_space<vmem>>) attributes {dimension_semantics = [#tpu.dimension_semantics<arbitrary>], iteration_bounds = array<i64: 2>, scalar_prefetch = 0 : i64, scratch_operands = 0 : i64, tpu.core_type = #tpu.core_type<tc>, window_params = [{transform_indices = @transform_0, window_bounds = array<i64: 2, 2560, 128>}, {transform_indices = @transform_1, window_bounds = array<i64: 2, 2560, 128>}, {pipeline_mode = #tpu.pipeline_mode<synchronous>, transform_indices = @transform_2, window_bounds = array<i64: 256, 128>}, {pipeline_mode = #tpu.pipeline_mode<synchronous>, transform_indices = @transform_3, window_bounds = array<i64: 256, 128>}, {transform_indices = @transform_4, window_bounds = array<i64: 1280, 128>}, {transform_indices = @transform_5, window_bounds = array<i64: 1280, 128>}]} {
    %get3A = arith.constant 0 : index
    %get3A_0 = arith.constant 0 : index
    %get3A_1 = arith.constant 0 : index
    %get3A_2 = vector.load %arg1[%get3A, %get3A_0, %get3A_1] : memref<2x2560x128xf32, #tpu.memory_space<vmem>>, vector<1x2560x128xf32>
    %get3A_3 = vector.shape_cast %get3A_2 : vector<1x2560x128xf32> to vector<2560x128xf32>
    %get3A_4 = arith.constant 1 : index
    %get3A_5 = arith.constant 0 : index
    %get3A_6 = arith.constant 0 : index
    %get3A_7 = vector.load %arg1[%get3A_4, %get3A_5, %get3A_6] : memref<2x2560x128xf32, #tpu.memory_space<vmem>>, vector<1x2560x128xf32>
    %get3A_8 = vector.shape_cast %get3A_7 : vector<1x2560x128xf32> to vector<2560x128xf32>
    %add3A = arith.addf %get3A_3, %get3A_8 : vector<2560x128xf32>
    %slice3A = vector.extract_strided_slice %add3A {offsets = [0, 0], sizes = [2560, 64], strides = [1, 1]} : vector<2560x128xf32> to vector<2560x64xf32>
    %mul3A = arith.mulf %slice3A, %slice3A : vector<2560x64xf32>
    %reduce_sum3A = arith.constant dense<0.000000e+00> : vector<2560xf32>
    %reduce_sum3A_9 = vector.multi_reduction <add>, %mul3A, %reduce_sum3A [1] : vector<2560x64xf32> to vector<2560xf32>
    %broadcast_in_dim3A = vector.shape_cast %reduce_sum3A_9 : vector<2560xf32> to vector<2560x1xf32>
    %max3A = arith.constant 9.99999996E-13 : f32
    %max3A_10 = vector.broadcast %max3A : f32 to vector<2560x1xf32>
    %max3A_11 = arith.maximumf %broadcast_in_dim3A, %max3A_10 : vector<2560x1xf32>
    %sqrt3A = math.sqrt %max3A_11 : vector<2560x1xf32>
    %div3A = vector.broadcast %sqrt3A : vector<2560x1xf32> to vector<2560x64xf32>
    %div3A_12 = arith.divf %slice3A, %div3A : vector<2560x64xf32>
    %slice3A_13 = vector.extract_strided_slice %add3A {offsets = [0, 64], sizes = [2560, 64], strides = [1, 1]} : vector<2560x128xf32> to vector<2560x64xf32>
    %mul3A_14 = arith.mulf %slice3A_13, %slice3A_13 : vector<2560x64xf32>
    %reduce_sum3A_15 = arith.constant dense<0.000000e+00> : vector<2560xf32>
    %reduce_sum3A_16 = vector.multi_reduction <add>, %mul3A_14, %reduce_sum3A_15 [1] : vector<2560x64xf32> to vector<2560xf32>
    %broadcast_in_dim3A_17 = vector.shape_cast %reduce_sum3A_16 : vector<2560xf32> to vector<2560x1xf32>
    %max3A_18 = arith.constant 9.99999996E-13 : f32
    %max3A_19 = vector.broadcast %max3A_18 : f32 to vector<2560x1xf32>
    %max3A_20 = arith.maximumf %broadcast_in_dim3A_17, %max3A_19 : vector<2560x1xf32>
    %sqrt3A_21 = math.sqrt %max3A_20 : vector<2560x1xf32>
    %div3A_22 = vector.broadcast %sqrt3A_21 : vector<2560x1xf32> to vector<2560x64xf32>
    %div3A_23 = arith.divf %slice3A_13, %div3A_22 : vector<2560x64xf32>
    %concatenate3A = tpu.concatenate %div3A_12, %div3A_23 in 1 : vector<2560x64xf32>, vector<2560x64xf32> -> vector<2560x128xf32>
    %get3A_24 = arith.constant 0 : index
    %get3A_25 = arith.constant 0 : index
    %get3A_26 = arith.constant 0 : index
    %get3A_27 = vector.load %arg2[%get3A_24, %get3A_25, %get3A_26] : memref<2x2560x128xf32, #tpu.memory_space<vmem>>, vector<1x2560x128xf32>
    %get3A_28 = vector.shape_cast %get3A_27 : vector<1x2560x128xf32> to vector<2560x128xf32>
    %get3A_29 = arith.constant 1 : index
    %get3A_30 = arith.constant 0 : index
    %get3A_31 = arith.constant 0 : index
    %get3A_32 = vector.load %arg2[%get3A_29, %get3A_30, %get3A_31] : memref<2x2560x128xf32, #tpu.memory_space<vmem>>, vector<1x2560x128xf32>
    %get3A_33 = vector.shape_cast %get3A_32 : vector<1x2560x128xf32> to vector<2560x128xf32>
    %add3A_34 = arith.addf %get3A_28, %get3A_33 : vector<2560x128xf32>
    %slice3A_35 = vector.extract_strided_slice %add3A_34 {offsets = [0, 0], sizes = [2560, 64], strides = [1, 1]} : vector<2560x128xf32> to vector<2560x64xf32>
    %mul3A_36 = arith.mulf %slice3A_35, %slice3A_35 : vector<2560x64xf32>
    %reduce_sum3A_37 = arith.constant dense<0.000000e+00> : vector<2560xf32>
    %reduce_sum3A_38 = vector.multi_reduction <add>, %mul3A_36, %reduce_sum3A_37 [1] : vector<2560x64xf32> to vector<2560xf32>
    %broadcast_in_dim3A_39 = vector.shape_cast %reduce_sum3A_38 : vector<2560xf32> to vector<2560x1xf32>
    %max3A_40 = arith.constant 9.99999996E-13 : f32
    %max3A_41 = vector.broadcast %max3A_40 : f32 to vector<2560x1xf32>
    %max3A_42 = arith.maximumf %broadcast_in_dim3A_39, %max3A_41 : vector<2560x1xf32>
    %sqrt3A_43 = math.sqrt %max3A_42 : vector<2560x1xf32>
    %div3A_44 = vector.broadcast %sqrt3A_43 : vector<2560x1xf32> to vector<2560x64xf32>
    %div3A_45 = arith.divf %slice3A_35, %div3A_44 : vector<2560x64xf32>
    %slice3A_46 = vector.extract_strided_slice %add3A_34 {offsets = [0, 64], sizes = [2560, 64], strides = [1, 1]} : vector<2560x128xf32> to vector<2560x64xf32>
    %mul3A_47 = arith.mulf %slice3A_46, %slice3A_46 : vector<2560x64xf32>
    %reduce_sum3A_48 = arith.constant dense<0.000000e+00> : vector<2560xf32>
    %reduce_sum3A_49 = vector.multi_reduction <add>, %mul3A_47, %reduce_sum3A_48 [1] : vector<2560x64xf32> to vector<2560xf32>
    %broadcast_in_dim3A_50 = vector.shape_cast %reduce_sum3A_49 : vector<2560xf32> to vector<2560x1xf32>
    %max3A_51 = arith.constant 9.99999996E-13 : f32
    %max3A_52 = vector.broadcast %max3A_51 : f32 to vector<2560x1xf32>
    %max3A_53 = arith.maximumf %broadcast_in_dim3A_50, %max3A_52 : vector<2560x1xf32>
    %sqrt3A_54 = math.sqrt %max3A_53 : vector<2560x1xf32>
    %div3A_55 = vector.broadcast %sqrt3A_54 : vector<2560x1xf32> to vector<2560x64xf32>
    %div3A_56 = arith.divf %slice3A_46, %div3A_55 : vector<2560x64xf32>
    %concatenate3A_57 = tpu.concatenate %div3A_45, %div3A_56 in 1 : vector<2560x64xf32>, vector<2560x64xf32> -> vector<2560x128xf32>
    %add3A_58 = arith.addf %concatenate3A, %concatenate3A_57 : vector<2560x128xf32>
    %max3A_59 = arith.constant 0.000000e+00 : f32
    %max3A_60 = vector.broadcast %max3A_59 : f32 to vector<2560x128xf32>
    %max3A_61 = arith.maximumf %add3A_58, %max3A_60 : vector<2560x128xf32>
    %reshape3A = vector.shape_cast %max3A_61 : vector<2560x128xf32> to vector<1280x256xf32>
    %get3A_62 = arith.constant 0 : index
    %get3A_63 = arith.constant 0 : index
    %get3A_64 = vector.load %arg3[%get3A_62, %get3A_63] : memref<256x128xf32, #tpu.memory_space<vmem>>, vector<256x128xf32>
    %dot_general3A = arith.constant dense<0.000000e+00> : vector<1280x128xf32>
    %dot_general3A_65 = tpu.matmul %reshape3A, %get3A_64, %dot_general3A {dimension_numbers = #tpu.dot_dimension_numbers<[1], [0], [0], [1], [0, 0, 1, 1], [], []>, transpose_lhs_hint = false} : vector<1280x256xf32>, vector<256x128xf32>, vector<1280x128xf32> -> vector<1280x128xf32>
    %swap3A = arith.constant 0 : index
    %swap3A_66 = arith.constant 0 : index
    %swap3A_67 = vector.load %arg5[%swap3A, %swap3A_66] : memref<1280x128xf32, #tpu.memory_space<vmem>>, vector<1280x128xf32>
    tpu.vector_store %arg5[%swap3A, %swap3A_66], %dot_general3A_65 {strides = array<i32>} : memref<1280x128xf32, #tpu.memory_space<vmem>>, vector<1280x128xf32>,
    %get3A_68 = arith.constant 0 : index
    %get3A_69 = arith.constant 0 : index
    %get3A_70 = vector.load %arg4[%get3A_68, %get3A_69] : memref<256x128xf32, #tpu.memory_space<vmem>>, vector<256x128xf32>
    %dot_general3A_71 = arith.constant dense<0.000000e+00> : vector<1280x128xf32>
    %dot_general3A_72 = tpu.matmul %reshape3A, %get3A_70, %dot_general3A_71 {dimension_numbers = #tpu.dot_dimension_numbers<[1], [0], [0], [1], [0, 0, 1, 1], [], []>, transpose_lhs_hint = false} : vector<1280x256xf32>, vector<256x128xf32>, vector<1280x128xf32> -> vector<1280x128xf32>
    %swap3A_73 = arith.constant 0 : index
    %swap3A_74 = arith.constant 0 : index
    %swap3A_75 = vector.load %arg6[%swap3A_73, %swap3A_74] : memref<1280x128xf32, #tpu.memory_space<vmem>>, vector<1280x128xf32>
    tpu.vector_store %arg6[%swap3A_73, %swap3A_74], %dot_general3A_72 {strides = array<i32>} : memref<1280x128xf32, #tpu.memory_space<vmem>>, vector<1280x128xf32>,
    return
  }
  func.func @transform_0(%arg0: i32) -> (i32, i32, i32) {
    %c0_i32 = arith.constant 0 : i32
    %c0_i32_0 = arith.constant 0 : i32
    %c0_i32_1 = arith.constant 0 : i32
    return %c0_i32, %arg0, %c0_i32_0 : i32, i32, i32
  }
  func.func @transform_1(%arg0: i32) -> (i32, i32, i32) {
    %c0_i32 = arith.constant 0 : i32
    %c0_i32_0 = arith.constant 0 : i32
    %c0_i32_1 = arith.constant 0 : i32
    return %c0_i32, %arg0, %c0_i32_0 : i32, i32, i32
  }
  func.func @transform_2(%arg0: i32) -> (i32, i32) {
    %c0_i32 = arith.constant 0 : i32
    %c0_i32_0 = arith.constant 0 : i32
    %c0_i32_1 = arith.constant 0 : i32
    return %c0_i32, %c0_i32_0 : i32, i32
  }
  func.func @transform_3(%arg0: i32) -> (i32, i32) {
    %c0_i32 = arith.constant 0 : i32
    %c0_i32_0 = arith.constant 0 : i32
    %c0_i32_1 = arith.constant 0 : i32
    return %c0_i32, %c0_i32_0 : i32, i32
  }
  func.func @transform_4(%arg0: i32) -> (i32, i32) {
    %c0_i32 = arith.constant 0 : i32
    %c0_i32_0 = arith.constant 0 : i32
    return %arg0, %c0_i32 : i32, i32
  }
  func.func @transform_5(%arg0: i32) -> (i32, i32) {
    %c0_i32 = arith.constant 0 : i32
    %c0_i32_0 = arith.constant 0 : i32
    return %arg0, %c0_i32 : i32, i32
  }
}

module attributes {stable_mosaic.version = 14 : i64} {
  func.func @_t3_body(%arg0: i32, %arg1: memref<2x512x128xf32, #tpu.memory_space<vmem>>, %arg2: memref<2x512x128xf32, #tpu.memory_space<vmem>>, %arg3: memref<2x512x128xf32, #tpu.memory_space<vmem>>, %arg4: memref<2x512x128xf32, #tpu.memory_space<vmem>>, %arg5: memref<512x128xf32, #tpu.memory_space<vmem>>, %arg6: memref<512x128xf32, #tpu.memory_space<vmem>>) attributes {dimension_semantics = [#tpu.dimension_semantics<arbitrary>], iteration_bounds = array<i64: 5>, scalar_prefetch = 0 : i64, scratch_operands = 0 : i64, tpu.core_type = #tpu.core_type<tc>, window_params = [{transform_indices = @transform_0, window_bounds = array<i64: 2, 512, 128>}, {transform_indices = @transform_1, window_bounds = array<i64: 2, 512, 128>}, {transform_indices = @transform_2, window_bounds = array<i64: 2, 512, 128>}, {transform_indices = @transform_3, window_bounds = array<i64: 2, 512, 128>}, {transform_indices = @transform_4, window_bounds = array<i64: 512, 128>}, {transform_indices = @transform_5, window_bounds = array<i64: 512, 128>}]} {
    %get3A = arith.constant 0 : index
    %get3A_0 = arith.constant 0 : index
    %get3A_1 = arith.constant 0 : index
    %get3A_2 = vector.load %arg1[%get3A, %get3A_0, %get3A_1] : memref<2x512x128xf32, #tpu.memory_space<vmem>>, vector<1x512x128xf32>
    %get3A_3 = vector.shape_cast %get3A_2 : vector<1x512x128xf32> to vector<512x128xf32>
    %get3A_4 = arith.constant 1 : index
    %get3A_5 = arith.constant 0 : index
    %get3A_6 = arith.constant 0 : index
    %get3A_7 = vector.load %arg1[%get3A_4, %get3A_5, %get3A_6] : memref<2x512x128xf32, #tpu.memory_space<vmem>>, vector<1x512x128xf32>
    %get3A_8 = vector.shape_cast %get3A_7 : vector<1x512x128xf32> to vector<512x128xf32>
    %add3A = arith.addf %get3A_3, %get3A_8 : vector<512x128xf32>
    %slice3A = vector.extract_strided_slice %add3A {offsets = [0, 0], sizes = [512, 32], strides = [1, 1]} : vector<512x128xf32> to vector<512x32xf32>
    %mul3A = arith.mulf %slice3A, %slice3A : vector<512x32xf32>
    %reduce_sum3A = arith.constant dense<0.000000e+00> : vector<512xf32>
    %reduce_sum3A_9 = vector.multi_reduction <add>, %mul3A, %reduce_sum3A [1] : vector<512x32xf32> to vector<512xf32>
    %broadcast_in_dim3A = vector.shape_cast %reduce_sum3A_9 : vector<512xf32> to vector<512x1xf32>
    %max3A = arith.constant 9.99999996E-13 : f32
    %max3A_10 = vector.broadcast %max3A : f32 to vector<512x1xf32>
    %max3A_11 = arith.maximumf %broadcast_in_dim3A, %max3A_10 : vector<512x1xf32>
    %sqrt3A = math.sqrt %max3A_11 : vector<512x1xf32>
    %div3A = vector.broadcast %sqrt3A : vector<512x1xf32> to vector<512x32xf32>
    %div3A_12 = arith.divf %slice3A, %div3A : vector<512x32xf32>
    %slice3A_13 = vector.extract_strided_slice %add3A {offsets = [0, 32], sizes = [512, 32], strides = [1, 1]} : vector<512x128xf32> to vector<512x32xf32>
    %mul3A_14 = arith.mulf %slice3A_13, %slice3A_13 : vector<512x32xf32>
    %reduce_sum3A_15 = arith.constant dense<0.000000e+00> : vector<512xf32>
    %reduce_sum3A_16 = vector.multi_reduction <add>, %mul3A_14, %reduce_sum3A_15 [1] : vector<512x32xf32> to vector<512xf32>
    %broadcast_in_dim3A_17 = vector.shape_cast %reduce_sum3A_16 : vector<512xf32> to vector<512x1xf32>
    %max3A_18 = arith.constant 9.99999996E-13 : f32
    %max3A_19 = vector.broadcast %max3A_18 : f32 to vector<512x1xf32>
    %max3A_20 = arith.maximumf %broadcast_in_dim3A_17, %max3A_19 : vector<512x1xf32>
    %sqrt3A_21 = math.sqrt %max3A_20 : vector<512x1xf32>
    %div3A_22 = vector.broadcast %sqrt3A_21 : vector<512x1xf32> to vector<512x32xf32>
    %div3A_23 = arith.divf %slice3A_13, %div3A_22 : vector<512x32xf32>
    %slice3A_24 = vector.extract_strided_slice %add3A {offsets = [0, 64], sizes = [512, 32], strides = [1, 1]} : vector<512x128xf32> to vector<512x32xf32>
    %mul3A_25 = arith.mulf %slice3A_24, %slice3A_24 : vector<512x32xf32>
    %reduce_sum3A_26 = arith.constant dense<0.000000e+00> : vector<512xf32>
    %reduce_sum3A_27 = vector.multi_reduction <add>, %mul3A_25, %reduce_sum3A_26 [1] : vector<512x32xf32> to vector<512xf32>
    %broadcast_in_dim3A_28 = vector.shape_cast %reduce_sum3A_27 : vector<512xf32> to vector<512x1xf32>
    %max3A_29 = arith.constant 9.99999996E-13 : f32
    %max3A_30 = vector.broadcast %max3A_29 : f32 to vector<512x1xf32>
    %max3A_31 = arith.maximumf %broadcast_in_dim3A_28, %max3A_30 : vector<512x1xf32>
    %sqrt3A_32 = math.sqrt %max3A_31 : vector<512x1xf32>
    %div3A_33 = vector.broadcast %sqrt3A_32 : vector<512x1xf32> to vector<512x32xf32>
    %div3A_34 = arith.divf %slice3A_24, %div3A_33 : vector<512x32xf32>
    %slice3A_35 = vector.extract_strided_slice %add3A {offsets = [0, 96], sizes = [512, 32], strides = [1, 1]} : vector<512x128xf32> to vector<512x32xf32>
    %mul3A_36 = arith.mulf %slice3A_35, %slice3A_35 : vector<512x32xf32>
    %reduce_sum3A_37 = arith.constant dense<0.000000e+00> : vector<512xf32>
    %reduce_sum3A_38 = vector.multi_reduction <add>, %mul3A_36, %reduce_sum3A_37 [1] : vector<512x32xf32> to vector<512xf32>
    %broadcast_in_dim3A_39 = vector.shape_cast %reduce_sum3A_38 : vector<512xf32> to vector<512x1xf32>
    %max3A_40 = arith.constant 9.99999996E-13 : f32
    %max3A_41 = vector.broadcast %max3A_40 : f32 to vector<512x1xf32>
    %max3A_42 = arith.maximumf %broadcast_in_dim3A_39, %max3A_41 : vector<512x1xf32>
    %sqrt3A_43 = math.sqrt %max3A_42 : vector<512x1xf32>
    %div3A_44 = vector.broadcast %sqrt3A_43 : vector<512x1xf32> to vector<512x32xf32>
    %div3A_45 = arith.divf %slice3A_35, %div3A_44 : vector<512x32xf32>
    %concatenate3A = tpu.concatenate %div3A_12, %div3A_23, %div3A_34, %div3A_45 in 1 : vector<512x32xf32>, vector<512x32xf32>, vector<512x32xf32>, vector<512x32xf32> -> vector<512x128xf32>
    %get3A_46 = arith.constant 0 : index
    %get3A_47 = arith.constant 0 : index
    %get3A_48 = arith.constant 0 : index
    %get3A_49 = vector.load %arg2[%get3A_46, %get3A_47, %get3A_48] : memref<2x512x128xf32, #tpu.memory_space<vmem>>, vector<1x512x128xf32>
    %get3A_50 = vector.shape_cast %get3A_49 : vector<1x512x128xf32> to vector<512x128xf32>
    %get3A_51 = arith.constant 1 : index
    %get3A_52 = arith.constant 0 : index
    %get3A_53 = arith.constant 0 : index
    %get3A_54 = vector.load %arg2[%get3A_51, %get3A_52, %get3A_53] : memref<2x512x128xf32, #tpu.memory_space<vmem>>, vector<1x512x128xf32>
    %get3A_55 = vector.shape_cast %get3A_54 : vector<1x512x128xf32> to vector<512x128xf32>
    %add3A_56 = arith.addf %get3A_50, %get3A_55 : vector<512x128xf32>
    %slice3A_57 = vector.extract_strided_slice %add3A_56 {offsets = [0, 0], sizes = [512, 32], strides = [1, 1]} : vector<512x128xf32> to vector<512x32xf32>
    %mul3A_58 = arith.mulf %slice3A_57, %slice3A_57 : vector<512x32xf32>
    %reduce_sum3A_59 = arith.constant dense<0.000000e+00> : vector<512xf32>
    %reduce_sum3A_60 = vector.multi_reduction <add>, %mul3A_58, %reduce_sum3A_59 [1] : vector<512x32xf32> to vector<512xf32>
    %broadcast_in_dim3A_61 = vector.shape_cast %reduce_sum3A_60 : vector<512xf32> to vector<512x1xf32>
    %max3A_62 = arith.constant 9.99999996E-13 : f32
    %max3A_63 = vector.broadcast %max3A_62 : f32 to vector<512x1xf32>
    %max3A_64 = arith.maximumf %broadcast_in_dim3A_61, %max3A_63 : vector<512x1xf32>
    %sqrt3A_65 = math.sqrt %max3A_64 : vector<512x1xf32>
    %div3A_66 = vector.broadcast %sqrt3A_65 : vector<512x1xf32> to vector<512x32xf32>
    %div3A_67 = arith.divf %slice3A_57, %div3A_66 : vector<512x32xf32>
    %slice3A_68 = vector.extract_strided_slice %add3A_56 {offsets = [0, 32], sizes = [512, 32], strides = [1, 1]} : vector<512x128xf32> to vector<512x32xf32>
    %mul3A_69 = arith.mulf %slice3A_68, %slice3A_68 : vector<512x32xf32>
    %reduce_sum3A_70 = arith.constant dense<0.000000e+00> : vector<512xf32>
    %reduce_sum3A_71 = vector.multi_reduction <add>, %mul3A_69, %reduce_sum3A_70 [1] : vector<512x32xf32> to vector<512xf32>
    %broadcast_in_dim3A_72 = vector.shape_cast %reduce_sum3A_71 : vector<512xf32> to vector<512x1xf32>
    %max3A_73 = arith.constant 9.99999996E-13 : f32
    %max3A_74 = vector.broadcast %max3A_73 : f32 to vector<512x1xf32>
    %max3A_75 = arith.maximumf %broadcast_in_dim3A_72, %max3A_74 : vector<512x1xf32>
    %sqrt3A_76 = math.sqrt %max3A_75 : vector<512x1xf32>
    %div3A_77 = vector.broadcast %sqrt3A_76 : vector<512x1xf32> to vector<512x32xf32>
    %div3A_78 = arith.divf %slice3A_68, %div3A_77 : vector<512x32xf32>
    %slice3A_79 = vector.extract_strided_slice %add3A_56 {offsets = [0, 64], sizes = [512, 32], strides = [1, 1]} : vector<512x128xf32> to vector<512x32xf32>
    %mul3A_80 = arith.mulf %slice3A_79, %slice3A_79 : vector<512x32xf32>
    %reduce_sum3A_81 = arith.constant dense<0.000000e+00> : vector<512xf32>
    %reduce_sum3A_82 = vector.multi_reduction <add>, %mul3A_80, %reduce_sum3A_81 [1] : vector<512x32xf32> to vector<512xf32>
    %broadcast_in_dim3A_83 = vector.shape_cast %reduce_sum3A_82 : vector<512xf32> to vector<512x1xf32>
    %max3A_84 = arith.constant 9.99999996E-13 : f32
    %max3A_85 = vector.broadcast %max3A_84 : f32 to vector<512x1xf32>
    %max3A_86 = arith.maximumf %broadcast_in_dim3A_83, %max3A_85 : vector<512x1xf32>
    %sqrt3A_87 = math.sqrt %max3A_86 : vector<512x1xf32>
    %div3A_88 = vector.broadcast %sqrt3A_87 : vector<512x1xf32> to vector<512x32xf32>
    %div3A_89 = arith.divf %slice3A_79, %div3A_88 : vector<512x32xf32>
    %slice3A_90 = vector.extract_strided_slice %add3A_56 {offsets = [0, 96], sizes = [512, 32], strides = [1, 1]} : vector<512x128xf32> to vector<512x32xf32>
    %mul3A_91 = arith.mulf %slice3A_90, %slice3A_90 : vector<512x32xf32>
    %reduce_sum3A_92 = arith.constant dense<0.000000e+00> : vector<512xf32>
    %reduce_sum3A_93 = vector.multi_reduction <add>, %mul3A_91, %reduce_sum3A_92 [1] : vector<512x32xf32> to vector<512xf32>
    %broadcast_in_dim3A_94 = vector.shape_cast %reduce_sum3A_93 : vector<512xf32> to vector<512x1xf32>
    %max3A_95 = arith.constant 9.99999996E-13 : f32
    %max3A_96 = vector.broadcast %max3A_95 : f32 to vector<512x1xf32>
    %max3A_97 = arith.maximumf %broadcast_in_dim3A_94, %max3A_96 : vector<512x1xf32>
    %sqrt3A_98 = math.sqrt %max3A_97 : vector<512x1xf32>
    %div3A_99 = vector.broadcast %sqrt3A_98 : vector<512x1xf32> to vector<512x32xf32>
    %div3A_100 = arith.divf %slice3A_90, %div3A_99 : vector<512x32xf32>
    %concatenate3A_101 = tpu.concatenate %div3A_67, %div3A_78, %div3A_89, %div3A_100 in 1 : vector<512x32xf32>, vector<512x32xf32>, vector<512x32xf32>, vector<512x32xf32> -> vector<512x128xf32>
    %add3A_102 = arith.addf %concatenate3A, %concatenate3A_101 : vector<512x128xf32>
    %swap3A = arith.constant 0 : index
    %swap3A_103 = arith.constant 0 : index
    %swap3A_104 = vector.load %arg5[%swap3A, %swap3A_103] : memref<512x128xf32, #tpu.memory_space<vmem>>, vector<512x128xf32>
    tpu.vector_store %arg5[%swap3A, %swap3A_103], %add3A_102 {strides = array<i32>} : memref<512x128xf32, #tpu.memory_space<vmem>>, vector<512x128xf32>,
    %get3A_105 = arith.constant 0 : index
    %get3A_106 = arith.constant 0 : index
    %get3A_107 = arith.constant 0 : index
    %get3A_108 = vector.load %arg3[%get3A_105, %get3A_106, %get3A_107] : memref<2x512x128xf32, #tpu.memory_space<vmem>>, vector<1x512x128xf32>
    %get3A_109 = vector.shape_cast %get3A_108 : vector<1x512x128xf32> to vector<512x128xf32>
    %get3A_110 = arith.constant 1 : index
    %get3A_111 = arith.constant 0 : index
    %get3A_112 = arith.constant 0 : index
    %get3A_113 = vector.load %arg3[%get3A_110, %get3A_111, %get3A_112] : memref<2x512x128xf32, #tpu.memory_space<vmem>>, vector<1x512x128xf32>
    %get3A_114 = vector.shape_cast %get3A_113 : vector<1x512x128xf32> to vector<512x128xf32>
    %add3A_115 = arith.addf %get3A_109, %get3A_114 : vector<512x128xf32>
    %slice3A_116 = vector.extract_strided_slice %add3A_115 {offsets = [0, 0], sizes = [512, 32], strides = [1, 1]} : vector<512x128xf32> to vector<512x32xf32>
    %mul3A_117 = arith.mulf %slice3A_116, %slice3A_116 : vector<512x32xf32>
    %reduce_sum3A_118 = arith.constant dense<0.000000e+00> : vector<512xf32>
    %reduce_sum3A_119 = vector.multi_reduction <add>, %mul3A_117, %reduce_sum3A_118 [1] : vector<512x32xf32> to vector<512xf32>
    %broadcast_in_dim3A_120 = vector.shape_cast %reduce_sum3A_119 : vector<512xf32> to vector<512x1xf32>
    %max3A_121 = arith.constant 9.99999996E-13 : f32
    %max3A_122 = vector.broadcast %max3A_121 : f32 to vector<512x1xf32>
    %max3A_123 = arith.maximumf %broadcast_in_dim3A_120, %max3A_122 : vector<512x1xf32>
    %sqrt3A_124 = math.sqrt %max3A_123 : vector<512x1xf32>
    %div3A_125 = vector.broadcast %sqrt3A_124 : vector<512x1xf32> to vector<512x32xf32>
    %div3A_126 = arith.divf %slice3A_116, %div3A_125 : vector<512x32xf32>
    %slice3A_127 = vector.extract_strided_slice %add3A_115 {offsets = [0, 32], sizes = [512, 32], strides = [1, 1]} : vector<512x128xf32> to vector<512x32xf32>
    %mul3A_128 = arith.mulf %slice3A_127, %slice3A_127 : vector<512x32xf32>
    %reduce_sum3A_129 = arith.constant dense<0.000000e+00> : vector<512xf32>
    %reduce_sum3A_130 = vector.multi_reduction <add>, %mul3A_128, %reduce_sum3A_129 [1] : vector<512x32xf32> to vector<512xf32>
    %broadcast_in_dim3A_131 = vector.shape_cast %reduce_sum3A_130 : vector<512xf32> to vector<512x1xf32>
    %max3A_132 = arith.constant 9.99999996E-13 : f32
    %max3A_133 = vector.broadcast %max3A_132 : f32 to vector<512x1xf32>
    %max3A_134 = arith.maximumf %broadcast_in_dim3A_131, %max3A_133 : vector<512x1xf32>
    %sqrt3A_135 = math.sqrt %max3A_134 : vector<512x1xf32>
    %div3A_136 = vector.broadcast %sqrt3A_135 : vector<512x1xf32> to vector<512x32xf32>
    %div3A_137 = arith.divf %slice3A_127, %div3A_136 : vector<512x32xf32>
    %slice3A_138 = vector.extract_strided_slice %add3A_115 {offsets = [0, 64], sizes = [512, 32], strides = [1, 1]} : vector<512x128xf32> to vector<512x32xf32>
    %mul3A_139 = arith.mulf %slice3A_138, %slice3A_138 : vector<512x32xf32>
    %reduce_sum3A_140 = arith.constant dense<0.000000e+00> : vector<512xf32>
    %reduce_sum3A_141 = vector.multi_reduction <add>, %mul3A_139, %reduce_sum3A_140 [1] : vector<512x32xf32> to vector<512xf32>
    %broadcast_in_dim3A_142 = vector.shape_cast %reduce_sum3A_141 : vector<512xf32> to vector<512x1xf32>
    %max3A_143 = arith.constant 9.99999996E-13 : f32
    %max3A_144 = vector.broadcast %max3A_143 : f32 to vector<512x1xf32>
    %max3A_145 = arith.maximumf %broadcast_in_dim3A_142, %max3A_144 : vector<512x1xf32>
    %sqrt3A_146 = math.sqrt %max3A_145 : vector<512x1xf32>
    %div3A_147 = vector.broadcast %sqrt3A_146 : vector<512x1xf32> to vector<512x32xf32>
    %div3A_148 = arith.divf %slice3A_138, %div3A_147 : vector<512x32xf32>
    %slice3A_149 = vector.extract_strided_slice %add3A_115 {offsets = [0, 96], sizes = [512, 32], strides = [1, 1]} : vector<512x128xf32> to vector<512x32xf32>
    %mul3A_150 = arith.mulf %slice3A_149, %slice3A_149 : vector<512x32xf32>
    %reduce_sum3A_151 = arith.constant dense<0.000000e+00> : vector<512xf32>
    %reduce_sum3A_152 = vector.multi_reduction <add>, %mul3A_150, %reduce_sum3A_151 [1] : vector<512x32xf32> to vector<512xf32>
    %broadcast_in_dim3A_153 = vector.shape_cast %reduce_sum3A_152 : vector<512xf32> to vector<512x1xf32>
    %max3A_154 = arith.constant 9.99999996E-13 : f32
    %max3A_155 = vector.broadcast %max3A_154 : f32 to vector<512x1xf32>
    %max3A_156 = arith.maximumf %broadcast_in_dim3A_153, %max3A_155 : vector<512x1xf32>
    %sqrt3A_157 = math.sqrt %max3A_156 : vector<512x1xf32>
    %div3A_158 = vector.broadcast %sqrt3A_157 : vector<512x1xf32> to vector<512x32xf32>
    %div3A_159 = arith.divf %slice3A_149, %div3A_158 : vector<512x32xf32>
    %concatenate3A_160 = tpu.concatenate %div3A_126, %div3A_137, %div3A_148, %div3A_159 in 1 : vector<512x32xf32>, vector<512x32xf32>, vector<512x32xf32>, vector<512x32xf32> -> vector<512x128xf32>
    %get3A_161 = arith.constant 0 : index
    %get3A_162 = arith.constant 0 : index
    %get3A_163 = arith.constant 0 : index
    %get3A_164 = vector.load %arg4[%get3A_161, %get3A_162, %get3A_163] : memref<2x512x128xf32, #tpu.memory_space<vmem>>, vector<1x512x128xf32>
    %get3A_165 = vector.shape_cast %get3A_164 : vector<1x512x128xf32> to vector<512x128xf32>
    %get3A_166 = arith.constant 1 : index
    %get3A_167 = arith.constant 0 : index
    %get3A_168 = arith.constant 0 : index
    %get3A_169 = vector.load %arg4[%get3A_166, %get3A_167, %get3A_168] : memref<2x512x128xf32, #tpu.memory_space<vmem>>, vector<1x512x128xf32>
    %get3A_170 = vector.shape_cast %get3A_169 : vector<1x512x128xf32> to vector<512x128xf32>
    %add3A_171 = arith.addf %get3A_165, %get3A_170 : vector<512x128xf32>
    %slice3A_172 = vector.extract_strided_slice %add3A_171 {offsets = [0, 0], sizes = [512, 32], strides = [1, 1]} : vector<512x128xf32> to vector<512x32xf32>
    %mul3A_173 = arith.mulf %slice3A_172, %slice3A_172 : vector<512x32xf32>
    %reduce_sum3A_174 = arith.constant dense<0.000000e+00> : vector<512xf32>
    %reduce_sum3A_175 = vector.multi_reduction <add>, %mul3A_173, %reduce_sum3A_174 [1] : vector<512x32xf32> to vector<512xf32>
    %broadcast_in_dim3A_176 = vector.shape_cast %reduce_sum3A_175 : vector<512xf32> to vector<512x1xf32>
    %max3A_177 = arith.constant 9.99999996E-13 : f32
    %max3A_178 = vector.broadcast %max3A_177 : f32 to vector<512x1xf32>
    %max3A_179 = arith.maximumf %broadcast_in_dim3A_176, %max3A_178 : vector<512x1xf32>
    %sqrt3A_180 = math.sqrt %max3A_179 : vector<512x1xf32>
    %div3A_181 = vector.broadcast %sqrt3A_180 : vector<512x1xf32> to vector<512x32xf32>
    %div3A_182 = arith.divf %slice3A_172, %div3A_181 : vector<512x32xf32>
    %slice3A_183 = vector.extract_strided_slice %add3A_171 {offsets = [0, 32], sizes = [512, 32], strides = [1, 1]} : vector<512x128xf32> to vector<512x32xf32>
    %mul3A_184 = arith.mulf %slice3A_183, %slice3A_183 : vector<512x32xf32>
    %reduce_sum3A_185 = arith.constant dense<0.000000e+00> : vector<512xf32>
    %reduce_sum3A_186 = vector.multi_reduction <add>, %mul3A_184, %reduce_sum3A_185 [1] : vector<512x32xf32> to vector<512xf32>
    %broadcast_in_dim3A_187 = vector.shape_cast %reduce_sum3A_186 : vector<512xf32> to vector<512x1xf32>
    %max3A_188 = arith.constant 9.99999996E-13 : f32
    %max3A_189 = vector.broadcast %max3A_188 : f32 to vector<512x1xf32>
    %max3A_190 = arith.maximumf %broadcast_in_dim3A_187, %max3A_189 : vector<512x1xf32>
    %sqrt3A_191 = math.sqrt %max3A_190 : vector<512x1xf32>
    %div3A_192 = vector.broadcast %sqrt3A_191 : vector<512x1xf32> to vector<512x32xf32>
    %div3A_193 = arith.divf %slice3A_183, %div3A_192 : vector<512x32xf32>
    %slice3A_194 = vector.extract_strided_slice %add3A_171 {offsets = [0, 64], sizes = [512, 32], strides = [1, 1]} : vector<512x128xf32> to vector<512x32xf32>
    %mul3A_195 = arith.mulf %slice3A_194, %slice3A_194 : vector<512x32xf32>
    %reduce_sum3A_196 = arith.constant dense<0.000000e+00> : vector<512xf32>
    %reduce_sum3A_197 = vector.multi_reduction <add>, %mul3A_195, %reduce_sum3A_196 [1] : vector<512x32xf32> to vector<512xf32>
    %broadcast_in_dim3A_198 = vector.shape_cast %reduce_sum3A_197 : vector<512xf32> to vector<512x1xf32>
    %max3A_199 = arith.constant 9.99999996E-13 : f32
    %max3A_200 = vector.broadcast %max3A_199 : f32 to vector<512x1xf32>
    %max3A_201 = arith.maximumf %broadcast_in_dim3A_198, %max3A_200 : vector<512x1xf32>
    %sqrt3A_202 = math.sqrt %max3A_201 : vector<512x1xf32>
    %div3A_203 = vector.broadcast %sqrt3A_202 : vector<512x1xf32> to vector<512x32xf32>
    %div3A_204 = arith.divf %slice3A_194, %div3A_203 : vector<512x32xf32>
    %slice3A_205 = vector.extract_strided_slice %add3A_171 {offsets = [0, 96], sizes = [512, 32], strides = [1, 1]} : vector<512x128xf32> to vector<512x32xf32>
    %mul3A_206 = arith.mulf %slice3A_205, %slice3A_205 : vector<512x32xf32>
    %reduce_sum3A_207 = arith.constant dense<0.000000e+00> : vector<512xf32>
    %reduce_sum3A_208 = vector.multi_reduction <add>, %mul3A_206, %reduce_sum3A_207 [1] : vector<512x32xf32> to vector<512xf32>
    %broadcast_in_dim3A_209 = vector.shape_cast %reduce_sum3A_208 : vector<512xf32> to vector<512x1xf32>
    %max3A_210 = arith.constant 9.99999996E-13 : f32
    %max3A_211 = vector.broadcast %max3A_210 : f32 to vector<512x1xf32>
    %max3A_212 = arith.maximumf %broadcast_in_dim3A_209, %max3A_211 : vector<512x1xf32>
    %sqrt3A_213 = math.sqrt %max3A_212 : vector<512x1xf32>
    %div3A_214 = vector.broadcast %sqrt3A_213 : vector<512x1xf32> to vector<512x32xf32>
    %div3A_215 = arith.divf %slice3A_205, %div3A_214 : vector<512x32xf32>
    %concatenate3A_216 = tpu.concatenate %div3A_182, %div3A_193, %div3A_204, %div3A_215 in 1 : vector<512x32xf32>, vector<512x32xf32>, vector<512x32xf32>, vector<512x32xf32> -> vector<512x128xf32>
    %add3A_217 = arith.addf %concatenate3A_160, %concatenate3A_216 : vector<512x128xf32>
    %swap3A_218 = arith.constant 0 : index
    %swap3A_219 = arith.constant 0 : index
    %swap3A_220 = vector.load %arg6[%swap3A_218, %swap3A_219] : memref<512x128xf32, #tpu.memory_space<vmem>>, vector<512x128xf32>
    tpu.vector_store %arg6[%swap3A_218, %swap3A_219], %add3A_217 {strides = array<i32>} : memref<512x128xf32, #tpu.memory_space<vmem>>, vector<512x128xf32>,
    return
  }
  func.func @transform_0(%arg0: i32) -> (i32, i32, i32) {
    %c0_i32 = arith.constant 0 : i32
    %c0_i32_0 = arith.constant 0 : i32
    %c0_i32_1 = arith.constant 0 : i32
    return %c0_i32, %arg0, %c0_i32_0 : i32, i32, i32
  }
  func.func @transform_1(%arg0: i32) -> (i32, i32, i32) {
    %c0_i32 = arith.constant 0 : i32
    %c0_i32_0 = arith.constant 0 : i32
    %c0_i32_1 = arith.constant 0 : i32
    return %c0_i32, %arg0, %c0_i32_0 : i32, i32, i32
  }
  func.func @transform_2(%arg0: i32) -> (i32, i32, i32) {
    %c0_i32 = arith.constant 0 : i32
    %c0_i32_0 = arith.constant 0 : i32
    %c0_i32_1 = arith.constant 0 : i32
    return %c0_i32, %arg0, %c0_i32_0 : i32, i32, i32
  }
  func.func @transform_3(%arg0: i32) -> (i32, i32, i32) {
    %c0_i32 = arith.constant 0 : i32
    %c0_i32_0 = arith.constant 0 : i32
    %c0_i32_1 = arith.constant 0 : i32
    return %c0_i32, %arg0, %c0_i32_0 : i32, i32, i32
  }
  func.func @transform_4(%arg0: i32) -> (i32, i32) {
    %c0_i32 = arith.constant 0 : i32
    %c0_i32_0 = arith.constant 0 : i32
    return %arg0, %c0_i32 : i32, i32
  }
  func.func @transform_5(%arg0: i32) -> (i32, i32) {
    %c0_i32 = arith.constant 0 : i32
    %c0_i32_0 = arith.constant 0 : i32
    return %arg0, %c0_i32 : i32, i32
  }
}

</mosaic_0001>

<sc_bundles>
// kernel: kernel.10.cloned.1.call-start
scs
__scs_entry_jumppad:
0x0: {  	(pc) =	sbr.rel $0x88, $3  }
0x1: {  	(tag) =	ssettag $0x0;
	lr =	simm.s32 $0x1  }
0x2: {  	[smem:$0x3F93] =	sst lr;
	_ =	strace $0xD0000000  }
0x3: {  	_ = 	snop  }
0x4: {  	_ = 	snop  }
0x5: {  	_ = 	snop  }
0x6: {  	_ = 	snop  }
0x7: {  	_ = 	snop  }
__scs_overlays_trampoline_lowered:
0x8: {  	[smem:$0x3FA2] =	sst s0  }
0x9: {  	[smem:$0x3FA3] =	sst s1  }
0xa: {  	[smem:$0x3FA4] =	sst s2  }
0xb: {  	[smem:$0x3FA5] =	sst s3  }
0xc: {  	[smem:$0x3FA6] =	sst s4  }
0xd: {  	[smem:$0x3FA7] =	sst s5  }
0xe: {  	[smem:$0x3FA8] =	sst s6  }
0xf: {  	[smem:$0x3FA9] =	sst s7  }
0x10: {  	[smem:$0x3FAA] =	sst s8  }
0x11: {  	[smem:$0x3FAB] =	sst s9;
	s0 =	simm.s32 @!p0 $0x0  }
0x12: {  	s1 =	sld [smem:$0x3F91];
	s0 =	simm.s32 @p0 $0x1  }
0x13: {  	[smem:$0x3FAC] =	sst s0;
	s0 =	simm.s32 @!p1 $0x0  }
0x14: {  	s2 =	sld [smem:$0x3F90];
	s0 =	simm.s32 @p1 $0x1  }
0x15: {  	[smem:$0x3FAD] =	sst s0;
	s0 =	simm.s32 @!p2 $0x0  }
0x16: {  	s3 =	sld [smem:$0x3FDB];
	s0 =	simm.s32 @p2 $0x1  }
0x17: {  	s4 =	simm.s32 $0x1BF5;
	[smem:$0x3FAF] =	sst s0  }
0x18: {  	s0 =	sld [smem:$0x3F92];
	_ =	swait.ge [sflag:s4], $0x0  }
0x19: {  	s7 =	sld [smem:$0x3F93]  }
0x1a: {  	s8 =	sadd.s32 $0xFFFFE003, lr  }
0x1b: {  	s9 =	sadd.s32 $0xFFFFFEF7, lr;
	s5 =	simm.s32 $0xFFFFFFFF;
	p2 =	slt.u32 s8, $0xFFFFF086  }
0x1c: {  	p1 =	slt.u32 s9, $0xF7A;
	s5 =	simm.s32 @!p2 $0x0  }
0x1d: {  	s5 =	simm.s32 @p1 $0x1;
	p0 =	seq.s32 s7, s2  }
0x1e: {  	s7 =	smul.u32 @!p0 $0xF7A, s2;
	p2 =	seq.s32 @!p0 s5, $0x0  }
0x1f: {  	s9 =	smul.u32 $0xF7A, s1;
	s8 =	simm.s32 @!p0 $0x1BF5;
	p2 =	por !p2, p0  }
0x20: {  	[sflag:s8] =	ssyncset.s32 @!p0 $0xFFFFF086;
	s6 =	sadd.s32 @!p0 s3, s7;
	s7 =	simm.s32 @!p0 $0x108  }
0x21: {  	s3 =	sadd.s32 s3, s9;
	s6 =	sadd.s32 @!p0 $0x88, s6;
	s7 =	simm.s32 @p2 $0x1082  }
0x22: {  	[simem:s7], [sflag:s8] =	dma.local @!p0 [hbm:s6], $0xF7A  }
0x23: {  	s9 =	sor.u32 $0xD0000000, s2;
	s6 =	simm.s32 $0x108;
	_ =	swait.ge @!p0 [sflag:s8], $0x0  }
0x24: {  	s3 =	sadd.s32 $0x88, s3;
	s6 =	simm.s32 @!p1 $0x1082;
	[sflag:s4] =	ssyncset.s32 $0xFFFFF086  }
0x25: {  	[simem:s6], [sflag:s4] =	dma.local [hbm:s3], $0xF7A  }
0x26: {  	[smem:$0x3F93] =	sst s1;
	(tag) =	ssettag s2;
	_ =	strace s9  }
0x27: {  	s1 =	sld [smem:$0x3FA3]  }
0x28: {  	s2 =	sld [smem:$0x3FA4]  }
0x29: {  	s4 =	sld [smem:$0x3FA6]  }
0x2a: {  	p0 =	seq.s32 s5, $0x0;
	s5 =	sld [smem:$0x3FA7]  }
0x2b: {  	s6 =	sld [smem:$0x3FA8]  }
0x2c: {  	s7 =	sld [smem:$0x3FA9]  }
0x2d: {  	s3 =	simm.s32 $0x108;
	s8 =	sld [smem:$0x3FAA]  }
0x2e: {  	s3 =	simm.s32 @!p0 $0x1082;
	s9 =	sld [smem:$0x3FAB]  }
0x2f: {  	lr =	sadd.s32 s0, s3;
	s0 =	sld [smem:$0x3FA2]  }
0x30: {  	s3 =	sld [smem:$0x3FA5]  }
0x31: {  	[smem:$0x3FAE] =	sst s10  }
0x32: {  	s10 =	sld [smem:$0x3FAC];
	_ =	sdelay $0x3  }
0x33: {  	p0 =	seq.s32 s10, $0x1;
	s10 =	sld [smem:$0x3FAE];
	_ =	sdelay $0x3  }
0x34: {  	[smem:$0x3FAE] =	sst s10  }
0x35: {  	s10 =	sld [smem:$0x3FAD];
	_ =	sdelay $0x3  }
0x36: {  	p1 =	seq.s32 s10, $0x1;
	s10 =	sld [smem:$0x3FAE];
	_ =	sdelay $0x3  }
0x37: {  	[smem:$0x3FAE] =	sst s10  }
0x38: {  	s10 =	sld [smem:$0x3FAF]  }
0x39: {  	_ = 	snop;
	(pc) =	sbr.ind lr, $3  }
0x3a: {  	_ = 	snop  }
0x3b: {  	_ = 	snop  }
0x3c: {  	p2 =	seq.s32 s10, $0x1;
	s10 =	sld [smem:$0x3FAE]  }
0x3d: {  	_ =	shalt  }
0x3e: {  	_ =	shalt  }
0x3f: {  	_ =	shalt  }
0x40: {  	_ =	shalt  }
0x41: {  	_ =	shalt  }
0x42: {  	_ =	shalt  }
0x43: {  	_ =	shalt  }
0x44: {  	_ =	shalt  }
0x45: {  	_ =	shalt  }
0x46: {  	_ =	shalt  }
0x47: {  	_ =	shalt  }
0x48: {  	_ =	shalt  }
0x49: {  	_ =	shalt  }
0x4a: {  	_ =	shalt  }
0x4b: {  	_ =	shalt  }
0x4c: {  	_ =	shalt  }
0x4d: {  	_ =	shalt  }
0x4e: {  	_ =	shalt  }
0x4f: {  	_ =	shalt  }
0x50: {  	_ =	shalt  }
0x51: {  	_ =	shalt  }
0x52: {  	_ =	shalt  }
0x53: {  	_ =	shalt  }
0x54: {  	_ =	shalt  }
0x55: {  	_ =	shalt  }
0x56: {  	_ =	shalt  }
0x57: {  	_ =	shalt  }
0x58: {  	_ =	shalt  }
0x59: {  	_ =	shalt  }
0x5a: {  	_ =	shalt  }
0x5b: {  	_ =	shalt  }
0x5c: {  	_ =	shalt  }
0x5d: {  	_ =	shalt  }
0x5e: {  	_ =	shalt  }
0x5f: {  	_ =	shalt  }
0x60: {  	_ =	shalt  }
0x61: {  	_ =	shalt  }
0x62: {  	_ =	shalt  }
0x63: {  	_ =	shalt  }
0x64: {  	_ =	shalt  }
0x65: {  	_ =	shalt  }
0x66: {  	_ =	shalt  }
0x67: {  	_ =	shalt  }
0x68: {  	_ =	shalt  }
0x69: {  	_ =	shalt  }
0x6a: {  	_ =	shalt  }
0x6b: {  	_ =	shalt  }
0x6c: {  	_ =	shalt  }
0x6d: {  	_ =	shalt  }
0x6e: {  	_ =	shalt  }
0x6f: {  	_ =	shalt  }
0x70: {  	_ =	shalt  }
0x71: {  	_ =	shalt  }
0x72: {  	_ =	shalt  }
0x73: {  	_ =	shalt  }
0x74: {  	_ =	shalt  }
0x75: {  	_ =	shalt  }
0x76: {  	_ =	shalt  }
0x77: {  	_ =	shalt  }
0x78: {  	_ =	shalt  }
0x79: {  	_ =	shalt  }
0x7a: {  	_ =	shalt  }
0x7b: {  	_ =	shalt  }
0x7c: {  	_ =	shalt  }
0x7d: {  	_ =	shalt  }
0x7e: {  	_ =	shalt  }
0x7f: {  	_ =	shalt  }
0x80: {  	_ =	shalt  }
0x81: {  	_ =	shalt  }
0x82: {  	_ =	shalt  }
0x83: {  	_ =	shalt  }
0x84: {  	_ =	shalt  }
0x85: {  	_ =	shalt  }
0x86: {  	_ =	shalt  }
0x87: {  	_ =	shalt  }
.Lfunc_end0:
.L_simem_size_0:
called_computation_lowered:
.L_overlay_start_0:
0x88: {  	s2 =	sld [smem:$0x3FD9]  }
0x89: {  	s3 =	sld [smem:$0x3FFE];
	_ =	sdelay $0x1  }
0x8a: {  	s1 =	srdreg.scid  }
0x8b: {  	s0 =	sand.u32 $0x1, s1  }
0x8c: {  	s17 =	sshll.u32 s0, $0xA;
	s2 =	sadd.s32 s3, s2  }
0x8d: {  	s2 =	sadd.s32 s2, s17  }
0x8e: {  	[smem:$0x3FBA] =	sst s2  }
0x8f: {  	_ = 	snop  }
0x90: {  	s18 =	sld [smem:$0x3FD0];
	(tm) =	ssettm $0x1  }
0x91: {  	s19 =	sld [smem:$0x3FFB];
	_ =	sdelay $0x3  }
0x92: {  	_ =	strace s19  }
0x93: {  	s2 =	sld [smem:$0x3FFC];
	_ =	sdelay $0x3  }
0x94: {  	_ =	strace s2  }
0x95: {  	s2 =	sld [smem:$0x3FFD];
	_ =	sdelay $0x3  }
0x96: {  	_ =	strace s2  }
0x97: {  	_ =	strace $0x8FFFFFFF  }
0x98: {  	s20 =	sld [smem:$0x3FDB];
	_ =	sdelay $0x1  }
0x99: {  	s4 =	simm.s32 $_scs_section_size  }
0x9a: {  	s5 =	simm.s32 $_size__tile_overlayer_lowered;
	s6 =	simm.s32 $_tile_overlayer_lowered  }
0x9b: {  	s7 =	simm.s32 $0x1BFF;
	s21 =	sshll.u32 s6, $0x1;
	s4 =	sadd.s32 s4, s20  }
0x9c: {  	s22 =	simm.s32 $0x0;
	s5 =	sshll.u32 s5, $0x1;
	s6 =	sadd.s32 s21, s4  }
0x9d: {  	[timem:s22], [sflag:s7] =	dma.local [hbm:s6], s5  }
0x9e: {  	_ =	swait.ge [sflag:s7], s5  }
0x9f: {  	s5 =	ssub.s32 $0x0, s5;
	[sflag:s7] =	ssyncset.done $0x0  }
0xa0: {  	[sflag:s7] =	ssyncadd.s32 s5;
	_ =	sdelay $0x1  }
0xa1: {  	s23 =	simm.s32 $0x1B8B  }
0xa2: {  	_ =	swait.ge [sflag:s23], $0x1  }
0xa3: {  	[sflag:s23] =	ssyncset.done $0x0  }
0xa4: {  	[sflag:s23] =	ssyncadd.s32 $0xFFFFFFFF  }
0xa5: {  	s5 =	sld [smem:$0x0]  }
0xa6: {  	s6 =	sand.u32 $0xFFFFFFFE, s1  }
0xa7: {  	p0 =	sne.s32 s1, s6  }
0xa8: {  	s6 =	sshll.u32 @p0 s6, $0xE  }
0xa9: {  	s6 =	sadd.s32 @p0 $0x11B8D, s6;
	s7 =	sshll.u32 @p0 s5, $0x11  }
0xaa: {  	s6 =	sor.u32 @p0 s7, s6  }
0xab: {  	[sflag:s6] =	ssyncadd.remote.s32 @p0 $0x1;
	_ =	sdelay $0x1  }
0xac: {  	s6 =	simm.s32 @p0 $0x1B8D  }
0xad: {  	_ =	swait.eq @p0 [sflag:s6], $0x1  }
0xae: {  	[sflag:s6] =	ssyncadd.s32 @p0 $0xFFFFFFFF  }
0xaf: {  	s7 =	sshll.u32 @!p0 s1, $0xE  }
0xb0: {  	s7 =	sor.u32 @!p0 $0x4000, s7;
	s6 =	simm.s32 @!p0 $0x1B8D  }
0xb1: {  	s5 =	sshll.u32 @!p0 s5, $0x11;
	s7 =	sadd.s32 @!p0 $0x11B8D, s7;
	_ =	swait.eq @!p0 [sflag:s6], $0x1  }
0xb2: {  	s5 =	sor.u32 @!p0 s5, s7;
	[sflag:s6] =	ssyncadd.s32 @!p0 $0xFFFFFFFF  }
0xb3: {  	s25 =	simm.s32 $0x1B8E;
	s24 =	sld [smem:$0x3FFE];
	[sflag:s5] =	ssyncadd.remote.s32 @!p0 $0x1  }
0xb4: {  	s26 =	simm.s32 $execute0_lowered;
	[smem:$0x3FD2] =	sst s25  }
0xb5: {  	s6 =	sshll.u32 s26, $0x1;
	_ =	strace $0x80000049;
	[dreg:$0x1] =	wrdreg $0xFFFFFFFF  }
0xb6: {  	s28 =	simm.s32 $_size_execute0_lowered;
	s4 =	sadd.s32 s4, s6;
	[dreg:$0x0] =	wrdreg $0x0  }
0xb7: {  	s6 =	sshll.u32 s28, $0x1;
	[dreg:$0x2] =	wrdreg s4  }
0xb8: {  	[dreg:$0x3] =	wrdreg s6  }
0xb9: {  	[dreg:$0x4] =	wrdreg $0xC0  }
0xba: {  	_ =	task [dreg:s22], $0x5FFFF  }
0xbb: {  	[dreg:$0x1] =	wrdreg $0xFFFFFFFF  }
0xbc: {  	[dreg:$0x0] =	wrdreg $0x60  }
0xbd: {  	[dreg:$0x2] =	wrdreg s18  }
0xbe: {  	[dreg:$0x3] =	wrdreg s24  }
0xbf: {  	[dreg:$0x4] =	wrdreg $0x148200  }
0xc0: {  	[dreg:$0x5] =	wrdreg $0x9  }
0xc1: {  	_ =	task.clear_ibuf [dreg:s22], $0x6FFFF;
	_ =	strace $0x90000049  }
0xc2: {  	s29 =	simm.s32 $0x9;
	_ =	strace $0x8000004B  }
0xc3: {  	_ =	swait.ge [sflag:s29], $0x1  }
0xc4: {  	[sflag:s29] =	ssyncadd.s32 $0xFFFFFFFF  }
0xc5: {  	_ =	strace $0x9000004B  }
0xc6: {  	_ =	sfence  }
0xc7: {  	s30 =	sld [smem:$0x0];
	_ =	sdelay $0x2  }
0xc8: {  	s31 =	sshll.u32 s1, $0xD;
	s1 =	sshrl.u32 s1, $0x2  }
0xc9: {  	s4 =	sand.u32 $0x4000, s31;
	s1 =	sadd.s32 s1, s30  }
0xca: {  	s0 =	sor.u32 s4, s0;
	s1 =	sshll.u32 s1, $0x11  }
0xcb: {  	s0 =	sor.u32 s1, s0  }
0xcc: {  	s0 =	sadd.s32 $0x8F2B, s0  }
0xcd: {  	[sflag:s0] =	ssyncadd.remote.s32 $0x1  }
0xce: {  	_ =	sfence.sel $0xFFFF  }
0xcf: {  	[dreg:$0x0] =	wrdreg $0xFFFFFFFF;
	(pc) =	sbr.abs _section_cstart, $3  }
0xd0: {  	[dreg:$0x1] =	wrdreg $0xFFFFFFFF  }
0xd1: {  	_ =	task.clear_ibuf [dreg:s22], $0x2FFFF;
	_ =	strace $0x9FFFFFFF  }
0xd2: {  	(tm) =	ssettm $0x7FFFFFFF  }
0xd3: {  	_ =	shalt  }
tec
execute0_lowered:
.L_overlay_start_1:
0x0: {  	(tag) =	ssettag $0x1  }
0x1: {  	s1 =	rddreg [dreg:$0x0]  }
0x2: {  	s0 =	srdreg.scid;
	s2 =	stileid.u32  }
0x3: {  	s31 =	rddreg [dreg:$0x1];
	s0 =	sand.u32 $0x1, s0;
	s6 =	smul.u32 $0xA000, s2  }
0x4: {  	s3 =	rddreg [dreg:$0x2];
	s4 =	simm.s32 $0x0;
	s7 =	smul.u32 $0xA0000, s0  }
0x5: {  	[smem:$0x7FF] =	sst s4;
	s5 =	sshll.u32 s0, $0x4  }
0x6: {  	s8 =	sadd.s32 $0xDFC00, s31;
	s5 =	sor.u32 s2, s5;
	s7 =	sadd.s32 s6, s7  }
0x7: {  	s9 =	sadd.s32 $0xCC200, s31;
	s5 =	smul.u32 $0x2710, s5;
	s7 =	sshrl.u32 s7, $0x3  }
0x8: {  	s24 =	sshll.u32 s2, $0x6;
	_ =	strace $0x8000004A;
	s7 =	sadd.s32 s7, s31  }
0x9: {  	s20 =	sshrl.u32 s6, $0x3;
	s10 =	sshrl.u32 s5, $0x3;
	s22 =	sadd.s32 $0xF3600, s7  }
0xa: {  	s11 =	sadd.s32 $0x9C40, s10;
	s7 =	sadd.s32 $0x11B600, s7;
	[dreg:$0x6] =	wrdreg s22  }
0xb: {  	s21 =	sadd.s32 s6, s3;
	s12 =	sadd.s32 s8, s11;
	[dreg:$0x9] =	wrdreg s7  }
0xc: {  	s6 =	sor.u32 $0x1C02, s24;
	s8 =	sadd.s32 s8, s10;
	[dreg:$0x4] =	wrdreg s12  }
0xd: {  	s5 =	sadd.s32 s20, s31;
	s23 =	sadd.s32 s9, s11;
	[dreg:$0x5] =	wrdreg s8  }
0xe: {  	s5 =	sadd.s32 $0x68200, s5;
	s9 =	sadd.s32 s9, s10;
	[dreg:$0x7] =	wrdreg s23  }
0xf: {  	s7 =	sshrl.u32 s21, $0x3;
	[dreg:$0x8] =	wrdreg s9;
	s8 =	simm.s32 $0x2  }
0x10: {  	[spmem:s7], [sflag:s6] =	dma.local [hbm:s5], $0x1400  }
0x11: {  	_ =	swait.ge [sflag:s8], $0x1400  }
0x12: {  	[sflag:s8] =	ssyncset.done $0x0  }
0x13: {  	[sflag:s8] =	ssyncadd.s32 $0xFFFFEC00  }
0x14: {  	[bflag:$0x0] =	sbarrier.arrive $0xFFFF  }
0x15: {  	s25 =	rddreg [dreg:$0x4]  }
0x16: {  	[tilespmem:s4], [sflag:$0x2] =	stream.linear.gather [hbm4b:s25+s4], $0x2710, $0x38;
	[tilespmem:$0x1E820] =	vst v63  }
0x17: {  	_ =	swait.ge [sflag:s8], $0x2710  }
0x18: {  	[sflag:s8] =	ssyncset.done $0x0  }
0x19: {  	s9 =	simm.s32 $0x2710;
	s26 =	rddreg [dreg:$0x5];
	[sflag:s8] =	ssyncadd.s32 $0xFFFFD8F0  }
0x1a: {  	[tilespmem:s9], [sflag:$0x2] =	stream.linear.gather [hbm4b:s26+s4], $0x2710, $0x38;
	[tilespmem:$0x1E820] =	vst v63  }
0x1b: {  	_ =	swait.ge [sflag:s8], $0x2710  }
0x1c: {  	s10 =	simm.s32 $0x3E8;
	[sflag:s8] =	ssyncset.done $0x0  }
0x1d: {  	s11 =	simm.s32 $0x4E20;
	s12 =	simm.s32 $0x1;
	[sflag:s8] =	ssyncadd.s32 $0xFFFFD8F0  }
0x1e: {  	[tilespmem:s11], [sflag:$0x1] =	stream.indirect.gather [hbm4b:s1+s10], $0x40, s4, s10, $0xb8;
	[tilespmem:$0x1E820] =	vst v63  }
0x1f: {  	_ =	swait.ge [sflag:s12], $0xFA00  }
0x20: {  	[sflag:s12] =	ssyncset.done $0x0  }
0x21: {  	[sflag:s12] =	ssyncadd.s32 $0xFFFF0600  }
0x22: {  	[spmem:s3] =	stream.indirect.scatter.add.f32 [tilespmem:s11], [sflag:$0x2], $0x40, s9, s10, $0xb8;
	[tilespmem:$0x1E820] =	vst v63  }
0x23: {  	_ =	swait.ge [sflag:s8], $0xFA00  }
0x24: {  	[sflag:s8] =	ssyncset.done $0x0  }
0x25: {  	[sflag:s8] =	ssyncadd.s32 $0xFFFF0600  }
0x26: {  	[tilespmem:s11], [sflag:$0x1] =	stream.indirect.gather [hbm4b:s1+s10], $0x40, s10, s10, $0xb8;
	[tilespmem:$0x1E820] =	vst v63  }
0x27: {  	_ =	swait.ge [sflag:s12], $0xFA00  }
0x28: {  	[sflag:s12] =	ssyncset.done $0x0  }
0x29: {  	s13 =	simm.s32 $0x2AF8;
	[sflag:s12] =	ssyncadd.s32 $0xFFFF0600  }
0x2a: {  	[spmem:s3] =	stream.indirect.scatter.add.f32 [tilespmem:s11], [sflag:$0x2], $0x40, s13, s10, $0xb8;
	[tilespmem:$0x1E820] =	vst v63  }
0x2b: {  	_ =	swait.ge [sflag:s8], $0xFA00  }
0x2c: {  	[sflag:s8] =	ssyncset.done $0x0  }
0x2d: {  	s14 =	simm.s32 $0x7D0;
	[sflag:s8] =	ssyncadd.s32 $0xFFFF0600  }
0x2e: {  	[tilespmem:s11], [sflag:$0x1] =	stream.indirect.gather [hbm4b:s1+s10], $0x40, s14, s10, $0xb8;
	[tilespmem:$0x1E820] =	vst v63  }
0x2f: {  	_ =	swait.ge [sflag:s12], $0xFA00  }
0x30: {  	[sflag:s12] =	ssyncset.done $0x0  }
0x31: {  	s15 =	simm.s32 $0x2EE0;
	[sflag:s12] =	ssyncadd.s32 $0xFFFF0600  }
0x32: {  	[spmem:s3] =	stream.indirect.scatter.add.f32 [tilespmem:s11], [sflag:$0x2], $0x40, s15, s10, $0xb8;
	[tilespmem:$0x1E820] =	vst v63  }
0x33: {  	_ =	swait.ge [sflag:s8], $0xFA00  }
0x34: {  	[sflag:s8] =	ssyncset.done $0x0  }
0x35: {  	s16 =	simm.s32 $0xBB8;
	[sflag:s8] =	ssyncadd.s32 $0xFFFF0600  }
0x36: {  	[tilespmem:s11], [sflag:$0x1] =	stream.indirect.gather [hbm4b:s1+s10], $0x40, s16, s10, $0xb8;
	[tilespmem:$0x1E820] =	vst v63  }
0x37: {  	_ =	swait.ge [sflag:s12], $0xFA00  }
0x38: {  	[sflag:s12] =	ssyncset.done $0x0  }
0x39: {  	s17 =	simm.s32 $0x32C8;
	[sflag:s12] =	ssyncadd.s32 $0xFFFF0600  }
0x3a: {  	[spmem:s3] =	stream.indirect.scatter.add.f32 [tilespmem:s11], [sflag:$0x2], $0x40, s17, s10, $0xb8;
	[tilespmem:$0x1E820] =	vst v63  }
0x3b: {  	_ =	swait.ge [sflag:s8], $0xFA00  }
0x3c: {  	[sflag:s8] =	ssyncset.done $0x0  }
0x3d: {  	s18 =	simm.s32 $0xFA0;
	[sflag:s8] =	ssyncadd.s32 $0xFFFF0600  }
0x3e: {  	[tilespmem:s11], [sflag:$0x1] =	stream.indirect.gather [hbm4b:s1+s10], $0x40, s18, s10, $0xb8;
	[tilespmem:$0x1E820] =	vst v63  }
0x3f: {  	_ =	swait.ge [sflag:s12], $0xFA00  }
0x40: {  	[sflag:s12] =	ssyncset.done $0x0  }
0x41: {  	s19 =	simm.s32 $0x36B0;
	[sflag:s12] =	ssyncadd.s32 $0xFFFF0600  }
0x42: {  	[spmem:s3] =	stream.indirect.scatter.add.f32 [tilespmem:s11], [sflag:$0x2], $0x40, s19, s10, $0xb8;
	[tilespmem:$0x1E820] =	vst v63  }
0x43: {  	_ =	swait.ge [sflag:s8], $0xFA00  }
0x44: {  	[sflag:s8] =	ssyncset.done $0x0  }
0x45: {  	s20 =	simm.s32 $0x1388;
	[sflag:s8] =	ssyncadd.s32 $0xFFFF0600  }
0x46: {  	[tilespmem:s11], [sflag:$0x1] =	stream.indirect.gather [hbm4b:s1+s10], $0x40, s20, s10, $0xb8;
	[tilespmem:$0x1E820] =	vst v63  }
0x47: {  	_ =	swait.ge [sflag:s12], $0xFA00  }
0x48: {  	[sflag:s12] =	ssyncset.done $0x0  }
0x49: {  	s21 =	simm.s32 $0x3A98;
	[sflag:s12] =	ssyncadd.s32 $0xFFFF0600  }
0x4a: {  	[spmem:s3] =	stream.indirect.scatter.add.f32 [tilespmem:s11], [sflag:$0x2], $0x40, s21, s10, $0xb8;
	[tilespmem:$0x1E820] =	vst v63  }
0x4b: {  	_ =	swait.ge [sflag:s8], $0xFA00  }
0x4c: {  	[sflag:s8] =	ssyncset.done $0x0  }
0x4d: {  	s22 =	simm.s32 $0x1770;
	[sflag:s8] =	ssyncadd.s32 $0xFFFF0600  }
0x4e: {  	[tilespmem:s11], [sflag:$0x1] =	stream.indirect.gather [hbm4b:s1+s10], $0x40, s22, s10, $0xb8;
	[tilespmem:$0x1E820] =	vst v63  }
0x4f: {  	_ =	swait.ge [sflag:s12], $0xFA00  }
0x50: {  	[sflag:s12] =	ssyncset.done $0x0  }
0x51: {  	s23 =	simm.s32 $0x3E80;
	[sflag:s12] =	ssyncadd.s32 $0xFFFF0600  }
0x52: {  	[spmem:s3] =	stream.indirect.scatter.add.f32 [tilespmem:s11], [sflag:$0x2], $0x40, s23, s10, $0xb8;
	[tilespmem:$0x1E820] =	vst v63  }
0x53: {  	_ =	swait.ge [sflag:s8], $0xFA00  }
0x54: {  	[sflag:s8] =	ssyncset.done $0x0  }
0x55: {  	s24 =	simm.s32 $0x1B58;
	[sflag:s8] =	ssyncadd.s32 $0xFFFF0600  }
0x56: {  	[tilespmem:s11], [sflag:$0x1] =	stream.indirect.gather [hbm4b:s1+s10], $0x40, s24, s10, $0xb8;
	[tilespmem:$0x1E820] =	vst v63  }
0x57: {  	_ =	swait.ge [sflag:s12], $0xFA00  }
0x58: {  	[sflag:s12] =	ssyncset.done $0x0  }
0x59: {  	s25 =	simm.s32 $0x4268;
	[sflag:s12] =	ssyncadd.s32 $0xFFFF0600  }
0x5a: {  	[spmem:s3] =	stream.indirect.scatter.add.f32 [tilespmem:s11], [sflag:$0x2], $0x40, s25, s10, $0xb8;
	[tilespmem:$0x1E820] =	vst v63  }
0x5b: {  	_ =	swait.ge [sflag:s8], $0xFA00  }
0x5c: {  	[sflag:s8] =	ssyncset.done $0x0  }
0x5d: {  	s26 =	simm.s32 $0x1F40;
	[sflag:s8] =	ssyncadd.s32 $0xFFFF0600  }
0x5e: {  	[tilespmem:s11], [sflag:$0x1] =	stream.indirect.gather [hbm4b:s1+s10], $0x40, s26, s10, $0xb8;
	[tilespmem:$0x1E820] =	vst v63  }
0x5f: {  	_ =	swait.ge [sflag:s12], $0xFA00  }
0x60: {  	[sflag:s12] =	ssyncset.done $0x0  }
0x61: {  	s28 =	simm.s32 $0x4650;
	[sflag:s12] =	ssyncadd.s32 $0xFFFF0600  }
0x62: {  	[spmem:s3] =	stream.indirect.scatter.add.f32 [tilespmem:s11], [sflag:$0x2], $0x40, s28, s10, $0xb8;
	[tilespmem:$0x1E820] =	vst v63  }
0x63: {  	_ =	swait.ge [sflag:s8], $0xFA00  }
0x64: {  	[sflag:s8] =	ssyncset.done $0x0  }
0x65: {  	s29 =	simm.s32 $0x2328;
	[sflag:s8] =	ssyncadd.s32 $0xFFFF0600  }
0x66: {  	[tilespmem:s11], [sflag:$0x1] =	stream.indirect.gather [hbm4b:s1+s10], $0x40, s29, s10, $0xb8;
	[tilespmem:$0x1E820] =	vst v63  }
0x67: {  	_ =	swait.ge [sflag:s12], $0xFA00  }
0x68: {  	[sflag:s12] =	ssyncset.done $0x0  }
0x69: {  	s30 =	simm.s32 $0x4A38;
	[sflag:s12] =	ssyncadd.s32 $0xFFFF0600  }
0x6a: {  	[spmem:s3] =	stream.indirect.scatter.add.f32 [tilespmem:s11], [sflag:$0x2], $0x40, s30, s10, $0xb8;
	[tilespmem:$0x1E820] =	vst v63  }
0x6b: {  	_ =	swait.ge [sflag:s8], $0xFA00  }
0x6c: {  	[sflag:s8] =	ssyncset.done $0x0  }
0x6d: {  	[sflag:s8] =	ssyncadd.s32 $0xFFFF0600  }
0x6e: {  	[bflag:$0x0] =	sbarrier.arrive $0xFFFF  }
0x6f: {  	s2 =	rddreg [dreg:$0x6]  }
0x70: {  	[hbm:s2], [sflag:s6] =	dma.local [spmem:s7], $0x1400  }
0x71: {  	_ =	swait.ge [sflag:s8], $0x1400  }
0x72: {  	[sflag:s8] =	ssyncset.done $0x0  }
0x73: {  	[sflag:s8] =	ssyncadd.s32 $0xFFFFEC00  }
0x74: {  	[spmem:s7], [sflag:s6] =	dma.local [hbm:s5], $0x1400  }
0x75: {  	_ =	swait.ge [sflag:s8], $0x1400  }
0x76: {  	[sflag:s8] =	ssyncset.done $0x0  }
0x77: {  	[sflag:s8] =	ssyncadd.s32 $0xFFFFEC00  }
0x78: {  	[bflag:$0x0] =	sbarrier.arrive $0xFFFF  }
0x79: {  	s2 =	rddreg [dreg:$0x7]  }
0x7a: {  	[tilespmem:s4], [sflag:$0x2] =	stream.linear.gather [hbm4b:s2+s4], $0x2710, $0x38;
	[tilespmem:$0x1E820] =	vst v63  }
0x7b: {  	_ =	swait.ge [sflag:s8], $0x2710  }
0x7c: {  	[sflag:s8] =	ssyncset.done $0x0  }
0x7d: {  	s2 =	rddreg [dreg:$0x8];
	[sflag:s8] =	ssyncadd.s32 $0xFFFFD8F0  }
0x7e: {  	[tilespmem:s9], [sflag:$0x2] =	stream.linear.gather [hbm4b:s2+s4], $0x2710, $0x38;
	[tilespmem:$0x1E820] =	vst v63  }
0x7f: {  	_ =	swait.ge [sflag:s8], $0x2710  }
0x80: {  	[sflag:s8] =	ssyncset.done $0x0  }
0x81: {  	s31 =	sadd.s32 $0x54800, s31;
	[sflag:s8] =	ssyncadd.s32 $0xFFFFD8F0  }
0x82: {  	[tilespmem:s11], [sflag:$0x1] =	stream.indirect.gather [hbm4b:s31+s10], $0x40, s4, s10, $0xb8;
	[tilespmem:$0x1E820] =	vst v63  }
0x83: {  	_ =	swait.ge [sflag:s12], $0xFA00  }
0x84: {  	[sflag:s12] =	ssyncset.done $0x0  }
0x85: {  	[sflag:s12] =	ssyncadd.s32 $0xFFFF0600  }
0x86: {  	[spmem:s3] =	stream.indirect.scatter.add.f32 [tilespmem:s11], [sflag:$0x2], $0x40, s9, s10, $0xb8;
	[tilespmem:$0x1E820] =	vst v63  }
0x87: {  	_ =	swait.ge [sflag:s8], $0xFA00  }
0x88: {  	[sflag:s8] =	ssyncset.done $0x0  }
0x89: {  	[sflag:s8] =	ssyncadd.s32 $0xFFFF0600  }
0x8a: {  	[tilespmem:s11], [sflag:$0x1] =	stream.indirect.gather [hbm4b:s31+s10], $0x40, s10, s10, $0xb8;
	[tilespmem:$0x1E820] =	vst v63  }
0x8b: {  	_ =	swait.ge [sflag:s12], $0xFA00  }
0x8c: {  	[sflag:s12] =	ssyncset.done $0x0  }
0x8d: {  	[sflag:s12] =	ssyncadd.s32 $0xFFFF0600  }
0x8e: {  	[spmem:s3] =	stream.indirect.scatter.add.f32 [tilespmem:s11], [sflag:$0x2], $0x40, s13, s10, $0xb8;
	[tilespmem:$0x1E820] =	vst v63  }
0x8f: {  	_ =	swait.ge [sflag:s8], $0xFA00  }
0x90: {  	[sflag:s8] =	ssyncset.done $0x0  }
0x91: {  	[sflag:s8] =	ssyncadd.s32 $0xFFFF0600  }
0x92: {  	[tilespmem:s11], [sflag:$0x1] =	stream.indirect.gather [hbm4b:s31+s10], $0x40, s14, s10, $0xb8;
	[tilespmem:$0x1E820] =	vst v63  }
0x93: {  	_ =	swait.ge [sflag:s12], $0xFA00  }
0x94: {  	[sflag:s12] =	ssyncset.done $0x0  }
0x95: {  	[sflag:s12] =	ssyncadd.s32 $0xFFFF0600  }
0x96: {  	[spmem:s3] =	stream.indirect.scatter.add.f32 [tilespmem:s11], [sflag:$0x2], $0x40, s15, s10, $0xb8;
	[tilespmem:$0x1E820] =	vst v63  }
0x97: {  	_ =	swait.ge [sflag:s8], $0xFA00  }
0x98: {  	[sflag:s8] =	ssyncset.done $0x0  }
0x99: {  	[sflag:s8] =	ssyncadd.s32 $0xFFFF0600  }
0x9a: {  	[tilespmem:s11], [sflag:$0x1] =	stream.indirect.gather [hbm4b:s31+s10], $0x40, s16, s10, $0xb8;
	[tilespmem:$0x1E820] =	vst v63  }
0x9b: {  	_ =	swait.ge [sflag:s12], $0xFA00  }
0x9c: {  	[sflag:s12] =	ssyncset.done $0x0  }
0x9d: {  	[sflag:s12] =	ssyncadd.s32 $0xFFFF0600  }
0x9e: {  	[spmem:s3] =	stream.indirect.scatter.add.f32 [tilespmem:s11], [sflag:$0x2], $0x40, s17, s10, $0xb8;
	[tilespmem:$0x1E820] =	vst v63  }
0x9f: {  	_ =	swait.ge [sflag:s8], $0xFA00  }
0xa0: {  	[sflag:s8] =	ssyncset.done $0x0  }
0xa1: {  	[sflag:s8] =	ssyncadd.s32 $0xFFFF0600  }
0xa2: {  	[tilespmem:s11], [sflag:$0x1] =	stream.indirect.gather [hbm4b:s31+s10], $0x40, s18, s10, $0xb8;
	[tilespmem:$0x1E820] =	vst v63  }
0xa3: {  	_ =	swait.ge [sflag:s12], $0xFA00  }
0xa4: {  	[sflag:s12] =	ssyncset.done $0x0  }
0xa5: {  	[sflag:s12] =	ssyncadd.s32 $0xFFFF0600  }
0xa6: {  	[spmem:s3] =	stream.indirect.scatter.add.f32 [tilespmem:s11], [sflag:$0x2], $0x40, s19, s10, $0xb8;
	[tilespmem:$0x1E820] =	vst v63  }
0xa7: {  	_ =	swait.ge [sflag:s8], $0xFA00  }
0xa8: {  	[sflag:s8] =	ssyncset.done $0x0  }
0xa9: {  	[sflag:s8] =	ssyncadd.s32 $0xFFFF0600  }
0xaa: {  	[tilespmem:s11], [sflag:$0x1] =	stream.indirect.gather [hbm4b:s31+s10], $0x40, s20, s10, $0xb8;
	[tilespmem:$0x1E820] =	vst v63  }
0xab: {  	_ =	swait.ge [sflag:s12], $0xFA00  }
0xac: {  	[sflag:s12] =	ssyncset.done $0x0  }
0xad: {  	[sflag:s12] =	ssyncadd.s32 $0xFFFF0600  }
0xae: {  	[spmem:s3] =	stream.indirect.scatter.add.f32 [tilespmem:s11], [sflag:$0x2], $0x40, s21, s10, $0xb8;
	[tilespmem:$0x1E820] =	vst v63  }
0xaf: {  	_ =	swait.ge [sflag:s8], $0xFA00  }
0xb0: {  	[sflag:s8] =	ssyncset.done $0x0  }
0xb1: {  	[sflag:s8] =	ssyncadd.s32 $0xFFFF0600  }
0xb2: {  	[tilespmem:s11], [sflag:$0x1] =	stream.indirect.gather [hbm4b:s31+s10], $0x40, s22, s10, $0xb8;
	[tilespmem:$0x1E820] =	vst v63  }
0xb3: {  	_ =	swait.ge [sflag:s12], $0xFA00  }
0xb4: {  	[sflag:s12] =	ssyncset.done $0x0  }
0xb5: {  	[sflag:s12] =	ssyncadd.s32 $0xFFFF0600  }
0xb6: {  	[spmem:s3] =	stream.indirect.scatter.add.f32 [tilespmem:s11], [sflag:$0x2], $0x40, s23, s10, $0xb8;
	[tilespmem:$0x1E820] =	vst v63  }
0xb7: {  	_ =	swait.ge [sflag:s8], $0xFA00  }
0xb8: {  	[sflag:s8] =	ssyncset.done $0x0  }
0xb9: {  	[sflag:s8] =	ssyncadd.s32 $0xFFFF0600  }
0xba: {  	[tilespmem:s11], [sflag:$0x1] =	stream.indirect.gather [hbm4b:s31+s10], $0x40, s24, s10, $0xb8;
	[tilespmem:$0x1E820] =	vst v63  }
0xbb: {  	_ =	swait.ge [sflag:s12], $0xFA00  }
0xbc: {  	[sflag:s12] =	ssyncset.done $0x0  }
0xbd: {  	[sflag:s12] =	ssyncadd.s32 $0xFFFF0600  }
0xbe: {  	[spmem:s3] =	stream.indirect.scatter.add.f32 [tilespmem:s11], [sflag:$0x2], $0x40, s25, s10, $0xb8;
	[tilespmem:$0x1E820] =	vst v63  }
0xbf: {  	_ =	swait.ge [sflag:s8], $0xFA00  }
0xc0: {  	[sflag:s8] =	ssyncset.done $0x0  }
0xc1: {  	[sflag:s8] =	ssyncadd.s32 $0xFFFF0600  }
0xc2: {  	[tilespmem:s11], [sflag:$0x1] =	stream.indirect.gather [hbm4b:s31+s10], $0x40, s26, s10, $0xb8;
	[tilespmem:$0x1E820] =	vst v63  }
0xc3: {  	_ =	swait.ge [sflag:s12], $0xFA00  }
0xc4: {  	[sflag:s12] =	ssyncset.done $0x0  }
0xc5: {  	[sflag:s12] =	ssyncadd.s32 $0xFFFF0600  }
0xc6: {  	[spmem:s3] =	stream.indirect.scatter.add.f32 [tilespmem:s11], [sflag:$0x2], $0x40, s28, s10, $0xb8;
	[tilespmem:$0x1E820] =	vst v63  }
0xc7: {  	_ =	swait.ge [sflag:s8], $0xFA00  }
0xc8: {  	[sflag:s8] =	ssyncset.done $0x0  }
0xc9: {  	[sflag:s8] =	ssyncadd.s32 $0xFFFF0600  }
0xca: {  	[tilespmem:s11], [sflag:$0x1] =	stream.indirect.gather [hbm4b:s31+s10], $0x40, s29, s10, $0xb8;
	[tilespmem:$0x1E820] =	vst v63  }
0xcb: {  	_ =	swait.ge [sflag:s12], $0xFA00  }
0xcc: {  	[sflag:s12] =	ssyncset.done $0x0  }
0xcd: {  	[sflag:s12] =	ssyncadd.s32 $0xFFFF0600  }
0xce: {  	[spmem:s3] =	stream.indirect.scatter.add.f32 [tilespmem:s11], [sflag:$0x2], $0x40, s30, s10, $0xb8;
	[tilespmem:$0x1E820] =	vst v63  }
0xcf: {  	_ =	swait.ge [sflag:s8], $0xFA00  }
0xd0: {  	[sflag:s8] =	ssyncset.done $0x0  }
0xd1: {  	[sflag:s8] =	ssyncadd.s32 $0xFFFF0600  }
0xd2: {  	[bflag:$0x0] =	sbarrier.arrive $0xFFFF  }
0xd3: {  	s0 =	ssub.s32 $0x2, s0;
	s2 =	rddreg [dreg:$0x9]  }
0xd4: {  	[dreg:$0xa] =	wrdreg s2;
	s2 =	sshrl.u32 s0, $0x1  }
0xd5: {  	s0 =	ssub.s32 s0, s2  }
0xd6: {  	s0 =	smax.u32 s0, $0x1  }
0xd7: {  	p0 =	sne.s32 s0, $0x1  }
.Ltmp0:
0xd8: {  	s2 =	rddreg [dreg:$0xa];
	(pc) =	sbr.rel @!p0 .LBB2_2-.Ltmp0, $4  }
0xd9: {  	[hbm:s2], [sflag:s6] =	dma.local [spmem:s7], $0x1400  }
0xda: {  	_ =	swait.ge [sflag:s8], $0x1400  }
0xdb: {  	[sflag:s8] =	ssyncset.done $0x0  }
0xdc: {  	s0 =	sadd.s32 $0xFFFFFFFF, s0;
	[sflag:s8] =	ssyncadd.s32 $0xFFFFEC00  }
.LBB2_1:
0xdd: {  	[bflag:$0x0] =	sbarrier.arrive $0xFFFF  }
0xde: {  	[spmem:s7], [sflag:s6] =	dma.local [hbm:s5], $0x1400  }
0xdf: {  	_ =	swait.ge [sflag:s8], $0x1400  }
0xe0: {  	[sflag:s8] =	ssyncset.done $0x0  }
0xe1: {  	[sflag:s8] =	ssyncadd.s32 $0xFFFFEC00  }
0xe2: {  	[bflag:$0x0] =	sbarrier.arrive $0xFFFF  }
0xe3: {  	s2 =	rddreg [dreg:$0x4]  }
0xe4: {  	[tilespmem:s4], [sflag:$0x2] =	stream.linear.gather [hbm4b:s2+s4], $0x2710, $0x38;
	[tilespmem:$0x1E820] =	vst v63  }
0xe5: {  	_ =	swait.ge [sflag:s8], $0x2710  }
0xe6: {  	[sflag:s8] =	ssyncset.done $0x0  }
0xe7: {  	s2 =	rddreg [dreg:$0x5];
	[sflag:s8] =	ssyncadd.s32 $0xFFFFD8F0  }
0xe8: {  	[tilespmem:s9], [sflag:$0x2] =	stream.linear.gather [hbm4b:s2+s4], $0x2710, $0x38;
	[tilespmem:$0x1E820] =	vst v63  }
0xe9: {  	_ =	swait.ge [sflag:s8], $0x2710  }
0xea: {  	[sflag:s8] =	ssyncset.done $0x0  }
0xeb: {  	[sflag:s8] =	ssyncadd.s32 $0xFFFFD8F0  }
0xec: {  	[tilespmem:s11], [sflag:$0x1] =	stream.indirect.gather [hbm4b:s1+s10], $0x40, s4, s10, $0xb8;
	[tilespmem:$0x1E820] =	vst v63  }
0xed: {  	_ =	swait.ge [sflag:s12], $0xFA00  }
0xee: {  	[sflag:s12] =	ssyncset.done $0x0  }
0xef: {  	[sflag:s12] =	ssyncadd.s32 $0xFFFF0600  }
0xf0: {  	[spmem:s3] =	stream.indirect.scatter.add.f32 [tilespmem:s11], [sflag:$0x2], $0x40, s9, s10, $0xb8;
	[tilespmem:$0x1E820] =	vst v63  }
0xf1: {  	_ =	swait.ge [sflag:s8], $0xFA00  }
0xf2: {  	[sflag:s8] =	ssyncset.done $0x0  }
0xf3: {  	[sflag:s8] =	ssyncadd.s32 $0xFFFF0600  }
0xf4: {  	[tilespmem:s11], [sflag:$0x1] =	stream.indirect.gather [hbm4b:s1+s10], $0x40, s10, s10, $0xb8;
	[tilespmem:$0x1E820] =	vst v63  }
0xf5: {  	_ =	swait.ge [sflag:s12], $0xFA00  }
0xf6: {  	[sflag:s12] =	ssyncset.done $0x0  }
0xf7: {  	[sflag:s12] =	ssyncadd.s32 $0xFFFF0600  }
0xf8: {  	[spmem:s3] =	stream.indirect.scatter.add.f32 [tilespmem:s11], [sflag:$0x2], $0x40, s13, s10, $0xb8;
	[tilespmem:$0x1E820] =	vst v63  }
0xf9: {  	_ =	swait.ge [sflag:s8], $0xFA00  }
0xfa: {  	[sflag:s8] =	ssyncset.done $0x0  }
0xfb: {  	[sflag:s8] =	ssyncadd.s32 $0xFFFF0600  }
0xfc: {  	[tilespmem:s11], [sflag:$0x1] =	stream.indirect.gather [hbm4b:s1+s10], $0x40, s14, s10, $0xb8;
	[tilespmem:$0x1E820] =	vst v63  }
0xfd: {  	_ =	swait.ge [sflag:s12], $0xFA00  }
0xfe: {  	[sflag:s12] =	ssyncset.done $0x0  }
0xff: {  	[sflag:s12] =	ssyncadd.s32 $0xFFFF0600  }
0x100: {  	[spmem:s3] =	stream.indirect.scatter.add.f32 [tilespmem:s11], [sflag:$0x2], $0x40, s15, s10, $0xb8;
	[tilespmem:$0x1E820] =	vst v63  }
0x101: {  	_ =	swait.ge [sflag:s8], $0xFA00  }
0x102: {  	[sflag:s8] =	ssyncset.done $0x0  }
0x103: {  	[sflag:s8] =	ssyncadd.s32 $0xFFFF0600  }
0x104: {  	[tilespmem:s11], [sflag:$0x1] =	stream.indirect.gather [hbm4b:s1+s10], $0x40, s16, s10, $0xb8;
	[tilespmem:$0x1E820] =	vst v63  }
0x105: {  	_ =	swait.ge [sflag:s12], $0xFA00  }
0x106: {  	[sflag:s12] =	ssyncset.done $0x0  }
0x107: {  	[sflag:s12] =	ssyncadd.s32 $0xFFFF0600  }
0x108: {  	[spmem:s3] =	stream.indirect.scatter.add.f32 [tilespmem:s11], [sflag:$0x2], $0x40, s17, s10, $0xb8;
	[tilespmem:$0x1E820] =	vst v63  }
0x109: {  	_ =	swait.ge [sflag:s8], $0xFA00  }
0x10a: {  	[sflag:s8] =	ssyncset.done $0x0  }
0x10b: {  	[sflag:s8] =	ssyncadd.s32 $0xFFFF0600  }
0x10c: {  	[tilespmem:s11], [sflag:$0x1] =	stream.indirect.gather [hbm4b:s1+s10], $0x40, s18, s10, $0xb8;
	[tilespmem:$0x1E820] =	vst v63  }
0x10d: {  	_ =	swait.ge [sflag:s12], $0xFA00  }
0x10e: {  	[sflag:s12] =	ssyncset.done $0x0  }
0x10f: {  	[sflag:s12] =	ssyncadd.s32 $0xFFFF0600  }
0x110: {  	[spmem:s3] =	stream.indirect.scatter.add.f32 [tilespmem:s11], [sflag:$0x2], $0x40, s19, s10, $0xb8;
	[tilespmem:$0x1E820] =	vst v63  }
0x111: {  	_ =	swait.ge [sflag:s8], $0xFA00  }
0x112: {  	[sflag:s8] =	ssyncset.done $0x0  }
0x113: {  	[sflag:s8] =	ssyncadd.s32 $0xFFFF0600  }
0x114: {  	[tilespmem:s11], [sflag:$0x1] =	stream.indirect.gather [hbm4b:s1+s10], $0x40, s20, s10, $0xb8;
	[tilespmem:$0x1E820] =	vst v63  }
0x115: {  	_ =	swait.ge [sflag:s12], $0xFA00  }
0x116: {  	[sflag:s12] =	ssyncset.done $0x0  }
0x117: {  	[sflag:s12] =	ssyncadd.s32 $0xFFFF0600  }
0x118: {  	[spmem:s3] =	stream.indirect.scatter.add.f32 [tilespmem:s11], [sflag:$0x2], $0x40, s21, s10, $0xb8;
	[tilespmem:$0x1E820] =	vst v63  }
0x119: {  	_ =	swait.ge [sflag:s8], $0xFA00  }
0x11a: {  	[sflag:s8] =	ssyncset.done $0x0  }
0x11b: {  	[sflag:s8] =	ssyncadd.s32 $0xFFFF0600  }
0x11c: {  	[tilespmem:s11], [sflag:$0x1] =	stream.indirect.gather [hbm4b:s1+s10], $0x40, s22, s10, $0xb8;
	[tilespmem:$0x1E820] =	vst v63  }
0x11d: {  	_ =	swait.ge [sflag:s12], $0xFA00  }
0x11e: {  	[sflag:s12] =	ssyncset.done $0x0  }
0x11f: {  	[sflag:s12] =	ssyncadd.s32 $0xFFFF0600  }
0x120: {  	[spmem:s3] =	stream.indirect.scatter.add.f32 [tilespmem:s11], [sflag:$0x2], $0x40, s23, s10, $0xb8;
	[tilespmem:$0x1E820] =	vst v63  }
0x121: {  	_ =	swait.ge [sflag:s8], $0xFA00  }
0x122: {  	[sflag:s8] =	ssyncset.done $0x0  }
0x123: {  	[sflag:s8] =	ssyncadd.s32 $0xFFFF0600  }
0x124: {  	[tilespmem:s11], [sflag:$0x1] =	stream.indirect.gather [hbm4b:s1+s10], $0x40, s24, s10, $0xb8;
	[tilespmem:$0x1E820] =	vst v63  }
0x125: {  	_ =	swait.ge [sflag:s12], $0xFA00  }
0x126: {  	[sflag:s12] =	ssyncset.done $0x0  }
0x127: {  	[sflag:s12] =	ssyncadd.s32 $0xFFFF0600  }
0x128: {  	[spmem:s3] =	stream.indirect.scatter.add.f32 [tilespmem:s11], [sflag:$0x2], $0x40, s25, s10, $0xb8;
	[tilespmem:$0x1E820] =	vst v63  }
0x129: {  	_ =	swait.ge [sflag:s8], $0xFA00  }
0x12a: {  	[sflag:s8] =	ssyncset.done $0x0  }
0x12b: {  	[sflag:s8] =	ssyncadd.s32 $0xFFFF0600  }
0x12c: {  	[tilespmem:s11], [sflag:$0x1] =	stream.indirect.gather [hbm4b:s1+s10], $0x40, s26, s10, $0xb8;
	[tilespmem:$0x1E820] =	vst v63  }
0x12d: {  	_ =	swait.ge [sflag:s12], $0xFA00  }
0x12e: {  	[sflag:s12] =	ssyncset.done $0x0  }
0x12f: {  	[sflag:s12] =	ssyncadd.s32 $0xFFFF0600  }
0x130: {  	[spmem:s3] =	stream.indirect.scatter.add.f32 [tilespmem:s11], [sflag:$0x2], $0x40, s28, s10, $0xb8;
	[tilespmem:$0x1E820] =	vst v63  }
0x131: {  	_ =	swait.ge [sflag:s8], $0xFA00  }
0x132: {  	[sflag:s8] =	ssyncset.done $0x0  }
0x133: {  	[sflag:s8] =	ssyncadd.s32 $0xFFFF0600  }
0x134: {  	[tilespmem:s11], [sflag:$0x1] =	stream.indirect.gather [hbm4b:s1+s10], $0x40, s29, s10, $0xb8;
	[tilespmem:$0x1E820] =	vst v63  }
0x135: {  	_ =	swait.ge [sflag:s12], $0xFA00  }
0x136: {  	[sflag:s12] =	ssyncset.done $0x0  }
0x137: {  	[sflag:s12] =	ssyncadd.s32 $0xFFFF0600  }
0x138: {  	[spmem:s3] =	stream.indirect.scatter.add.f32 [tilespmem:s11], [sflag:$0x2], $0x40, s30, s10, $0xb8;
	[tilespmem:$0x1E820] =	vst v63  }
0x139: {  	_ =	swait.ge [sflag:s8], $0xFA00  }
0x13a: {  	[sflag:s8] =	ssyncset.done $0x0  }
0x13b: {  	[sflag:s8] =	ssyncadd.s32 $0xFFFF0600  }
0x13c: {  	[bflag:$0x0] =	sbarrier.arrive $0xFFFF  }
0x13d: {  	s2 =	rddreg [dreg:$0x6]  }
0x13e: {  	[hbm:s2], [sflag:s6] =	dma.local [spmem:s7], $0x1400  }
0x13f: {  	_ =	swait.ge [sflag:s8], $0x1400  }
0x140: {  	[sflag:s8] =	ssyncset.done $0x0  }
0x141: {  	[sflag:s8] =	ssyncadd.s32 $0xFFFFEC00  }
0x142: {  	[spmem:s7], [sflag:s6] =	dma.local [hbm:s5], $0x1400  }
0x143: {  	_ =	swait.ge [sflag:s8], $0x1400  }
0x144: {  	[sflag:s8] =	ssyncset.done $0x0  }
0x145: {  	[sflag:s8] =	ssyncadd.s32 $0xFFFFEC00  }
0x146: {  	[bflag:$0x0] =	sbarrier.arrive $0xFFFF  }
0x147: {  	s2 =	rddreg [dreg:$0x7]  }
0x148: {  	[tilespmem:s4], [sflag:$0x2] =	stream.linear.gather [hbm4b:s2+s4], $0x2710, $0x38;
	[tilespmem:$0x1E820] =	vst v63  }
0x149: {  	_ =	swait.ge [sflag:s8], $0x2710  }
0x14a: {  	[sflag:s8] =	ssyncset.done $0x0  }
0x14b: {  	s2 =	rddreg [dreg:$0x8];
	[sflag:s8] =	ssyncadd.s32 $0xFFFFD8F0  }
0x14c: {  	[tilespmem:s9], [sflag:$0x2] =	stream.linear.gather [hbm4b:s2+s4], $0x2710, $0x38;
	[tilespmem:$0x1E820] =	vst v63  }
0x14d: {  	_ =	swait.ge [sflag:s8], $0x2710  }
0x14e: {  	[sflag:s8] =	ssyncset.done $0x0  }
0x14f: {  	[sflag:s8] =	ssyncadd.s32 $0xFFFFD8F0  }
0x150: {  	[tilespmem:s11], [sflag:$0x1] =	stream.indirect.gather [hbm4b:s31+s10], $0x40, s4, s10, $0xb8;
	[tilespmem:$0x1E820] =	vst v63  }
0x151: {  	_ =	swait.ge [sflag:s12], $0xFA00  }
0x152: {  	[sflag:s12] =	ssyncset.done $0x0  }
0x153: {  	[sflag:s12] =	ssyncadd.s32 $0xFFFF0600  }
0x154: {  	[spmem:s3] =	stream.indirect.scatter.add.f32 [tilespmem:s11], [sflag:$0x2], $0x40, s9, s10, $0xb8;
	[tilespmem:$0x1E820] =	vst v63  }
0x155: {  	_ =	swait.ge [sflag:s8], $0xFA00  }
0x156: {  	[sflag:s8] =	ssyncset.done $0x0  }
0x157: {  	[sflag:s8] =	ssyncadd.s32 $0xFFFF0600  }
0x158: {  	[tilespmem:s11], [sflag:$0x1] =	stream.indirect.gather [hbm4b:s31+s10], $0x40, s10, s10, $0xb8;
	[tilespmem:$0x1E820] =	vst v63  }
0x159: {  	_ =	swait.ge [sflag:s12], $0xFA00  }
0x15a: {  	[sflag:s12] =	ssyncset.done $0x0  }
0x15b: {  	[sflag:s12] =	ssyncadd.s32 $0xFFFF0600  }
0x15c: {  	[spmem:s3] =	stream.indirect.scatter.add.f32 [tilespmem:s11], [sflag:$0x2], $0x40, s13, s10, $0xb8;
	[tilespmem:$0x1E820] =	vst v63  }
0x15d: {  	_ =	swait.ge [sflag:s8], $0xFA00  }
0x15e: {  	[sflag:s8] =	ssyncset.done $0x0  }
0x15f: {  	[sflag:s8] =	ssyncadd.s32 $0xFFFF0600  }
0x160: {  	[tilespmem:s11], [sflag:$0x1] =	stream.indirect.gather [hbm4b:s31+s10], $0x40, s14, s10, $0xb8;
	[tilespmem:$0x1E820] =	vst v63  }
0x161: {  	_ =	swait.ge [sflag:s12], $0xFA00  }
0x162: {  	[sflag:s12] =	ssyncset.done $0x0  }
0x163: {  	[sflag:s12] =	ssyncadd.s32 $0xFFFF0600  }
0x164: {  	[spmem:s3] =	stream.indirect.scatter.add.f32 [tilespmem:s11], [sflag:$0x2], $0x40, s15, s10, $0xb8;
	[tilespmem:$0x1E820] =	vst v63  }
0x165: {  	_ =	swait.ge [sflag:s8], $0xFA00  }
0x166: {  	[sflag:s8] =	ssyncset.done $0x0  }
0x167: {  	[sflag:s8] =	ssyncadd.s32 $0xFFFF0600  }
0x168: {  	[tilespmem:s11], [sflag:$0x1] =	stream.indirect.gather [hbm4b:s31+s10], $0x40, s16, s10, $0xb8;
	[tilespmem:$0x1E820] =	vst v63  }
0x169: {  	_ =	swait.ge [sflag:s12], $0xFA00  }
0x16a: {  	[sflag:s12] =	ssyncset.done $0x0  }
0x16b: {  	[sflag:s12] =	ssyncadd.s32 $0xFFFF0600  }
0x16c: {  	[spmem:s3] =	stream.indirect.scatter.add.f32 [tilespmem:s11], [sflag:$0x2], $0x40, s17, s10, $0xb8;
	[tilespmem:$0x1E820] =	vst v63  }
0x16d: {  	_ =	swait.ge [sflag:s8], $0xFA00  }
0x16e: {  	[sflag:s8] =	ssyncset.done $0x0  }
0x16f: {  	[sflag:s8] =	ssyncadd.s32 $0xFFFF0600  }
0x170: {  	[tilespmem:s11], [sflag:$0x1] =	stream.indirect.gather [hbm4b:s31+s10], $0x40, s18, s10, $0xb8;
	[tilespmem:$0x1E820] =	vst v63  }
0x171: {  	_ =	swait.ge [sflag:s12], $0xFA00  }
0x172: {  	[sflag:s12] =	ssyncset.done $0x0  }
0x173: {  	[sflag:s12] =	ssyncadd.s32 $0xFFFF0600  }
0x174: {  	[spmem:s3] =	stream.indirect.scatter.add.f32 [tilespmem:s11], [sflag:$0x2], $0x40, s19, s10, $0xb8;
	[tilespmem:$0x1E820] =	vst v63  }
0x175: {  	_ =	swait.ge [sflag:s8], $0xFA00  }
0x176: {  	[sflag:s8] =	ssyncset.done $0x0  }
0x177: {  	[sflag:s8] =	ssyncadd.s32 $0xFFFF0600  }
0x178: {  	[tilespmem:s11], [sflag:$0x1] =	stream.indirect.gather [hbm4b:s31+s10], $0x40, s20, s10, $0xb8;
	[tilespmem:$0x1E820] =	vst v63  }
0x179: {  	_ =	swait.ge [sflag:s12], $0xFA00  }
0x17a: {  	[sflag:s12] =	ssyncset.done $0x0  }
0x17b: {  	[sflag:s12] =	ssyncadd.s32 $0xFFFF0600  }
0x17c: {  	[spmem:s3] =	stream.indirect.scatter.add.f32 [tilespmem:s11], [sflag:$0x2], $0x40, s21, s10, $0xb8;
	[tilespmem:$0x1E820] =	vst v63  }
0x17d: {  	_ =	swait.ge [sflag:s8], $0xFA00  }
0x17e: {  	[sflag:s8] =	ssyncset.done $0x0  }
0x17f: {  	[sflag:s8] =	ssyncadd.s32 $0xFFFF0600  }
0x180: {  	[tilespmem:s11], [sflag:$0x1] =	stream.indirect.gather [hbm4b:s31+s10], $0x40, s22, s10, $0xb8;
	[tilespmem:$0x1E820] =	vst v63  }
0x181: {  	_ =	swait.ge [sflag:s12], $0xFA00  }
0x182: {  	[sflag:s12] =	ssyncset.done $0x0  }
0x183: {  	[sflag:s12] =	ssyncadd.s32 $0xFFFF0600  }
0x184: {  	[spmem:s3] =	stream.indirect.scatter.add.f32 [tilespmem:s11], [sflag:$0x2], $0x40, s23, s10, $0xb8;
	[tilespmem:$0x1E820] =	vst v63  }
0x185: {  	_ =	swait.ge [sflag:s8], $0xFA00  }
0x186: {  	[sflag:s8] =	ssyncset.done $0x0  }
0x187: {  	[sflag:s8] =	ssyncadd.s32 $0xFFFF0600  }
0x188: {  	[tilespmem:s11], [sflag:$0x1] =	stream.indirect.gather [hbm4b:s31+s10], $0x40, s24, s10, $0xb8;
	[tilespmem:$0x1E820] =	vst v63  }
0x189: {  	_ =	swait.ge [sflag:s12], $0xFA00  }
0x18a: {  	[sflag:s12] =	ssyncset.done $0x0  }
0x18b: {  	[sflag:s12] =	ssyncadd.s32 $0xFFFF0600  }
0x18c: {  	[spmem:s3] =	stream.indirect.scatter.add.f32 [tilespmem:s11], [sflag:$0x2], $0x40, s25, s10, $0xb8;
	[tilespmem:$0x1E820] =	vst v63  }
0x18d: {  	_ =	swait.ge [sflag:s8], $0xFA00  }
0x18e: {  	[sflag:s8] =	ssyncset.done $0x0  }
0x18f: {  	[sflag:s8] =	ssyncadd.s32 $0xFFFF0600  }
0x190: {  	[tilespmem:s11], [sflag:$0x1] =	stream.indirect.gather [hbm4b:s31+s10], $0x40, s26, s10, $0xb8;
	[tilespmem:$0x1E820] =	vst v63  }
0x191: {  	_ =	swait.ge [sflag:s12], $0xFA00  }
0x192: {  	[sflag:s12] =	ssyncset.done $0x0  }
0x193: {  	[sflag:s12] =	ssyncadd.s32 $0xFFFF0600  }
0x194: {  	[spmem:s3] =	stream.indirect.scatter.add.f32 [tilespmem:s11], [sflag:$0x2], $0x40, s28, s10, $0xb8;
	[tilespmem:$0x1E820] =	vst v63  }
0x195: {  	_ =	swait.ge [sflag:s8], $0xFA00  }
0x196: {  	[sflag:s8] =	ssyncset.done $0x0  }
0x197: {  	[sflag:s8] =	ssyncadd.s32 $0xFFFF0600  }
0x198: {  	[tilespmem:s11], [sflag:$0x1] =	stream.indirect.gather [hbm4b:s31+s10], $0x40, s29, s10, $0xb8;
	[tilespmem:$0x1E820] =	vst v63  }
0x199: {  	_ =	swait.ge [sflag:s12], $0xFA00  }
0x19a: {  	[sflag:s12] =	ssyncset.done $0x0  }
0x19b: {  	[sflag:s12] =	ssyncadd.s32 $0xFFFF0600  }
0x19c: {  	[spmem:s3] =	stream.indirect.scatter.add.f32 [tilespmem:s11], [sflag:$0x2], $0x40, s30, s10, $0xb8;
	[tilespmem:$0x1E820] =	vst v63  }
0x19d: {  	_ =	swait.ge [sflag:s8], $0xFA00  }
0x19e: {  	[sflag:s8] =	ssyncset.done $0x0  }
0x19f: {  	[sflag:s8] =	ssyncadd.s32 $0xFFFF0600  }
0x1a0: {  	p0 =	sne.s32 s0, $0x1;
	[bflag:$0x0] =	sbarrier.arrive $0xFFFF  }
.Ltmp1:
0x1a1: {  	s2 =	rddreg [dreg:$0x9];
	(pc) =	sbr.rel @p0 .LBB2_1-.Ltmp1, $4  }
0x1a2: {  	[hbm:s2], [sflag:s6] =	dma.local [spmem:s7], $0x1400  }
0x1a3: {  	_ =	swait.ge [sflag:s8], $0x1400  }
0x1a4: {  	[sflag:s8] =	ssyncset.done $0x0  }
0x1a5: {  	s0 =	sadd.s32 $0xFFFFFFFF, s0;
	[sflag:s8] =	ssyncadd.s32 $0xFFFFEC00  }
.LBB2_2:
0x1a6: {  	[bflag:$0x0] =	sbarrier.arrive $0xFFFF  }
0x1a7: {  	_ =	sfence.sel $0x180000  }
0x1a8: {  	[bflag:$0x0] =	sbarrier.arrive $0xFFFF  }
0x1a9: {  	_ =	strace $0x9000004A  }
0x1aa: {  	s0 =	stileid.u32;
	[bflag:$0x2] =	sbarrier.arrive $0xFFFF  }
0x1ab: {  	p0 =	sne.s32 s0, $0x0;
	s0 =	rddreg [dreg:$0x3]  }
0x1ac: {  	s0 =	sadd.s32 @!p0 $0x100000, s0  }
0x1ad: {  	[sflag:s0] =	ssyncadd.tile.s32 @!p0 $0x1;
	_ =	shalt  }
.Lfunc_end2:
_tile_overlayer_lowered:
.L_overlay_start_2:
0x1ae: {  	(tag) =	ssettag $0x2  }
0x1af: {  	s0 =	rddreg [dreg:$0x0];
	s2 =	stileid.u32  }
0x1b0: {  	s1 =	rddreg [dreg:$0x1];
	p0 =	sne.s32 s2, $0x0  }
0x1b1: {  	s3 =	rddreg [dreg:$0x2];
	[bflag:$0x3] =	sbarrier.arrive $0xFFFF;
	s2 =	simm.s32 @!p0 $0x1C02  }
0x1b2: {  	[timem:s3], [sflag:s2] =	dma.local @!p0 [hbm:s0], s1  }
0x1b3: {  	s0 =	simm.s32 @!p0 $0x2  }
0x1b4: {  	_ =	swait.ge @!p0 [sflag:s0], s1  }
0x1b5: {  	s1 =	ssub.s32 @!p0 $0x0, s1;
	[sflag:s0] =	ssyncset.done @!p0 $0x0  }
0x1b6: {  	[sflag:s0] =	ssyncadd.s32 @!p0 s1  }
0x1b7: {  	[bflag:$0x3] =	sbarrier.arrive $0xFFFF  }
0x1b8: {  	_ =	shalt  }

// kernel: kernel.13.cloned.1.call-start
scs
__scs_entry_jumppad:
0x0: {  	(pc) =	sbr.rel $0x88, $3  }
0x1: {  	(tag) =	ssettag $0x0;
	lr =	simm.s32 $0x1  }
0x2: {  	[smem:$0x3F93] =	sst lr;
	_ =	strace $0xD0000000  }
0x3: {  	_ = 	snop  }
0x4: {  	_ = 	snop  }
0x5: {  	_ = 	snop  }
0x6: {  	_ = 	snop  }
0x7: {  	_ = 	snop  }
__scs_overlays_trampoline_lowered:
0x8: {  	[smem:$0x3FA2] =	sst s0  }
0x9: {  	[smem:$0x3FA3] =	sst s1  }
0xa: {  	[smem:$0x3FA4] =	sst s2  }
0xb: {  	[smem:$0x3FA5] =	sst s3  }
0xc: {  	[smem:$0x3FA6] =	sst s4  }
0xd: {  	[smem:$0x3FA7] =	sst s5  }
0xe: {  	[smem:$0x3FA8] =	sst s6  }
0xf: {  	[smem:$0x3FA9] =	sst s7  }
0x10: {  	[smem:$0x3FAA] =	sst s8  }
0x11: {  	[smem:$0x3FAB] =	sst s9;
	s0 =	simm.s32 @!p0 $0x0  }
0x12: {  	s1 =	sld [smem:$0x3F91];
	s0 =	simm.s32 @p0 $0x1  }
0x13: {  	[smem:$0x3FAC] =	sst s0;
	s0 =	simm.s32 @!p1 $0x0  }
0x14: {  	s2 =	sld [smem:$0x3F90];
	s0 =	simm.s32 @p1 $0x1  }
0x15: {  	[smem:$0x3FAD] =	sst s0;
	s0 =	simm.s32 @!p2 $0x0  }
0x16: {  	s3 =	sld [smem:$0x3FDB];
	s0 =	simm.s32 @p2 $0x1  }
0x17: {  	s4 =	simm.s32 $0x1BF5;
	[smem:$0x3FAF] =	sst s0  }
0x18: {  	s0 =	sld [smem:$0x3F92];
	_ =	swait.ge [sflag:s4], $0x0  }
0x19: {  	s7 =	sld [smem:$0x3F93]  }
0x1a: {  	s8 =	sadd.s32 $0xFFFFE003, lr  }
0x1b: {  	s9 =	sadd.s32 $0xFFFFFEF7, lr;
	s5 =	simm.s32 $0xFFFFFFFF;
	p2 =	slt.u32 s8, $0xFFFFF086  }
0x1c: {  	p1 =	slt.u32 s9, $0xF7A;
	s5 =	simm.s32 @!p2 $0x0  }
0x1d: {  	s5 =	simm.s32 @p1 $0x1;
	p0 =	seq.s32 s7, s2  }
0x1e: {  	s7 =	smul.u32 @!p0 $0xF7A, s2;
	p2 =	seq.s32 @!p0 s5, $0x0  }
0x1f: {  	s9 =	smul.u32 $0xF7A, s1;
	s8 =	simm.s32 @!p0 $0x1BF5;
	p2 =	por !p2, p0  }
0x20: {  	[sflag:s8] =	ssyncset.s32 @!p0 $0xFFFFF086;
	s6 =	sadd.s32 @!p0 s3, s7;
	s7 =	simm.s32 @!p0 $0x108  }
0x21: {  	s3 =	sadd.s32 s3, s9;
	s6 =	sadd.s32 @!p0 $0x88, s6;
	s7 =	simm.s32 @p2 $0x1082  }
0x22: {  	[simem:s7], [sflag:s8] =	dma.local @!p0 [hbm:s6], $0xF7A  }
0x23: {  	s9 =	sor.u32 $0xD0000000, s2;
	s6 =	simm.s32 $0x108;
	_ =	swait.ge @!p0 [sflag:s8], $0x0  }
0x24: {  	s3 =	sadd.s32 $0x88, s3;
	s6 =	simm.s32 @!p1 $0x1082;
	[sflag:s4] =	ssyncset.s32 $0xFFFFF086  }
0x25: {  	[simem:s6], [sflag:s4] =	dma.local [hbm:s3], $0xF7A  }
0x26: {  	[smem:$0x3F93] =	sst s1;
	(tag) =	ssettag s2;
	_ =	strace s9  }
0x27: {  	s1 =	sld [smem:$0x3FA3]  }
0x28: {  	s2 =	sld [smem:$0x3FA4]  }
0x29: {  	s4 =	sld [smem:$0x3FA6]  }
0x2a: {  	p0 =	seq.s32 s5, $0x0;
	s5 =	sld [smem:$0x3FA7]  }
0x2b: {  	s6 =	sld [smem:$0x3FA8]  }
0x2c: {  	s7 =	sld [smem:$0x3FA9]  }
0x2d: {  	s3 =	simm.s32 $0x108;
	s8 =	sld [smem:$0x3FAA]  }
0x2e: {  	s3 =	simm.s32 @!p0 $0x1082;
	s9 =	sld [smem:$0x3FAB]  }
0x2f: {  	lr =	sadd.s32 s0, s3;
	s0 =	sld [smem:$0x3FA2]  }
0x30: {  	s3 =	sld [smem:$0x3FA5]  }
0x31: {  	[smem:$0x3FAE] =	sst s10  }
0x32: {  	s10 =	sld [smem:$0x3FAC];
	_ =	sdelay $0x3  }
0x33: {  	p0 =	seq.s32 s10, $0x1;
	s10 =	sld [smem:$0x3FAE];
	_ =	sdelay $0x3  }
0x34: {  	[smem:$0x3FAE] =	sst s10  }
0x35: {  	s10 =	sld [smem:$0x3FAD];
	_ =	sdelay $0x3  }
0x36: {  	p1 =	seq.s32 s10, $0x1;
	s10 =	sld [smem:$0x3FAE];
	_ =	sdelay $0x3  }
0x37: {  	[smem:$0x3FAE] =	sst s10  }
0x38: {  	s10 =	sld [smem:$0x3FAF]  }
0x39: {  	_ = 	snop;
	(pc) =	sbr.ind lr, $3  }
0x3a: {  	_ = 	snop  }
0x3b: {  	_ = 	snop  }
0x3c: {  	p2 =	seq.s32 s10, $0x1;
	s10 =	sld [smem:$0x3FAE]  }
0x3d: {  	_ =	shalt  }
0x3e: {  	_ =	shalt  }
0x3f: {  	_ =	shalt  }
0x40: {  	_ =	shalt  }
0x41: {  	_ =	shalt  }
0x42: {  	_ =	shalt  }
0x43: {  	_ =	shalt  }
0x44: {  	_ =	shalt  }
0x45: {  	_ =	shalt  }
0x46: {  	_ =	shalt  }
0x47: {  	_ =	shalt  }
0x48: {  	_ =	shalt  }
0x49: {  	_ =	shalt  }
0x4a: {  	_ =	shalt  }
0x4b: {  	_ =	shalt  }
0x4c: {  	_ =	shalt  }
0x4d: {  	_ =	shalt  }
0x4e: {  	_ =	shalt  }
0x4f: {  	_ =	shalt  }
0x50: {  	_ =	shalt  }
0x51: {  	_ =	shalt  }
0x52: {  	_ =	shalt  }
0x53: {  	_ =	shalt  }
0x54: {  	_ =	shalt  }
0x55: {  	_ =	shalt  }
0x56: {  	_ =	shalt  }
0x57: {  	_ =	shalt  }
0x58: {  	_ =	shalt  }
0x59: {  	_ =	shalt  }
0x5a: {  	_ =	shalt  }
0x5b: {  	_ =	shalt  }
0x5c: {  	_ =	shalt  }
0x5d: {  	_ =	shalt  }
0x5e: {  	_ =	shalt  }
0x5f: {  	_ =	shalt  }
0x60: {  	_ =	shalt  }
0x61: {  	_ =	shalt  }
0x62: {  	_ =	shalt  }
0x63: {  	_ =	shalt  }
0x64: {  	_ =	shalt  }
0x65: {  	_ =	shalt  }
0x66: {  	_ =	shalt  }
0x67: {  	_ =	shalt  }
0x68: {  	_ =	shalt  }
0x69: {  	_ =	shalt  }
0x6a: {  	_ =	shalt  }
0x6b: {  	_ =	shalt  }
0x6c: {  	_ =	shalt  }
0x6d: {  	_ =	shalt  }
0x6e: {  	_ =	shalt  }
0x6f: {  	_ =	shalt  }
0x70: {  	_ =	shalt  }
0x71: {  	_ =	shalt  }
0x72: {  	_ =	shalt  }
0x73: {  	_ =	shalt  }
0x74: {  	_ =	shalt  }
0x75: {  	_ =	shalt  }
0x76: {  	_ =	shalt  }
0x77: {  	_ =	shalt  }
0x78: {  	_ =	shalt  }
0x79: {  	_ =	shalt  }
0x7a: {  	_ =	shalt  }
0x7b: {  	_ =	shalt  }
0x7c: {  	_ =	shalt  }
0x7d: {  	_ =	shalt  }
0x7e: {  	_ =	shalt  }
0x7f: {  	_ =	shalt  }
0x80: {  	_ =	shalt  }
0x81: {  	_ =	shalt  }
0x82: {  	_ =	shalt  }
0x83: {  	_ =	shalt  }
0x84: {  	_ =	shalt  }
0x85: {  	_ =	shalt  }
0x86: {  	_ =	shalt  }
0x87: {  	_ =	shalt  }
.Lfunc_end0:
.L_simem_size_0:
called_computation.1_lowered:
.L_overlay_start_0:
0x88: {  	s2 =	sld [smem:$0x3FD9]  }
0x89: {  	s3 =	sld [smem:$0x3FFE];
	_ =	sdelay $0x1  }
0x8a: {  	s1 =	srdreg.scid  }
0x8b: {  	s0 =	sand.u32 $0x1, s1  }
0x8c: {  	s16 =	sshll.u32 s0, $0xA;
	s2 =	sadd.s32 s3, s2  }
0x8d: {  	s2 =	sadd.s32 s2, s16  }
0x8e: {  	[smem:$0x3FBA] =	sst s2  }
0x8f: {  	_ = 	snop  }
0x90: {  	(tm) =	ssettm $0x1  }
0x91: {  	s17 =	sld [smem:$0x3FFB];
	_ =	sdelay $0x3  }
0x92: {  	_ =	strace s17  }
0x93: {  	s2 =	sld [smem:$0x3FFC];
	_ =	sdelay $0x3  }
0x94: {  	_ =	strace s2  }
0x95: {  	s2 =	sld [smem:$0x3FFD];
	_ =	sdelay $0x3  }
0x96: {  	_ =	strace s2  }
0x97: {  	_ =	strace $0x8FFFFFFF  }
0x98: {  	s18 =	sld [smem:$0x3FDB];
	_ =	sdelay $0x1  }
0x99: {  	s19 =	simm.s32 $_scs_section_size  }
0x9a: {  	s4 =	simm.s32 $_size__tile_overlayer_lowered;
	s5 =	simm.s32 $_tile_overlayer_lowered  }
0x9b: {  	s22 =	simm.s32 $0x1BFF;
	s21 =	sshll.u32 s5, $0x1;
	s2 =	sadd.s32 s19, s18  }
0x9c: {  	s6 =	simm.s32 $0x0;
	s20 =	sshll.u32 s4, $0x1;
	s4 =	sadd.s32 s21, s2  }
0x9d: {  	[timem:s6], [sflag:s22] =	dma.local [hbm:s4], s20  }
0x9e: {  	_ =	swait.ge [sflag:s22], s20  }
0x9f: {  	s3 =	ssub.s32 $0x0, s20;
	[sflag:s22] =	ssyncset.done $0x0  }
0xa0: {  	[sflag:s22] =	ssyncadd.s32 s3;
	_ =	sdelay $0x1  }
0xa1: {  	s23 =	simm.s32 $0x1B8B  }
0xa2: {  	_ =	swait.ge [sflag:s23], $0x1  }
0xa3: {  	[sflag:s23] =	ssyncset.done $0x0  }
0xa4: {  	s25 =	simm.s32 $0x1B8E;
	s24 =	sld [smem:$0x3FFE];
	[sflag:s23] =	ssyncadd.s32 $0xFFFFFFFF  }
0xa5: {  	s26 =	simm.s32 $execute0_lowered;
	[smem:$0x3FD2] =	sst s25  }
0xa6: {  	s4 =	sshll.u32 s26, $0x1;
	_ =	strace $0x80000046;
	[dreg:$0x1] =	wrdreg $0xFFFFFFFF  }
0xa7: {  	s28 =	simm.s32 $_size_execute0_lowered;
	s2 =	sadd.s32 s2, s4;
	[dreg:$0x0] =	wrdreg $0x0  }
0xa8: {  	s4 =	sshll.u32 s28, $0x1;
	[dreg:$0x2] =	wrdreg s2  }
0xa9: {  	[dreg:$0x3] =	wrdreg s4  }
0xaa: {  	[dreg:$0x4] =	wrdreg $0xC0  }
0xab: {  	_ =	task [dreg:s6], $0x5FFFF  }
0xac: {  	[dreg:$0x1] =	wrdreg $0xFFFFFFFF  }
0xad: {  	[dreg:$0x0] =	wrdreg $0x60  }
0xae: {  	[dreg:$0x2] =	wrdreg s24  }
0xaf: {  	[dreg:$0x3] =	wrdreg $0x148200  }
0xb0: {  	[dreg:$0x4] =	wrdreg $0xA  }
0xb1: {  	_ =	task.clear_ibuf [dreg:s6], $0x5FFFF;
	_ =	strace $0x90000046  }
0xb2: {  	s29 =	simm.s32 $0xA;
	_ =	strace $0x80000048  }
0xb3: {  	_ =	swait.ge [sflag:s29], $0x1  }
0xb4: {  	[sflag:s29] =	ssyncadd.s32 $0xFFFFFFFF  }
0xb5: {  	_ =	strace $0x90000048  }
0xb6: {  	_ =	sfence  }
0xb7: {  	s30 =	sld [smem:$0x0];
	_ =	sdelay $0x2  }
0xb8: {  	s31 =	sshll.u32 s1, $0xD;
	s1 =	sshrl.u32 s1, $0x2  }
0xb9: {  	s3 =	sand.u32 $0x4000, s31;
	s1 =	sadd.s32 s1, s30  }
0xba: {  	s0 =	sor.u32 s3, s0;
	s1 =	sshll.u32 s1, $0x11  }
0xbb: {  	s0 =	sor.u32 s1, s0  }
0xbc: {  	s0 =	sadd.s32 $0x8F2B, s0  }
0xbd: {  	[sflag:s0] =	ssyncadd.remote.s32 $0x1  }
0xbe: {  	_ =	sfence.sel $0xFFFF  }
0xbf: {  	[dreg:$0x0] =	wrdreg $0xFFFFFFFF;
	(pc) =	sbr.abs _section_cstart, $3  }
0xc0: {  	[dreg:$0x1] =	wrdreg $0xFFFFFFFF  }
0xc1: {  	_ =	task.clear_ibuf [dreg:s6], $0x2FFFF;
	_ =	strace $0x9FFFFFFF  }
0xc2: {  	(tm) =	ssettm $0x7FFFFFFF  }
0xc3: {  	_ =	shalt  }
tec
execute0_lowered:
.L_overlay_start_1:
0x0: {  	(tag) =	ssettag $0x1  }
0x1: {  	s0 =	srdreg.scid;
	s1 =	stileid.u32  }
0x2: {  	s31 =	rddreg [dreg:$0x0];
	s0 =	sand.u32 $0x1, s0;
	s5 =	smul.u32 $0xA000, s1  }
0x3: {  	s2 =	rddreg [dreg:$0x1];
	s3 =	simm.s32 $0x0;
	s6 =	smul.u32 $0xA0000, s0  }
0x4: {  	[smem:$0x7FF] =	sst s3;
	s4 =	sshll.u32 s0, $0x4  }
0x5: {  	s7 =	sadd.s32 $0x19A00, s31;
	s4 =	sor.u32 s1, s4;
	s6 =	sadd.s32 s5, s6  }
0x6: {  	s8 =	sadd.s32 $0x6000, s31;
	s4 =	smul.u32 $0x2710, s4;
	s6 =	sshrl.u32 s6, $0x3  }
0x7: {  	s24 =	sshll.u32 s1, $0x6;
	_ =	strace $0x80000047;
	s6 =	sadd.s32 s6, s31  }
0x8: {  	s20 =	sshrl.u32 s5, $0x3;
	s9 =	sshrl.u32 s4, $0x3;
	s22 =	sadd.s32 $0x7C200, s6  }
0x9: {  	s10 =	sadd.s32 $0x9C40, s9;
	s6 =	sadd.s32 $0xA4200, s6;
	[dreg:$0x5] =	wrdreg s22  }
0xa: {  	s21 =	sadd.s32 s5, s2;
	s11 =	sadd.s32 s7, s10;
	[dreg:$0x8] =	wrdreg s6  }
0xb: {  	s5 =	sor.u32 $0x1C02, s24;
	s7 =	sadd.s32 s7, s9;
	[dreg:$0x3] =	wrdreg s11  }
0xc: {  	s4 =	sadd.s32 s20, s31;
	s23 =	sadd.s32 s8, s10;
	[dreg:$0x4] =	wrdreg s7  }
0xd: {  	s4 =	sadd.s32 $0x68200, s4;
	s8 =	sadd.s32 s8, s9;
	[dreg:$0x6] =	wrdreg s23  }
0xe: {  	s6 =	sshrl.u32 s21, $0x3;
	[dreg:$0x7] =	wrdreg s8;
	s7 =	simm.s32 $0x2  }
0xf: {  	[spmem:s6], [sflag:s5] =	dma.local [hbm:s4], $0x1400  }
0x10: {  	_ =	swait.ge [sflag:s7], $0x1400  }
0x11: {  	[sflag:s7] =	ssyncset.done $0x0  }
0x12: {  	[sflag:s7] =	ssyncadd.s32 $0xFFFFEC00  }
0x13: {  	[bflag:$0x0] =	sbarrier.arrive $0xFFFF  }
0x14: {  	s25 =	rddreg [dreg:$0x3]  }
0x15: {  	[tilespmem:s3], [sflag:$0x2] =	stream.linear.gather [hbm4b:s25+s3], $0x2710, $0x38;
	[tilespmem:$0x1E820] =	vst v63  }
0x16: {  	_ =	swait.ge [sflag:s7], $0x2710  }
0x17: {  	[sflag:s7] =	ssyncset.done $0x0  }
0x18: {  	s8 =	simm.s32 $0x2710;
	s26 =	rddreg [dreg:$0x4];
	[sflag:s7] =	ssyncadd.s32 $0xFFFFD8F0  }
0x19: {  	[tilespmem:s8], [sflag:$0x2] =	stream.linear.gather [hbm4b:s26+s3], $0x2710, $0x38;
	[tilespmem:$0x1E820] =	vst v63  }
0x1a: {  	_ =	swait.ge [sflag:s7], $0x2710  }
0x1b: {  	s12 =	simm.s32 $0x1;
	s9 =	sadd.s32 $0x2D400, s31;
	[sflag:s7] =	ssyncset.done $0x0  }
0x1c: {  	s10 =	simm.s32 $0x3E8;
	s11 =	simm.s32 $0x4E20;
	[sflag:s7] =	ssyncadd.s32 $0xFFFFD8F0  }
0x1d: {  	[tilespmem:s11], [sflag:$0x1] =	stream.indirect.gather [hbm4b:s9+s10], $0x40, s3, s10, $0xb8;
	[tilespmem:$0x1E820] =	vst v63  }
0x1e: {  	_ =	swait.ge [sflag:s12], $0xFA00  }
0x1f: {  	[sflag:s12] =	ssyncset.done $0x0  }
0x20: {  	[sflag:s12] =	ssyncadd.s32 $0xFFFF0600  }
0x21: {  	[spmem:s2] =	stream.indirect.scatter.add.f32 [tilespmem:s11], [sflag:$0x2], $0x40, s8, s10, $0xb8;
	[tilespmem:$0x1E820] =	vst v63  }
0x22: {  	_ =	swait.ge [sflag:s7], $0xFA00  }
0x23: {  	[sflag:s7] =	ssyncset.done $0x0  }
0x24: {  	[sflag:s7] =	ssyncadd.s32 $0xFFFF0600  }
0x25: {  	[tilespmem:s11], [sflag:$0x1] =	stream.indirect.gather [hbm4b:s9+s10], $0x40, s10, s10, $0xb8;
	[tilespmem:$0x1E820] =	vst v63  }
0x26: {  	_ =	swait.ge [sflag:s12], $0xFA00  }
0x27: {  	[sflag:s12] =	ssyncset.done $0x0  }
0x28: {  	s13 =	simm.s32 $0x2AF8;
	[sflag:s12] =	ssyncadd.s32 $0xFFFF0600  }
0x29: {  	[spmem:s2] =	stream.indirect.scatter.add.f32 [tilespmem:s11], [sflag:$0x2], $0x40, s13, s10, $0xb8;
	[tilespmem:$0x1E820] =	vst v63  }
0x2a: {  	_ =	swait.ge [sflag:s7], $0xFA00  }
0x2b: {  	[sflag:s7] =	ssyncset.done $0x0  }
0x2c: {  	s14 =	simm.s32 $0x7D0;
	[sflag:s7] =	ssyncadd.s32 $0xFFFF0600  }
0x2d: {  	[tilespmem:s11], [sflag:$0x1] =	stream.indirect.gather [hbm4b:s9+s10], $0x40, s14, s10, $0xb8;
	[tilespmem:$0x1E820] =	vst v63  }
0x2e: {  	_ =	swait.ge [sflag:s12], $0xFA00  }
0x2f: {  	[sflag:s12] =	ssyncset.done $0x0  }
0x30: {  	s15 =	simm.s32 $0x2EE0;
	[sflag:s12] =	ssyncadd.s32 $0xFFFF0600  }
0x31: {  	[spmem:s2] =	stream.indirect.scatter.add.f32 [tilespmem:s11], [sflag:$0x2], $0x40, s15, s10, $0xb8;
	[tilespmem:$0x1E820] =	vst v63  }
0x32: {  	_ =	swait.ge [sflag:s7], $0xFA00  }
0x33: {  	[sflag:s7] =	ssyncset.done $0x0  }
0x34: {  	s16 =	simm.s32 $0xBB8;
	[sflag:s7] =	ssyncadd.s32 $0xFFFF0600  }
0x35: {  	[tilespmem:s11], [sflag:$0x1] =	stream.indirect.gather [hbm4b:s9+s10], $0x40, s16, s10, $0xb8;
	[tilespmem:$0x1E820] =	vst v63  }
0x36: {  	_ =	swait.ge [sflag:s12], $0xFA00  }
0x37: {  	[sflag:s12] =	ssyncset.done $0x0  }
0x38: {  	s17 =	simm.s32 $0x32C8;
	[sflag:s12] =	ssyncadd.s32 $0xFFFF0600  }
0x39: {  	[spmem:s2] =	stream.indirect.scatter.add.f32 [tilespmem:s11], [sflag:$0x2], $0x40, s17, s10, $0xb8;
	[tilespmem:$0x1E820] =	vst v63  }
0x3a: {  	_ =	swait.ge [sflag:s7], $0xFA00  }
0x3b: {  	[sflag:s7] =	ssyncset.done $0x0  }
0x3c: {  	s18 =	simm.s32 $0xFA0;
	[sflag:s7] =	ssyncadd.s32 $0xFFFF0600  }
0x3d: {  	[tilespmem:s11], [sflag:$0x1] =	stream.indirect.gather [hbm4b:s9+s10], $0x40, s18, s10, $0xb8;
	[tilespmem:$0x1E820] =	vst v63  }
0x3e: {  	_ =	swait.ge [sflag:s12], $0xFA00  }
0x3f: {  	[sflag:s12] =	ssyncset.done $0x0  }
0x40: {  	s19 =	simm.s32 $0x36B0;
	[sflag:s12] =	ssyncadd.s32 $0xFFFF0600  }
0x41: {  	[spmem:s2] =	stream.indirect.scatter.add.f32 [tilespmem:s11], [sflag:$0x2], $0x40, s19, s10, $0xb8;
	[tilespmem:$0x1E820] =	vst v63  }
0x42: {  	_ =	swait.ge [sflag:s7], $0xFA00  }
0x43: {  	[sflag:s7] =	ssyncset.done $0x0  }
0x44: {  	s20 =	simm.s32 $0x1388;
	[sflag:s7] =	ssyncadd.s32 $0xFFFF0600  }
0x45: {  	[tilespmem:s11], [sflag:$0x1] =	stream.indirect.gather [hbm4b:s9+s10], $0x40, s20, s10, $0xb8;
	[tilespmem:$0x1E820] =	vst v63  }
0x46: {  	_ =	swait.ge [sflag:s12], $0xFA00  }
0x47: {  	[sflag:s12] =	ssyncset.done $0x0  }
0x48: {  	s21 =	simm.s32 $0x3A98;
	[sflag:s12] =	ssyncadd.s32 $0xFFFF0600  }
0x49: {  	[spmem:s2] =	stream.indirect.scatter.add.f32 [tilespmem:s11], [sflag:$0x2], $0x40, s21, s10, $0xb8;
	[tilespmem:$0x1E820] =	vst v63  }
0x4a: {  	_ =	swait.ge [sflag:s7], $0xFA00  }
0x4b: {  	[sflag:s7] =	ssyncset.done $0x0  }
0x4c: {  	s22 =	simm.s32 $0x1770;
	[sflag:s7] =	ssyncadd.s32 $0xFFFF0600  }
0x4d: {  	[tilespmem:s11], [sflag:$0x1] =	stream.indirect.gather [hbm4b:s9+s10], $0x40, s22, s10, $0xb8;
	[tilespmem:$0x1E820] =	vst v63  }
0x4e: {  	_ =	swait.ge [sflag:s12], $0xFA00  }
0x4f: {  	[sflag:s12] =	ssyncset.done $0x0  }
0x50: {  	s23 =	simm.s32 $0x3E80;
	[sflag:s12] =	ssyncadd.s32 $0xFFFF0600  }
0x51: {  	[spmem:s2] =	stream.indirect.scatter.add.f32 [tilespmem:s11], [sflag:$0x2], $0x40, s23, s10, $0xb8;
	[tilespmem:$0x1E820] =	vst v63  }
0x52: {  	_ =	swait.ge [sflag:s7], $0xFA00  }
0x53: {  	[sflag:s7] =	ssyncset.done $0x0  }
0x54: {  	s24 =	simm.s32 $0x1B58;
	[sflag:s7] =	ssyncadd.s32 $0xFFFF0600  }
0x55: {  	[tilespmem:s11], [sflag:$0x1] =	stream.indirect.gather [hbm4b:s9+s10], $0x40, s24, s10, $0xb8;
	[tilespmem:$0x1E820] =	vst v63  }
0x56: {  	_ =	swait.ge [sflag:s12], $0xFA00  }
0x57: {  	[sflag:s12] =	ssyncset.done $0x0  }
0x58: {  	s25 =	simm.s32 $0x4268;
	[sflag:s12] =	ssyncadd.s32 $0xFFFF0600  }
0x59: {  	[spmem:s2] =	stream.indirect.scatter.add.f32 [tilespmem:s11], [sflag:$0x2], $0x40, s25, s10, $0xb8;
	[tilespmem:$0x1E820] =	vst v63  }
0x5a: {  	_ =	swait.ge [sflag:s7], $0xFA00  }
0x5b: {  	[sflag:s7] =	ssyncset.done $0x0  }
0x5c: {  	s26 =	simm.s32 $0x1F40;
	[sflag:s7] =	ssyncadd.s32 $0xFFFF0600  }
0x5d: {  	[tilespmem:s11], [sflag:$0x1] =	stream.indirect.gather [hbm4b:s9+s10], $0x40, s26, s10, $0xb8;
	[tilespmem:$0x1E820] =	vst v63  }
0x5e: {  	_ =	swait.ge [sflag:s12], $0xFA00  }
0x5f: {  	[sflag:s12] =	ssyncset.done $0x0  }
0x60: {  	s28 =	simm.s32 $0x4650;
	[sflag:s12] =	ssyncadd.s32 $0xFFFF0600  }
0x61: {  	[spmem:s2] =	stream.indirect.scatter.add.f32 [tilespmem:s11], [sflag:$0x2], $0x40, s28, s10, $0xb8;
	[tilespmem:$0x1E820] =	vst v63  }
0x62: {  	_ =	swait.ge [sflag:s7], $0xFA00  }
0x63: {  	[sflag:s7] =	ssyncset.done $0x0  }
0x64: {  	s29 =	simm.s32 $0x2328;
	[sflag:s7] =	ssyncadd.s32 $0xFFFF0600  }
0x65: {  	[tilespmem:s11], [sflag:$0x1] =	stream.indirect.gather [hbm4b:s9+s10], $0x40, s29, s10, $0xb8;
	[tilespmem:$0x1E820] =	vst v63  }
0x66: {  	_ =	swait.ge [sflag:s12], $0xFA00  }
0x67: {  	[sflag:s12] =	ssyncset.done $0x0  }
0x68: {  	s30 =	simm.s32 $0x4A38;
	[sflag:s12] =	ssyncadd.s32 $0xFFFF0600  }
0x69: {  	[spmem:s2] =	stream.indirect.scatter.add.f32 [tilespmem:s11], [sflag:$0x2], $0x40, s30, s10, $0xb8;
	[tilespmem:$0x1E820] =	vst v63  }
0x6a: {  	_ =	swait.ge [sflag:s7], $0xFA00  }
0x6b: {  	[sflag:s7] =	ssyncset.done $0x0  }
0x6c: {  	[sflag:s7] =	ssyncadd.s32 $0xFFFF0600  }
0x6d: {  	[bflag:$0x0] =	sbarrier.arrive $0xFFFF  }
0x6e: {  	s1 =	rddreg [dreg:$0x5]  }
0x6f: {  	[hbm:s1], [sflag:s5] =	dma.local [spmem:s6], $0x1400  }
0x70: {  	_ =	swait.ge [sflag:s7], $0x1400  }
0x71: {  	[sflag:s7] =	ssyncset.done $0x0  }
0x72: {  	[sflag:s7] =	ssyncadd.s32 $0xFFFFEC00  }
0x73: {  	[spmem:s6], [sflag:s5] =	dma.local [hbm:s4], $0x1400  }
0x74: {  	_ =	swait.ge [sflag:s7], $0x1400  }
0x75: {  	[sflag:s7] =	ssyncset.done $0x0  }
0x76: {  	[sflag:s7] =	ssyncadd.s32 $0xFFFFEC00  }
0x77: {  	[bflag:$0x0] =	sbarrier.arrive $0xFFFF  }
0x78: {  	s1 =	rddreg [dreg:$0x6]  }
0x79: {  	[tilespmem:s3], [sflag:$0x2] =	stream.linear.gather [hbm4b:s1+s3], $0x2710, $0x38;
	[tilespmem:$0x1E820] =	vst v63  }
0x7a: {  	_ =	swait.ge [sflag:s7], $0x2710  }
0x7b: {  	[sflag:s7] =	ssyncset.done $0x0  }
0x7c: {  	s1 =	rddreg [dreg:$0x7];
	[sflag:s7] =	ssyncadd.s32 $0xFFFFD8F0  }
0x7d: {  	[tilespmem:s8], [sflag:$0x2] =	stream.linear.gather [hbm4b:s1+s3], $0x2710, $0x38;
	[tilespmem:$0x1E820] =	vst v63  }
0x7e: {  	_ =	swait.ge [sflag:s7], $0x2710  }
0x7f: {  	[sflag:s7] =	ssyncset.done $0x0  }
0x80: {  	s31 =	sadd.s32 $0x40E00, s31;
	[sflag:s7] =	ssyncadd.s32 $0xFFFFD8F0  }
0x81: {  	[tilespmem:s11], [sflag:$0x1] =	stream.indirect.gather [hbm4b:s31+s10], $0x40, s3, s10, $0xb8;
	[tilespmem:$0x1E820] =	vst v63  }
0x82: {  	_ =	swait.ge [sflag:s12], $0xFA00  }
0x83: {  	[sflag:s12] =	ssyncset.done $0x0  }
0x84: {  	[sflag:s12] =	ssyncadd.s32 $0xFFFF0600  }
0x85: {  	[spmem:s2] =	stream.indirect.scatter.add.f32 [tilespmem:s11], [sflag:$0x2], $0x40, s8, s10, $0xb8;
	[tilespmem:$0x1E820] =	vst v63  }
0x86: {  	_ =	swait.ge [sflag:s7], $0xFA00  }
0x87: {  	[sflag:s7] =	ssyncset.done $0x0  }
0x88: {  	[sflag:s7] =	ssyncadd.s32 $0xFFFF0600  }
0x89: {  	[tilespmem:s11], [sflag:$0x1] =	stream.indirect.gather [hbm4b:s31+s10], $0x40, s10, s10, $0xb8;
	[tilespmem:$0x1E820] =	vst v63  }
0x8a: {  	_ =	swait.ge [sflag:s12], $0xFA00  }
0x8b: {  	[sflag:s12] =	ssyncset.done $0x0  }
0x8c: {  	[sflag:s12] =	ssyncadd.s32 $0xFFFF0600  }
0x8d: {  	[spmem:s2] =	stream.indirect.scatter.add.f32 [tilespmem:s11], [sflag:$0x2], $0x40, s13, s10, $0xb8;
	[tilespmem:$0x1E820] =	vst v63  }
0x8e: {  	_ =	swait.ge [sflag:s7], $0xFA00  }
0x8f: {  	[sflag:s7] =	ssyncset.done $0x0  }
0x90: {  	[sflag:s7] =	ssyncadd.s32 $0xFFFF0600  }
0x91: {  	[tilespmem:s11], [sflag:$0x1] =	stream.indirect.gather [hbm4b:s31+s10], $0x40, s14, s10, $0xb8;
	[tilespmem:$0x1E820] =	vst v63  }
0x92: {  	_ =	swait.ge [sflag:s12], $0xFA00  }
0x93: {  	[sflag:s12] =	ssyncset.done $0x0  }
0x94: {  	[sflag:s12] =	ssyncadd.s32 $0xFFFF0600  }
0x95: {  	[spmem:s2] =	stream.indirect.scatter.add.f32 [tilespmem:s11], [sflag:$0x2], $0x40, s15, s10, $0xb8;
	[tilespmem:$0x1E820] =	vst v63  }
0x96: {  	_ =	swait.ge [sflag:s7], $0xFA00  }
0x97: {  	[sflag:s7] =	ssyncset.done $0x0  }
0x98: {  	[sflag:s7] =	ssyncadd.s32 $0xFFFF0600  }
0x99: {  	[tilespmem:s11], [sflag:$0x1] =	stream.indirect.gather [hbm4b:s31+s10], $0x40, s16, s10, $0xb8;
	[tilespmem:$0x1E820] =	vst v63  }
0x9a: {  	_ =	swait.ge [sflag:s12], $0xFA00  }
0x9b: {  	[sflag:s12] =	ssyncset.done $0x0  }
0x9c: {  	[sflag:s12] =	ssyncadd.s32 $0xFFFF0600  }
0x9d: {  	[spmem:s2] =	stream.indirect.scatter.add.f32 [tilespmem:s11], [sflag:$0x2], $0x40, s17, s10, $0xb8;
	[tilespmem:$0x1E820] =	vst v63  }
0x9e: {  	_ =	swait.ge [sflag:s7], $0xFA00  }
0x9f: {  	[sflag:s7] =	ssyncset.done $0x0  }
0xa0: {  	[sflag:s7] =	ssyncadd.s32 $0xFFFF0600  }
0xa1: {  	[tilespmem:s11], [sflag:$0x1] =	stream.indirect.gather [hbm4b:s31+s10], $0x40, s18, s10, $0xb8;
	[tilespmem:$0x1E820] =	vst v63  }
0xa2: {  	_ =	swait.ge [sflag:s12], $0xFA00  }
0xa3: {  	[sflag:s12] =	ssyncset.done $0x0  }
0xa4: {  	[sflag:s12] =	ssyncadd.s32 $0xFFFF0600  }
0xa5: {  	[spmem:s2] =	stream.indirect.scatter.add.f32 [tilespmem:s11], [sflag:$0x2], $0x40, s19, s10, $0xb8;
	[tilespmem:$0x1E820] =	vst v63  }
0xa6: {  	_ =	swait.ge [sflag:s7], $0xFA00  }
0xa7: {  	[sflag:s7] =	ssyncset.done $0x0  }
0xa8: {  	[sflag:s7] =	ssyncadd.s32 $0xFFFF0600  }
0xa9: {  	[tilespmem:s11], [sflag:$0x1] =	stream.indirect.gather [hbm4b:s31+s10], $0x40, s20, s10, $0xb8;
	[tilespmem:$0x1E820] =	vst v63  }
0xaa: {  	_ =	swait.ge [sflag:s12], $0xFA00  }
0xab: {  	[sflag:s12] =	ssyncset.done $0x0  }
0xac: {  	[sflag:s12] =	ssyncadd.s32 $0xFFFF0600  }
0xad: {  	[spmem:s2] =	stream.indirect.scatter.add.f32 [tilespmem:s11], [sflag:$0x2], $0x40, s21, s10, $0xb8;
	[tilespmem:$0x1E820] =	vst v63  }
0xae: {  	_ =	swait.ge [sflag:s7], $0xFA00  }
0xaf: {  	[sflag:s7] =	ssyncset.done $0x0  }
0xb0: {  	[sflag:s7] =	ssyncadd.s32 $0xFFFF0600  }
0xb1: {  	[tilespmem:s11], [sflag:$0x1] =	stream.indirect.gather [hbm4b:s31+s10], $0x40, s22, s10, $0xb8;
	[tilespmem:$0x1E820] =	vst v63  }
0xb2: {  	_ =	swait.ge [sflag:s12], $0xFA00  }
0xb3: {  	[sflag:s12] =	ssyncset.done $0x0  }
0xb4: {  	[sflag:s12] =	ssyncadd.s32 $0xFFFF0600  }
0xb5: {  	[spmem:s2] =	stream.indirect.scatter.add.f32 [tilespmem:s11], [sflag:$0x2], $0x40, s23, s10, $0xb8;
	[tilespmem:$0x1E820] =	vst v63  }
0xb6: {  	_ =	swait.ge [sflag:s7], $0xFA00  }
0xb7: {  	[sflag:s7] =	ssyncset.done $0x0  }
0xb8: {  	[sflag:s7] =	ssyncadd.s32 $0xFFFF0600  }
0xb9: {  	[tilespmem:s11], [sflag:$0x1] =	stream.indirect.gather [hbm4b:s31+s10], $0x40, s24, s10, $0xb8;
	[tilespmem:$0x1E820] =	vst v63  }
0xba: {  	_ =	swait.ge [sflag:s12], $0xFA00  }
0xbb: {  	[sflag:s12] =	ssyncset.done $0x0  }
0xbc: {  	[sflag:s12] =	ssyncadd.s32 $0xFFFF0600  }
0xbd: {  	[spmem:s2] =	stream.indirect.scatter.add.f32 [tilespmem:s11], [sflag:$0x2], $0x40, s25, s10, $0xb8;
	[tilespmem:$0x1E820] =	vst v63  }
0xbe: {  	_ =	swait.ge [sflag:s7], $0xFA00  }
0xbf: {  	[sflag:s7] =	ssyncset.done $0x0  }
0xc0: {  	[sflag:s7] =	ssyncadd.s32 $0xFFFF0600  }
0xc1: {  	[tilespmem:s11], [sflag:$0x1] =	stream.indirect.gather [hbm4b:s31+s10], $0x40, s26, s10, $0xb8;
	[tilespmem:$0x1E820] =	vst v63  }
0xc2: {  	_ =	swait.ge [sflag:s12], $0xFA00  }
0xc3: {  	[sflag:s12] =	ssyncset.done $0x0  }
0xc4: {  	[sflag:s12] =	ssyncadd.s32 $0xFFFF0600  }
0xc5: {  	[spmem:s2] =	stream.indirect.scatter.add.f32 [tilespmem:s11], [sflag:$0x2], $0x40, s28, s10, $0xb8;
	[tilespmem:$0x1E820] =	vst v63  }
0xc6: {  	_ =	swait.ge [sflag:s7], $0xFA00  }
0xc7: {  	[sflag:s7] =	ssyncset.done $0x0  }
0xc8: {  	[sflag:s7] =	ssyncadd.s32 $0xFFFF0600  }
0xc9: {  	[tilespmem:s11], [sflag:$0x1] =	stream.indirect.gather [hbm4b:s31+s10], $0x40, s29, s10, $0xb8;
	[tilespmem:$0x1E820] =	vst v63  }
0xca: {  	_ =	swait.ge [sflag:s12], $0xFA00  }
0xcb: {  	[sflag:s12] =	ssyncset.done $0x0  }
0xcc: {  	[sflag:s12] =	ssyncadd.s32 $0xFFFF0600  }
0xcd: {  	[spmem:s2] =	stream.indirect.scatter.add.f32 [tilespmem:s11], [sflag:$0x2], $0x40, s30, s10, $0xb8;
	[tilespmem:$0x1E820] =	vst v63  }
0xce: {  	_ =	swait.ge [sflag:s7], $0xFA00  }
0xcf: {  	[sflag:s7] =	ssyncset.done $0x0  }
0xd0: {  	[sflag:s7] =	ssyncadd.s32 $0xFFFF0600  }
0xd1: {  	[bflag:$0x0] =	sbarrier.arrive $0xFFFF  }
0xd2: {  	s0 =	ssub.s32 $0x2, s0;
	s1 =	rddreg [dreg:$0x8]  }
0xd3: {  	[dreg:$0x9] =	wrdreg s1;
	s1 =	sshrl.u32 s0, $0x1  }
0xd4: {  	s0 =	ssub.s32 s0, s1  }
0xd5: {  	s0 =	smax.u32 s0, $0x1  }
0xd6: {  	p0 =	sne.s32 s0, $0x1  }
.Ltmp0:
0xd7: {  	s1 =	rddreg [dreg:$0x9];
	(pc) =	sbr.rel @!p0 .LBB2_2-.Ltmp0, $4  }
0xd8: {  	[hbm:s1], [sflag:s5] =	dma.local [spmem:s6], $0x1400  }
0xd9: {  	_ =	swait.ge [sflag:s7], $0x1400  }
0xda: {  	[sflag:s7] =	ssyncset.done $0x0  }
0xdb: {  	s0 =	sadd.s32 $0xFFFFFFFF, s0;
	[sflag:s7] =	ssyncadd.s32 $0xFFFFEC00  }
.LBB2_1:
0xdc: {  	[bflag:$0x0] =	sbarrier.arrive $0xFFFF  }
0xdd: {  	[spmem:s6], [sflag:s5] =	dma.local [hbm:s4], $0x1400  }
0xde: {  	_ =	swait.ge [sflag:s7], $0x1400  }
0xdf: {  	[sflag:s7] =	ssyncset.done $0x0  }
0xe0: {  	[sflag:s7] =	ssyncadd.s32 $0xFFFFEC00  }
0xe1: {  	[bflag:$0x0] =	sbarrier.arrive $0xFFFF  }
0xe2: {  	s1 =	rddreg [dreg:$0x3]  }
0xe3: {  	[tilespmem:s3], [sflag:$0x2] =	stream.linear.gather [hbm4b:s1+s3], $0x2710, $0x38;
	[tilespmem:$0x1E820] =	vst v63  }
0xe4: {  	_ =	swait.ge [sflag:s7], $0x2710  }
0xe5: {  	[sflag:s7] =	ssyncset.done $0x0  }
0xe6: {  	s1 =	rddreg [dreg:$0x4];
	[sflag:s7] =	ssyncadd.s32 $0xFFFFD8F0  }
0xe7: {  	[tilespmem:s8], [sflag:$0x2] =	stream.linear.gather [hbm4b:s1+s3], $0x2710, $0x38;
	[tilespmem:$0x1E820] =	vst v63  }
0xe8: {  	_ =	swait.ge [sflag:s7], $0x2710  }
0xe9: {  	[sflag:s7] =	ssyncset.done $0x0  }
0xea: {  	[sflag:s7] =	ssyncadd.s32 $0xFFFFD8F0  }
0xeb: {  	[tilespmem:s11], [sflag:$0x1] =	stream.indirect.gather [hbm4b:s9+s10], $0x40, s3, s10, $0xb8;
	[tilespmem:$0x1E820] =	vst v63  }
0xec: {  	_ =	swait.ge [sflag:s12], $0xFA00  }
0xed: {  	[sflag:s12] =	ssyncset.done $0x0  }
0xee: {  	[sflag:s12] =	ssyncadd.s32 $0xFFFF0600  }
0xef: {  	[spmem:s2] =	stream.indirect.scatter.add.f32 [tilespmem:s11], [sflag:$0x2], $0x40, s8, s10, $0xb8;
	[tilespmem:$0x1E820] =	vst v63  }
0xf0: {  	_ =	swait.ge [sflag:s7], $0xFA00  }
0xf1: {  	[sflag:s7] =	ssyncset.done $0x0  }
0xf2: {  	[sflag:s7] =	ssyncadd.s32 $0xFFFF0600  }
0xf3: {  	[tilespmem:s11], [sflag:$0x1] =	stream.indirect.gather [hbm4b:s9+s10], $0x40, s10, s10, $0xb8;
	[tilespmem:$0x1E820] =	vst v63  }
0xf4: {  	_ =	swait.ge [sflag:s12], $0xFA00  }
0xf5: {  	[sflag:s12] =	ssyncset.done $0x0  }
0xf6: {  	[sflag:s12] =	ssyncadd.s32 $0xFFFF0600  }
0xf7: {  	[spmem:s2] =	stream.indirect.scatter.add.f32 [tilespmem:s11], [sflag:$0x2], $0x40, s13, s10, $0xb8;
	[tilespmem:$0x1E820] =	vst v63  }
0xf8: {  	_ =	swait.ge [sflag:s7], $0xFA00  }
0xf9: {  	[sflag:s7] =	ssyncset.done $0x0  }
0xfa: {  	[sflag:s7] =	ssyncadd.s32 $0xFFFF0600  }
0xfb: {  	[tilespmem:s11], [sflag:$0x1] =	stream.indirect.gather [hbm4b:s9+s10], $0x40, s14, s10, $0xb8;
	[tilespmem:$0x1E820] =	vst v63  }
0xfc: {  	_ =	swait.ge [sflag:s12], $0xFA00  }
0xfd: {  	[sflag:s12] =	ssyncset.done $0x0  }
0xfe: {  	[sflag:s12] =	ssyncadd.s32 $0xFFFF0600  }
0xff: {  	[spmem:s2] =	stream.indirect.scatter.add.f32 [tilespmem:s11], [sflag:$0x2], $0x40, s15, s10, $0xb8;
	[tilespmem:$0x1E820] =	vst v63  }
0x100: {  	_ =	swait.ge [sflag:s7], $0xFA00  }
0x101: {  	[sflag:s7] =	ssyncset.done $0x0  }
0x102: {  	[sflag:s7] =	ssyncadd.s32 $0xFFFF0600  }
0x103: {  	[tilespmem:s11], [sflag:$0x1] =	stream.indirect.gather [hbm4b:s9+s10], $0x40, s16, s10, $0xb8;
	[tilespmem:$0x1E820] =	vst v63  }
0x104: {  	_ =	swait.ge [sflag:s12], $0xFA00  }
0x105: {  	[sflag:s12] =	ssyncset.done $0x0  }
0x106: {  	[sflag:s12] =	ssyncadd.s32 $0xFFFF0600  }
0x107: {  	[spmem:s2] =	stream.indirect.scatter.add.f32 [tilespmem:s11], [sflag:$0x2], $0x40, s17, s10, $0xb8;
	[tilespmem:$0x1E820] =	vst v63  }
0x108: {  	_ =	swait.ge [sflag:s7], $0xFA00  }
0x109: {  	[sflag:s7] =	ssyncset.done $0x0  }
0x10a: {  	[sflag:s7] =	ssyncadd.s32 $0xFFFF0600  }
0x10b: {  	[tilespmem:s11], [sflag:$0x1] =	stream.indirect.gather [hbm4b:s9+s10], $0x40, s18, s10, $0xb8;
	[tilespmem:$0x1E820] =	vst v63  }
0x10c: {  	_ =	swait.ge [sflag:s12], $0xFA00  }
0x10d: {  	[sflag:s12] =	ssyncset.done $0x0  }
0x10e: {  	[sflag:s12] =	ssyncadd.s32 $0xFFFF0600  }
0x10f: {  	[spmem:s2] =	stream.indirect.scatter.add.f32 [tilespmem:s11], [sflag:$0x2], $0x40, s19, s10, $0xb8;
	[tilespmem:$0x1E820] =	vst v63  }
0x110: {  	_ =	swait.ge [sflag:s7], $0xFA00  }
0x111: {  	[sflag:s7] =	ssyncset.done $0x0  }
0x112: {  	[sflag:s7] =	ssyncadd.s32 $0xFFFF0600  }
0x113: {  	[tilespmem:s11], [sflag:$0x1] =	stream.indirect.gather [hbm4b:s9+s10], $0x40, s20, s10, $0xb8;
	[tilespmem:$0x1E820] =	vst v63  }
0x114: {  	_ =	swait.ge [sflag:s12], $0xFA00  }
0x115: {  	[sflag:s12] =	ssyncset.done $0x0  }
0x116: {  	[sflag:s12] =	ssyncadd.s32 $0xFFFF0600  }
0x117: {  	[spmem:s2] =	stream.indirect.scatter.add.f32 [tilespmem:s11], [sflag:$0x2], $0x40, s21, s10, $0xb8;
	[tilespmem:$0x1E820] =	vst v63  }
0x118: {  	_ =	swait.ge [sflag:s7], $0xFA00  }
0x119: {  	[sflag:s7] =	ssyncset.done $0x0  }
0x11a: {  	[sflag:s7] =	ssyncadd.s32 $0xFFFF0600  }
0x11b: {  	[tilespmem:s11], [sflag:$0x1] =	stream.indirect.gather [hbm4b:s9+s10], $0x40, s22, s10, $0xb8;
	[tilespmem:$0x1E820] =	vst v63  }
0x11c: {  	_ =	swait.ge [sflag:s12], $0xFA00  }
0x11d: {  	[sflag:s12] =	ssyncset.done $0x0  }
0x11e: {  	[sflag:s12] =	ssyncadd.s32 $0xFFFF0600  }
0x11f: {  	[spmem:s2] =	stream.indirect.scatter.add.f32 [tilespmem:s11], [sflag:$0x2], $0x40, s23, s10, $0xb8;
	[tilespmem:$0x1E820] =	vst v63  }
0x120: {  	_ =	swait.ge [sflag:s7], $0xFA00  }
0x121: {  	[sflag:s7] =	ssyncset.done $0x0  }
0x122: {  	[sflag:s7] =	ssyncadd.s32 $0xFFFF0600  }
0x123: {  	[tilespmem:s11], [sflag:$0x1] =	stream.indirect.gather [hbm4b:s9+s10], $0x40, s24, s10, $0xb8;
	[tilespmem:$0x1E820] =	vst v63  }
0x124: {  	_ =	swait.ge [sflag:s12], $0xFA00  }
0x125: {  	[sflag:s12] =	ssyncset.done $0x0  }
0x126: {  	[sflag:s12] =	ssyncadd.s32 $0xFFFF0600  }
0x127: {  	[spmem:s2] =	stream.indirect.scatter.add.f32 [tilespmem:s11], [sflag:$0x2], $0x40, s25, s10, $0xb8;
	[tilespmem:$0x1E820] =	vst v63  }
0x128: {  	_ =	swait.ge [sflag:s7], $0xFA00  }
0x129: {  	[sflag:s7] =	ssyncset.done $0x0  }
0x12a: {  	[sflag:s7] =	ssyncadd.s32 $0xFFFF0600  }
0x12b: {  	[tilespmem:s11], [sflag:$0x1] =	stream.indirect.gather [hbm4b:s9+s10], $0x40, s26, s10, $0xb8;
	[tilespmem:$0x1E820] =	vst v63  }
0x12c: {  	_ =	swait.ge [sflag:s12], $0xFA00  }
0x12d: {  	[sflag:s12] =	ssyncset.done $0x0  }
0x12e: {  	[sflag:s12] =	ssyncadd.s32 $0xFFFF0600  }
0x12f: {  	[spmem:s2] =	stream.indirect.scatter.add.f32 [tilespmem:s11], [sflag:$0x2], $0x40, s28, s10, $0xb8;
	[tilespmem:$0x1E820] =	vst v63  }
0x130: {  	_ =	swait.ge [sflag:s7], $0xFA00  }
0x131: {  	[sflag:s7] =	ssyncset.done $0x0  }
0x132: {  	[sflag:s7] =	ssyncadd.s32 $0xFFFF0600  }
0x133: {  	[tilespmem:s11], [sflag:$0x1] =	stream.indirect.gather [hbm4b:s9+s10], $0x40, s29, s10, $0xb8;
	[tilespmem:$0x1E820] =	vst v63  }
0x134: {  	_ =	swait.ge [sflag:s12], $0xFA00  }
0x135: {  	[sflag:s12] =	ssyncset.done $0x0  }
0x136: {  	[sflag:s12] =	ssyncadd.s32 $0xFFFF0600  }
0x137: {  	[spmem:s2] =	stream.indirect.scatter.add.f32 [tilespmem:s11], [sflag:$0x2], $0x40, s30, s10, $0xb8;
	[tilespmem:$0x1E820] =	vst v63  }
0x138: {  	_ =	swait.ge [sflag:s7], $0xFA00  }
0x139: {  	[sflag:s7] =	ssyncset.done $0x0  }
0x13a: {  	[sflag:s7] =	ssyncadd.s32 $0xFFFF0600  }
0x13b: {  	[bflag:$0x0] =	sbarrier.arrive $0xFFFF  }
0x13c: {  	s1 =	rddreg [dreg:$0x5]  }
0x13d: {  	[hbm:s1], [sflag:s5] =	dma.local [spmem:s6], $0x1400  }
0x13e: {  	_ =	swait.ge [sflag:s7], $0x1400  }
0x13f: {  	[sflag:s7] =	ssyncset.done $0x0  }
0x140: {  	[sflag:s7] =	ssyncadd.s32 $0xFFFFEC00  }
0x141: {  	[spmem:s6], [sflag:s5] =	dma.local [hbm:s4], $0x1400  }
0x142: {  	_ =	swait.ge [sflag:s7], $0x1400  }
0x143: {  	[sflag:s7] =	ssyncset.done $0x0  }
0x144: {  	[sflag:s7] =	ssyncadd.s32 $0xFFFFEC00  }
0x145: {  	[bflag:$0x0] =	sbarrier.arrive $0xFFFF  }
0x146: {  	s1 =	rddreg [dreg:$0x6]  }
0x147: {  	[tilespmem:s3], [sflag:$0x2] =	stream.linear.gather [hbm4b:s1+s3], $0x2710, $0x38;
	[tilespmem:$0x1E820] =	vst v63  }
0x148: {  	_ =	swait.ge [sflag:s7], $0x2710  }
0x149: {  	[sflag:s7] =	ssyncset.done $0x0  }
0x14a: {  	s1 =	rddreg [dreg:$0x7];
	[sflag:s7] =	ssyncadd.s32 $0xFFFFD8F0  }
0x14b: {  	[tilespmem:s8], [sflag:$0x2] =	stream.linear.gather [hbm4b:s1+s3], $0x2710, $0x38;
	[tilespmem:$0x1E820] =	vst v63  }
0x14c: {  	_ =	swait.ge [sflag:s7], $0x2710  }
0x14d: {  	[sflag:s7] =	ssyncset.done $0x0  }
0x14e: {  	[sflag:s7] =	ssyncadd.s32 $0xFFFFD8F0  }
0x14f: {  	[tilespmem:s11], [sflag:$0x1] =	stream.indirect.gather [hbm4b:s31+s10], $0x40, s3, s10, $0xb8;
	[tilespmem:$0x1E820] =	vst v63  }
0x150: {  	_ =	swait.ge [sflag:s12], $0xFA00  }
0x151: {  	[sflag:s12] =	ssyncset.done $0x0  }
0x152: {  	[sflag:s12] =	ssyncadd.s32 $0xFFFF0600  }
0x153: {  	[spmem:s2] =	stream.indirect.scatter.add.f32 [tilespmem:s11], [sflag:$0x2], $0x40, s8, s10, $0xb8;
	[tilespmem:$0x1E820] =	vst v63  }
0x154: {  	_ =	swait.ge [sflag:s7], $0xFA00  }
0x155: {  	[sflag:s7] =	ssyncset.done $0x0  }
0x156: {  	[sflag:s7] =	ssyncadd.s32 $0xFFFF0600  }
0x157: {  	[tilespmem:s11], [sflag:$0x1] =	stream.indirect.gather [hbm4b:s31+s10], $0x40, s10, s10, $0xb8;
	[tilespmem:$0x1E820] =	vst v63  }
0x158: {  	_ =	swait.ge [sflag:s12], $0xFA00  }
0x159: {  	[sflag:s12] =	ssyncset.done $0x0  }
0x15a: {  	[sflag:s12] =	ssyncadd.s32 $0xFFFF0600  }
0x15b: {  	[spmem:s2] =	stream.indirect.scatter.add.f32 [tilespmem:s11], [sflag:$0x2], $0x40, s13, s10, $0xb8;
	[tilespmem:$0x1E820] =	vst v63  }
0x15c: {  	_ =	swait.ge [sflag:s7], $0xFA00  }
0x15d: {  	[sflag:s7] =	ssyncset.done $0x0  }
0x15e: {  	[sflag:s7] =	ssyncadd.s32 $0xFFFF0600  }
0x15f: {  	[tilespmem:s11], [sflag:$0x1] =	stream.indirect.gather [hbm4b:s31+s10], $0x40, s14, s10, $0xb8;
	[tilespmem:$0x1E820] =	vst v63  }
0x160: {  	_ =	swait.ge [sflag:s12], $0xFA00  }
0x161: {  	[sflag:s12] =	ssyncset.done $0x0  }
0x162: {  	[sflag:s12] =	ssyncadd.s32 $0xFFFF0600  }
0x163: {  	[spmem:s2] =	stream.indirect.scatter.add.f32 [tilespmem:s11], [sflag:$0x2], $0x40, s15, s10, $0xb8;
	[tilespmem:$0x1E820] =	vst v63  }
0x164: {  	_ =	swait.ge [sflag:s7], $0xFA00  }
0x165: {  	[sflag:s7] =	ssyncset.done $0x0  }
0x166: {  	[sflag:s7] =	ssyncadd.s32 $0xFFFF0600  }
0x167: {  	[tilespmem:s11], [sflag:$0x1] =	stream.indirect.gather [hbm4b:s31+s10], $0x40, s16, s10, $0xb8;
	[tilespmem:$0x1E820] =	vst v63  }
0x168: {  	_ =	swait.ge [sflag:s12], $0xFA00  }
0x169: {  	[sflag:s12] =	ssyncset.done $0x0  }
0x16a: {  	[sflag:s12] =	ssyncadd.s32 $0xFFFF0600  }
0x16b: {  	[spmem:s2] =	stream.indirect.scatter.add.f32 [tilespmem:s11], [sflag:$0x2], $0x40, s17, s10, $0xb8;
	[tilespmem:$0x1E820] =	vst v63  }
0x16c: {  	_ =	swait.ge [sflag:s7], $0xFA00  }
0x16d: {  	[sflag:s7] =	ssyncset.done $0x0  }
0x16e: {  	[sflag:s7] =	ssyncadd.s32 $0xFFFF0600  }
0x16f: {  	[tilespmem:s11], [sflag:$0x1] =	stream.indirect.gather [hbm4b:s31+s10], $0x40, s18, s10, $0xb8;
	[tilespmem:$0x1E820] =	vst v63  }
0x170: {  	_ =	swait.ge [sflag:s12], $0xFA00  }
0x171: {  	[sflag:s12] =	ssyncset.done $0x0  }
0x172: {  	[sflag:s12] =	ssyncadd.s32 $0xFFFF0600  }
0x173: {  	[spmem:s2] =	stream.indirect.scatter.add.f32 [tilespmem:s11], [sflag:$0x2], $0x40, s19, s10, $0xb8;
	[tilespmem:$0x1E820] =	vst v63  }
0x174: {  	_ =	swait.ge [sflag:s7], $0xFA00  }
0x175: {  	[sflag:s7] =	ssyncset.done $0x0  }
0x176: {  	[sflag:s7] =	ssyncadd.s32 $0xFFFF0600  }
0x177: {  	[tilespmem:s11], [sflag:$0x1] =	stream.indirect.gather [hbm4b:s31+s10], $0x40, s20, s10, $0xb8;
	[tilespmem:$0x1E820] =	vst v63  }
0x178: {  	_ =	swait.ge [sflag:s12], $0xFA00  }
0x179: {  	[sflag:s12] =	ssyncset.done $0x0  }
0x17a: {  	[sflag:s12] =	ssyncadd.s32 $0xFFFF0600  }
0x17b: {  	[spmem:s2] =	stream.indirect.scatter.add.f32 [tilespmem:s11], [sflag:$0x2], $0x40, s21, s10, $0xb8;
	[tilespmem:$0x1E820] =	vst v63  }
0x17c: {  	_ =	swait.ge [sflag:s7], $0xFA00  }
0x17d: {  	[sflag:s7] =	ssyncset.done $0x0  }
0x17e: {  	[sflag:s7] =	ssyncadd.s32 $0xFFFF0600  }
0x17f: {  	[tilespmem:s11], [sflag:$0x1] =	stream.indirect.gather [hbm4b:s31+s10], $0x40, s22, s10, $0xb8;
	[tilespmem:$0x1E820] =	vst v63  }
0x180: {  	_ =	swait.ge [sflag:s12], $0xFA00  }
0x181: {  	[sflag:s12] =	ssyncset.done $0x0  }
0x182: {  	[sflag:s12] =	ssyncadd.s32 $0xFFFF0600  }
0x183: {  	[spmem:s2] =	stream.indirect.scatter.add.f32 [tilespmem:s11], [sflag:$0x2], $0x40, s23, s10, $0xb8;
	[tilespmem:$0x1E820] =	vst v63  }
0x184: {  	_ =	swait.ge [sflag:s7], $0xFA00  }
0x185: {  	[sflag:s7] =	ssyncset.done $0x0  }
0x186: {  	[sflag:s7] =	ssyncadd.s32 $0xFFFF0600  }
0x187: {  	[tilespmem:s11], [sflag:$0x1] =	stream.indirect.gather [hbm4b:s31+s10], $0x40, s24, s10, $0xb8;
	[tilespmem:$0x1E820] =	vst v63  }
0x188: {  	_ =	swait.ge [sflag:s12], $0xFA00  }
0x189: {  	[sflag:s12] =	ssyncset.done $0x0  }
0x18a: {  	[sflag:s12] =	ssyncadd.s32 $0xFFFF0600  }
0x18b: {  	[spmem:s2] =	stream.indirect.scatter.add.f32 [tilespmem:s11], [sflag:$0x2], $0x40, s25, s10, $0xb8;
	[tilespmem:$0x1E820] =	vst v63  }
0x18c: {  	_ =	swait.ge [sflag:s7], $0xFA00  }
0x18d: {  	[sflag:s7] =	ssyncset.done $0x0  }
0x18e: {  	[sflag:s7] =	ssyncadd.s32 $0xFFFF0600  }
0x18f: {  	[tilespmem:s11], [sflag:$0x1] =	stream.indirect.gather [hbm4b:s31+s10], $0x40, s26, s10, $0xb8;
	[tilespmem:$0x1E820] =	vst v63  }
0x190: {  	_ =	swait.ge [sflag:s12], $0xFA00  }
0x191: {  	[sflag:s12] =	ssyncset.done $0x0  }
0x192: {  	[sflag:s12] =	ssyncadd.s32 $0xFFFF0600  }
0x193: {  	[spmem:s2] =	stream.indirect.scatter.add.f32 [tilespmem:s11], [sflag:$0x2], $0x40, s28, s10, $0xb8;
	[tilespmem:$0x1E820] =	vst v63  }
0x194: {  	_ =	swait.ge [sflag:s7], $0xFA00  }
0x195: {  	[sflag:s7] =	ssyncset.done $0x0  }
0x196: {  	[sflag:s7] =	ssyncadd.s32 $0xFFFF0600  }
0x197: {  	[tilespmem:s11], [sflag:$0x1] =	stream.indirect.gather [hbm4b:s31+s10], $0x40, s29, s10, $0xb8;
	[tilespmem:$0x1E820] =	vst v63  }
0x198: {  	_ =	swait.ge [sflag:s12], $0xFA00  }
0x199: {  	[sflag:s12] =	ssyncset.done $0x0  }
0x19a: {  	[sflag:s12] =	ssyncadd.s32 $0xFFFF0600  }
0x19b: {  	[spmem:s2] =	stream.indirect.scatter.add.f32 [tilespmem:s11], [sflag:$0x2], $0x40, s30, s10, $0xb8;
	[tilespmem:$0x1E820] =	vst v63  }
0x19c: {  	_ =	swait.ge [sflag:s7], $0xFA00  }
0x19d: {  	[sflag:s7] =	ssyncset.done $0x0  }
0x19e: {  	[sflag:s7] =	ssyncadd.s32 $0xFFFF0600  }
0x19f: {  	p0 =	sne.s32 s0, $0x1;
	[bflag:$0x0] =	sbarrier.arrive $0xFFFF  }
.Ltmp1:
0x1a0: {  	s1 =	rddreg [dreg:$0x8];
	(pc) =	sbr.rel @p0 .LBB2_1-.Ltmp1, $4  }
0x1a1: {  	[hbm:s1], [sflag:s5] =	dma.local [spmem:s6], $0x1400  }
0x1a2: {  	_ =	swait.ge [sflag:s7], $0x1400  }
0x1a3: {  	[sflag:s7] =	ssyncset.done $0x0  }
0x1a4: {  	s0 =	sadd.s32 $0xFFFFFFFF, s0;
	[sflag:s7] =	ssyncadd.s32 $0xFFFFEC00  }
.LBB2_2:
0x1a5: {  	[bflag:$0x0] =	sbarrier.arrive $0xFFFF  }
0x1a6: {  	_ =	sfence.sel $0x180000  }
0x1a7: {  	[bflag:$0x0] =	sbarrier.arrive $0xFFFF  }
0x1a8: {  	_ =	strace $0x90000047  }
0x1a9: {  	s0 =	stileid.u32;
	[bflag:$0x2] =	sbarrier.arrive $0xFFFF  }
0x1aa: {  	p0 =	sne.s32 s0, $0x0;
	s0 =	rddreg [dreg:$0x2]  }
0x1ab: {  	s0 =	sadd.s32 @!p0 $0x100000, s0  }
0x1ac: {  	[sflag:s0] =	ssyncadd.tile.s32 @!p0 $0x1;
	_ =	shalt  }
.Lfunc_end2:
_tile_overlayer_lowered:
.L_overlay_start_2:
0x1ad: {  	(tag) =	ssettag $0x2  }
0x1ae: {  	s0 =	rddreg [dreg:$0x0];
	s2 =	stileid.u32  }
0x1af: {  	s1 =	rddreg [dreg:$0x1];
	p0 =	sne.s32 s2, $0x0  }
0x1b0: {  	s3 =	rddreg [dreg:$0x2];
	[bflag:$0x3] =	sbarrier.arrive $0xFFFF;
	s2 =	simm.s32 @!p0 $0x1C02  }
0x1b1: {  	[timem:s3], [sflag:s2] =	dma.local @!p0 [hbm:s0], s1  }
0x1b2: {  	s0 =	simm.s32 @!p0 $0x2  }
0x1b3: {  	_ =	swait.ge @!p0 [sflag:s0], s1  }
0x1b4: {  	s1 =	ssub.s32 @!p0 $0x0, s1;
	[sflag:s0] =	ssyncset.done @!p0 $0x0  }
0x1b5: {  	[sflag:s0] =	ssyncadd.s32 @!p0 s1  }
0x1b6: {  	[bflag:$0x3] =	sbarrier.arrive $0xFFFF  }
0x1b7: {  	_ =	shalt  }

// kernel: kernel.16.cloned.1.call-start
scs
__scs_entry_jumppad:
0x0: {  	(pc) =	sbr.rel $0x88, $3  }
0x1: {  	(tag) =	ssettag $0x0;
	lr =	simm.s32 $0x1  }
0x2: {  	[smem:$0x3F93] =	sst lr;
	_ =	strace $0xD0000000  }
0x3: {  	_ = 	snop  }
0x4: {  	_ = 	snop  }
0x5: {  	_ = 	snop  }
0x6: {  	_ = 	snop  }
0x7: {  	_ = 	snop  }
__scs_overlays_trampoline_lowered:
0x8: {  	[smem:$0x3FA2] =	sst s0  }
0x9: {  	[smem:$0x3FA3] =	sst s1  }
0xa: {  	[smem:$0x3FA4] =	sst s2  }
0xb: {  	[smem:$0x3FA5] =	sst s3  }
0xc: {  	[smem:$0x3FA6] =	sst s4  }
0xd: {  	[smem:$0x3FA7] =	sst s5  }
0xe: {  	[smem:$0x3FA8] =	sst s6  }
0xf: {  	[smem:$0x3FA9] =	sst s7  }
0x10: {  	[smem:$0x3FAA] =	sst s8  }
0x11: {  	[smem:$0x3FAB] =	sst s9;
	s0 =	simm.s32 @!p0 $0x0  }
0x12: {  	s1 =	sld [smem:$0x3F91];
	s0 =	simm.s32 @p0 $0x1  }
0x13: {  	[smem:$0x3FAC] =	sst s0;
	s0 =	simm.s32 @!p1 $0x0  }
0x14: {  	s2 =	sld [smem:$0x3F90];
	s0 =	simm.s32 @p1 $0x1  }
0x15: {  	[smem:$0x3FAD] =	sst s0;
	s0 =	simm.s32 @!p2 $0x0  }
0x16: {  	s3 =	sld [smem:$0x3FDB];
	s0 =	simm.s32 @p2 $0x1  }
0x17: {  	s4 =	simm.s32 $0x1BF5;
	[smem:$0x3FAF] =	sst s0  }
0x18: {  	s0 =	sld [smem:$0x3F92];
	_ =	swait.ge [sflag:s4], $0x0  }
0x19: {  	s7 =	sld [smem:$0x3F93]  }
0x1a: {  	s8 =	sadd.s32 $0xFFFFE003, lr  }
0x1b: {  	s9 =	sadd.s32 $0xFFFFFEF7, lr;
	s5 =	simm.s32 $0xFFFFFFFF;
	p2 =	slt.u32 s8, $0xFFFFF086  }
0x1c: {  	p1 =	slt.u32 s9, $0xF7A;
	s5 =	simm.s32 @!p2 $0x0  }
0x1d: {  	s5 =	simm.s32 @p1 $0x1;
	p0 =	seq.s32 s7, s2  }
0x1e: {  	s7 =	smul.u32 @!p0 $0xF7A, s2;
	p2 =	seq.s32 @!p0 s5, $0x0  }
0x1f: {  	s9 =	smul.u32 $0xF7A, s1;
	s8 =	simm.s32 @!p0 $0x1BF5;
	p2 =	por !p2, p0  }
0x20: {  	[sflag:s8] =	ssyncset.s32 @!p0 $0xFFFFF086;
	s6 =	sadd.s32 @!p0 s3, s7;
	s7 =	simm.s32 @!p0 $0x108  }
0x21: {  	s3 =	sadd.s32 s3, s9;
	s6 =	sadd.s32 @!p0 $0x88, s6;
	s7 =	simm.s32 @p2 $0x1082  }
0x22: {  	[simem:s7], [sflag:s8] =	dma.local @!p0 [hbm:s6], $0xF7A  }
0x23: {  	s9 =	sor.u32 $0xD0000000, s2;
	s6 =	simm.s32 $0x108;
	_ =	swait.ge @!p0 [sflag:s8], $0x0  }
0x24: {  	s3 =	sadd.s32 $0x88, s3;
	s6 =	simm.s32 @!p1 $0x1082;
	[sflag:s4] =	ssyncset.s32 $0xFFFFF086  }
0x25: {  	[simem:s6], [sflag:s4] =	dma.local [hbm:s3], $0xF7A  }
0x26: {  	[smem:$0x3F93] =	sst s1;
	(tag) =	ssettag s2;
	_ =	strace s9  }
0x27: {  	s1 =	sld [smem:$0x3FA3]  }
0x28: {  	s2 =	sld [smem:$0x3FA4]  }
0x29: {  	s4 =	sld [smem:$0x3FA6]  }
0x2a: {  	p0 =	seq.s32 s5, $0x0;
	s5 =	sld [smem:$0x3FA7]  }
0x2b: {  	s6 =	sld [smem:$0x3FA8]  }
0x2c: {  	s7 =	sld [smem:$0x3FA9]  }
0x2d: {  	s3 =	simm.s32 $0x108;
	s8 =	sld [smem:$0x3FAA]  }
0x2e: {  	s3 =	simm.s32 @!p0 $0x1082;
	s9 =	sld [smem:$0x3FAB]  }
0x2f: {  	lr =	sadd.s32 s0, s3;
	s0 =	sld [smem:$0x3FA2]  }
0x30: {  	s3 =	sld [smem:$0x3FA5]  }
0x31: {  	[smem:$0x3FAE] =	sst s10  }
0x32: {  	s10 =	sld [smem:$0x3FAC];
	_ =	sdelay $0x3  }
0x33: {  	p0 =	seq.s32 s10, $0x1;
	s10 =	sld [smem:$0x3FAE];
	_ =	sdelay $0x3  }
0x34: {  	[smem:$0x3FAE] =	sst s10  }
0x35: {  	s10 =	sld [smem:$0x3FAD];
	_ =	sdelay $0x3  }
0x36: {  	p1 =	seq.s32 s10, $0x1;
	s10 =	sld [smem:$0x3FAE];
	_ =	sdelay $0x3  }
0x37: {  	[smem:$0x3FAE] =	sst s10  }
0x38: {  	s10 =	sld [smem:$0x3FAF]  }
0x39: {  	_ = 	snop;
	(pc) =	sbr.ind lr, $3  }
0x3a: {  	_ = 	snop  }
0x3b: {  	_ = 	snop  }
0x3c: {  	p2 =	seq.s32 s10, $0x1;
	s10 =	sld [smem:$0x3FAE]  }
0x3d: {  	_ =	shalt  }
0x3e: {  	_ =	shalt  }
0x3f: {  	_ =	shalt  }
0x40: {  	_ =	shalt  }
0x41: {  	_ =	shalt  }
0x42: {  	_ =	shalt  }
0x43: {  	_ =	shalt  }
0x44: {  	_ =	shalt  }
0x45: {  	_ =	shalt  }
0x46: {  	_ =	shalt  }
0x47: {  	_ =	shalt  }
0x48: {  	_ =	shalt  }
0x49: {  	_ =	shalt  }
0x4a: {  	_ =	shalt  }
0x4b: {  	_ =	shalt  }
0x4c: {  	_ =	shalt  }
0x4d: {  	_ =	shalt  }
0x4e: {  	_ =	shalt  }
0x4f: {  	_ =	shalt  }
0x50: {  	_ =	shalt  }
0x51: {  	_ =	shalt  }
0x52: {  	_ =	shalt  }
0x53: {  	_ =	shalt  }
0x54: {  	_ =	shalt  }
0x55: {  	_ =	shalt  }
0x56: {  	_ =	shalt  }
0x57: {  	_ =	shalt  }
0x58: {  	_ =	shalt  }
0x59: {  	_ =	shalt  }
0x5a: {  	_ =	shalt  }
0x5b: {  	_ =	shalt  }
0x5c: {  	_ =	shalt  }
0x5d: {  	_ =	shalt  }
0x5e: {  	_ =	shalt  }
0x5f: {  	_ =	shalt  }
0x60: {  	_ =	shalt  }
0x61: {  	_ =	shalt  }
0x62: {  	_ =	shalt  }
0x63: {  	_ =	shalt  }
0x64: {  	_ =	shalt  }
0x65: {  	_ =	shalt  }
0x66: {  	_ =	shalt  }
0x67: {  	_ =	shalt  }
0x68: {  	_ =	shalt  }
0x69: {  	_ =	shalt  }
0x6a: {  	_ =	shalt  }
0x6b: {  	_ =	shalt  }
0x6c: {  	_ =	shalt  }
0x6d: {  	_ =	shalt  }
0x6e: {  	_ =	shalt  }
0x6f: {  	_ =	shalt  }
0x70: {  	_ =	shalt  }
0x71: {  	_ =	shalt  }
0x72: {  	_ =	shalt  }
0x73: {  	_ =	shalt  }
0x74: {  	_ =	shalt  }
0x75: {  	_ =	shalt  }
0x76: {  	_ =	shalt  }
0x77: {  	_ =	shalt  }
0x78: {  	_ =	shalt  }
0x79: {  	_ =	shalt  }
0x7a: {  	_ =	shalt  }
0x7b: {  	_ =	shalt  }
0x7c: {  	_ =	shalt  }
0x7d: {  	_ =	shalt  }
0x7e: {  	_ =	shalt  }
0x7f: {  	_ =	shalt  }
0x80: {  	_ =	shalt  }
0x81: {  	_ =	shalt  }
0x82: {  	_ =	shalt  }
0x83: {  	_ =	shalt  }
0x84: {  	_ =	shalt  }
0x85: {  	_ =	shalt  }
0x86: {  	_ =	shalt  }
0x87: {  	_ =	shalt  }
.Lfunc_end0:
.L_simem_size_0:
called_computation.2_lowered:
.L_overlay_start_0:
0x88: {  	s2 =	sld [smem:$0x3FD9]  }
0x89: {  	s3 =	sld [smem:$0x3FFE];
	_ =	sdelay $0x1  }
0x8a: {  	s1 =	srdreg.scid  }
0x8b: {  	s0 =	sand.u32 $0x1, s1  }
0x8c: {  	s17 =	sshll.u32 s0, $0xA;
	s2 =	sadd.s32 s3, s2  }
0x8d: {  	s2 =	sadd.s32 s2, s17  }
0x8e: {  	[smem:$0x3FBA] =	sst s2  }
0x8f: {  	_ = 	snop  }
0x90: {  	s18 =	sld [smem:$0x3FD0];
	(tm) =	ssettm $0x1  }
0x91: {  	s19 =	sld [smem:$0x3FFB];
	_ =	sdelay $0x3  }
0x92: {  	_ =	strace s19  }
0x93: {  	s2 =	sld [smem:$0x3FFC];
	_ =	sdelay $0x3  }
0x94: {  	_ =	strace s2  }
0x95: {  	s2 =	sld [smem:$0x3FFD];
	_ =	sdelay $0x3  }
0x96: {  	_ =	strace s2  }
0x97: {  	_ =	strace $0x8FFFFFFF  }
0x98: {  	s20 =	sld [smem:$0x3FDB];
	_ =	sdelay $0x1  }
0x99: {  	s4 =	simm.s32 $_scs_section_size  }
0x9a: {  	s5 =	simm.s32 $_size__tile_overlayer_lowered;
	s6 =	simm.s32 $_tile_overlayer_lowered  }
0x9b: {  	s7 =	simm.s32 $0x1BFF;
	s21 =	sshll.u32 s6, $0x1;
	s4 =	sadd.s32 s4, s20  }
0x9c: {  	s22 =	simm.s32 $0x0;
	s5 =	sshll.u32 s5, $0x1;
	s6 =	sadd.s32 s21, s4  }
0x9d: {  	[timem:s22], [sflag:s7] =	dma.local [hbm:s6], s5  }
0x9e: {  	_ =	swait.ge [sflag:s7], s5  }
0x9f: {  	s5 =	ssub.s32 $0x0, s5;
	[sflag:s7] =	ssyncset.done $0x0  }
0xa0: {  	[sflag:s7] =	ssyncadd.s32 s5;
	_ =	sdelay $0x1  }
0xa1: {  	s23 =	simm.s32 $0x1B8B  }
0xa2: {  	_ =	swait.ge [sflag:s23], $0x1  }
0xa3: {  	[sflag:s23] =	ssyncset.done $0x0  }
0xa4: {  	[sflag:s23] =	ssyncadd.s32 $0xFFFFFFFF  }
0xa5: {  	s5 =	sld [smem:$0x0]  }
0xa6: {  	s6 =	sand.u32 $0xFFFFFFFE, s1  }
0xa7: {  	p0 =	sne.s32 s1, s6  }
0xa8: {  	s6 =	sshll.u32 @p0 s6, $0xE  }
0xa9: {  	s6 =	sadd.s32 @p0 $0x11B8D, s6;
	s7 =	sshll.u32 @p0 s5, $0x11  }
0xaa: {  	s6 =	sor.u32 @p0 s7, s6  }
0xab: {  	[sflag:s6] =	ssyncadd.remote.s32 @p0 $0x1;
	_ =	sdelay $0x1  }
0xac: {  	s6 =	simm.s32 @p0 $0x1B8D  }
0xad: {  	_ =	swait.eq @p0 [sflag:s6], $0x1  }
0xae: {  	[sflag:s6] =	ssyncadd.s32 @p0 $0xFFFFFFFF  }
0xaf: {  	s7 =	sshll.u32 @!p0 s1, $0xE  }
0xb0: {  	s7 =	sor.u32 @!p0 $0x4000, s7;
	s6 =	simm.s32 @!p0 $0x1B8D  }
0xb1: {  	s5 =	sshll.u32 @!p0 s5, $0x11;
	s7 =	sadd.s32 @!p0 $0x11B8D, s7;
	_ =	swait.eq @!p0 [sflag:s6], $0x1  }
0xb2: {  	s5 =	sor.u32 @!p0 s5, s7;
	[sflag:s6] =	ssyncadd.s32 @!p0 $0xFFFFFFFF  }
0xb3: {  	s25 =	simm.s32 $0x1B8E;
	s24 =	sld [smem:$0x3FFE];
	[sflag:s5] =	ssyncadd.remote.s32 @!p0 $0x1  }
0xb4: {  	s26 =	simm.s32 $execute0_lowered;
	[smem:$0x3FD2] =	sst s25  }
0xb5: {  	s6 =	sshll.u32 s26, $0x1;
	_ =	strace $0x8000004F;
	[dreg:$0x1] =	wrdreg $0xFFFFFFFF  }
0xb6: {  	s28 =	simm.s32 $_size_execute0_lowered;
	s4 =	sadd.s32 s4, s6;
	[dreg:$0x0] =	wrdreg $0x0  }
0xb7: {  	s6 =	sshll.u32 s28, $0x1;
	[dreg:$0x2] =	wrdreg s4  }
0xb8: {  	[dreg:$0x3] =	wrdreg s6  }
0xb9: {  	[dreg:$0x4] =	wrdreg $0xC0  }
0xba: {  	_ =	task [dreg:s22], $0x5FFFF  }
0xbb: {  	[dreg:$0x1] =	wrdreg $0xFFFFFFFF  }
0xbc: {  	[dreg:$0x0] =	wrdreg $0x60  }
0xbd: {  	[dreg:$0x2] =	wrdreg s18  }
0xbe: {  	[dreg:$0x3] =	wrdreg s24  }
0xbf: {  	[dreg:$0x4] =	wrdreg $0x148200  }
0xc0: {  	[dreg:$0x5] =	wrdreg $0x9  }
0xc1: {  	_ =	task.clear_ibuf [dreg:s22], $0x6FFFF;
	_ =	strace $0x9000004F  }
0xc2: {  	s29 =	simm.s32 $0x9;
	_ =	strace $0x80000051  }
0xc3: {  	_ =	swait.ge [sflag:s29], $0x1  }
0xc4: {  	[sflag:s29] =	ssyncadd.s32 $0xFFFFFFFF  }
0xc5: {  	_ =	strace $0x90000051  }
0xc6: {  	_ =	sfence  }
0xc7: {  	s30 =	sld [smem:$0x0];
	_ =	sdelay $0x2  }
0xc8: {  	s31 =	sshll.u32 s1, $0xD;
	s1 =	sshrl.u32 s1, $0x2  }
0xc9: {  	s4 =	sand.u32 $0x4000, s31;
	s1 =	sadd.s32 s1, s30  }
0xca: {  	s0 =	sor.u32 s4, s0;
	s1 =	sshll.u32 s1, $0x11  }
0xcb: {  	s0 =	sor.u32 s1, s0  }
0xcc: {  	s0 =	sadd.s32 $0x8F2B, s0  }
0xcd: {  	[sflag:s0] =	ssyncadd.remote.s32 $0x1  }
0xce: {  	_ =	sfence.sel $0xFFFF  }
0xcf: {  	[dreg:$0x0] =	wrdreg $0xFFFFFFFF;
	(pc) =	sbr.abs _section_cstart, $3  }
0xd0: {  	[dreg:$0x1] =	wrdreg $0xFFFFFFFF  }
0xd1: {  	_ =	task.clear_ibuf [dreg:s22], $0x2FFFF;
	_ =	strace $0x9FFFFFFF  }
0xd2: {  	(tm) =	ssettm $0x7FFFFFFF  }
0xd3: {  	_ =	shalt  }
tec
execute0_lowered:
.L_overlay_start_1:
0x0: {  	(tag) =	ssettag $0x1  }
0x1: {  	s1 =	rddreg [dreg:$0x0]  }
0x2: {  	s17 =	rddreg [dreg:$0x1];
	s0 =	srdreg.scid  }
0x3: {  	s3 =	rddreg [dreg:$0x2];
	s12 =	stileid.u32;
	s4 =	sand.u32 $0x1, s0  }
0x4: {  	s20 =	simm.s32 $0x0;
	s2 =	smul.u32 $0x5000, s12;
	s0 =	sshll.u32 s4, $0x4  }
0x5: {  	[smem:$0x7FF] =	sst s20;
	s5 =	smul.u32 $0x50000, s4;
	s0 =	sor.u32 s12, s0  }
0x6: {  	s6 =	sadd.s32 $0xDFC00, s17;
	s7 =	sadd.s32 $0x19A00, s17;
	s0 =	smul.u32 $0x2710, s0  }
0x7: {  	s23 =	sshll.u32 s12, $0x6;
	[dreg:$0xd] =	wrdreg s4;
	s5 =	sadd.s32 s2, s5  }
0x8: {  	_ =	strace $0x80000050;
	s5 =	sshrl.u32 s5, $0x3;
	s0 =	sshrl.u32 s0, $0x3  }
0x9: {  	s8 =	sshrl.u32 s2, $0x3;
	s11 =	sadd.s32 s5, s17;
	s19 =	sadd.s32 s6, s0  }
0xa: {  	s8 =	sadd.s32 s8, s17;
	s21 =	sadd.s32 $0xAE200, s11;
	[dreg:$0x5] =	wrdreg s19  }
0xb: {  	s9 =	sadd.s32 $0x9C40, s0;
	s0 =	sadd.s32 s7, s0;
	[dreg:$0x6] =	wrdreg s21  }
0xc: {  	s2 =	sadd.s32 s2, s3;
	s24 =	sadd.s32 $0x4B400, s11;
	[dreg:$0x8] =	wrdreg s0  }
0xd: {  	s31 =	sadd.s32 $0x41400, s8;
	s10 =	sadd.s32 s6, s9;
	[dreg:$0x9] =	wrdreg s24  }
0xe: {  	s8 =	simm.s32 $0x5;
	s22 =	sadd.s32 s7, s9;
	[dreg:$0x4] =	wrdreg s10  }
0xf: {  	s7 =	sor.u32 $0x1C05, s23;
	s9 =	sshrl.u32 s2, $0x3;
	[dreg:$0x7] =	wrdreg s22  }
0x10: {  	[spmem:s9], [sflag:s7] =	dma.local [hbm:s31], $0xA00  }
0x11: {  	_ =	swait.ge [sflag:s8], $0xA00  }
0x12: {  	[sflag:s8] =	ssyncset.done $0x0  }
0x13: {  	[sflag:s8] =	ssyncadd.s32 $0xFFFFF600  }
0x14: {  	[bflag:$0x0] =	sbarrier.arrive $0xFFFF  }
0x15: {  	s25 =	rddreg [dreg:$0x4]  }
0x16: {  	[tilespmem:s20], [sflag:$0x5] =	stream.linear.gather [hbm4b:s25+s20], $0x2710, $0x38;
	[tilespmem:$0x19820] =	vst v63  }
0x17: {  	_ =	swait.ge [sflag:s8], $0x2710  }
0x18: {  	[sflag:s8] =	ssyncset.done $0x0  }
0x19: {  	s4 =	simm.s32 $0x2710;
	s26 =	rddreg [dreg:$0x5];
	[sflag:s8] =	ssyncadd.s32 $0xFFFFD8F0  }
0x1a: {  	[tilespmem:s4], [sflag:$0x5] =	stream.linear.gather [hbm4b:s26+s20], $0x2710, $0x38;
	[tilespmem:$0x19820] =	vst v63  }
0x1b: {  	_ =	swait.ge [sflag:s8], $0x2710  }
0x1c: {  	[sflag:s8] =	ssyncset.done $0x0  }
0x1d: {  	s11 =	simm.s32 $0x4E20;
	s10 =	simm.s32 $0x3E8;
	[sflag:s8] =	ssyncadd.s32 $0xFFFFD8F0  }
0x1e: {  	[tilespmem:s11], [sflag:$0x1] =	stream.indirect.gather [hbm4b:s1+s10], $0x20, s20, s10, $0xb8;
	[tilespmem:$0x19820] =	vst v63  }
0x1f: {  	s13 =	simm.s32 $0x1;
	s12 =	simm.s32 $0xCB20  }
0x20: {  	[tilespmem:s12], [sflag:$0x2] =	stream.indirect.gather [hbm4b:s1+s10], $0x20, s10, s10, $0xb8;
	[tilespmem:$0x19820] =	vst v63  }
0x21: {  	_ =	swait.ge [sflag:s13], $0x7D00  }
0x22: {  	[sflag:s13] =	ssyncset.done $0x0  }
0x23: {  	s14 =	simm.s32 $0x2;
	[sflag:s13] =	ssyncadd.s32 $0xFFFF8300  }
0x24: {  	[spmem:s3] =	stream.indirect.scatter.add.f32 [tilespmem:s11], [sflag:$0x3], $0x20, s4, s10, $0xb8;
	[tilespmem:$0x19820] =	vst v63  }
0x25: {  	_ =	swait.ge [sflag:s14], $0x7D00  }
0x26: {  	[sflag:s14] =	ssyncset.done $0x0  }
0x27: {  	s28 =	simm.s32 $0x2AF8;
	s16 =	simm.s32 $0x3;
	[sflag:s14] =	ssyncadd.s32 $0xFFFF8300  }
0x28: {  	[spmem:s3] =	stream.indirect.scatter.add.f32 [tilespmem:s12], [sflag:$0x4], $0x20, s28, s10, $0xb8;
	[tilespmem:$0x19820] =	vst v63  }
0x29: {  	_ =	swait.ge [sflag:s16], $0x7D00  }
0x2a: {  	[sflag:s16] =	ssyncset.done $0x0  }
0x2b: {  	s29 =	simm.s32 $0x7D0;
	s18 =	simm.s32 $0x4;
	[sflag:s16] =	ssyncadd.s32 $0xFFFF8300  }
0x2c: {  	[tilespmem:s11], [sflag:$0x1] =	stream.indirect.gather [hbm4b:s1+s10], $0x20, s29, s10, $0xb8;
	[tilespmem:$0x19820] =	vst v63  }
0x2d: {  	_ =	swait.ge [sflag:s18], $0x7D00  }
0x2e: {  	[sflag:s18] =	ssyncset.done $0x0  }
0x2f: {  	s30 =	simm.s32 $0xBB8;
	[sflag:s18] =	ssyncadd.s32 $0xFFFF8300  }
0x30: {  	[tilespmem:s12], [sflag:$0x2] =	stream.indirect.gather [hbm4b:s1+s10], $0x20, s30, s10, $0xb8;
	[tilespmem:$0x19820] =	vst v63  }
0x31: {  	_ =	swait.ge [sflag:s13], $0x7D00  }
0x32: {  	[sflag:s13] =	ssyncset.done $0x0  }
0x33: {  	s23 =	simm.s32 $0x2EE0;
	[sflag:s13] =	ssyncadd.s32 $0xFFFF8300  }
0x34: {  	[spmem:s3] =	stream.indirect.scatter.add.f32 [tilespmem:s11], [sflag:$0x3], $0x20, s23, s10, $0xb8;
	[tilespmem:$0x19820] =	vst v63  }
0x35: {  	_ =	swait.ge [sflag:s14], $0x7D00  }
0x36: {  	[sflag:s14] =	ssyncset.done $0x0  }
0x37: {  	s24 =	simm.s32 $0x32C8;
	[sflag:s14] =	ssyncadd.s32 $0xFFFF8300  }
0x38: {  	[spmem:s3] =	stream.indirect.scatter.add.f32 [tilespmem:s12], [sflag:$0x4], $0x20, s24, s10, $0xb8;
	[tilespmem:$0x19820] =	vst v63  }
0x39: {  	_ =	swait.ge [sflag:s16], $0x7D00  }
0x3a: {  	[sflag:s16] =	ssyncset.done $0x0  }
0x3b: {  	s25 =	simm.s32 $0xFA0;
	[sflag:s16] =	ssyncadd.s32 $0xFFFF8300  }
0x3c: {  	[tilespmem:s11], [sflag:$0x1] =	stream.indirect.gather [hbm4b:s1+s10], $0x20, s25, s10, $0xb8;
	[tilespmem:$0x19820] =	vst v63  }
0x3d: {  	_ =	swait.ge [sflag:s18], $0x7D00  }
0x3e: {  	[sflag:s18] =	ssyncset.done $0x0  }
0x3f: {  	s26 =	simm.s32 $0x1388;
	[sflag:s18] =	ssyncadd.s32 $0xFFFF8300  }
0x40: {  	[tilespmem:s12], [sflag:$0x2] =	stream.indirect.gather [hbm4b:s1+s10], $0x20, s26, s10, $0xb8;
	[tilespmem:$0x19820] =	vst v63  }
0x41: {  	_ =	swait.ge [sflag:s13], $0x7D00  }
0x42: {  	[sflag:s13] =	ssyncset.done $0x0  }
0x43: {  	s28 =	simm.s32 $0x36B0;
	[sflag:s13] =	ssyncadd.s32 $0xFFFF8300  }
0x44: {  	[spmem:s3] =	stream.indirect.scatter.add.f32 [tilespmem:s11], [sflag:$0x3], $0x20, s28, s10, $0xb8;
	[tilespmem:$0x19820] =	vst v63  }
0x45: {  	_ =	swait.ge [sflag:s14], $0x7D00  }
0x46: {  	[sflag:s14] =	ssyncset.done $0x0  }
0x47: {  	s29 =	simm.s32 $0x3A98;
	[sflag:s14] =	ssyncadd.s32 $0xFFFF8300  }
0x48: {  	[spmem:s3] =	stream.indirect.scatter.add.f32 [tilespmem:s12], [sflag:$0x4], $0x20, s29, s10, $0xb8;
	[tilespmem:$0x19820] =	vst v63  }
0x49: {  	_ =	swait.ge [sflag:s16], $0x7D00  }
0x4a: {  	[sflag:s16] =	ssyncset.done $0x0  }
0x4b: {  	s30 =	simm.s32 $0x1770;
	[sflag:s16] =	ssyncadd.s32 $0xFFFF8300  }
0x4c: {  	[tilespmem:s11], [sflag:$0x1] =	stream.indirect.gather [hbm4b:s1+s10], $0x20, s30, s10, $0xb8;
	[tilespmem:$0x19820] =	vst v63  }
0x4d: {  	_ =	swait.ge [sflag:s18], $0x7D00  }
0x4e: {  	[sflag:s18] =	ssyncset.done $0x0  }
0x4f: {  	s22 =	simm.s32 $0x1B58;
	[sflag:s18] =	ssyncadd.s32 $0xFFFF8300  }
0x50: {  	[tilespmem:s12], [sflag:$0x2] =	stream.indirect.gather [hbm4b:s1+s10], $0x20, s22, s10, $0xb8;
	[tilespmem:$0x19820] =	vst v63  }
0x51: {  	_ =	swait.ge [sflag:s13], $0x7D00  }
0x52: {  	[sflag:s13] =	ssyncset.done $0x0  }
0x53: {  	s21 =	simm.s32 $0x3E80;
	[sflag:s13] =	ssyncadd.s32 $0xFFFF8300  }
0x54: {  	[spmem:s3] =	stream.indirect.scatter.add.f32 [tilespmem:s11], [sflag:$0x3], $0x20, s21, s10, $0xb8;
	[tilespmem:$0x19820] =	vst v63  }
0x55: {  	_ =	swait.ge [sflag:s14], $0x7D00  }
0x56: {  	[sflag:s14] =	ssyncset.done $0x0  }
0x57: {  	s15 =	simm.s32 $0x4268;
	[sflag:s14] =	ssyncadd.s32 $0xFFFF8300  }
0x58: {  	[spmem:s3] =	stream.indirect.scatter.add.f32 [tilespmem:s12], [sflag:$0x4], $0x20, s15, s10, $0xb8;
	[tilespmem:$0x19820] =	vst v63  }
0x59: {  	_ =	swait.ge [sflag:s16], $0x7D00  }
0x5a: {  	[sflag:s16] =	ssyncset.done $0x0  }
0x5b: {  	s6 =	simm.s32 $0x1F40;
	[sflag:s16] =	ssyncadd.s32 $0xFFFF8300  }
0x5c: {  	[tilespmem:s11], [sflag:$0x1] =	stream.indirect.gather [hbm4b:s1+s10], $0x20, s6, s10, $0xb8;
	[tilespmem:$0x19820] =	vst v63  }
0x5d: {  	_ =	swait.ge [sflag:s18], $0x7D00  }
0x5e: {  	[sflag:s18] =	ssyncset.done $0x0  }
0x5f: {  	s5 =	simm.s32 $0x2328;
	[sflag:s18] =	ssyncadd.s32 $0xFFFF8300  }
0x60: {  	[tilespmem:s12], [sflag:$0x2] =	stream.indirect.gather [hbm4b:s1+s10], $0x20, s5, s10, $0xb8;
	[tilespmem:$0x19820] =	vst v63  }
0x61: {  	_ =	swait.ge [sflag:s13], $0x7D00  }
0x62: {  	[sflag:s13] =	ssyncset.done $0x0  }
0x63: {  	s2 =	simm.s32 $0x4650;
	[sflag:s13] =	ssyncadd.s32 $0xFFFF8300  }
0x64: {  	[spmem:s3] =	stream.indirect.scatter.add.f32 [tilespmem:s11], [sflag:$0x3], $0x20, s2, s10, $0xb8;
	[tilespmem:$0x19820] =	vst v63  }
0x65: {  	_ =	swait.ge [sflag:s14], $0x7D00  }
0x66: {  	[sflag:s14] =	ssyncset.done $0x0  }
0x67: {  	s0 =	simm.s32 $0x4A38;
	[sflag:s14] =	ssyncadd.s32 $0xFFFF8300  }
0x68: {  	[spmem:s3] =	stream.indirect.scatter.add.f32 [tilespmem:s12], [sflag:$0x4], $0x20, s0, s10, $0xb8;
	[tilespmem:$0x19820] =	vst v63  }
0x69: {  	_ =	swait.ge [sflag:s16], $0x7D00  }
0x6a: {  	[sflag:s16] =	ssyncset.done $0x0  }
0x6b: {  	[sflag:s16] =	ssyncadd.s32 $0xFFFF8300  }
0x6c: {  	_ =	swait.ge [sflag:s18], $0x7D00  }
0x6d: {  	[sflag:s18] =	ssyncset.done $0x0  }
0x6e: {  	[sflag:s18] =	ssyncadd.s32 $0xFFFF8300  }
0x6f: {  	[bflag:$0x0] =	sbarrier.arrive $0xFFFF  }
0x70: {  	s19 =	rddreg [dreg:$0x6]  }
0x71: {  	[hbm:s19], [sflag:s7] =	dma.local [spmem:s9], $0xA00  }
0x72: {  	_ =	swait.ge [sflag:s8], $0xA00  }
0x73: {  	[sflag:s8] =	ssyncset.done $0x0  }
0x74: {  	[dreg:$0xa] =	wrdreg s31;
	[sflag:s8] =	ssyncadd.s32 $0xFFFFF600  }
0x75: {  	[spmem:s9], [sflag:s7] =	dma.local [hbm:s31], $0xA00  }
0x76: {  	_ =	swait.ge [sflag:s8], $0xA00  }
0x77: {  	[sflag:s8] =	ssyncset.done $0x0  }
0x78: {  	[sflag:s8] =	ssyncadd.s32 $0xFFFFF600  }
0x79: {  	[bflag:$0x0] =	sbarrier.arrive $0xFFFF  }
0x7a: {  	s31 =	rddreg [dreg:$0x7]  }
0x7b: {  	[tilespmem:s20], [sflag:$0x5] =	stream.linear.gather [hbm4b:s31+s20], $0x2710, $0x38;
	[tilespmem:$0x19820] =	vst v63  }
0x7c: {  	_ =	swait.ge [sflag:s8], $0x2710  }
0x7d: {  	[sflag:s8] =	ssyncset.done $0x0  }
0x7e: {  	s31 =	rddreg [dreg:$0x8];
	[sflag:s8] =	ssyncadd.s32 $0xFFFFD8F0  }
0x7f: {  	[tilespmem:s4], [sflag:$0x5] =	stream.linear.gather [hbm4b:s31+s20], $0x2710, $0x38;
	[tilespmem:$0x19820] =	vst v63  }
0x80: {  	_ =	swait.ge [sflag:s8], $0x2710  }
0x81: {  	[sflag:s8] =	ssyncset.done $0x0  }
0x82: {  	s17 =	sadd.s32 $0xA4200, s17;
	[sflag:s8] =	ssyncadd.s32 $0xFFFFD8F0  }
0x83: {  	[tilespmem:s11], [sflag:$0x1] =	stream.indirect.gather [hbm4b:s17+s10], $0x20, s20, s10, $0xb8;
	[tilespmem:$0x19820] =	vst v63  }
0x84: {  	_ = 	snop  }
0x85: {  	[tilespmem:s12], [sflag:$0x2] =	stream.indirect.gather [hbm4b:s17+s10], $0x20, s10, s10, $0xb8;
	[tilespmem:$0x19820] =	vst v63  }
0x86: {  	_ =	swait.ge [sflag:s13], $0x7D00  }
0x87: {  	[sflag:s13] =	ssyncset.done $0x0  }
0x88: {  	[sflag:s13] =	ssyncadd.s32 $0xFFFF8300  }
0x89: {  	[spmem:s3] =	stream.indirect.scatter.add.f32 [tilespmem:s11], [sflag:$0x3], $0x20, s4, s10, $0xb8;
	[tilespmem:$0x19820] =	vst v63  }
0x8a: {  	_ =	swait.ge [sflag:s14], $0x7D00  }
0x8b: {  	[sflag:s14] =	ssyncset.done $0x0  }
0x8c: {  	s31 =	simm.s32 $0x2AF8;
	[sflag:s14] =	ssyncadd.s32 $0xFFFF8300  }
0x8d: {  	[spmem:s3] =	stream.indirect.scatter.add.f32 [tilespmem:s12], [sflag:$0x4], $0x20, s31, s10, $0xb8;
	[tilespmem:$0x19820] =	vst v63  }
0x8e: {  	_ =	swait.ge [sflag:s16], $0x7D00  }
0x8f: {  	[sflag:s16] =	ssyncset.done $0x0  }
0x90: {  	s19 =	simm.s32 $0x7D0;
	[sflag:s16] =	ssyncadd.s32 $0xFFFF8300  }
0x91: {  	[tilespmem:s11], [sflag:$0x1] =	stream.indirect.gather [hbm4b:s17+s10], $0x20, s19, s10, $0xb8;
	[tilespmem:$0x19820] =	vst v63  }
0x92: {  	_ =	swait.ge [sflag:s18], $0x7D00  }
0x93: {  	[sflag:s18] =	ssyncset.done $0x0  }
0x94: {  	s20 =	simm.s32 $0xBB8;
	[sflag:s18] =	ssyncadd.s32 $0xFFFF8300  }
0x95: {  	[tilespmem:s12], [sflag:$0x2] =	stream.indirect.gather [hbm4b:s17+s10], $0x20, s20, s10, $0xb8;
	[tilespmem:$0x19820] =	vst v63  }
0x96: {  	_ =	swait.ge [sflag:s13], $0x7D00  }
0x97: {  	[sflag:s13] =	ssyncset.done $0x0  }
0x98: {  	[sflag:s13] =	ssyncadd.s32 $0xFFFF8300  }
0x99: {  	[spmem:s3] =	stream.indirect.scatter.add.f32 [tilespmem:s11], [sflag:$0x3], $0x20, s23, s10, $0xb8;
	[tilespmem:$0x19820] =	vst v63  }
0x9a: {  	_ =	swait.ge [sflag:s14], $0x7D00  }
0x9b: {  	[sflag:s14] =	ssyncset.done $0x0  }
0x9c: {  	[sflag:s14] =	ssyncadd.s32 $0xFFFF8300  }
0x9d: {  	[spmem:s3] =	stream.indirect.scatter.add.f32 [tilespmem:s12], [sflag:$0x4], $0x20, s24, s10, $0xb8;
	[tilespmem:$0x19820] =	vst v63  }
0x9e: {  	_ =	swait.ge [sflag:s16], $0x7D00  }
0x9f: {  	[sflag:s16] =	ssyncset.done $0x0  }
0xa0: {  	[sflag:s16] =	ssyncadd.s32 $0xFFFF8300  }
0xa1: {  	[tilespmem:s11], [sflag:$0x1] =	stream.indirect.gather [hbm4b:s17+s10], $0x20, s25, s10, $0xb8;
	[tilespmem:$0x19820] =	vst v63  }
0xa2: {  	_ =	swait.ge [sflag:s18], $0x7D00  }
0xa3: {  	[sflag:s18] =	ssyncset.done $0x0  }
0xa4: {  	[sflag:s18] =	ssyncadd.s32 $0xFFFF8300  }
0xa5: {  	[tilespmem:s12], [sflag:$0x2] =	stream.indirect.gather [hbm4b:s17+s10], $0x20, s26, s10, $0xb8;
	[tilespmem:$0x19820] =	vst v63  }
0xa6: {  	_ =	swait.ge [sflag:s13], $0x7D00  }
0xa7: {  	[sflag:s13] =	ssyncset.done $0x0  }
0xa8: {  	[sflag:s13] =	ssyncadd.s32 $0xFFFF8300  }
0xa9: {  	[spmem:s3] =	stream.indirect.scatter.add.f32 [tilespmem:s11], [sflag:$0x3], $0x20, s28, s10, $0xb8;
	[tilespmem:$0x19820] =	vst v63  }
0xaa: {  	_ =	swait.ge [sflag:s14], $0x7D00  }
0xab: {  	[sflag:s14] =	ssyncset.done $0x0  }
0xac: {  	[sflag:s14] =	ssyncadd.s32 $0xFFFF8300  }
0xad: {  	[spmem:s3] =	stream.indirect.scatter.add.f32 [tilespmem:s12], [sflag:$0x4], $0x20, s29, s10, $0xb8;
	[tilespmem:$0x19820] =	vst v63  }
0xae: {  	_ =	swait.ge [sflag:s16], $0x7D00  }
0xaf: {  	[sflag:s16] =	ssyncset.done $0x0  }
0xb0: {  	[sflag:s16] =	ssyncadd.s32 $0xFFFF8300  }
0xb1: {  	[tilespmem:s11], [sflag:$0x1] =	stream.indirect.gather [hbm4b:s17+s10], $0x20, s30, s10, $0xb8;
	[tilespmem:$0x19820] =	vst v63  }
0xb2: {  	_ =	swait.ge [sflag:s18], $0x7D00  }
0xb3: {  	[sflag:s18] =	ssyncset.done $0x0  }
0xb4: {  	[sflag:s18] =	ssyncadd.s32 $0xFFFF8300  }
0xb5: {  	[tilespmem:s12], [sflag:$0x2] =	stream.indirect.gather [hbm4b:s17+s10], $0x20, s22, s10, $0xb8;
	[tilespmem:$0x19820] =	vst v63  }
0xb6: {  	_ =	swait.ge [sflag:s13], $0x7D00  }
0xb7: {  	[sflag:s13] =	ssyncset.done $0x0  }
0xb8: {  	[sflag:s13] =	ssyncadd.s32 $0xFFFF8300  }
0xb9: {  	[spmem:s3] =	stream.indirect.scatter.add.f32 [tilespmem:s11], [sflag:$0x3], $0x20, s21, s10, $0xb8;
	[tilespmem:$0x19820] =	vst v63  }
0xba: {  	_ =	swait.ge [sflag:s14], $0x7D00  }
0xbb: {  	[sflag:s14] =	ssyncset.done $0x0  }
0xbc: {  	[sflag:s14] =	ssyncadd.s32 $0xFFFF8300  }
0xbd: {  	[spmem:s3] =	stream.indirect.scatter.add.f32 [tilespmem:s12], [sflag:$0x4], $0x20, s15, s10, $0xb8;
	[tilespmem:$0x19820] =	vst v63  }
0xbe: {  	_ =	swait.ge [sflag:s16], $0x7D00  }
0xbf: {  	[sflag:s16] =	ssyncset.done $0x0  }
0xc0: {  	[sflag:s16] =	ssyncadd.s32 $0xFFFF8300  }
0xc1: {  	[tilespmem:s11], [sflag:$0x1] =	stream.indirect.gather [hbm4b:s17+s10], $0x20, s6, s10, $0xb8;
	[tilespmem:$0x19820] =	vst v63  }
0xc2: {  	_ =	swait.ge [sflag:s18], $0x7D00  }
0xc3: {  	[sflag:s18] =	ssyncset.done $0x0  }
0xc4: {  	[sflag:s18] =	ssyncadd.s32 $0xFFFF8300  }
0xc5: {  	[tilespmem:s12], [sflag:$0x2] =	stream.indirect.gather [hbm4b:s17+s10], $0x20, s5, s10, $0xb8;
	[tilespmem:$0x19820] =	vst v63  }
0xc6: {  	_ =	swait.ge [sflag:s13], $0x7D00  }
0xc7: {  	[sflag:s13] =	ssyncset.done $0x0  }
0xc8: {  	[sflag:s13] =	ssyncadd.s32 $0xFFFF8300  }
0xc9: {  	[spmem:s3] =	stream.indirect.scatter.add.f32 [tilespmem:s11], [sflag:$0x3], $0x20, s2, s10, $0xb8;
	[tilespmem:$0x19820] =	vst v63  }
0xca: {  	_ =	swait.ge [sflag:s14], $0x7D00  }
0xcb: {  	[sflag:s14] =	ssyncset.done $0x0  }
0xcc: {  	[sflag:s14] =	ssyncadd.s32 $0xFFFF8300  }
0xcd: {  	[spmem:s3] =	stream.indirect.scatter.add.f32 [tilespmem:s12], [sflag:$0x4], $0x20, s0, s10, $0xb8;
	[tilespmem:$0x19820] =	vst v63  }
0xce: {  	_ =	swait.ge [sflag:s16], $0x7D00  }
0xcf: {  	[sflag:s16] =	ssyncset.done $0x0  }
0xd0: {  	[sflag:s16] =	ssyncadd.s32 $0xFFFF8300  }
0xd1: {  	_ =	swait.ge [sflag:s18], $0x7D00  }
0xd2: {  	[sflag:s18] =	ssyncset.done $0x0  }
0xd3: {  	[sflag:s18] =	ssyncadd.s32 $0xFFFF8300  }
0xd4: {  	[bflag:$0x0] =	sbarrier.arrive $0xFFFF  }
0xd5: {  	s29 =	rddreg [dreg:$0xd]  }
0xd6: {  	s0 =	ssub.s32 $0x2, s29  }
0xd7: {  	s31 =	sshrl.u32 s0, $0x1  }
0xd8: {  	s19 =	ssub.s32 s0, s31  }
0xd9: {  	s30 =	rddreg [dreg:$0x9];
	s19 =	smax.u32 s19, $0x1  }
0xda: {  	[dreg:$0xb] =	wrdreg s7;
	p0 =	sne.s32 s19, $0x1  }
.Ltmp0:
0xdb: {  	[dreg:$0xc] =	wrdreg s9;
	(pc) =	sbr.rel @!p0 .LBB2_3-.Ltmp0, $4  }
0xdc: {  	[hbm:s30], [sflag:s7] =	dma.local [spmem:s9], $0xA00  }
0xdd: {  	_ =	swait.ge [sflag:s8], $0xA00  }
0xde: {  	[sflag:s8] =	ssyncset.done $0x0  }
0xdf: {  	[sflag:s8] =	ssyncadd.s32 $0xFFFFF600;
	s19 =	sadd.s32 $0xFFFFFFFF, s19  }
0xe0: {  	s6 =	simm.s32 $0x0  }
0xe1: {  	s21 =	simm.s32 $0x2AF8;
	s22 =	simm.s32 $0x7D0;
	s23 =	simm.s32 $0xBB8  }
0xe2: {  	s24 =	simm.s32 $0x2EE0;
	s25 =	simm.s32 $0x32C8;
	s26 =	simm.s32 $0xFA0  }
0xe3: {  	s28 =	simm.s32 $0x1388;
	s29 =	simm.s32 $0x36B0;
	s30 =	simm.s32 $0x3A98  }
0xe4: {  	s31 =	simm.s32 $0x1770;
	s15 =	simm.s32 $0x4268;
	s5 =	simm.s32 $0x1F40  }
.LBB2_2:
0xe5: {  	[bflag:$0x0] =	sbarrier.arrive $0xFFFF  }
0xe6: {  	s9 =	rddreg [dreg:$0xa]  }
0xe7: {  	s7 =	rddreg [dreg:$0xb]  }
0xe8: {  	s0 =	rddreg [dreg:$0xc]  }
0xe9: {  	[spmem:s0], [sflag:s7] =	dma.local [hbm:s9], $0xA00  }
0xea: {  	_ =	swait.ge [sflag:s8], $0xA00  }
0xeb: {  	[sflag:s8] =	ssyncset.done $0x0  }
0xec: {  	[sflag:s8] =	ssyncadd.s32 $0xFFFFF600  }
0xed: {  	[bflag:$0x0] =	sbarrier.arrive $0xFFFF  }
0xee: {  	s20 =	rddreg [dreg:$0x4]  }
0xef: {  	[tilespmem:s6], [sflag:$0x5] =	stream.linear.gather [hbm4b:s20+s6], $0x2710, $0x38;
	[tilespmem:$0x19820] =	vst v63  }
0xf0: {  	_ =	swait.ge [sflag:s8], $0x2710  }
0xf1: {  	[sflag:s8] =	ssyncset.done $0x0  }
0xf2: {  	s4 =	simm.s32 $0x2710;
	s2 =	rddreg [dreg:$0x5];
	[sflag:s8] =	ssyncadd.s32 $0xFFFFD8F0  }
0xf3: {  	[tilespmem:s4], [sflag:$0x5] =	stream.linear.gather [hbm4b:s2+s6], $0x2710, $0x38;
	[tilespmem:$0x19820] =	vst v63  }
0xf4: {  	_ =	swait.ge [sflag:s8], $0x2710  }
0xf5: {  	[sflag:s8] =	ssyncset.done $0x0  }
0xf6: {  	[sflag:s8] =	ssyncadd.s32 $0xFFFFD8F0  }
0xf7: {  	[tilespmem:s11], [sflag:$0x1] =	stream.indirect.gather [hbm4b:s1+s10], $0x20, s6, s10, $0xb8;
	[tilespmem:$0x19820] =	vst v63  }
0xf8: {  	_ = 	snop  }
0xf9: {  	[tilespmem:s12], [sflag:$0x2] =	stream.indirect.gather [hbm4b:s1+s10], $0x20, s10, s10, $0xb8;
	[tilespmem:$0x19820] =	vst v63  }
0xfa: {  	_ =	swait.ge [sflag:s13], $0x7D00  }
0xfb: {  	[sflag:s13] =	ssyncset.done $0x0  }
0xfc: {  	[sflag:s13] =	ssyncadd.s32 $0xFFFF8300  }
0xfd: {  	[spmem:s3] =	stream.indirect.scatter.add.f32 [tilespmem:s11], [sflag:$0x3], $0x20, s4, s10, $0xb8;
	[tilespmem:$0x19820] =	vst v63  }
0xfe: {  	_ =	swait.ge [sflag:s14], $0x7D00  }
0xff: {  	[sflag:s14] =	ssyncset.done $0x0  }
0x100: {  	[sflag:s14] =	ssyncadd.s32 $0xFFFF8300  }
0x101: {  	[spmem:s3] =	stream.indirect.scatter.add.f32 [tilespmem:s12], [sflag:$0x4], $0x20, s21, s10, $0xb8;
	[tilespmem:$0x19820] =	vst v63  }
0x102: {  	_ =	swait.ge [sflag:s16], $0x7D00  }
0x103: {  	[sflag:s16] =	ssyncset.done $0x0  }
0x104: {  	[sflag:s16] =	ssyncadd.s32 $0xFFFF8300  }
0x105: {  	[tilespmem:s11], [sflag:$0x1] =	stream.indirect.gather [hbm4b:s1+s10], $0x20, s22, s10, $0xb8;
	[tilespmem:$0x19820] =	vst v63  }
0x106: {  	_ =	swait.ge [sflag:s18], $0x7D00  }
0x107: {  	[sflag:s18] =	ssyncset.done $0x0  }
0x108: {  	[sflag:s18] =	ssyncadd.s32 $0xFFFF8300  }
0x109: {  	[tilespmem:s12], [sflag:$0x2] =	stream.indirect.gather [hbm4b:s1+s10], $0x20, s23, s10, $0xb8;
	[tilespmem:$0x19820] =	vst v63  }
0x10a: {  	_ =	swait.ge [sflag:s13], $0x7D00  }
0x10b: {  	[sflag:s13] =	ssyncset.done $0x0  }
0x10c: {  	[sflag:s13] =	ssyncadd.s32 $0xFFFF8300  }
0x10d: {  	[spmem:s3] =	stream.indirect.scatter.add.f32 [tilespmem:s11], [sflag:$0x3], $0x20, s24, s10, $0xb8;
	[tilespmem:$0x19820] =	vst v63  }
0x10e: {  	_ =	swait.ge [sflag:s14], $0x7D00  }
0x10f: {  	[sflag:s14] =	ssyncset.done $0x0  }
0x110: {  	[sflag:s14] =	ssyncadd.s32 $0xFFFF8300  }
0x111: {  	[spmem:s3] =	stream.indirect.scatter.add.f32 [tilespmem:s12], [sflag:$0x4], $0x20, s25, s10, $0xb8;
	[tilespmem:$0x19820] =	vst v63  }
0x112: {  	_ =	swait.ge [sflag:s16], $0x7D00  }
0x113: {  	[sflag:s16] =	ssyncset.done $0x0  }
0x114: {  	[sflag:s16] =	ssyncadd.s32 $0xFFFF8300  }
0x115: {  	[tilespmem:s11], [sflag:$0x1] =	stream.indirect.gather [hbm4b:s1+s10], $0x20, s26, s10, $0xb8;
	[tilespmem:$0x19820] =	vst v63  }
0x116: {  	_ =	swait.ge [sflag:s18], $0x7D00  }
0x117: {  	[sflag:s18] =	ssyncset.done $0x0  }
0x118: {  	[sflag:s18] =	ssyncadd.s32 $0xFFFF8300  }
0x119: {  	[tilespmem:s12], [sflag:$0x2] =	stream.indirect.gather [hbm4b:s1+s10], $0x20, s28, s10, $0xb8;
	[tilespmem:$0x19820] =	vst v63  }
0x11a: {  	_ =	swait.ge [sflag:s13], $0x7D00  }
0x11b: {  	[sflag:s13] =	ssyncset.done $0x0  }
0x11c: {  	[sflag:s13] =	ssyncadd.s32 $0xFFFF8300  }
0x11d: {  	[spmem:s3] =	stream.indirect.scatter.add.f32 [tilespmem:s11], [sflag:$0x3], $0x20, s29, s10, $0xb8;
	[tilespmem:$0x19820] =	vst v63  }
0x11e: {  	_ =	swait.ge [sflag:s14], $0x7D00  }
0x11f: {  	[sflag:s14] =	ssyncset.done $0x0  }
0x120: {  	[sflag:s14] =	ssyncadd.s32 $0xFFFF8300  }
0x121: {  	[spmem:s3] =	stream.indirect.scatter.add.f32 [tilespmem:s12], [sflag:$0x4], $0x20, s30, s10, $0xb8;
	[tilespmem:$0x19820] =	vst v63  }
0x122: {  	_ =	swait.ge [sflag:s16], $0x7D00  }
0x123: {  	[sflag:s16] =	ssyncset.done $0x0  }
0x124: {  	[sflag:s16] =	ssyncadd.s32 $0xFFFF8300  }
0x125: {  	[tilespmem:s11], [sflag:$0x1] =	stream.indirect.gather [hbm4b:s1+s10], $0x20, s31, s10, $0xb8;
	[tilespmem:$0x19820] =	vst v63  }
0x126: {  	_ =	swait.ge [sflag:s18], $0x7D00  }
0x127: {  	[sflag:s18] =	ssyncset.done $0x0  }
0x128: {  	s2 =	simm.s32 $0x1B58;
	[sflag:s18] =	ssyncadd.s32 $0xFFFF8300  }
0x129: {  	[tilespmem:s12], [sflag:$0x2] =	stream.indirect.gather [hbm4b:s1+s10], $0x20, s2, s10, $0xb8;
	[tilespmem:$0x19820] =	vst v63  }
0x12a: {  	_ =	swait.ge [sflag:s13], $0x7D00  }
0x12b: {  	[sflag:s13] =	ssyncset.done $0x0  }
0x12c: {  	s2 =	simm.s32 $0x3E80;
	[sflag:s13] =	ssyncadd.s32 $0xFFFF8300  }
0x12d: {  	[spmem:s3] =	stream.indirect.scatter.add.f32 [tilespmem:s11], [sflag:$0x3], $0x20, s2, s10, $0xb8;
	[tilespmem:$0x19820] =	vst v63  }
0x12e: {  	_ =	swait.ge [sflag:s14], $0x7D00  }
0x12f: {  	[sflag:s14] =	ssyncset.done $0x0  }
0x130: {  	[sflag:s14] =	ssyncadd.s32 $0xFFFF8300  }
0x131: {  	[spmem:s3] =	stream.indirect.scatter.add.f32 [tilespmem:s12], [sflag:$0x4], $0x20, s15, s10, $0xb8;
	[tilespmem:$0x19820] =	vst v63  }
0x132: {  	_ =	swait.ge [sflag:s16], $0x7D00  }
0x133: {  	[sflag:s16] =	ssyncset.done $0x0  }
0x134: {  	[sflag:s16] =	ssyncadd.s32 $0xFFFF8300  }
0x135: {  	[tilespmem:s11], [sflag:$0x1] =	stream.indirect.gather [hbm4b:s1+s10], $0x20, s5, s10, $0xb8;
	[tilespmem:$0x19820] =	vst v63  }
0x136: {  	_ =	swait.ge [sflag:s18], $0x7D00  }
0x137: {  	[sflag:s18] =	ssyncset.done $0x0  }
0x138: {  	s20 =	simm.s32 $0x2328;
	[sflag:s18] =	ssyncadd.s32 $0xFFFF8300  }
0x139: {  	[tilespmem:s12], [sflag:$0x2] =	stream.indirect.gather [hbm4b:s1+s10], $0x20, s20, s10, $0xb8;
	[tilespmem:$0x19820] =	vst v63  }
0x13a: {  	_ =	swait.ge [sflag:s13], $0x7D00  }
0x13b: {  	[sflag:s13] =	ssyncset.done $0x0  }
0x13c: {  	s20 =	simm.s32 $0x4650;
	[sflag:s13] =	ssyncadd.s32 $0xFFFF8300  }
0x13d: {  	[spmem:s3] =	stream.indirect.scatter.add.f32 [tilespmem:s11], [sflag:$0x3], $0x20, s20, s10, $0xb8;
	[tilespmem:$0x19820] =	vst v63  }
0x13e: {  	_ =	swait.ge [sflag:s14], $0x7D00  }
0x13f: {  	[sflag:s14] =	ssyncset.done $0x0  }
0x140: {  	s20 =	simm.s32 $0x4A38;
	[sflag:s14] =	ssyncadd.s32 $0xFFFF8300  }
0x141: {  	[spmem:s3] =	stream.indirect.scatter.add.f32 [tilespmem:s12], [sflag:$0x4], $0x20, s20, s10, $0xb8;
	[tilespmem:$0x19820] =	vst v63  }
0x142: {  	_ =	swait.ge [sflag:s16], $0x7D00  }
0x143: {  	[sflag:s16] =	ssyncset.done $0x0  }
0x144: {  	[sflag:s16] =	ssyncadd.s32 $0xFFFF8300  }
0x145: {  	_ =	swait.ge [sflag:s18], $0x7D00  }
0x146: {  	[sflag:s18] =	ssyncset.done $0x0  }
0x147: {  	[sflag:s18] =	ssyncadd.s32 $0xFFFF8300  }
0x148: {  	[bflag:$0x0] =	sbarrier.arrive $0xFFFF  }
0x149: {  	s20 =	rddreg [dreg:$0x6]  }
0x14a: {  	[hbm:s20], [sflag:s7] =	dma.local [spmem:s0], $0xA00  }
0x14b: {  	_ =	swait.ge [sflag:s8], $0xA00  }
0x14c: {  	[sflag:s8] =	ssyncset.done $0x0  }
0x14d: {  	[sflag:s8] =	ssyncadd.s32 $0xFFFFF600  }
0x14e: {  	[spmem:s0], [sflag:s7] =	dma.local [hbm:s9], $0xA00  }
0x14f: {  	_ =	swait.ge [sflag:s8], $0xA00  }
0x150: {  	[sflag:s8] =	ssyncset.done $0x0  }
0x151: {  	[sflag:s8] =	ssyncadd.s32 $0xFFFFF600  }
0x152: {  	[bflag:$0x0] =	sbarrier.arrive $0xFFFF  }
0x153: {  	s9 =	rddreg [dreg:$0x7]  }
0x154: {  	[tilespmem:s6], [sflag:$0x5] =	stream.linear.gather [hbm4b:s9+s6], $0x2710, $0x38;
	[tilespmem:$0x19820] =	vst v63  }
0x155: {  	_ =	swait.ge [sflag:s8], $0x2710  }
0x156: {  	[sflag:s8] =	ssyncset.done $0x0  }
0x157: {  	s9 =	rddreg [dreg:$0x8];
	[sflag:s8] =	ssyncadd.s32 $0xFFFFD8F0  }
0x158: {  	[tilespmem:s4], [sflag:$0x5] =	stream.linear.gather [hbm4b:s9+s6], $0x2710, $0x38;
	[tilespmem:$0x19820] =	vst v63  }
0x159: {  	_ =	swait.ge [sflag:s8], $0x2710  }
0x15a: {  	[sflag:s8] =	ssyncset.done $0x0  }
0x15b: {  	[sflag:s8] =	ssyncadd.s32 $0xFFFFD8F0  }
0x15c: {  	[tilespmem:s11], [sflag:$0x1] =	stream.indirect.gather [hbm4b:s17+s10], $0x20, s6, s10, $0xb8;
	[tilespmem:$0x19820] =	vst v63  }
0x15d: {  	_ = 	snop  }
0x15e: {  	[tilespmem:s12], [sflag:$0x2] =	stream.indirect.gather [hbm4b:s17+s10], $0x20, s10, s10, $0xb8;
	[tilespmem:$0x19820] =	vst v63  }
0x15f: {  	_ =	swait.ge [sflag:s13], $0x7D00  }
0x160: {  	[sflag:s13] =	ssyncset.done $0x0  }
0x161: {  	[sflag:s13] =	ssyncadd.s32 $0xFFFF8300  }
0x162: {  	[spmem:s3] =	stream.indirect.scatter.add.f32 [tilespmem:s11], [sflag:$0x3], $0x20, s4, s10, $0xb8;
	[tilespmem:$0x19820] =	vst v63  }
0x163: {  	_ =	swait.ge [sflag:s14], $0x7D00  }
0x164: {  	[sflag:s14] =	ssyncset.done $0x0  }
0x165: {  	[sflag:s14] =	ssyncadd.s32 $0xFFFF8300  }
0x166: {  	[spmem:s3] =	stream.indirect.scatter.add.f32 [tilespmem:s12], [sflag:$0x4], $0x20, s21, s10, $0xb8;
	[tilespmem:$0x19820] =	vst v63  }
0x167: {  	_ =	swait.ge [sflag:s16], $0x7D00  }
0x168: {  	[sflag:s16] =	ssyncset.done $0x0  }
0x169: {  	[sflag:s16] =	ssyncadd.s32 $0xFFFF8300  }
0x16a: {  	[tilespmem:s11], [sflag:$0x1] =	stream.indirect.gather [hbm4b:s17+s10], $0x20, s22, s10, $0xb8;
	[tilespmem:$0x19820] =	vst v63  }
0x16b: {  	_ =	swait.ge [sflag:s18], $0x7D00  }
0x16c: {  	[sflag:s18] =	ssyncset.done $0x0  }
0x16d: {  	[sflag:s18] =	ssyncadd.s32 $0xFFFF8300  }
0x16e: {  	[tilespmem:s12], [sflag:$0x2] =	stream.indirect.gather [hbm4b:s17+s10], $0x20, s23, s10, $0xb8;
	[tilespmem:$0x19820] =	vst v63  }
0x16f: {  	_ =	swait.ge [sflag:s13], $0x7D00  }
0x170: {  	[sflag:s13] =	ssyncset.done $0x0  }
0x171: {  	[sflag:s13] =	ssyncadd.s32 $0xFFFF8300  }
0x172: {  	[spmem:s3] =	stream.indirect.scatter.add.f32 [tilespmem:s11], [sflag:$0x3], $0x20, s24, s10, $0xb8;
	[tilespmem:$0x19820] =	vst v63  }
0x173: {  	_ =	swait.ge [sflag:s14], $0x7D00  }
0x174: {  	[sflag:s14] =	ssyncset.done $0x0  }
0x175: {  	[sflag:s14] =	ssyncadd.s32 $0xFFFF8300  }
0x176: {  	[spmem:s3] =	stream.indirect.scatter.add.f32 [tilespmem:s12], [sflag:$0x4], $0x20, s25, s10, $0xb8;
	[tilespmem:$0x19820] =	vst v63  }
0x177: {  	_ =	swait.ge [sflag:s16], $0x7D00  }
0x178: {  	[sflag:s16] =	ssyncset.done $0x0  }
0x179: {  	[sflag:s16] =	ssyncadd.s32 $0xFFFF8300  }
0x17a: {  	[tilespmem:s11], [sflag:$0x1] =	stream.indirect.gather [hbm4b:s17+s10], $0x20, s26, s10, $0xb8;
	[tilespmem:$0x19820] =	vst v63  }
0x17b: {  	_ =	swait.ge [sflag:s18], $0x7D00  }
0x17c: {  	[sflag:s18] =	ssyncset.done $0x0  }
0x17d: {  	[sflag:s18] =	ssyncadd.s32 $0xFFFF8300  }
0x17e: {  	[tilespmem:s12], [sflag:$0x2] =	stream.indirect.gather [hbm4b:s17+s10], $0x20, s28, s10, $0xb8;
	[tilespmem:$0x19820] =	vst v63  }
0x17f: {  	_ =	swait.ge [sflag:s13], $0x7D00  }
0x180: {  	[sflag:s13] =	ssyncset.done $0x0  }
0x181: {  	[sflag:s13] =	ssyncadd.s32 $0xFFFF8300  }
0x182: {  	[spmem:s3] =	stream.indirect.scatter.add.f32 [tilespmem:s11], [sflag:$0x3], $0x20, s29, s10, $0xb8;
	[tilespmem:$0x19820] =	vst v63  }
0x183: {  	_ =	swait.ge [sflag:s14], $0x7D00  }
0x184: {  	[sflag:s14] =	ssyncset.done $0x0  }
0x185: {  	[sflag:s14] =	ssyncadd.s32 $0xFFFF8300  }
0x186: {  	[spmem:s3] =	stream.indirect.scatter.add.f32 [tilespmem:s12], [sflag:$0x4], $0x20, s30, s10, $0xb8;
	[tilespmem:$0x19820] =	vst v63  }
0x187: {  	_ =	swait.ge [sflag:s16], $0x7D00  }
0x188: {  	[sflag:s16] =	ssyncset.done $0x0  }
0x189: {  	[sflag:s16] =	ssyncadd.s32 $0xFFFF8300  }
0x18a: {  	[tilespmem:s11], [sflag:$0x1] =	stream.indirect.gather [hbm4b:s17+s10], $0x20, s31, s10, $0xb8;
	[tilespmem:$0x19820] =	vst v63  }
0x18b: {  	_ =	swait.ge [sflag:s18], $0x7D00  }
0x18c: {  	[sflag:s18] =	ssyncset.done $0x0  }
0x18d: {  	s20 =	simm.s32 $0x1B58;
	[sflag:s18] =	ssyncadd.s32 $0xFFFF8300  }
0x18e: {  	[tilespmem:s12], [sflag:$0x2] =	stream.indirect.gather [hbm4b:s17+s10], $0x20, s20, s10, $0xb8;
	[tilespmem:$0x19820] =	vst v63  }
0x18f: {  	_ =	swait.ge [sflag:s13], $0x7D00  }
0x190: {  	[sflag:s13] =	ssyncset.done $0x0  }
0x191: {  	[sflag:s13] =	ssyncadd.s32 $0xFFFF8300  }
0x192: {  	[spmem:s3] =	stream.indirect.scatter.add.f32 [tilespmem:s11], [sflag:$0x3], $0x20, s2, s10, $0xb8;
	[tilespmem:$0x19820] =	vst v63  }
0x193: {  	_ =	swait.ge [sflag:s14], $0x7D00  }
0x194: {  	[sflag:s14] =	ssyncset.done $0x0  }
0x195: {  	[sflag:s14] =	ssyncadd.s32 $0xFFFF8300  }
0x196: {  	[spmem:s3] =	stream.indirect.scatter.add.f32 [tilespmem:s12], [sflag:$0x4], $0x20, s15, s10, $0xb8;
	[tilespmem:$0x19820] =	vst v63  }
0x197: {  	_ =	swait.ge [sflag:s16], $0x7D00  }
0x198: {  	[sflag:s16] =	ssyncset.done $0x0  }
0x199: {  	[sflag:s16] =	ssyncadd.s32 $0xFFFF8300  }
0x19a: {  	[tilespmem:s11], [sflag:$0x1] =	stream.indirect.gather [hbm4b:s17+s10], $0x20, s5, s10, $0xb8;
	[tilespmem:$0x19820] =	vst v63  }
0x19b: {  	_ =	swait.ge [sflag:s18], $0x7D00  }
0x19c: {  	[sflag:s18] =	ssyncset.done $0x0  }
0x19d: {  	s9 =	simm.s32 $0x2328;
	[sflag:s18] =	ssyncadd.s32 $0xFFFF8300  }
0x19e: {  	[tilespmem:s12], [sflag:$0x2] =	stream.indirect.gather [hbm4b:s17+s10], $0x20, s9, s10, $0xb8;
	[tilespmem:$0x19820] =	vst v63  }
0x19f: {  	_ =	swait.ge [sflag:s13], $0x7D00  }
0x1a0: {  	[sflag:s13] =	ssyncset.done $0x0  }
0x1a1: {  	s20 =	simm.s32 $0x4650;
	[sflag:s13] =	ssyncadd.s32 $0xFFFF8300  }
0x1a2: {  	[spmem:s3] =	stream.indirect.scatter.add.f32 [tilespmem:s11], [sflag:$0x3], $0x20, s20, s10, $0xb8;
	[tilespmem:$0x19820] =	vst v63  }
0x1a3: {  	_ =	swait.ge [sflag:s14], $0x7D00  }
0x1a4: {  	[sflag:s14] =	ssyncset.done $0x0  }
0x1a5: {  	s4 =	simm.s32 $0x4A38;
	[sflag:s14] =	ssyncadd.s32 $0xFFFF8300  }
0x1a6: {  	[spmem:s3] =	stream.indirect.scatter.add.f32 [tilespmem:s12], [sflag:$0x4], $0x20, s4, s10, $0xb8;
	[tilespmem:$0x19820] =	vst v63  }
0x1a7: {  	_ =	swait.ge [sflag:s16], $0x7D00  }
0x1a8: {  	[sflag:s16] =	ssyncset.done $0x0  }
0x1a9: {  	[sflag:s16] =	ssyncadd.s32 $0xFFFF8300  }
0x1aa: {  	_ =	swait.ge [sflag:s18], $0x7D00  }
0x1ab: {  	[sflag:s18] =	ssyncset.done $0x0  }
0x1ac: {  	[sflag:s18] =	ssyncadd.s32 $0xFFFF8300  }
0x1ad: {  	p0 =	sne.s32 s19, $0x1;
	[bflag:$0x0] =	sbarrier.arrive $0xFFFF  }
.Ltmp1:
0x1ae: {  	s9 =	rddreg [dreg:$0x9];
	(pc) =	sbr.rel @p0 .LBB2_2-.Ltmp1, $4  }
0x1af: {  	[hbm:s9], [sflag:s7] =	dma.local [spmem:s0], $0xA00  }
0x1b0: {  	_ =	swait.ge [sflag:s8], $0xA00  }
0x1b1: {  	[sflag:s8] =	ssyncset.done $0x0  }
0x1b2: {  	s19 =	sadd.s32 $0xFFFFFFFF, s19;
	[sflag:s8] =	ssyncadd.s32 $0xFFFFF600  }
.LBB2_3:
0x1b3: {  	[bflag:$0x0] =	sbarrier.arrive $0xFFFF  }
0x1b4: {  	_ =	sfence.sel $0x180000  }
0x1b5: {  	[bflag:$0x0] =	sbarrier.arrive $0xFFFF  }
0x1b6: {  	_ =	strace $0x90000050  }
0x1b7: {  	s0 =	stileid.u32;
	[bflag:$0x2] =	sbarrier.arrive $0xFFFF  }
0x1b8: {  	p0 =	sne.s32 s0, $0x0;
	s0 =	rddreg [dreg:$0x3]  }
0x1b9: {  	s0 =	sadd.s32 @!p0 $0x100000, s0  }
0x1ba: {  	[sflag:s0] =	ssyncadd.tile.s32 @!p0 $0x1;
	_ =	shalt  }
.Lfunc_end2:
_tile_overlayer_lowered:
.L_overlay_start_2:
0x1bb: {  	(tag) =	ssettag $0x2  }
0x1bc: {  	s0 =	rddreg [dreg:$0x0];
	s2 =	stileid.u32  }
0x1bd: {  	s1 =	rddreg [dreg:$0x1];
	p0 =	sne.s32 s2, $0x0  }
0x1be: {  	s3 =	rddreg [dreg:$0x2];
	[bflag:$0x3] =	sbarrier.arrive $0xFFFF;
	s2 =	simm.s32 @!p0 $0x1C05  }
0x1bf: {  	[timem:s3], [sflag:s2] =	dma.local @!p0 [hbm:s0], s1  }
0x1c0: {  	s0 =	simm.s32 @!p0 $0x5  }
0x1c1: {  	_ =	swait.ge @!p0 [sflag:s0], s1  }
0x1c2: {  	s1 =	ssub.s32 @!p0 $0x0, s1;
	[sflag:s0] =	ssyncset.done @!p0 $0x0  }
0x1c3: {  	[sflag:s0] =	ssyncadd.s32 @!p0 s1  }
0x1c4: {  	[bflag:$0x3] =	sbarrier.arrive $0xFFFF  }
0x1c5: {  	_ =	shalt  }

// kernel: kernel.19.cloned.1.call-start
scs
__scs_entry_jumppad:
0x0: {  	(pc) =	sbr.rel $0x88, $3  }
0x1: {  	(tag) =	ssettag $0x0;
	lr =	simm.s32 $0x1  }
0x2: {  	[smem:$0x3F93] =	sst lr;
	_ =	strace $0xD0000000  }
0x3: {  	_ = 	snop  }
0x4: {  	_ = 	snop  }
0x5: {  	_ = 	snop  }
0x6: {  	_ = 	snop  }
0x7: {  	_ = 	snop  }
__scs_overlays_trampoline_lowered:
0x8: {  	[smem:$0x3FA2] =	sst s0  }
0x9: {  	[smem:$0x3FA3] =	sst s1  }
0xa: {  	[smem:$0x3FA4] =	sst s2  }
0xb: {  	[smem:$0x3FA5] =	sst s3  }
0xc: {  	[smem:$0x3FA6] =	sst s4  }
0xd: {  	[smem:$0x3FA7] =	sst s5  }
0xe: {  	[smem:$0x3FA8] =	sst s6  }
0xf: {  	[smem:$0x3FA9] =	sst s7  }
0x10: {  	[smem:$0x3FAA] =	sst s8  }
0x11: {  	[smem:$0x3FAB] =	sst s9;
	s0 =	simm.s32 @!p0 $0x0  }
0x12: {  	s1 =	sld [smem:$0x3F91];
	s0 =	simm.s32 @p0 $0x1  }
0x13: {  	[smem:$0x3FAC] =	sst s0;
	s0 =	simm.s32 @!p1 $0x0  }
0x14: {  	s2 =	sld [smem:$0x3F90];
	s0 =	simm.s32 @p1 $0x1  }
0x15: {  	[smem:$0x3FAD] =	sst s0;
	s0 =	simm.s32 @!p2 $0x0  }
0x16: {  	s3 =	sld [smem:$0x3FDB];
	s0 =	simm.s32 @p2 $0x1  }
0x17: {  	s4 =	simm.s32 $0x1BF5;
	[smem:$0x3FAF] =	sst s0  }
0x18: {  	s0 =	sld [smem:$0x3F92];
	_ =	swait.ge [sflag:s4], $0x0  }
0x19: {  	s7 =	sld [smem:$0x3F93]  }
0x1a: {  	s8 =	sadd.s32 $0xFFFFE003, lr  }
0x1b: {  	s9 =	sadd.s32 $0xFFFFFEF7, lr;
	s5 =	simm.s32 $0xFFFFFFFF;
	p2 =	slt.u32 s8, $0xFFFFF086  }
0x1c: {  	p1 =	slt.u32 s9, $0xF7A;
	s5 =	simm.s32 @!p2 $0x0  }
0x1d: {  	s5 =	simm.s32 @p1 $0x1;
	p0 =	seq.s32 s7, s2  }
0x1e: {  	s7 =	smul.u32 @!p0 $0xF7A, s2;
	p2 =	seq.s32 @!p0 s5, $0x0  }
0x1f: {  	s9 =	smul.u32 $0xF7A, s1;
	s8 =	simm.s32 @!p0 $0x1BF5;
	p2 =	por !p2, p0  }
0x20: {  	[sflag:s8] =	ssyncset.s32 @!p0 $0xFFFFF086;
	s6 =	sadd.s32 @!p0 s3, s7;
	s7 =	simm.s32 @!p0 $0x108  }
0x21: {  	s3 =	sadd.s32 s3, s9;
	s6 =	sadd.s32 @!p0 $0x88, s6;
	s7 =	simm.s32 @p2 $0x1082  }
0x22: {  	[simem:s7], [sflag:s8] =	dma.local @!p0 [hbm:s6], $0xF7A  }
0x23: {  	s9 =	sor.u32 $0xD0000000, s2;
	s6 =	simm.s32 $0x108;
	_ =	swait.ge @!p0 [sflag:s8], $0x0  }
0x24: {  	s3 =	sadd.s32 $0x88, s3;
	s6 =	simm.s32 @!p1 $0x1082;
	[sflag:s4] =	ssyncset.s32 $0xFFFFF086  }
0x25: {  	[simem:s6], [sflag:s4] =	dma.local [hbm:s3], $0xF7A  }
0x26: {  	[smem:$0x3F93] =	sst s1;
	(tag) =	ssettag s2;
	_ =	strace s9  }
0x27: {  	s1 =	sld [smem:$0x3FA3]  }
0x28: {  	s2 =	sld [smem:$0x3FA4]  }
0x29: {  	s4 =	sld [smem:$0x3FA6]  }
0x2a: {  	p0 =	seq.s32 s5, $0x0;
	s5 =	sld [smem:$0x3FA7]  }
0x2b: {  	s6 =	sld [smem:$0x3FA8]  }
0x2c: {  	s7 =	sld [smem:$0x3FA9]  }
0x2d: {  	s3 =	simm.s32 $0x108;
	s8 =	sld [smem:$0x3FAA]  }
0x2e: {  	s3 =	simm.s32 @!p0 $0x1082;
	s9 =	sld [smem:$0x3FAB]  }
0x2f: {  	lr =	sadd.s32 s0, s3;
	s0 =	sld [smem:$0x3FA2]  }
0x30: {  	s3 =	sld [smem:$0x3FA5]  }
0x31: {  	[smem:$0x3FAE] =	sst s10  }
0x32: {  	s10 =	sld [smem:$0x3FAC];
	_ =	sdelay $0x3  }
0x33: {  	p0 =	seq.s32 s10, $0x1;
	s10 =	sld [smem:$0x3FAE];
	_ =	sdelay $0x3  }
0x34: {  	[smem:$0x3FAE] =	sst s10  }
0x35: {  	s10 =	sld [smem:$0x3FAD];
	_ =	sdelay $0x3  }
0x36: {  	p1 =	seq.s32 s10, $0x1;
	s10 =	sld [smem:$0x3FAE];
	_ =	sdelay $0x3  }
0x37: {  	[smem:$0x3FAE] =	sst s10  }
0x38: {  	s10 =	sld [smem:$0x3FAF]  }
0x39: {  	_ = 	snop;
	(pc) =	sbr.ind lr, $3  }
0x3a: {  	_ = 	snop  }
0x3b: {  	_ = 	snop  }
0x3c: {  	p2 =	seq.s32 s10, $0x1;
	s10 =	sld [smem:$0x3FAE]  }
0x3d: {  	_ =	shalt  }
0x3e: {  	_ =	shalt  }
0x3f: {  	_ =	shalt  }
0x40: {  	_ =	shalt  }
0x41: {  	_ =	shalt  }
0x42: {  	_ =	shalt  }
0x43: {  	_ =	shalt  }
0x44: {  	_ =	shalt  }
0x45: {  	_ =	shalt  }
0x46: {  	_ =	shalt  }
0x47: {  	_ =	shalt  }
0x48: {  	_ =	shalt  }
0x49: {  	_ =	shalt  }
0x4a: {  	_ =	shalt  }
0x4b: {  	_ =	shalt  }
0x4c: {  	_ =	shalt  }
0x4d: {  	_ =	shalt  }
0x4e: {  	_ =	shalt  }
0x4f: {  	_ =	shalt  }
0x50: {  	_ =	shalt  }
0x51: {  	_ =	shalt  }
0x52: {  	_ =	shalt  }
0x53: {  	_ =	shalt  }
0x54: {  	_ =	shalt  }
0x55: {  	_ =	shalt  }
0x56: {  	_ =	shalt  }
0x57: {  	_ =	shalt  }
0x58: {  	_ =	shalt  }
0x59: {  	_ =	shalt  }
0x5a: {  	_ =	shalt  }
0x5b: {  	_ =	shalt  }
0x5c: {  	_ =	shalt  }
0x5d: {  	_ =	shalt  }
0x5e: {  	_ =	shalt  }
0x5f: {  	_ =	shalt  }
0x60: {  	_ =	shalt  }
0x61: {  	_ =	shalt  }
0x62: {  	_ =	shalt  }
0x63: {  	_ =	shalt  }
0x64: {  	_ =	shalt  }
0x65: {  	_ =	shalt  }
0x66: {  	_ =	shalt  }
0x67: {  	_ =	shalt  }
0x68: {  	_ =	shalt  }
0x69: {  	_ =	shalt  }
0x6a: {  	_ =	shalt  }
0x6b: {  	_ =	shalt  }
0x6c: {  	_ =	shalt  }
0x6d: {  	_ =	shalt  }
0x6e: {  	_ =	shalt  }
0x6f: {  	_ =	shalt  }
0x70: {  	_ =	shalt  }
0x71: {  	_ =	shalt  }
0x72: {  	_ =	shalt  }
0x73: {  	_ =	shalt  }
0x74: {  	_ =	shalt  }
0x75: {  	_ =	shalt  }
0x76: {  	_ =	shalt  }
0x77: {  	_ =	shalt  }
0x78: {  	_ =	shalt  }
0x79: {  	_ =	shalt  }
0x7a: {  	_ =	shalt  }
0x7b: {  	_ =	shalt  }
0x7c: {  	_ =	shalt  }
0x7d: {  	_ =	shalt  }
0x7e: {  	_ =	shalt  }
0x7f: {  	_ =	shalt  }
0x80: {  	_ =	shalt  }
0x81: {  	_ =	shalt  }
0x82: {  	_ =	shalt  }
0x83: {  	_ =	shalt  }
0x84: {  	_ =	shalt  }
0x85: {  	_ =	shalt  }
0x86: {  	_ =	shalt  }
0x87: {  	_ =	shalt  }
.Lfunc_end0:
.L_simem_size_0:
called_computation.3_lowered:
.L_overlay_start_0:
0x88: {  	s2 =	sld [smem:$0x3FD9]  }
0x89: {  	s3 =	sld [smem:$0x3FFE];
	_ =	sdelay $0x1  }
0x8a: {  	s1 =	srdreg.scid  }
0x8b: {  	s0 =	sand.u32 $0x1, s1  }
0x8c: {  	s17 =	sshll.u32 s0, $0xA;
	s2 =	sadd.s32 s3, s2  }
0x8d: {  	s2 =	sadd.s32 s2, s17  }
0x8e: {  	[smem:$0x3FBA] =	sst s2  }
0x8f: {  	_ = 	snop  }
0x90: {  	(tm) =	ssettm $0x1  }
0x91: {  	s18 =	sld [smem:$0x3FFB];
	_ =	sdelay $0x3  }
0x92: {  	_ =	strace s18  }
0x93: {  	s2 =	sld [smem:$0x3FFC];
	_ =	sdelay $0x3  }
0x94: {  	_ =	strace s2  }
0x95: {  	s2 =	sld [smem:$0x3FFD];
	_ =	sdelay $0x3  }
0x96: {  	_ =	strace s2  }
0x97: {  	_ =	strace $0x8FFFFFFF  }
0x98: {  	s19 =	sld [smem:$0x3FDB];
	_ =	sdelay $0x1  }
0x99: {  	s20 =	simm.s32 $_scs_section_size  }
0x9a: {  	s4 =	simm.s32 $_size__tile_overlayer_lowered;
	s5 =	simm.s32 $_tile_overlayer_lowered  }
0x9b: {  	s6 =	simm.s32 $0x1BFF;
	s21 =	sshll.u32 s5, $0x1;
	s3 =	sadd.s32 s20, s19  }
0x9c: {  	s22 =	simm.s32 $0x0;
	s4 =	sshll.u32 s4, $0x1;
	s5 =	sadd.s32 s21, s3  }
0x9d: {  	[timem:s22], [sflag:s6] =	dma.local [hbm:s5], s4  }
0x9e: {  	_ =	swait.ge [sflag:s6], s4  }
0x9f: {  	s4 =	ssub.s32 $0x0, s4;
	[sflag:s6] =	ssyncset.done $0x0  }
0xa0: {  	[sflag:s6] =	ssyncadd.s32 s4;
	_ =	sdelay $0x1  }
0xa1: {  	s23 =	simm.s32 $0x1B8B  }
0xa2: {  	_ =	swait.ge [sflag:s23], $0x1  }
0xa3: {  	[sflag:s23] =	ssyncset.done $0x0  }
0xa4: {  	[sflag:s23] =	ssyncadd.s32 $0xFFFFFFFF  }
0xa5: {  	s4 =	sld [smem:$0x0]  }
0xa6: {  	s5 =	sand.u32 $0xFFFFFFFE, s1  }
0xa7: {  	p0 =	sne.s32 s1, s5  }
0xa8: {  	s5 =	sshll.u32 @p0 s5, $0xE  }
0xa9: {  	s5 =	sadd.s32 @p0 $0x11B8D, s5;
	s6 =	sshll.u32 @p0 s4, $0x11  }
0xaa: {  	s5 =	sor.u32 @p0 s6, s5  }
0xab: {  	[sflag:s5] =	ssyncadd.remote.s32 @p0 $0x1;
	_ =	sdelay $0x1  }
0xac: {  	s5 =	simm.s32 @p0 $0x1B8D  }
0xad: {  	_ =	swait.eq @p0 [sflag:s5], $0x1  }
0xae: {  	[sflag:s5] =	ssyncadd.s32 @p0 $0xFFFFFFFF  }
0xaf: {  	s6 =	sshll.u32 @!p0 s1, $0xE  }
0xb0: {  	s6 =	sor.u32 @!p0 $0x4000, s6;
	s5 =	simm.s32 @!p0 $0x1B8D  }
0xb1: {  	s4 =	sshll.u32 @!p0 s4, $0x11;
	s6 =	sadd.s32 @!p0 $0x11B8D, s6;
	_ =	swait.eq @!p0 [sflag:s5], $0x1  }
0xb2: {  	s4 =	sor.u32 @!p0 s4, s6;
	[sflag:s5] =	ssyncadd.s32 @!p0 $0xFFFFFFFF  }
0xb3: {  	s25 =	simm.s32 $0x1B8E;
	s24 =	sld [smem:$0x3FFE];
	[sflag:s4] =	ssyncadd.remote.s32 @!p0 $0x1  }
0xb4: {  	s26 =	simm.s32 $execute0_lowered;
	[smem:$0x3FD2] =	sst s25  }
0xb5: {  	s5 =	sshll.u32 s26, $0x1;
	_ =	strace $0x8000004C;
	[dreg:$0x1] =	wrdreg $0xFFFFFFFF  }
0xb6: {  	s28 =	simm.s32 $_size_execute0_lowered;
	s3 =	sadd.s32 s3, s5;
	[dreg:$0x0] =	wrdreg $0x0  }
0xb7: {  	s5 =	sshll.u32 s28, $0x1;
	[dreg:$0x2] =	wrdreg s3  }
0xb8: {  	[dreg:$0x3] =	wrdreg s5  }
0xb9: {  	[dreg:$0x4] =	wrdreg $0xC0  }
0xba: {  	_ =	task [dreg:s22], $0x5FFFF  }
0xbb: {  	[dreg:$0x1] =	wrdreg $0xFFFFFFFF  }
0xbc: {  	[dreg:$0x0] =	wrdreg $0x60  }
0xbd: {  	[dreg:$0x2] =	wrdreg s24  }
0xbe: {  	[dreg:$0x3] =	wrdreg $0x148200  }
0xbf: {  	[dreg:$0x4] =	wrdreg $0xA  }
0xc0: {  	_ =	task.clear_ibuf [dreg:s22], $0x5FFFF;
	_ =	strace $0x9000004C  }
0xc1: {  	s29 =	simm.s32 $0xA;
	_ =	strace $0x8000004E  }
0xc2: {  	_ =	swait.ge [sflag:s29], $0x1  }
0xc3: {  	[sflag:s29] =	ssyncadd.s32 $0xFFFFFFFF  }
0xc4: {  	_ =	strace $0x9000004E  }
0xc5: {  	_ =	sfence  }
0xc6: {  	s30 =	sld [smem:$0x0];
	_ =	sdelay $0x2  }
0xc7: {  	s31 =	sshll.u32 s1, $0xD;
	s1 =	sshrl.u32 s1, $0x2  }
0xc8: {  	s4 =	sand.u32 $0x4000, s31;
	s1 =	sadd.s32 s1, s30  }
0xc9: {  	s0 =	sor.u32 s4, s0;
	s1 =	sshll.u32 s1, $0x11  }
0xca: {  	s0 =	sor.u32 s1, s0  }
0xcb: {  	s0 =	sadd.s32 $0x8F2B, s0  }
0xcc: {  	[sflag:s0] =	ssyncadd.remote.s32 $0x1  }
0xcd: {  	_ =	sfence.sel $0xFFFF  }
0xce: {  	[dreg:$0x0] =	wrdreg $0xFFFFFFFF;
	(pc) =	sbr.abs _section_cstart, $3  }
0xcf: {  	[dreg:$0x1] =	wrdreg $0xFFFFFFFF  }
0xd0: {  	_ =	task.clear_ibuf [dreg:s22], $0x2FFFF;
	_ =	strace $0x9FFFFFFF  }
0xd1: {  	(tm) =	ssettm $0x7FFFFFFF  }
tec
execute0_lowered:
.L_overlay_start_1:
0x0: {  	(tag) =	ssettag $0x1  }
0x1: {  	s17 =	rddreg [dreg:$0x0];
	s0 =	srdreg.scid  }
0x2: {  	s2 =	rddreg [dreg:$0x1];
	s11 =	stileid.u32;
	s3 =	sand.u32 $0x1, s0  }
0x3: {  	s20 =	simm.s32 $0x0;
	s1 =	smul.u32 $0x5000, s11;
	s0 =	sshll.u32 s3, $0x4  }
0x4: {  	[smem:$0x7FF] =	sst s20;
	s4 =	smul.u32 $0x50000, s3;
	s0 =	sor.u32 s11, s0  }
0x5: {  	s5 =	sadd.s32 $0xCC200, s17;
	s6 =	sadd.s32 $0x6000, s17;
	s0 =	smul.u32 $0x2710, s0  }
0x6: {  	s23 =	sshll.u32 s11, $0x6;
	[dreg:$0xc] =	wrdreg s3;
	s4 =	sadd.s32 s1, s4  }
0x7: {  	_ =	strace $0x8000004D;
	s4 =	sshrl.u32 s4, $0x3;
	s0 =	sshrl.u32 s0, $0x3  }
0x8: {  	s7 =	sshrl.u32 s1, $0x3;
	s10 =	sadd.s32 s4, s17;
	s19 =	sadd.s32 s5, s0  }
0x9: {  	s7 =	sadd.s32 s7, s17;
	s21 =	sadd.s32 $0x7C200, s10;
	[dreg:$0x4] =	wrdreg s19  }
0xa: {  	s8 =	sadd.s32 $0x9C40, s0;
	s0 =	sadd.s32 s6, s0;
	[dreg:$0x5] =	wrdreg s21  }
0xb: {  	s1 =	sadd.s32 s1, s2;
	s24 =	sadd.s32 $0x90200, s10;
	[dreg:$0x7] =	wrdreg s0  }
0xc: {  	s31 =	sadd.s32 $0x41400, s7;
	s9 =	sadd.s32 s5, s8;
	[dreg:$0x8] =	wrdreg s24  }
0xd: {  	s7 =	simm.s32 $0x5;
	s22 =	sadd.s32 s6, s8;
	[dreg:$0x3] =	wrdreg s9  }
0xe: {  	s6 =	sor.u32 $0x1C05, s23;
	s8 =	sshrl.u32 s1, $0x3;
	[dreg:$0x6] =	wrdreg s22  }
0xf: {  	[spmem:s8], [sflag:s6] =	dma.local [hbm:s31], $0xA00  }
0x10: {  	_ =	swait.ge [sflag:s7], $0xA00  }
0x11: {  	[sflag:s7] =	ssyncset.done $0x0  }
0x12: {  	[sflag:s7] =	ssyncadd.s32 $0xFFFFF600  }
0x13: {  	[bflag:$0x0] =	sbarrier.arrive $0xFFFF  }
0x14: {  	s25 =	rddreg [dreg:$0x3]  }
0x15: {  	[tilespmem:s20], [sflag:$0x5] =	stream.linear.gather [hbm4b:s25+s20], $0x2710, $0x38;
	[tilespmem:$0x19820] =	vst v63  }
0x16: {  	_ =	swait.ge [sflag:s7], $0x2710  }
0x17: {  	[sflag:s7] =	ssyncset.done $0x0  }
0x18: {  	s3 =	simm.s32 $0x2710;
	s26 =	rddreg [dreg:$0x4];
	[sflag:s7] =	ssyncadd.s32 $0xFFFFD8F0  }
0x19: {  	[tilespmem:s3], [sflag:$0x5] =	stream.linear.gather [hbm4b:s26+s20], $0x2710, $0x38;
	[tilespmem:$0x19820] =	vst v63  }
0x1a: {  	_ =	swait.ge [sflag:s7], $0x2710  }
0x1b: {  	s11 =	simm.s32 $0x4E20;
	[sflag:s7] =	ssyncset.done $0x0  }
0x1c: {  	s10 =	simm.s32 $0x3E8;
	s9 =	sadd.s32 $0x37400, s17;
	[sflag:s7] =	ssyncadd.s32 $0xFFFFD8F0  }
0x1d: {  	[tilespmem:s11], [sflag:$0x1] =	stream.indirect.gather [hbm4b:s9+s10], $0x20, s20, s10, $0xb8;
	[tilespmem:$0x19820] =	vst v63  }
0x1e: {  	s12 =	simm.s32 $0xCB20;
	s13 =	simm.s32 $0x1  }
0x1f: {  	[tilespmem:s12], [sflag:$0x2] =	stream.indirect.gather [hbm4b:s9+s10], $0x20, s10, s10, $0xb8;
	[tilespmem:$0x19820] =	vst v63  }
0x20: {  	_ =	swait.ge [sflag:s13], $0x7D00  }
0x21: {  	[sflag:s13] =	ssyncset.done $0x0  }
0x22: {  	s14 =	simm.s32 $0x2;
	[sflag:s13] =	ssyncadd.s32 $0xFFFF8300  }
0x23: {  	[spmem:s2] =	stream.indirect.scatter.add.f32 [tilespmem:s11], [sflag:$0x3], $0x20, s3, s10, $0xb8;
	[tilespmem:$0x19820] =	vst v63  }
0x24: {  	_ =	swait.ge [sflag:s14], $0x7D00  }
0x25: {  	[sflag:s14] =	ssyncset.done $0x0  }
0x26: {  	s28 =	simm.s32 $0x2AF8;
	s16 =	simm.s32 $0x3;
	[sflag:s14] =	ssyncadd.s32 $0xFFFF8300  }
0x27: {  	[spmem:s2] =	stream.indirect.scatter.add.f32 [tilespmem:s12], [sflag:$0x4], $0x20, s28, s10, $0xb8;
	[tilespmem:$0x19820] =	vst v63  }
0x28: {  	_ =	swait.ge [sflag:s16], $0x7D00  }
0x29: {  	[sflag:s16] =	ssyncset.done $0x0  }
0x2a: {  	s29 =	simm.s32 $0x7D0;
	s18 =	simm.s32 $0x4;
	[sflag:s16] =	ssyncadd.s32 $0xFFFF8300  }
0x2b: {  	[tilespmem:s11], [sflag:$0x1] =	stream.indirect.gather [hbm4b:s9+s10], $0x20, s29, s10, $0xb8;
	[tilespmem:$0x19820] =	vst v63  }
0x2c: {  	_ =	swait.ge [sflag:s18], $0x7D00  }
0x2d: {  	[sflag:s18] =	ssyncset.done $0x0  }
0x2e: {  	s30 =	simm.s32 $0xBB8;
	[sflag:s18] =	ssyncadd.s32 $0xFFFF8300  }
0x2f: {  	[tilespmem:s12], [sflag:$0x2] =	stream.indirect.gather [hbm4b:s9+s10], $0x20, s30, s10, $0xb8;
	[tilespmem:$0x19820] =	vst v63  }
0x30: {  	_ =	swait.ge [sflag:s13], $0x7D00  }
0x31: {  	[sflag:s13] =	ssyncset.done $0x0  }
0x32: {  	s23 =	simm.s32 $0x2EE0;
	[sflag:s13] =	ssyncadd.s32 $0xFFFF8300  }
0x33: {  	[spmem:s2] =	stream.indirect.scatter.add.f32 [tilespmem:s11], [sflag:$0x3], $0x20, s23, s10, $0xb8;
	[tilespmem:$0x19820] =	vst v63  }
0x34: {  	_ =	swait.ge [sflag:s14], $0x7D00  }
0x35: {  	[sflag:s14] =	ssyncset.done $0x0  }
0x36: {  	s24 =	simm.s32 $0x32C8;
	[sflag:s14] =	ssyncadd.s32 $0xFFFF8300  }
0x37: {  	[spmem:s2] =	stream.indirect.scatter.add.f32 [tilespmem:s12], [sflag:$0x4], $0x20, s24, s10, $0xb8;
	[tilespmem:$0x19820] =	vst v63  }
0x38: {  	_ =	swait.ge [sflag:s16], $0x7D00  }
0x39: {  	[sflag:s16] =	ssyncset.done $0x0  }
0x3a: {  	s25 =	simm.s32 $0xFA0;
	[sflag:s16] =	ssyncadd.s32 $0xFFFF8300  }
0x3b: {  	[tilespmem:s11], [sflag:$0x1] =	stream.indirect.gather [hbm4b:s9+s10], $0x20, s25, s10, $0xb8;
	[tilespmem:$0x19820] =	vst v63  }
0x3c: {  	_ =	swait.ge [sflag:s18], $0x7D00  }
0x3d: {  	[sflag:s18] =	ssyncset.done $0x0  }
0x3e: {  	s26 =	simm.s32 $0x1388;
	[sflag:s18] =	ssyncadd.s32 $0xFFFF8300  }
0x3f: {  	[tilespmem:s12], [sflag:$0x2] =	stream.indirect.gather [hbm4b:s9+s10], $0x20, s26, s10, $0xb8;
	[tilespmem:$0x19820] =	vst v63  }
0x40: {  	_ =	swait.ge [sflag:s13], $0x7D00  }
0x41: {  	[sflag:s13] =	ssyncset.done $0x0  }
0x42: {  	s28 =	simm.s32 $0x36B0;
	[sflag:s13] =	ssyncadd.s32 $0xFFFF8300  }
0x43: {  	[spmem:s2] =	stream.indirect.scatter.add.f32 [tilespmem:s11], [sflag:$0x3], $0x20, s28, s10, $0xb8;
	[tilespmem:$0x19820] =	vst v63  }
0x44: {  	_ =	swait.ge [sflag:s14], $0x7D00  }
0x45: {  	[sflag:s14] =	ssyncset.done $0x0  }
0x46: {  	s29 =	simm.s32 $0x3A98;
	[sflag:s14] =	ssyncadd.s32 $0xFFFF8300  }
0x47: {  	[spmem:s2] =	stream.indirect.scatter.add.f32 [tilespmem:s12], [sflag:$0x4], $0x20, s29, s10, $0xb8;
	[tilespmem:$0x19820] =	vst v63  }
0x48: {  	_ =	swait.ge [sflag:s16], $0x7D00  }
0x49: {  	[sflag:s16] =	ssyncset.done $0x0  }
0x4a: {  	s30 =	simm.s32 $0x1770;
	[sflag:s16] =	ssyncadd.s32 $0xFFFF8300  }
0x4b: {  	[tilespmem:s11], [sflag:$0x1] =	stream.indirect.gather [hbm4b:s9+s10], $0x20, s30, s10, $0xb8;
	[tilespmem:$0x19820] =	vst v63  }
0x4c: {  	_ =	swait.ge [sflag:s18], $0x7D00  }
0x4d: {  	[sflag:s18] =	ssyncset.done $0x0  }
0x4e: {  	s22 =	simm.s32 $0x1B58;
	[sflag:s18] =	ssyncadd.s32 $0xFFFF8300  }
0x4f: {  	[tilespmem:s12], [sflag:$0x2] =	stream.indirect.gather [hbm4b:s9+s10], $0x20, s22, s10, $0xb8;
	[tilespmem:$0x19820] =	vst v63  }
0x50: {  	_ =	swait.ge [sflag:s13], $0x7D00  }
0x51: {  	[sflag:s13] =	ssyncset.done $0x0  }
0x52: {  	s21 =	simm.s32 $0x3E80;
	[sflag:s13] =	ssyncadd.s32 $0xFFFF8300  }
0x53: {  	[spmem:s2] =	stream.indirect.scatter.add.f32 [tilespmem:s11], [sflag:$0x3], $0x20, s21, s10, $0xb8;
	[tilespmem:$0x19820] =	vst v63  }
0x54: {  	_ =	swait.ge [sflag:s14], $0x7D00  }
0x55: {  	[sflag:s14] =	ssyncset.done $0x0  }
0x56: {  	s15 =	simm.s32 $0x4268;
	[sflag:s14] =	ssyncadd.s32 $0xFFFF8300  }
0x57: {  	[spmem:s2] =	stream.indirect.scatter.add.f32 [tilespmem:s12], [sflag:$0x4], $0x20, s15, s10, $0xb8;
	[tilespmem:$0x19820] =	vst v63  }
0x58: {  	_ =	swait.ge [sflag:s16], $0x7D00  }
0x59: {  	[sflag:s16] =	ssyncset.done $0x0  }
0x5a: {  	s5 =	simm.s32 $0x1F40;
	[sflag:s16] =	ssyncadd.s32 $0xFFFF8300  }
0x5b: {  	[tilespmem:s11], [sflag:$0x1] =	stream.indirect.gather [hbm4b:s9+s10], $0x20, s5, s10, $0xb8;
	[tilespmem:$0x19820] =	vst v63  }
0x5c: {  	_ =	swait.ge [sflag:s18], $0x7D00  }
0x5d: {  	[sflag:s18] =	ssyncset.done $0x0  }
0x5e: {  	s4 =	simm.s32 $0x2328;
	[sflag:s18] =	ssyncadd.s32 $0xFFFF8300  }
0x5f: {  	[tilespmem:s12], [sflag:$0x2] =	stream.indirect.gather [hbm4b:s9+s10], $0x20, s4, s10, $0xb8;
	[tilespmem:$0x19820] =	vst v63  }
0x60: {  	_ =	swait.ge [sflag:s13], $0x7D00  }
0x61: {  	[sflag:s13] =	ssyncset.done $0x0  }
0x62: {  	s1 =	simm.s32 $0x4650;
	[sflag:s13] =	ssyncadd.s32 $0xFFFF8300  }
0x63: {  	[spmem:s2] =	stream.indirect.scatter.add.f32 [tilespmem:s11], [sflag:$0x3], $0x20, s1, s10, $0xb8;
	[tilespmem:$0x19820] =	vst v63  }
0x64: {  	_ =	swait.ge [sflag:s14], $0x7D00  }
0x65: {  	[sflag:s14] =	ssyncset.done $0x0  }
0x66: {  	s0 =	simm.s32 $0x4A38;
	[sflag:s14] =	ssyncadd.s32 $0xFFFF8300  }
0x67: {  	[spmem:s2] =	stream.indirect.scatter.add.f32 [tilespmem:s12], [sflag:$0x4], $0x20, s0, s10, $0xb8;
	[tilespmem:$0x19820] =	vst v63  }
0x68: {  	_ =	swait.ge [sflag:s16], $0x7D00  }
0x69: {  	[sflag:s16] =	ssyncset.done $0x0  }
0x6a: {  	[sflag:s16] =	ssyncadd.s32 $0xFFFF8300  }
0x6b: {  	_ =	swait.ge [sflag:s18], $0x7D00  }
0x6c: {  	[sflag:s18] =	ssyncset.done $0x0  }
0x6d: {  	[sflag:s18] =	ssyncadd.s32 $0xFFFF8300  }
0x6e: {  	[bflag:$0x0] =	sbarrier.arrive $0xFFFF  }
0x6f: {  	s19 =	rddreg [dreg:$0x5]  }
0x70: {  	[hbm:s19], [sflag:s6] =	dma.local [spmem:s8], $0xA00  }
0x71: {  	_ =	swait.ge [sflag:s7], $0xA00  }
0x72: {  	[sflag:s7] =	ssyncset.done $0x0  }
0x73: {  	[dreg:$0x9] =	wrdreg s31;
	[sflag:s7] =	ssyncadd.s32 $0xFFFFF600  }
0x74: {  	[spmem:s8], [sflag:s6] =	dma.local [hbm:s31], $0xA00  }
0x75: {  	_ =	swait.ge [sflag:s7], $0xA00  }
0x76: {  	[sflag:s7] =	ssyncset.done $0x0  }
0x77: {  	[sflag:s7] =	ssyncadd.s32 $0xFFFFF600  }
0x78: {  	[bflag:$0x0] =	sbarrier.arrive $0xFFFF  }
0x79: {  	s31 =	rddreg [dreg:$0x6]  }
0x7a: {  	[tilespmem:s20], [sflag:$0x5] =	stream.linear.gather [hbm4b:s31+s20], $0x2710, $0x38;
	[tilespmem:$0x19820] =	vst v63  }
0x7b: {  	_ =	swait.ge [sflag:s7], $0x2710  }
0x7c: {  	[sflag:s7] =	ssyncset.done $0x0  }
0x7d: {  	s31 =	rddreg [dreg:$0x7];
	[sflag:s7] =	ssyncadd.s32 $0xFFFFD8F0  }
0x7e: {  	[tilespmem:s3], [sflag:$0x5] =	stream.linear.gather [hbm4b:s31+s20], $0x2710, $0x38;
	[tilespmem:$0x19820] =	vst v63  }
0x7f: {  	_ =	swait.ge [sflag:s7], $0x2710  }
0x80: {  	[sflag:s7] =	ssyncset.done $0x0  }
0x81: {  	s17 =	sadd.s32 $0x2D400, s17;
	[sflag:s7] =	ssyncadd.s32 $0xFFFFD8F0  }
0x82: {  	[tilespmem:s11], [sflag:$0x1] =	stream.indirect.gather [hbm4b:s17+s10], $0x20, s20, s10, $0xb8;
	[tilespmem:$0x19820] =	vst v63  }
0x83: {  	_ = 	snop  }
0x84: {  	[tilespmem:s12], [sflag:$0x2] =	stream.indirect.gather [hbm4b:s17+s10], $0x20, s10, s10, $0xb8;
	[tilespmem:$0x19820] =	vst v63  }
0x85: {  	_ =	swait.ge [sflag:s13], $0x7D00  }
0x86: {  	[sflag:s13] =	ssyncset.done $0x0  }
0x87: {  	[sflag:s13] =	ssyncadd.s32 $0xFFFF8300  }
0x88: {  	[spmem:s2] =	stream.indirect.scatter.add.f32 [tilespmem:s11], [sflag:$0x3], $0x20, s3, s10, $0xb8;
	[tilespmem:$0x19820] =	vst v63  }
0x89: {  	_ =	swait.ge [sflag:s14], $0x7D00  }
0x8a: {  	[sflag:s14] =	ssyncset.done $0x0  }
0x8b: {  	s31 =	simm.s32 $0x2AF8;
	[sflag:s14] =	ssyncadd.s32 $0xFFFF8300  }
0x8c: {  	[spmem:s2] =	stream.indirect.scatter.add.f32 [tilespmem:s12], [sflag:$0x4], $0x20, s31, s10, $0xb8;
	[tilespmem:$0x19820] =	vst v63  }
0x8d: {  	_ =	swait.ge [sflag:s16], $0x7D00  }
0x8e: {  	[sflag:s16] =	ssyncset.done $0x0  }
0x8f: {  	s19 =	simm.s32 $0x7D0;
	[sflag:s16] =	ssyncadd.s32 $0xFFFF8300  }
0x90: {  	[tilespmem:s11], [sflag:$0x1] =	stream.indirect.gather [hbm4b:s17+s10], $0x20, s19, s10, $0xb8;
	[tilespmem:$0x19820] =	vst v63  }
0x91: {  	_ =	swait.ge [sflag:s18], $0x7D00  }
0x92: {  	[sflag:s18] =	ssyncset.done $0x0  }
0x93: {  	s20 =	simm.s32 $0xBB8;
	[sflag:s18] =	ssyncadd.s32 $0xFFFF8300  }
0x94: {  	[tilespmem:s12], [sflag:$0x2] =	stream.indirect.gather [hbm4b:s17+s10], $0x20, s20, s10, $0xb8;
	[tilespmem:$0x19820] =	vst v63  }
0x95: {  	_ =	swait.ge [sflag:s13], $0x7D00  }
0x96: {  	[sflag:s13] =	ssyncset.done $0x0  }
0x97: {  	[sflag:s13] =	ssyncadd.s32 $0xFFFF8300  }
0x98: {  	[spmem:s2] =	stream.indirect.scatter.add.f32 [tilespmem:s11], [sflag:$0x3], $0x20, s23, s10, $0xb8;
	[tilespmem:$0x19820] =	vst v63  }
0x99: {  	_ =	swait.ge [sflag:s14], $0x7D00  }
0x9a: {  	[sflag:s14] =	ssyncset.done $0x0  }
0x9b: {  	[sflag:s14] =	ssyncadd.s32 $0xFFFF8300  }
0x9c: {  	[spmem:s2] =	stream.indirect.scatter.add.f32 [tilespmem:s12], [sflag:$0x4], $0x20, s24, s10, $0xb8;
	[tilespmem:$0x19820] =	vst v63  }
0x9d: {  	_ =	swait.ge [sflag:s16], $0x7D00  }
0x9e: {  	[sflag:s16] =	ssyncset.done $0x0  }
0x9f: {  	[sflag:s16] =	ssyncadd.s32 $0xFFFF8300  }
0xa0: {  	[tilespmem:s11], [sflag:$0x1] =	stream.indirect.gather [hbm4b:s17+s10], $0x20, s25, s10, $0xb8;
	[tilespmem:$0x19820] =	vst v63  }
0xa1: {  	_ =	swait.ge [sflag:s18], $0x7D00  }
0xa2: {  	[sflag:s18] =	ssyncset.done $0x0  }
0xa3: {  	[sflag:s18] =	ssyncadd.s32 $0xFFFF8300  }
0xa4: {  	[tilespmem:s12], [sflag:$0x2] =	stream.indirect.gather [hbm4b:s17+s10], $0x20, s26, s10, $0xb8;
	[tilespmem:$0x19820] =	vst v63  }
0xa5: {  	_ =	swait.ge [sflag:s13], $0x7D00  }
0xa6: {  	[sflag:s13] =	ssyncset.done $0x0  }
0xa7: {  	[sflag:s13] =	ssyncadd.s32 $0xFFFF8300  }
0xa8: {  	[spmem:s2] =	stream.indirect.scatter.add.f32 [tilespmem:s11], [sflag:$0x3], $0x20, s28, s10, $0xb8;
	[tilespmem:$0x19820] =	vst v63  }
0xa9: {  	_ =	swait.ge [sflag:s14], $0x7D00  }
0xaa: {  	[sflag:s14] =	ssyncset.done $0x0  }
0xab: {  	[sflag:s14] =	ssyncadd.s32 $0xFFFF8300  }
0xac: {  	[spmem:s2] =	stream.indirect.scatter.add.f32 [tilespmem:s12], [sflag:$0x4], $0x20, s29, s10, $0xb8;
	[tilespmem:$0x19820] =	vst v63  }
0xad: {  	_ =	swait.ge [sflag:s16], $0x7D00  }
0xae: {  	[sflag:s16] =	ssyncset.done $0x0  }
0xaf: {  	[sflag:s16] =	ssyncadd.s32 $0xFFFF8300  }
0xb0: {  	[tilespmem:s11], [sflag:$0x1] =	stream.indirect.gather [hbm4b:s17+s10], $0x20, s30, s10, $0xb8;
	[tilespmem:$0x19820] =	vst v63  }
0xb1: {  	_ =	swait.ge [sflag:s18], $0x7D00  }
0xb2: {  	[sflag:s18] =	ssyncset.done $0x0  }
0xb3: {  	[sflag:s18] =	ssyncadd.s32 $0xFFFF8300  }
0xb4: {  	[tilespmem:s12], [sflag:$0x2] =	stream.indirect.gather [hbm4b:s17+s10], $0x20, s22, s10, $0xb8;
	[tilespmem:$0x19820] =	vst v63  }
0xb5: {  	_ =	swait.ge [sflag:s13], $0x7D00  }
0xb6: {  	[sflag:s13] =	ssyncset.done $0x0  }
0xb7: {  	[sflag:s13] =	ssyncadd.s32 $0xFFFF8300  }
0xb8: {  	[spmem:s2] =	stream.indirect.scatter.add.f32 [tilespmem:s11], [sflag:$0x3], $0x20, s21, s10, $0xb8;
	[tilespmem:$0x19820] =	vst v63  }
0xb9: {  	_ =	swait.ge [sflag:s14], $0x7D00  }
0xba: {  	[sflag:s14] =	ssyncset.done $0x0  }
0xbb: {  	[sflag:s14] =	ssyncadd.s32 $0xFFFF8300  }
0xbc: {  	[spmem:s2] =	stream.indirect.scatter.add.f32 [tilespmem:s12], [sflag:$0x4], $0x20, s15, s10, $0xb8;
	[tilespmem:$0x19820] =	vst v63  }
0xbd: {  	_ =	swait.ge [sflag:s16], $0x7D00  }
0xbe: {  	[sflag:s16] =	ssyncset.done $0x0  }
0xbf: {  	[sflag:s16] =	ssyncadd.s32 $0xFFFF8300  }
0xc0: {  	[tilespmem:s11], [sflag:$0x1] =	stream.indirect.gather [hbm4b:s17+s10], $0x20, s5, s10, $0xb8;
	[tilespmem:$0x19820] =	vst v63  }
0xc1: {  	_ =	swait.ge [sflag:s18], $0x7D00  }
0xc2: {  	[sflag:s18] =	ssyncset.done $0x0  }
0xc3: {  	[sflag:s18] =	ssyncadd.s32 $0xFFFF8300  }
0xc4: {  	[tilespmem:s12], [sflag:$0x2] =	stream.indirect.gather [hbm4b:s17+s10], $0x20, s4, s10, $0xb8;
	[tilespmem:$0x19820] =	vst v63  }
0xc5: {  	_ =	swait.ge [sflag:s13], $0x7D00  }
0xc6: {  	[sflag:s13] =	ssyncset.done $0x0  }
0xc7: {  	[sflag:s13] =	ssyncadd.s32 $0xFFFF8300  }
0xc8: {  	[spmem:s2] =	stream.indirect.scatter.add.f32 [tilespmem:s11], [sflag:$0x3], $0x20, s1, s10, $0xb8;
	[tilespmem:$0x19820] =	vst v63  }
0xc9: {  	_ =	swait.ge [sflag:s14], $0x7D00  }
0xca: {  	[sflag:s14] =	ssyncset.done $0x0  }
0xcb: {  	[sflag:s14] =	ssyncadd.s32 $0xFFFF8300  }
0xcc: {  	[spmem:s2] =	stream.indirect.scatter.add.f32 [tilespmem:s12], [sflag:$0x4], $0x20, s0, s10, $0xb8;
	[tilespmem:$0x19820] =	vst v63  }
0xcd: {  	_ =	swait.ge [sflag:s16], $0x7D00  }
0xce: {  	[sflag:s16] =	ssyncset.done $0x0  }
0xcf: {  	[sflag:s16] =	ssyncadd.s32 $0xFFFF8300  }
0xd0: {  	_ =	swait.ge [sflag:s18], $0x7D00  }
0xd1: {  	[sflag:s18] =	ssyncset.done $0x0  }
0xd2: {  	[sflag:s18] =	ssyncadd.s32 $0xFFFF8300  }
0xd3: {  	[bflag:$0x0] =	sbarrier.arrive $0xFFFF  }
0xd4: {  	s29 =	rddreg [dreg:$0xc]  }
0xd5: {  	s0 =	ssub.s32 $0x2, s29  }
0xd6: {  	s31 =	sshrl.u32 s0, $0x1  }
0xd7: {  	s19 =	ssub.s32 s0, s31  }
0xd8: {  	s30 =	rddreg [dreg:$0x8];
	s19 =	smax.u32 s19, $0x1  }
0xd9: {  	[dreg:$0xa] =	wrdreg s6;
	p0 =	sne.s32 s19, $0x1  }
.Ltmp0:
0xda: {  	[dreg:$0xb] =	wrdreg s8;
	(pc) =	sbr.rel @!p0 .LBB2_3-.Ltmp0, $4  }
0xdb: {  	[hbm:s30], [sflag:s6] =	dma.local [spmem:s8], $0xA00  }
0xdc: {  	_ =	swait.ge [sflag:s7], $0xA00  }
0xdd: {  	[sflag:s7] =	ssyncset.done $0x0  }
0xde: {  	[sflag:s7] =	ssyncadd.s32 $0xFFFFF600;
	s19 =	sadd.s32 $0xFFFFFFFF, s19  }
0xdf: {  	s5 =	simm.s32 $0x0  }
0xe0: {  	s21 =	simm.s32 $0x2AF8;
	s22 =	simm.s32 $0x7D0;
	s23 =	simm.s32 $0xBB8  }
0xe1: {  	s24 =	simm.s32 $0x2EE0;
	s25 =	simm.s32 $0x32C8;
	s26 =	simm.s32 $0xFA0  }
0xe2: {  	s28 =	simm.s32 $0x1388;
	s29 =	simm.s32 $0x36B0;
	s30 =	simm.s32 $0x3A98  }
0xe3: {  	s31 =	simm.s32 $0x1770;
	s15 =	simm.s32 $0x4268;
	s4 =	simm.s32 $0x1F40  }
.LBB2_2:
0xe4: {  	[bflag:$0x0] =	sbarrier.arrive $0xFFFF  }
0xe5: {  	s8 =	rddreg [dreg:$0x9]  }
0xe6: {  	s6 =	rddreg [dreg:$0xa]  }
0xe7: {  	s0 =	rddreg [dreg:$0xb]  }
0xe8: {  	[spmem:s0], [sflag:s6] =	dma.local [hbm:s8], $0xA00  }
0xe9: {  	_ =	swait.ge [sflag:s7], $0xA00  }
0xea: {  	[sflag:s7] =	ssyncset.done $0x0  }
0xeb: {  	[sflag:s7] =	ssyncadd.s32 $0xFFFFF600  }
0xec: {  	[bflag:$0x0] =	sbarrier.arrive $0xFFFF  }
0xed: {  	s20 =	rddreg [dreg:$0x3]  }
0xee: {  	[tilespmem:s5], [sflag:$0x5] =	stream.linear.gather [hbm4b:s20+s5], $0x2710, $0x38;
	[tilespmem:$0x19820] =	vst v63  }
0xef: {  	_ =	swait.ge [sflag:s7], $0x2710  }
0xf0: {  	[sflag:s7] =	ssyncset.done $0x0  }
0xf1: {  	s3 =	simm.s32 $0x2710;
	s1 =	rddreg [dreg:$0x4];
	[sflag:s7] =	ssyncadd.s32 $0xFFFFD8F0  }
0xf2: {  	[tilespmem:s3], [sflag:$0x5] =	stream.linear.gather [hbm4b:s1+s5], $0x2710, $0x38;
	[tilespmem:$0x19820] =	vst v63  }
0xf3: {  	_ =	swait.ge [sflag:s7], $0x2710  }
0xf4: {  	[sflag:s7] =	ssyncset.done $0x0  }
0xf5: {  	[sflag:s7] =	ssyncadd.s32 $0xFFFFD8F0  }
0xf6: {  	[tilespmem:s11], [sflag:$0x1] =	stream.indirect.gather [hbm4b:s9+s10], $0x20, s5, s10, $0xb8;
	[tilespmem:$0x19820] =	vst v63  }
0xf7: {  	_ = 	snop  }
0xf8: {  	[tilespmem:s12], [sflag:$0x2] =	stream.indirect.gather [hbm4b:s9+s10], $0x20, s10, s10, $0xb8;
	[tilespmem:$0x19820] =	vst v63  }
0xf9: {  	_ =	swait.ge [sflag:s13], $0x7D00  }
0xfa: {  	[sflag:s13] =	ssyncset.done $0x0  }
0xfb: {  	[sflag:s13] =	ssyncadd.s32 $0xFFFF8300  }
0xfc: {  	[spmem:s2] =	stream.indirect.scatter.add.f32 [tilespmem:s11], [sflag:$0x3], $0x20, s3, s10, $0xb8;
	[tilespmem:$0x19820] =	vst v63  }
0xfd: {  	_ =	swait.ge [sflag:s14], $0x7D00  }
0xfe: {  	[sflag:s14] =	ssyncset.done $0x0  }
0xff: {  	[sflag:s14] =	ssyncadd.s32 $0xFFFF8300  }
0x100: {  	[spmem:s2] =	stream.indirect.scatter.add.f32 [tilespmem:s12], [sflag:$0x4], $0x20, s21, s10, $0xb8;
	[tilespmem:$0x19820] =	vst v63  }
0x101: {  	_ =	swait.ge [sflag:s16], $0x7D00  }
0x102: {  	[sflag:s16] =	ssyncset.done $0x0  }
0x103: {  	[sflag:s16] =	ssyncadd.s32 $0xFFFF8300  }
0x104: {  	[tilespmem:s11], [sflag:$0x1] =	stream.indirect.gather [hbm4b:s9+s10], $0x20, s22, s10, $0xb8;
	[tilespmem:$0x19820] =	vst v63  }
0x105: {  	_ =	swait.ge [sflag:s18], $0x7D00  }
0x106: {  	[sflag:s18] =	ssyncset.done $0x0  }
0x107: {  	[sflag:s18] =	ssyncadd.s32 $0xFFFF8300  }
0x108: {  	[tilespmem:s12], [sflag:$0x2] =	stream.indirect.gather [hbm4b:s9+s10], $0x20, s23, s10, $0xb8;
	[tilespmem:$0x19820] =	vst v63  }
0x109: {  	_ =	swait.ge [sflag:s13], $0x7D00  }
0x10a: {  	[sflag:s13] =	ssyncset.done $0x0  }
0x10b: {  	[sflag:s13] =	ssyncadd.s32 $0xFFFF8300  }
0x10c: {  	[spmem:s2] =	stream.indirect.scatter.add.f32 [tilespmem:s11], [sflag:$0x3], $0x20, s24, s10, $0xb8;
	[tilespmem:$0x19820] =	vst v63  }
0x10d: {  	_ =	swait.ge [sflag:s14], $0x7D00  }
0x10e: {  	[sflag:s14] =	ssyncset.done $0x0  }
0x10f: {  	[sflag:s14] =	ssyncadd.s32 $0xFFFF8300  }
0x110: {  	[spmem:s2] =	stream.indirect.scatter.add.f32 [tilespmem:s12], [sflag:$0x4], $0x20, s25, s10, $0xb8;
	[tilespmem:$0x19820] =	vst v63  }
0x111: {  	_ =	swait.ge [sflag:s16], $0x7D00  }
0x112: {  	[sflag:s16] =	ssyncset.done $0x0  }
0x113: {  	[sflag:s16] =	ssyncadd.s32 $0xFFFF8300  }
0x114: {  	[tilespmem:s11], [sflag:$0x1] =	stream.indirect.gather [hbm4b:s9+s10], $0x20, s26, s10, $0xb8;
	[tilespmem:$0x19820] =	vst v63  }
0x115: {  	_ =	swait.ge [sflag:s18], $0x7D00  }
0x116: {  	[sflag:s18] =	ssyncset.done $0x0  }
0x117: {  	[sflag:s18] =	ssyncadd.s32 $0xFFFF8300  }
0x118: {  	[tilespmem:s12], [sflag:$0x2] =	stream.indirect.gather [hbm4b:s9+s10], $0x20, s28, s10, $0xb8;
	[tilespmem:$0x19820] =	vst v63  }
0x119: {  	_ =	swait.ge [sflag:s13], $0x7D00  }
0x11a: {  	[sflag:s13] =	ssyncset.done $0x0  }
0x11b: {  	[sflag:s13] =	ssyncadd.s32 $0xFFFF8300  }
0x11c: {  	[spmem:s2] =	stream.indirect.scatter.add.f32 [tilespmem:s11], [sflag:$0x3], $0x20, s29, s10, $0xb8;
	[tilespmem:$0x19820] =	vst v63  }
0x11d: {  	_ =	swait.ge [sflag:s14], $0x7D00  }
0x11e: {  	[sflag:s14] =	ssyncset.done $0x0  }
0x11f: {  	[sflag:s14] =	ssyncadd.s32 $0xFFFF8300  }
0x120: {  	[spmem:s2] =	stream.indirect.scatter.add.f32 [tilespmem:s12], [sflag:$0x4], $0x20, s30, s10, $0xb8;
	[tilespmem:$0x19820] =	vst v63  }
0x121: {  	_ =	swait.ge [sflag:s16], $0x7D00  }
0x122: {  	[sflag:s16] =	ssyncset.done $0x0  }
0x123: {  	[sflag:s16] =	ssyncadd.s32 $0xFFFF8300  }
0x124: {  	[tilespmem:s11], [sflag:$0x1] =	stream.indirect.gather [hbm4b:s9+s10], $0x20, s31, s10, $0xb8;
	[tilespmem:$0x19820] =	vst v63  }
0x125: {  	_ =	swait.ge [sflag:s18], $0x7D00  }
0x126: {  	[sflag:s18] =	ssyncset.done $0x0  }
0x127: {  	s1 =	simm.s32 $0x1B58;
	[sflag:s18] =	ssyncadd.s32 $0xFFFF8300  }
0x128: {  	[tilespmem:s12], [sflag:$0x2] =	stream.indirect.gather [hbm4b:s9+s10], $0x20, s1, s10, $0xb8;
	[tilespmem:$0x19820] =	vst v63  }
0x129: {  	_ =	swait.ge [sflag:s13], $0x7D00  }
0x12a: {  	[sflag:s13] =	ssyncset.done $0x0  }
0x12b: {  	s1 =	simm.s32 $0x3E80;
	[sflag:s13] =	ssyncadd.s32 $0xFFFF8300  }
0x12c: {  	[spmem:s2] =	stream.indirect.scatter.add.f32 [tilespmem:s11], [sflag:$0x3], $0x20, s1, s10, $0xb8;
	[tilespmem:$0x19820] =	vst v63  }
0x12d: {  	_ =	swait.ge [sflag:s14], $0x7D00  }
0x12e: {  	[sflag:s14] =	ssyncset.done $0x0  }
0x12f: {  	[sflag:s14] =	ssyncadd.s32 $0xFFFF8300  }
0x130: {  	[spmem:s2] =	stream.indirect.scatter.add.f32 [tilespmem:s12], [sflag:$0x4], $0x20, s15, s10, $0xb8;
	[tilespmem:$0x19820] =	vst v63  }
0x131: {  	_ =	swait.ge [sflag:s16], $0x7D00  }
0x132: {  	[sflag:s16] =	ssyncset.done $0x0  }
0x133: {  	[sflag:s16] =	ssyncadd.s32 $0xFFFF8300  }
0x134: {  	[tilespmem:s11], [sflag:$0x1] =	stream.indirect.gather [hbm4b:s9+s10], $0x20, s4, s10, $0xb8;
	[tilespmem:$0x19820] =	vst v63  }
0x135: {  	_ =	swait.ge [sflag:s18], $0x7D00  }
0x136: {  	[sflag:s18] =	ssyncset.done $0x0  }
0x137: {  	s20 =	simm.s32 $0x2328;
	[sflag:s18] =	ssyncadd.s32 $0xFFFF8300  }
0x138: {  	[tilespmem:s12], [sflag:$0x2] =	stream.indirect.gather [hbm4b:s9+s10], $0x20, s20, s10, $0xb8;
	[tilespmem:$0x19820] =	vst v63  }
0x139: {  	_ =	swait.ge [sflag:s13], $0x7D00  }
0x13a: {  	[sflag:s13] =	ssyncset.done $0x0  }
0x13b: {  	s20 =	simm.s32 $0x4650;
	[sflag:s13] =	ssyncadd.s32 $0xFFFF8300  }
0x13c: {  	[spmem:s2] =	stream.indirect.scatter.add.f32 [tilespmem:s11], [sflag:$0x3], $0x20, s20, s10, $0xb8;
	[tilespmem:$0x19820] =	vst v63  }
0x13d: {  	_ =	swait.ge [sflag:s14], $0x7D00  }
0x13e: {  	[sflag:s14] =	ssyncset.done $0x0  }
0x13f: {  	s20 =	simm.s32 $0x4A38;
	[sflag:s14] =	ssyncadd.s32 $0xFFFF8300  }
0x140: {  	[spmem:s2] =	stream.indirect.scatter.add.f32 [tilespmem:s12], [sflag:$0x4], $0x20, s20, s10, $0xb8;
	[tilespmem:$0x19820] =	vst v63  }
0x141: {  	_ =	swait.ge [sflag:s16], $0x7D00  }
0x142: {  	[sflag:s16] =	ssyncset.done $0x0  }
0x143: {  	[sflag:s16] =	ssyncadd.s32 $0xFFFF8300  }
0x144: {  	_ =	swait.ge [sflag:s18], $0x7D00  }
0x145: {  	[sflag:s18] =	ssyncset.done $0x0  }
0x146: {  	[sflag:s18] =	ssyncadd.s32 $0xFFFF8300  }
0x147: {  	[bflag:$0x0] =	sbarrier.arrive $0xFFFF  }
0x148: {  	s20 =	rddreg [dreg:$0x5]  }
0x149: {  	[hbm:s20], [sflag:s6] =	dma.local [spmem:s0], $0xA00  }
0x14a: {  	_ =	swait.ge [sflag:s7], $0xA00  }
0x14b: {  	[sflag:s7] =	ssyncset.done $0x0  }
0x14c: {  	[sflag:s7] =	ssyncadd.s32 $0xFFFFF600  }
0x14d: {  	[spmem:s0], [sflag:s6] =	dma.local [hbm:s8], $0xA00  }
0x14e: {  	_ =	swait.ge [sflag:s7], $0xA00  }
0x14f: {  	[sflag:s7] =	ssyncset.done $0x0  }
0x150: {  	[sflag:s7] =	ssyncadd.s32 $0xFFFFF600  }
0x151: {  	[bflag:$0x0] =	sbarrier.arrive $0xFFFF  }
0x152: {  	s8 =	rddreg [dreg:$0x6]  }
0x153: {  	[tilespmem:s5], [sflag:$0x5] =	stream.linear.gather [hbm4b:s8+s5], $0x2710, $0x38;
	[tilespmem:$0x19820] =	vst v63  }
0x154: {  	_ =	swait.ge [sflag:s7], $0x2710  }
0x155: {  	[sflag:s7] =	ssyncset.done $0x0  }
0x156: {  	s8 =	rddreg [dreg:$0x7];
	[sflag:s7] =	ssyncadd.s32 $0xFFFFD8F0  }
0x157: {  	[tilespmem:s3], [sflag:$0x5] =	stream.linear.gather [hbm4b:s8+s5], $0x2710, $0x38;
	[tilespmem:$0x19820] =	vst v63  }
0x158: {  	_ =	swait.ge [sflag:s7], $0x2710  }
0x159: {  	[sflag:s7] =	ssyncset.done $0x0  }
0x15a: {  	[sflag:s7] =	ssyncadd.s32 $0xFFFFD8F0  }
0x15b: {  	[tilespmem:s11], [sflag:$0x1] =	stream.indirect.gather [hbm4b:s17+s10], $0x20, s5, s10, $0xb8;
	[tilespmem:$0x19820] =	vst v63  }
0x15c: {  	_ = 	snop  }
0x15d: {  	[tilespmem:s12], [sflag:$0x2] =	stream.indirect.gather [hbm4b:s17+s10], $0x20, s10, s10, $0xb8;
	[tilespmem:$0x19820] =	vst v63  }
0x15e: {  	_ =	swait.ge [sflag:s13], $0x7D00  }
0x15f: {  	[sflag:s13] =	ssyncset.done $0x0  }
0x160: {  	[sflag:s13] =	ssyncadd.s32 $0xFFFF8300  }
0x161: {  	[spmem:s2] =	stream.indirect.scatter.add.f32 [tilespmem:s11], [sflag:$0x3], $0x20, s3, s10, $0xb8;
	[tilespmem:$0x19820] =	vst v63  }
0x162: {  	_ =	swait.ge [sflag:s14], $0x7D00  }
0x163: {  	[sflag:s14] =	ssyncset.done $0x0  }
0x164: {  	[sflag:s14] =	ssyncadd.s32 $0xFFFF8300  }
0x165: {  	[spmem:s2] =	stream.indirect.scatter.add.f32 [tilespmem:s12], [sflag:$0x4], $0x20, s21, s10, $0xb8;
	[tilespmem:$0x19820] =	vst v63  }
0x166: {  	_ =	swait.ge [sflag:s16], $0x7D00  }
0x167: {  	[sflag:s16] =	ssyncset.done $0x0  }
0x168: {  	[sflag:s16] =	ssyncadd.s32 $0xFFFF8300  }
0x169: {  	[tilespmem:s11], [sflag:$0x1] =	stream.indirect.gather [hbm4b:s17+s10], $0x20, s22, s10, $0xb8;
	[tilespmem:$0x19820] =	vst v63  }
0x16a: {  	_ =	swait.ge [sflag:s18], $0x7D00  }
0x16b: {  	[sflag:s18] =	ssyncset.done $0x0  }
0x16c: {  	[sflag:s18] =	ssyncadd.s32 $0xFFFF8300  }
0x16d: {  	[tilespmem:s12], [sflag:$0x2] =	stream.indirect.gather [hbm4b:s17+s10], $0x20, s23, s10, $0xb8;
	[tilespmem:$0x19820] =	vst v63  }
0x16e: {  	_ =	swait.ge [sflag:s13], $0x7D00  }
0x16f: {  	[sflag:s13] =	ssyncset.done $0x0  }
0x170: {  	[sflag:s13] =	ssyncadd.s32 $0xFFFF8300  }
0x171: {  	[spmem:s2] =	stream.indirect.scatter.add.f32 [tilespmem:s11], [sflag:$0x3], $0x20, s24, s10, $0xb8;
	[tilespmem:$0x19820] =	vst v63  }
0x172: {  	_ =	swait.ge [sflag:s14], $0x7D00  }
0x173: {  	[sflag:s14] =	ssyncset.done $0x0  }
0x174: {  	[sflag:s14] =	ssyncadd.s32 $0xFFFF8300  }
0x175: {  	[spmem:s2] =	stream.indirect.scatter.add.f32 [tilespmem:s12], [sflag:$0x4], $0x20, s25, s10, $0xb8;
	[tilespmem:$0x19820] =	vst v63  }
0x176: {  	_ =	swait.ge [sflag:s16], $0x7D00  }
0x177: {  	[sflag:s16] =	ssyncset.done $0x0  }
0x178: {  	[sflag:s16] =	ssyncadd.s32 $0xFFFF8300  }
0x179: {  	[tilespmem:s11], [sflag:$0x1] =	stream.indirect.gather [hbm4b:s17+s10], $0x20, s26, s10, $0xb8;
	[tilespmem:$0x19820] =	vst v63  }
0x17a: {  	_ =	swait.ge [sflag:s18], $0x7D00  }
0x17b: {  	[sflag:s18] =	ssyncset.done $0x0  }
0x17c: {  	[sflag:s18] =	ssyncadd.s32 $0xFFFF8300  }
0x17d: {  	[tilespmem:s12], [sflag:$0x2] =	stream.indirect.gather [hbm4b:s17+s10], $0x20, s28, s10, $0xb8;
	[tilespmem:$0x19820] =	vst v63  }
0x17e: {  	_ =	swait.ge [sflag:s13], $0x7D00  }
0x17f: {  	[sflag:s13] =	ssyncset.done $0x0  }
0x180: {  	[sflag:s13] =	ssyncadd.s32 $0xFFFF8300  }
0x181: {  	[spmem:s2] =	stream.indirect.scatter.add.f32 [tilespmem:s11], [sflag:$0x3], $0x20, s29, s10, $0xb8;
	[tilespmem:$0x19820] =	vst v63  }
0x182: {  	_ =	swait.ge [sflag:s14], $0x7D00  }
0x183: {  	[sflag:s14] =	ssyncset.done $0x0  }
0x184: {  	[sflag:s14] =	ssyncadd.s32 $0xFFFF8300  }
0x185: {  	[spmem:s2] =	stream.indirect.scatter.add.f32 [tilespmem:s12], [sflag:$0x4], $0x20, s30, s10, $0xb8;
	[tilespmem:$0x19820] =	vst v63  }
0x186: {  	_ =	swait.ge [sflag:s16], $0x7D00  }
0x187: {  	[sflag:s16] =	ssyncset.done $0x0  }
0x188: {  	[sflag:s16] =	ssyncadd.s32 $0xFFFF8300  }
0x189: {  	[tilespmem:s11], [sflag:$0x1] =	stream.indirect.gather [hbm4b:s17+s10], $0x20, s31, s10, $0xb8;
	[tilespmem:$0x19820] =	vst v63  }
0x18a: {  	_ =	swait.ge [sflag:s18], $0x7D00  }
0x18b: {  	[sflag:s18] =	ssyncset.done $0x0  }
0x18c: {  	s20 =	simm.s32 $0x1B58;
	[sflag:s18] =	ssyncadd.s32 $0xFFFF8300  }
0x18d: {  	[tilespmem:s12], [sflag:$0x2] =	stream.indirect.gather [hbm4b:s17+s10], $0x20, s20, s10, $0xb8;
	[tilespmem:$0x19820] =	vst v63  }
0x18e: {  	_ =	swait.ge [sflag:s13], $0x7D00  }
0x18f: {  	[sflag:s13] =	ssyncset.done $0x0  }
0x190: {  	[sflag:s13] =	ssyncadd.s32 $0xFFFF8300  }
0x191: {  	[spmem:s2] =	stream.indirect.scatter.add.f32 [tilespmem:s11], [sflag:$0x3], $0x20, s1, s10, $0xb8;
	[tilespmem:$0x19820] =	vst v63  }
0x192: {  	_ =	swait.ge [sflag:s14], $0x7D00  }
0x193: {  	[sflag:s14] =	ssyncset.done $0x0  }
0x194: {  	[sflag:s14] =	ssyncadd.s32 $0xFFFF8300  }
0x195: {  	[spmem:s2] =	stream.indirect.scatter.add.f32 [tilespmem:s12], [sflag:$0x4], $0x20, s15, s10, $0xb8;
	[tilespmem:$0x19820] =	vst v63  }
0x196: {  	_ =	swait.ge [sflag:s16], $0x7D00  }
0x197: {  	[sflag:s16] =	ssyncset.done $0x0  }
0x198: {  	[sflag:s16] =	ssyncadd.s32 $0xFFFF8300  }
0x199: {  	[tilespmem:s11], [sflag:$0x1] =	stream.indirect.gather [hbm4b:s17+s10], $0x20, s4, s10, $0xb8;
	[tilespmem:$0x19820] =	vst v63  }
0x19a: {  	_ =	swait.ge [sflag:s18], $0x7D00  }
0x19b: {  	[sflag:s18] =	ssyncset.done $0x0  }
0x19c: {  	s8 =	simm.s32 $0x2328;
	[sflag:s18] =	ssyncadd.s32 $0xFFFF8300  }
0x19d: {  	[tilespmem:s12], [sflag:$0x2] =	stream.indirect.gather [hbm4b:s17+s10], $0x20, s8, s10, $0xb8;
	[tilespmem:$0x19820] =	vst v63  }
0x19e: {  	_ =	swait.ge [sflag:s13], $0x7D00  }
0x19f: {  	[sflag:s13] =	ssyncset.done $0x0  }
0x1a0: {  	s20 =	simm.s32 $0x4650;
	[sflag:s13] =	ssyncadd.s32 $0xFFFF8300  }
0x1a1: {  	[spmem:s2] =	stream.indirect.scatter.add.f32 [tilespmem:s11], [sflag:$0x3], $0x20, s20, s10, $0xb8;
	[tilespmem:$0x19820] =	vst v63  }
0x1a2: {  	_ =	swait.ge [sflag:s14], $0x7D00  }
0x1a3: {  	[sflag:s14] =	ssyncset.done $0x0  }
0x1a4: {  	s3 =	simm.s32 $0x4A38;
	[sflag:s14] =	ssyncadd.s32 $0xFFFF8300  }
0x1a5: {  	[spmem:s2] =	stream.indirect.scatter.add.f32 [tilespmem:s12], [sflag:$0x4], $0x20, s3, s10, $0xb8;
	[tilespmem:$0x19820] =	vst v63  }
0x1a6: {  	_ =	swait.ge [sflag:s16], $0x7D00  }
0x1a7: {  	[sflag:s16] =	ssyncset.done $0x0  }
0x1a8: {  	[sflag:s16] =	ssyncadd.s32 $0xFFFF8300  }
0x1a9: {  	_ =	swait.ge [sflag:s18], $0x7D00  }
0x1aa: {  	[sflag:s18] =	ssyncset.done $0x0  }
0x1ab: {  	[sflag:s18] =	ssyncadd.s32 $0xFFFF8300  }
0x1ac: {  	p0 =	sne.s32 s19, $0x1;
	[bflag:$0x0] =	sbarrier.arrive $0xFFFF  }
.Ltmp1:
0x1ad: {  	s8 =	rddreg [dreg:$0x8];
	(pc) =	sbr.rel @p0 .LBB2_2-.Ltmp1, $4  }
0x1ae: {  	[hbm:s8], [sflag:s6] =	dma.local [spmem:s0], $0xA00  }
0x1af: {  	_ =	swait.ge [sflag:s7], $0xA00  }
0x1b0: {  	[sflag:s7] =	ssyncset.done $0x0  }
0x1b1: {  	s19 =	sadd.s32 $0xFFFFFFFF, s19;
	[sflag:s7] =	ssyncadd.s32 $0xFFFFF600  }
.LBB2_3:
0x1b2: {  	[bflag:$0x0] =	sbarrier.arrive $0xFFFF  }
0x1b3: {  	_ =	sfence.sel $0x180000  }
0x1b4: {  	[bflag:$0x0] =	sbarrier.arrive $0xFFFF  }
0x1b5: {  	_ =	strace $0x9000004D  }
0x1b6: {  	s0 =	stileid.u32;
	[bflag:$0x2] =	sbarrier.arrive $0xFFFF  }
0x1b7: {  	p0 =	sne.s32 s0, $0x0;
	s0 =	rddreg [dreg:$0x2]  }
0x1b8: {  	s0 =	sadd.s32 @!p0 $0x100000, s0  }
0x1b9: {  	[sflag:s0] =	ssyncadd.tile.s32 @!p0 $0x1;
	_ =	shalt  }
.Lfunc_end2:
_tile_overlayer_lowered:
.L_overlay_start_2:
0x1ba: {  	(tag) =	ssettag $0x2  }
0x1bb: {  	s0 =	rddreg [dreg:$0x0];
	s2 =	stileid.u32  }
0x1bc: {  	s1 =	rddreg [dreg:$0x1];
	p0 =	sne.s32 s2, $0x0  }
0x1bd: {  	s3 =	rddreg [dreg:$0x2];
	[bflag:$0x3] =	sbarrier.arrive $0xFFFF;
	s2 =	simm.s32 @!p0 $0x1C05  }
0x1be: {  	[timem:s3], [sflag:s2] =	dma.local @!p0 [hbm:s0], s1  }
0x1bf: {  	s0 =	simm.s32 @!p0 $0x5  }
0x1c0: {  	_ =	swait.ge @!p0 [sflag:s0], s1  }
0x1c1: {  	s1 =	ssub.s32 @!p0 $0x0, s1;
	[sflag:s0] =	ssyncset.done @!p0 $0x0  }
0x1c2: {  	[sflag:s0] =	ssyncadd.s32 @!p0 s1  }
0x1c3: {  	[bflag:$0x3] =	sbarrier.arrive $0xFFFF  }
0x1c4: {  	_ =	shalt  }

</sc_bundles>
